<compile_context>
chip_gen: v7x
topology: tpu7x:2x2x1
jax: 0.10.2.dev20260603
libtpu: 0.0.44.dev20260713+nightly
codegen_flags: <defaults>
</compile_context>

<pallas_src>
import functools

import jax
import jax.numpy as jnp
from jax import lax
from jax.experimental import pallas as pl
from jax.experimental.pallas import tpu as pltpu
from jax.experimental.pallas import tpu_sc as plsc

N = 10000
E = 320000
EP = 327680
LAN = 16
D = 128
NC = 2
NS = 16
EDG = EP // (NC * NS)
CH = 16
NB = 10
NG = EDG // (NB * CH)
ND = 10240
RPD = ND // NS


def _sc_agg_body(x_hbm, g2_hbm, zeros_hbm, acc_out,
                 src_f, dst_f, rows, acc_sh, gsem, ssem):
    c = lax.axis_index("c")
    s = lax.axis_index("s")
    w = c * NS + s

    pltpu.sync_copy(zeros_hbm, acc_sh.at[pl.ds(s * RPD, RPD)])
    pltpu.sync_copy(g2_hbm.at[0, pl.ds(w * EDG, EDG)], src_f)
    pltpu.sync_copy(g2_hbm.at[1, pl.ds(w * EDG, EDG)], dst_f)
    plsc.subcore_barrier()

    nsub = CH // LAN

    def drain_scatters():
        for _ in range(NB * nsub):
            pltpu.make_async_copy(rows.at[0, pl.ds(0, LAN)],
                                  acc_sh.at[pl.ds(0, LAN)], ssem).wait()

    def group(j, carry):
        @pl.when(j > 0)
        def _():
            drain_scatters()
        gh = []
        for b in range(NB):
            off = (j * NB + b) * CH
            gh.append(pltpu.async_copy(x_hbm.at[src_f.at[pl.ds(off, CH)]],
                                       rows.at[b], gsem))
        for b in range(NB):
            gh[b].wait()
            off = (j * NB + b) * CH
            for k in range(nsub):
                iv = dst_f[pl.ds(off + k * LAN, LAN)]
                pltpu.async_copy(rows.at[b, pl.ds(k * LAN, LAN)],
                                 acc_sh.at[iv], ssem, add=True)
        return carry

    lax.fori_loop(0, NG, group, 0)
    drain_scatters()
    plsc.subcore_barrier()

    pltpu.sync_copy(acc_sh.at[pl.ds(s * RPD, RPD)],
                    acc_out.at[c, pl.ds(s * RPD, RPD)])


def _sc_deg_body(g2_hbm, zeros_hbm, ones_hbm, deg_out,
                 dst_f, ones_v, deg_sh, dsem):
    c = lax.axis_index("c")
    s = lax.axis_index("s")
    w = c * NS + s

    pltpu.sync_copy(zeros_hbm, deg_sh.at[pl.ds(s * RPD, RPD)])
    pltpu.sync_copy(ones_hbm, ones_v)
    pltpu.sync_copy(g2_hbm.at[1, pl.ds(w * EDG, EDG)], dst_f)
    plsc.subcore_barrier()

    def drain_deg():
        for _ in range(8):
            pltpu.make_async_copy(ones_v, deg_sh.at[pl.ds(0, LAN)],
                                  dsem).wait()

    def group(j, carry):
        @pl.when(j > 0)
        def _():
            drain_deg()
        for k in range(8):
            iv = dst_f[pl.ds((j * 8 + k) * LAN, LAN)]
            pltpu.async_copy(ones_v, deg_sh.at[iv], dsem, add=True)
        return carry

    lax.fori_loop(0, EDG // (8 * LAN), group, 0)
    drain_deg()
    plsc.subcore_barrier()

    pltpu.sync_copy(deg_sh.at[pl.ds(s * RPD, RPD)],
                    deg_out.at[c, pl.ds(s * RPD, RPD)])


@functools.lru_cache(maxsize=1)
def _sc_kernels():
    mesh = plsc.VectorSubcoreMesh(core_axis_name="c", subcore_axis_name="s")
    sc_agg = pl.kernel(
        _sc_agg_body,
        out_type=jax.ShapeDtypeStruct((NC, ND, D), jnp.float32),
        mesh=mesh,
        scratch_types=[
            pltpu.VMEM((EDG,), jnp.int32),
            pltpu.VMEM((EDG,), jnp.int32),
            pltpu.VMEM((NB, CH, D), jnp.float32),
            pltpu.VMEM_SHARED((ND, D), jnp.float32),
            pltpu.SemaphoreType.DMA,
            pltpu.SemaphoreType.DMA,
        ],
        name="sage_sc_agg",
    )
    sc_deg = pl.kernel(
        _sc_deg_body,
        out_type=jax.ShapeDtypeStruct((NC, ND, D), jnp.float32),
        mesh=mesh,
        scratch_types=[
            pltpu.VMEM((EDG,), jnp.int32),
            pltpu.VMEM((LAN, D), jnp.float32),
            pltpu.VMEM_SHARED((ND, D), jnp.float32),
            pltpu.SemaphoreType.DMA,
        ],
        name="sage_sc_deg",
    )
    return sc_agg, sc_deg


_ROWS = 200
_TCG = N // _ROWS


def _neigh(acc_ref, deg_ref, wn_ref, y_ref):
    agg = acc_ref[0] + acc_ref[1]
    dg = jnp.maximum(deg_ref[0, :, 0:1] + deg_ref[1, :, 0:1], 1.0)
    hn = agg / dg
    return y_ref[...] + jnp.dot(hn, wn_ref[...],
                                preferred_element_type=jnp.float32)


def _tca_body(h_ref, ws_ref, b_ref, o_ref):
    o_ref[...] = jnp.dot(h_ref[...], ws_ref[...],
                         preferred_element_type=jnp.float32) + b_ref[...]


def _tc1b_body(acc_ref, deg_ref, y_ref, wn_ref, o_ref):
    o_ref[...] = jnp.maximum(_neigh(acc_ref, deg_ref, wn_ref, y_ref), 0.0)


def _tc2b_body(acc_ref, deg_ref, y_ref, wn_ref,
               fcw_ref, fcb_ref, fc2w_ref, fc2b_ref, o_ref):
    t = jnp.maximum(_neigh(acc_ref, deg_ref, wn_ref, y_ref), 0.0)
    t = jnp.dot(t, fcw_ref[...], preferred_element_type=jnp.float32) + fcb_ref[...]
    t = jnp.maximum(t, 0.0)
    t = jnp.dot(t, fc2w_ref[...], preferred_element_type=jnp.float32) + fc2b_ref[...]
    o_ref[...] = jnp.maximum(t, 0.0)


def _tc3b_body(acc_ref, deg_ref, y_ref, wn_ref, o_ref):
    o_ref[...] = _neigh(acc_ref, deg_ref, wn_ref, y_ref)


_RSPEC = pl.BlockSpec((_ROWS, D), lambda i: (i, 0))
_WSPEC = pl.BlockSpec((D, D), lambda i: (0, 0))
_BSPEC = pl.BlockSpec((1, D), lambda i: (0, 0))
_ASPEC = pl.BlockSpec((NC, _ROWS, D), lambda i: (0, i, 0))


def _tc_call(body, specs):
    return pl.pallas_call(
        body,
        grid=(_TCG,),
        in_specs=specs,
        out_specs=_RSPEC,
        out_shape=jax.ShapeDtypeStruct((N, D), jnp.float32),
    )


def _tca(h, wsT, b):
    return _tc_call(_tca_body, [_RSPEC, _WSPEC, _BSPEC])(h, wsT, b)


def kernel(g, x, Ws1, Wn1, b1, Ws2, Wn2, b2, fcW, fcb, fc2W, fc2b, Ws3, Wn3, b3):
    npad = EP - E
    pad = jnp.stack([
        jnp.arange(npad, dtype=jnp.int32) % N,
        N + (jnp.arange(npad, dtype=jnp.int32) % (ND - N)),
    ])
    g2 = jnp.concatenate([g, pad], axis=1)
    zeros = jnp.zeros((RPD, D), jnp.float32)
    ones = jnp.ones((LAN, D), jnp.float32)

    sc_agg, sc_deg = _sc_kernels()
    deg = sc_deg(g2, zeros, ones)
    acc1 = sc_agg(x, g2, zeros)
    y1 = _tca(x, Ws1.T, b1.reshape(1, D))
    h1 = _tc_call(_tc1b_body, [_ASPEC, _ASPEC, _RSPEC, _WSPEC])(
        acc1, deg, y1, Wn1.T)

    acc2 = sc_agg(h1, g2, zeros)
    y2 = _tca(h1, Ws2.T, b2.reshape(1, D))
    h2 = _tc_call(_tc2b_body,
                  [_ASPEC, _ASPEC, _RSPEC, _WSPEC,
                   _WSPEC, _BSPEC, _WSPEC, _BSPEC])(
        acc2, deg, y2, Wn2.T,
        fcW.T, fcb.reshape(1, D), fc2W.T, fc2b.reshape(1, D))

    acc3 = sc_agg(h2, g2, zeros)
    y3 = _tca(h2, Ws3.T, b3.reshape(1, D))
    out = _tc_call(_tc3b_body, [_ASPEC, _ASPEC, _RSPEC, _WSPEC])(
        acc3, deg, y3, Wn3.T)
    return out

# --- scband reference (transcript-rebuilt; emitter-appended) ---
"""Pipeline reference for scband-sage-81484119540292 (READ-ONLY COPY).

The authoritative reference and input builder live on the scoring server;
editing this copy changes nothing except your own understanding.
"""

import jax, jax.numpy as jnp
import numpy as np

N = 10000
E = 320000
D = 128
H = 128
O = 128


def _sage_conv(x, src, dst, Ws, Wn, b):
    # DGL-style SAGEConv with mean aggregation:
    # h_neigh = mean over incoming edges of x[src]; out = x @ Ws^T + h_neigh @ Wn^T + b
    agg = jax.ops.segment_sum(x[src], dst, num_segments=N)
    deg = jax.ops.segment_sum(jnp.ones((src.shape[0],), x.dtype), dst, num_segments=N)
    h_neigh = agg / jnp.clip(deg, 1.0, None)[:, None]
    return x @ Ws.T + h_neigh @ Wn.T + b


def setup_inputs(seed: int = 0):
    key = jax.random.key(seed)
    ks = jax.random.split(key, 16)
    s = 0.05
    g = jax.random.randint(ks[0], (2, E), 0, N, dtype=jnp.int32)
    x = jax.random.normal(ks[1], (N, D), dtype=jnp.float32)
    return {
        "g": g,
        "x": x,
        "Ws1": jax.random.normal(ks[2], (H, D), dtype=jnp.float32) * s,
        "Wn1": jax.random.normal(ks[3], (H, D), dtype=jnp.float32) * s,
        "b1": jnp.zeros((H,), jnp.float32),
        "Ws2": jax.random.normal(ks[4], (H, H), dtype=jnp.float32) * s,
        "Wn2": jax.random.normal(ks[5], (H, H), dtype=jnp.float32) * s,
        "b2": jnp.zeros((H,), jnp.float32),
        "fcW": jax.random.normal(ks[6], (H, H), dtype=jnp.float32) * s,
        "fcb": jnp.zeros((H,), jnp.float32),
        "fc2W": jax.random.normal(ks[7], (H, H), dtype=jnp.float32) * s,
        "fc2b": jnp.zeros((H,), jnp.float32),
        "Ws3": jax.random.normal(ks[8], (O, H), dtype=jnp.float32) * s,
        "Wn3": jax.random.normal(ks[9], (O, H), dtype=jnp.float32) * s,
        "b3": jnp.zeros((O,), jnp.float32),
    }


def reference(g, x, Ws1, Wn1, b1, Ws2, Wn2, b2, fcW, fcb, fc2W, fc2b, Ws3, Wn3, b3):
    src, dst = g[0], g[1]
    # layer 1: plain SAGEConv -> relu (dropout is identity in eval)
    h = jax.nn.relu(_sage_conv(x, src, dst, Ws1, Wn1, b1))
    # layer 2: NGNN_SAGEConv (num_nonl_layers=2): conv -> relu -> fc -> relu -> fc2, then outer relu
    h2 = _sage_conv(h, src, dst, Ws2, Wn2, b2)
    h2 = jax.nn.relu(h2)
    h2 = h2 @ fcW.T + fcb
    h2 = jax.nn.relu(h2)
    h2 = h2 @ fc2W.T + fc2b
    h = jax.nn.relu(h2)
    # final layer: plain SAGEConv, no activation
    out = _sage_conv(h, src, dst, Ws3, Wn3, b3)
    return out

if __name__ == "__main__":
    import jax
    _d = setup_inputs()
    print(jax.jit(kernel)(*tuple(_d.values())))

</pallas_src>

<mosaic_0001>
#map = affine_map<(d0, d1) -> (0, 0)>
#map1 = affine_map<(d0, d1) -> (0, 0, 0)>
module attributes {stable_mosaic.version = 14 : i64} {
  func.func @sage_sc_deg(%arg0: i32, %arg1: i32, %arg2: memref<2x327680xi32, #tpu.memory_space<hbm>>, %arg3: memref<640x128xf32, #tpu.memory_space<hbm>>, %arg4: memref<16x128xf32, #tpu.memory_space<hbm>>, %arg5: memref<2x10240x128xf32, #tpu.memory_space<hbm>>, %arg6: memref<10240xi32, #tpu.memory_space<vmem>>, %arg7: memref<16x128xf32, #tpu.memory_space<vmem>>, %arg8: memref<10240x128xf32, #tpu.memory_space<vmem_shared>>, %arg9: memref<!tpu.dma_semaphore, #tpu.memory_space<semaphore_mem>>) attributes {dimension_semantics = [#tpu.dimension_semantics<core_parallel>, #tpu.dimension_semantics<subcore_parallel>], iteration_bounds = array<i64: 2, 16>, scalar_prefetch = 0 : i64, scratch_operands = 4 : i64, tpu.core_type = #tpu.core_type<sc_vector_subcore>, window_params = [{transform_indices = #map}, {transform_indices = #map}, {transform_indices = #map}, {transform_indices = #map1}]} {
    %mul3A = arith.constant 16 : i32
    %mul3A_0 = arith.muli %arg0, %mul3A : i32
    %add3A = arith.addi %mul3A_0, %arg1 : i32
    %mul3A_1 = arith.constant 640 : i32
    %mul3A_2 = arith.muli %arg1, %mul3A_1 : i32
    "tpu.region"() ({
      %run_scoped3A_62 = tpu.sem_alloc : memref<!tpu.dma_semaphore, #tpu.memory_space<semaphore_mem>>
      %dma_start3A = arith.constant 0 : i32
      %dma_start3A_63 = tpu.memref_slice %arg8[%mul3A_2, %dma_start3A] : memref<10240x128xf32, #tpu.memory_space<vmem_shared>> -> memref<640x128xf32, #tpu.memory_space<vmem_shared>>
      tpu.enqueue_dma source(%arg3 : memref<640x128xf32, #tpu.memory_space<hbm>>) target(%dma_start3A_63 : memref<640x128xf32, #tpu.memory_space<vmem_shared>>) target_semaphore(%run_scoped3A_62 : memref<!tpu.dma_semaphore, #tpu.memory_space<semaphore_mem>>)
      %dma_wait3A_64 = arith.constant 0 : i32
      %dma_wait3A_65 = tpu.memref_slice %arg8[%mul3A_2, %dma_wait3A_64] : memref<10240x128xf32, #tpu.memory_space<vmem_shared>> -> memref<640x128xf32, #tpu.memory_space<vmem_shared>>
      tpu.wait_dma2 semaphore(%run_scoped3A_62 : memref<!tpu.dma_semaphore, #tpu.memory_space<semaphore_mem>>) src(%arg3 : memref<640x128xf32, #tpu.memory_space<hbm>>) dst(%dma_wait3A_65 : memref<640x128xf32, #tpu.memory_space<vmem_shared>>)
      tpu.yield
    }) : () -> ()
    "tpu.region"() ({
      %run_scoped3A_62 = tpu.sem_alloc : memref<!tpu.dma_semaphore, #tpu.memory_space<semaphore_mem>>
      tpu.enqueue_dma source(%arg4 : memref<16x128xf32, #tpu.memory_space<hbm>>) target(%arg7 : memref<16x128xf32, #tpu.memory_space<vmem>>) target_semaphore(%run_scoped3A_62 : memref<!tpu.dma_semaphore, #tpu.memory_space<semaphore_mem>>)
      tpu.wait_dma2 semaphore(%run_scoped3A_62 : memref<!tpu.dma_semaphore, #tpu.memory_space<semaphore_mem>>) src(%arg4 : memref<16x128xf32, #tpu.memory_space<hbm>>) dst(%arg7 : memref<16x128xf32, #tpu.memory_space<vmem>>)
      tpu.yield
    }) : () -> ()
    %mul3A_3 = arith.constant 10240 : i32
    %mul3A_4 = arith.muli %add3A, %mul3A_3 : i32
    %run_scoped3A = arith.constant 1 : i32
    "tpu.region"() ({
      %run_scoped3A_62 = tpu.sem_alloc : memref<!tpu.dma_semaphore, #tpu.memory_space<semaphore_mem>>
      %dma_start3A = tpu.memref_slice %arg2[%run_scoped3A, %mul3A_4] : memref<2x327680xi32, #tpu.memory_space<hbm>> -> memref<1x10240xi32, #tpu.memory_space<hbm>>
      %dma_start3A_63 = tpu.memref_squeeze %dma_start3A : memref<1x10240xi32, #tpu.memory_space<hbm>> -> memref<10240xi32, #tpu.memory_space<hbm>>
      %dma_start3A_64 = tpu.memref_slice %arg2[%run_scoped3A, %mul3A_4] : memref<2x327680xi32, #tpu.memory_space<hbm>> -> memref<1x10240xi32, #tpu.memory_space<hbm>>
      %dma_start3A_65 = tpu.memref_squeeze %dma_start3A_64 : memref<1x10240xi32, #tpu.memory_space<hbm>> -> memref<10240xi32, #tpu.memory_space<hbm>>
      tpu.enqueue_dma source(%dma_start3A_65 : memref<10240xi32, #tpu.memory_space<hbm>>) target(%arg6 : memref<10240xi32, #tpu.memory_space<vmem>>) target_semaphore(%run_scoped3A_62 : memref<!tpu.dma_semaphore, #tpu.memory_space<semaphore_mem>>)
      %dma_wait3A_66 = tpu.memref_slice %arg2[%run_scoped3A, %mul3A_4] : memref<2x327680xi32, #tpu.memory_space<hbm>> -> memref<1x10240xi32, #tpu.memory_space<hbm>>
      %dma_wait3A_67 = tpu.memref_squeeze %dma_wait3A_66 : memref<1x10240xi32, #tpu.memory_space<hbm>> -> memref<10240xi32, #tpu.memory_space<hbm>>
      %dma_wait3A_68 = tpu.memref_slice %arg2[%run_scoped3A, %mul3A_4] : memref<2x327680xi32, #tpu.memory_space<hbm>> -> memref<1x10240xi32, #tpu.memory_space<hbm>>
      %dma_wait3A_69 = tpu.memref_squeeze %dma_wait3A_68 : memref<1x10240xi32, #tpu.memory_space<hbm>> -> memref<10240xi32, #tpu.memory_space<hbm>>
      tpu.wait_dma2 semaphore(%run_scoped3A_62 : memref<!tpu.dma_semaphore, #tpu.memory_space<semaphore_mem>>) src(%dma_wait3A_69 : memref<10240xi32, #tpu.memory_space<hbm>>) dst(%arg6 : memref<10240xi32, #tpu.memory_space<vmem>>)
      tpu.yield
    }) : () -> ()
    %barrier3A = arith.constant 0 : index
    tpu.barrier barrier_id(%barrier3A)
    %scan3A = arith.constant 0 : i32
    %scan3A_5 = arith.constant 0 : i32
    %scan3A_6 = arith.constant 80 : i32
    %scan3A_7 = arith.addi %scan3A_5, %scan3A_6 : i32
    %scan3A_8 = arith.constant 1 : i32
    scf.for %scan3A_62 = %scan3A_5 to %scan3A_7 step %scan3A_8  : i32 {
      %gt3A = arith.constant 0 : i32
      %gt3A_63 = arith.cmpi sgt, %scan3A_62, %gt3A : i32
      %convert_element_type3A = arith.extui %gt3A_63 : i1 to i32
      %cond3A = arith.constant 0 : i32
      %cond3A_64 = arith.cmpi ne, %convert_element_type3A, %cond3A : i32
      scf.if %cond3A_64 {
        %dma_wait3A_159 = arith.constant 0 : i32
        %dma_wait3A_160 = arith.constant 0 : i32
        %dma_wait3A_161 = tpu.memref_slice %arg8[%dma_wait3A_159, %dma_wait3A_160] : memref<10240x128xf32, #tpu.memory_space<vmem_shared>> -> memref<16x128xf32, #tpu.memory_space<vmem_shared>>
        %dma_wait3A_162 = arith.constant 0 : i32
        %dma_wait3A_163 = arith.constant 0 : i32
        %dma_wait3A_164 = tpu.memref_slice %arg8[%dma_wait3A_162, %dma_wait3A_163] : memref<10240x128xf32, #tpu.memory_space<vmem_shared>> -> memref<16x128xf32, #tpu.memory_space<vmem_shared>>
        tpu.wait_dma2 semaphore(%arg9 : memref<!tpu.dma_semaphore, #tpu.memory_space<semaphore_mem>>) src(%arg7 : memref<16x128xf32, #tpu.memory_space<vmem>>) dst(%dma_wait3A_164 : memref<16x128xf32, #tpu.memory_space<vmem_shared>>)
        %dma_wait3A_165 = arith.constant 0 : i32
        %dma_wait3A_166 = arith.constant 0 : i32
        %dma_wait3A_167 = tpu.memref_slice %arg8[%dma_wait3A_165, %dma_wait3A_166] : memref<10240x128xf32, #tpu.memory_space<vmem_shared>> -> memref<16x128xf32, #tpu.memory_space<vmem_shared>>
        %dma_wait3A_168 = arith.constant 0 : i32
        %dma_wait3A_169 = arith.constant 0 : i32
        %dma_wait3A_170 = tpu.memref_slice %arg8[%dma_wait3A_168, %dma_wait3A_169] : memref<10240x128xf32, #tpu.memory_space<vmem_shared>> -> memref<16x128xf32, #tpu.memory_space<vmem_shared>>
        tpu.wait_dma2 semaphore(%arg9 : memref<!tpu.dma_semaphore, #tpu.memory_space<semaphore_mem>>) src(%arg7 : memref<16x128xf32, #tpu.memory_space<vmem>>) dst(%dma_wait3A_170 : memref<16x128xf32, #tpu.memory_space<vmem_shared>>)
        %dma_wait3A_171 = arith.constant 0 : i32
        %dma_wait3A_172 = arith.constant 0 : i32
        %dma_wait3A_173 = tpu.memref_slice %arg8[%dma_wait3A_171, %dma_wait3A_172] : memref<10240x128xf32, #tpu.memory_space<vmem_shared>> -> memref<16x128xf32, #tpu.memory_space<vmem_shared>>
        %dma_wait3A_174 = arith.constant 0 : i32
        %dma_wait3A_175 = arith.constant 0 : i32
        %dma_wait3A_176 = tpu.memref_slice %arg8[%dma_wait3A_174, %dma_wait3A_175] : memref<10240x128xf32, #tpu.memory_space<vmem_shared>> -> memref<16x128xf32, #tpu.memory_space<vmem_shared>>
        tpu.wait_dma2 semaphore(%arg9 : memref<!tpu.dma_semaphore, #tpu.memory_space<semaphore_mem>>) src(%arg7 : memref<16x128xf32, #tpu.memory_space<vmem>>) dst(%dma_wait3A_176 : memref<16x128xf32, #tpu.memory_space<vmem_shared>>)
        %dma_wait3A_177 = arith.constant 0 : i32
        %dma_wait3A_178 = arith.constant 0 : i32
        %dma_wait3A_179 = tpu.memref_slice %arg8[%dma_wait3A_177, %dma_wait3A_178] : memref<10240x128xf32, #tpu.memory_space<vmem_shared>> -> memref<16x128xf32, #tpu.memory_space<vmem_shared>>
        %dma_wait3A_180 = arith.constant 0 : i32
        %dma_wait3A_181 = arith.constant 0 : i32
        %dma_wait3A_182 = tpu.memref_slice %arg8[%dma_wait3A_180, %dma_wait3A_181] : memref<10240x128xf32, #tpu.memory_space<vmem_shared>> -> memref<16x128xf32, #tpu.memory_space<vmem_shared>>
        tpu.wait_dma2 semaphore(%arg9 : memref<!tpu.dma_semaphore, #tpu.memory_space<semaphore_mem>>) src(%arg7 : memref<16x128xf32, #tpu.memory_space<vmem>>) dst(%dma_wait3A_182 : memref<16x128xf32, #tpu.memory_space<vmem_shared>>)
        %dma_wait3A_183 = arith.constant 0 : i32
        %dma_wait3A_184 = arith.constant 0 : i32
        %dma_wait3A_185 = tpu.memref_slice %arg8[%dma_wait3A_183, %dma_wait3A_184] : memref<10240x128xf32, #tpu.memory_space<vmem_shared>> -> memref<16x128xf32, #tpu.memory_space<vmem_shared>>
        %dma_wait3A_186 = arith.constant 0 : i32
        %dma_wait3A_187 = arith.constant 0 : i32
        %dma_wait3A_188 = tpu.memref_slice %arg8[%dma_wait3A_186, %dma_wait3A_187] : memref<10240x128xf32, #tpu.memory_space<vmem_shared>> -> memref<16x128xf32, #tpu.memory_space<vmem_shared>>
        tpu.wait_dma2 semaphore(%arg9 : memref<!tpu.dma_semaphore, #tpu.memory_space<semaphore_mem>>) src(%arg7 : memref<16x128xf32, #tpu.memory_space<vmem>>) dst(%dma_wait3A_188 : memref<16x128xf32, #tpu.memory_space<vmem_shared>>)
        %dma_wait3A_189 = arith.constant 0 : i32
        %dma_wait3A_190 = arith.constant 0 : i32
        %dma_wait3A_191 = tpu.memref_slice %arg8[%dma_wait3A_189, %dma_wait3A_190] : memref<10240x128xf32, #tpu.memory_space<vmem_shared>> -> memref<16x128xf32, #tpu.memory_space<vmem_shared>>
        %dma_wait3A_192 = arith.constant 0 : i32
        %dma_wait3A_193 = arith.constant 0 : i32
        %dma_wait3A_194 = tpu.memref_slice %arg8[%dma_wait3A_192, %dma_wait3A_193] : memref<10240x128xf32, #tpu.memory_space<vmem_shared>> -> memref<16x128xf32, #tpu.memory_space<vmem_shared>>
        tpu.wait_dma2 semaphore(%arg9 : memref<!tpu.dma_semaphore, #tpu.memory_space<semaphore_mem>>) src(%arg7 : memref<16x128xf32, #tpu.memory_space<vmem>>) dst(%dma_wait3A_194 : memref<16x128xf32, #tpu.memory_space<vmem_shared>>)
        %dma_wait3A_195 = arith.constant 0 : i32
        %dma_wait3A_196 = arith.constant 0 : i32
        %dma_wait3A_197 = tpu.memref_slice %arg8[%dma_wait3A_195, %dma_wait3A_196] : memref<10240x128xf32, #tpu.memory_space<vmem_shared>> -> memref<16x128xf32, #tpu.memory_space<vmem_shared>>
        %dma_wait3A_198 = arith.constant 0 : i32
        %dma_wait3A_199 = arith.constant 0 : i32
        %dma_wait3A_200 = tpu.memref_slice %arg8[%dma_wait3A_198, %dma_wait3A_199] : memref<10240x128xf32, #tpu.memory_space<vmem_shared>> -> memref<16x128xf32, #tpu.memory_space<vmem_shared>>
        tpu.wait_dma2 semaphore(%arg9 : memref<!tpu.dma_semaphore, #tpu.memory_space<semaphore_mem>>) src(%arg7 : memref<16x128xf32, #tpu.memory_space<vmem>>) dst(%dma_wait3A_200 : memref<16x128xf32, #tpu.memory_space<vmem_shared>>)
        %dma_wait3A_201 = arith.constant 0 : i32
        %dma_wait3A_202 = arith.constant 0 : i32
        %dma_wait3A_203 = tpu.memref_slice %arg8[%dma_wait3A_201, %dma_wait3A_202] : memref<10240x128xf32, #tpu.memory_space<vmem_shared>> -> memref<16x128xf32, #tpu.memory_space<vmem_shared>>
        %dma_wait3A_204 = arith.constant 0 : i32
        %dma_wait3A_205 = arith.constant 0 : i32
        %dma_wait3A_206 = tpu.memref_slice %arg8[%dma_wait3A_204, %dma_wait3A_205] : memref<10240x128xf32, #tpu.memory_space<vmem_shared>> -> memref<16x128xf32, #tpu.memory_space<vmem_shared>>
        tpu.wait_dma2 semaphore(%arg9 : memref<!tpu.dma_semaphore, #tpu.memory_space<semaphore_mem>>) src(%arg7 : memref<16x128xf32, #tpu.memory_space<vmem>>) dst(%dma_wait3A_206 : memref<16x128xf32, #tpu.memory_space<vmem_shared>>)
      } else {
      }
      %mul3A_65 = arith.constant 8 : i32
      %mul3A_66 = arith.muli %scan3A_62, %mul3A_65 : i32
      %add3A_67 = arith.constant 0 : i32
      %add3A_68 = arith.addi %mul3A_66, %add3A_67 : i32
      %mul3A_69 = arith.constant 16 : i32
      %mul3A_70 = arith.muli %add3A_68, %mul3A_69 : i32
      %get3A = arith.index_cast %mul3A_70 : i32 to index
      %get3A_71 = tpu.vector_load %arg6[%get3A] {strides = array<i32>} : memref<10240xi32, #tpu.memory_space<vmem>>, vector<16xi32>,
      %get3A_72 = vector.shape_cast %get3A_71 : vector<16xi32> to vector<16xi32>
      %dma_start3A = arith.constant 0 : i32
      %dma_start3A_73 = arith.constant 0 : i32
      %dma_start3A_74 = tpu.memref_slice %arg8[%dma_start3A, %dma_start3A_73] : memref<10240x128xf32, #tpu.memory_space<vmem_shared>> -> memref<10240x128xf32, #tpu.memory_space<vmem_shared>>
      tpu.enqueue_indirect_dma source(%arg7 : memref<16x128xf32, #tpu.memory_space<vmem>>) target(%dma_start3A_74 : memref<10240x128xf32, #tpu.memory_space<vmem_shared>>) offsets(%get3A_72 : vector<16xi32>) semaphore(%arg9 : memref<!tpu.dma_semaphore, #tpu.memory_space<semaphore_mem>>) {add = true}
      %mul3A_75 = arith.constant 8 : i32
      %mul3A_76 = arith.muli %scan3A_62, %mul3A_75 : i32
      %add3A_77 = arith.constant 1 : i32
      %add3A_78 = arith.addi %mul3A_76, %add3A_77 : i32
      %mul3A_79 = arith.constant 16 : i32
      %mul3A_80 = arith.muli %add3A_78, %mul3A_79 : i32
      %get3A_81 = arith.index_cast %mul3A_80 : i32 to index
      %get3A_82 = tpu.vector_load %arg6[%get3A_81] {strides = array<i32>} : memref<10240xi32, #tpu.memory_space<vmem>>, vector<16xi32>,
      %get3A_83 = vector.shape_cast %get3A_82 : vector<16xi32> to vector<16xi32>
      %dma_start3A_84 = arith.constant 0 : i32
      %dma_start3A_85 = arith.constant 0 : i32
      %dma_start3A_86 = tpu.memref_slice %arg8[%dma_start3A_84, %dma_start3A_85] : memref<10240x128xf32, #tpu.memory_space<vmem_shared>> -> memref<10240x128xf32, #tpu.memory_space<vmem_shared>>
      tpu.enqueue_indirect_dma source(%arg7 : memref<16x128xf32, #tpu.memory_space<vmem>>) target(%dma_start3A_86 : memref<10240x128xf32, #tpu.memory_space<vmem_shared>>) offsets(%get3A_83 : vector<16xi32>) semaphore(%arg9 : memref<!tpu.dma_semaphore, #tpu.memory_space<semaphore_mem>>) {add = true}
      %mul3A_87 = arith.constant 8 : i32
      %mul3A_88 = arith.muli %scan3A_62, %mul3A_87 : i32
      %add3A_89 = arith.constant 2 : i32
      %add3A_90 = arith.addi %mul3A_88, %add3A_89 : i32
      %mul3A_91 = arith.constant 16 : i32
      %mul3A_92 = arith.muli %add3A_90, %mul3A_91 : i32
      %get3A_93 = arith.index_cast %mul3A_92 : i32 to index
      %get3A_94 = tpu.vector_load %arg6[%get3A_93] {strides = array<i32>} : memref<10240xi32, #tpu.memory_space<vmem>>, vector<16xi32>,
      %get3A_95 = vector.shape_cast %get3A_94 : vector<16xi32> to vector<16xi32>
      %dma_start3A_96 = arith.constant 0 : i32
      %dma_start3A_97 = arith.constant 0 : i32
      %dma_start3A_98 = tpu.memref_slice %arg8[%dma_start3A_96, %dma_start3A_97] : memref<10240x128xf32, #tpu.memory_space<vmem_shared>> -> memref<10240x128xf32, #tpu.memory_space<vmem_shared>>
      tpu.enqueue_indirect_dma source(%arg7 : memref<16x128xf32, #tpu.memory_space<vmem>>) target(%dma_start3A_98 : memref<10240x128xf32, #tpu.memory_space<vmem_shared>>) offsets(%get3A_95 : vector<16xi32>) semaphore(%arg9 : memref<!tpu.dma_semaphore, #tpu.memory_space<semaphore_mem>>) {add = true}
      %mul3A_99 = arith.constant 8 : i32
      %mul3A_100 = arith.muli %scan3A_62, %mul3A_99 : i32
      %add3A_101 = arith.constant 3 : i32
      %add3A_102 = arith.addi %mul3A_100, %add3A_101 : i32
      %mul3A_103 = arith.constant 16 : i32
      %mul3A_104 = arith.muli %add3A_102, %mul3A_103 : i32
      %get3A_105 = arith.index_cast %mul3A_104 : i32 to index
      %get3A_106 = tpu.vector_load %arg6[%get3A_105] {strides = array<i32>} : memref<10240xi32, #tpu.memory_space<vmem>>, vector<16xi32>,
      %get3A_107 = vector.shape_cast %get3A_106 : vector<16xi32> to vector<16xi32>
      %dma_start3A_108 = arith.constant 0 : i32
      %dma_start3A_109 = arith.constant 0 : i32
      %dma_start3A_110 = tpu.memref_slice %arg8[%dma_start3A_108, %dma_start3A_109] : memref<10240x128xf32, #tpu.memory_space<vmem_shared>> -> memref<10240x128xf32, #tpu.memory_space<vmem_shared>>
      tpu.enqueue_indirect_dma source(%arg7 : memref<16x128xf32, #tpu.memory_space<vmem>>) target(%dma_start3A_110 : memref<10240x128xf32, #tpu.memory_space<vmem_shared>>) offsets(%get3A_107 : vector<16xi32>) semaphore(%arg9 : memref<!tpu.dma_semaphore, #tpu.memory_space<semaphore_mem>>) {add = true}
      %mul3A_111 = arith.constant 8 : i32
      %mul3A_112 = arith.muli %scan3A_62, %mul3A_111 : i32
      %add3A_113 = arith.constant 4 : i32
      %add3A_114 = arith.addi %mul3A_112, %add3A_113 : i32
      %mul3A_115 = arith.constant 16 : i32
      %mul3A_116 = arith.muli %add3A_114, %mul3A_115 : i32
      %get3A_117 = arith.index_cast %mul3A_116 : i32 to index
      %get3A_118 = tpu.vector_load %arg6[%get3A_117] {strides = array<i32>} : memref<10240xi32, #tpu.memory_space<vmem>>, vector<16xi32>,
      %get3A_119 = vector.shape_cast %get3A_118 : vector<16xi32> to vector<16xi32>
      %dma_start3A_120 = arith.constant 0 : i32
      %dma_start3A_121 = arith.constant 0 : i32
      %dma_start3A_122 = tpu.memref_slice %arg8[%dma_start3A_120, %dma_start3A_121] : memref<10240x128xf32, #tpu.memory_space<vmem_shared>> -> memref<10240x128xf32, #tpu.memory_space<vmem_shared>>
      tpu.enqueue_indirect_dma source(%arg7 : memref<16x128xf32, #tpu.memory_space<vmem>>) target(%dma_start3A_122 : memref<10240x128xf32, #tpu.memory_space<vmem_shared>>) offsets(%get3A_119 : vector<16xi32>) semaphore(%arg9 : memref<!tpu.dma_semaphore, #tpu.memory_space<semaphore_mem>>) {add = true}
      %mul3A_123 = arith.constant 8 : i32
      %mul3A_124 = arith.muli %scan3A_62, %mul3A_123 : i32
      %add3A_125 = arith.constant 5 : i32
      %add3A_126 = arith.addi %mul3A_124, %add3A_125 : i32
      %mul3A_127 = arith.constant 16 : i32
      %mul3A_128 = arith.muli %add3A_126, %mul3A_127 : i32
      %get3A_129 = arith.index_cast %mul3A_128 : i32 to index
      %get3A_130 = tpu.vector_load %arg6[%get3A_129] {strides = array<i32>} : memref<10240xi32, #tpu.memory_space<vmem>>, vector<16xi32>,
      %get3A_131 = vector.shape_cast %get3A_130 : vector<16xi32> to vector<16xi32>
      %dma_start3A_132 = arith.constant 0 : i32
      %dma_start3A_133 = arith.constant 0 : i32
      %dma_start3A_134 = tpu.memref_slice %arg8[%dma_start3A_132, %dma_start3A_133] : memref<10240x128xf32, #tpu.memory_space<vmem_shared>> -> memref<10240x128xf32, #tpu.memory_space<vmem_shared>>
      tpu.enqueue_indirect_dma source(%arg7 : memref<16x128xf32, #tpu.memory_space<vmem>>) target(%dma_start3A_134 : memref<10240x128xf32, #tpu.memory_space<vmem_shared>>) offsets(%get3A_131 : vector<16xi32>) semaphore(%arg9 : memref<!tpu.dma_semaphore, #tpu.memory_space<semaphore_mem>>) {add = true}
      %mul3A_135 = arith.constant 8 : i32
      %mul3A_136 = arith.muli %scan3A_62, %mul3A_135 : i32
      %add3A_137 = arith.constant 6 : i32
      %add3A_138 = arith.addi %mul3A_136, %add3A_137 : i32
      %mul3A_139 = arith.constant 16 : i32
      %mul3A_140 = arith.muli %add3A_138, %mul3A_139 : i32
      %get3A_141 = arith.index_cast %mul3A_140 : i32 to index
      %get3A_142 = tpu.vector_load %arg6[%get3A_141] {strides = array<i32>} : memref<10240xi32, #tpu.memory_space<vmem>>, vector<16xi32>,
      %get3A_143 = vector.shape_cast %get3A_142 : vector<16xi32> to vector<16xi32>
      %dma_start3A_144 = arith.constant 0 : i32
      %dma_start3A_145 = arith.constant 0 : i32
      %dma_start3A_146 = tpu.memref_slice %arg8[%dma_start3A_144, %dma_start3A_145] : memref<10240x128xf32, #tpu.memory_space<vmem_shared>> -> memref<10240x128xf32, #tpu.memory_space<vmem_shared>>
      tpu.enqueue_indirect_dma source(%arg7 : memref<16x128xf32, #tpu.memory_space<vmem>>) target(%dma_start3A_146 : memref<10240x128xf32, #tpu.memory_space<vmem_shared>>) offsets(%get3A_143 : vector<16xi32>) semaphore(%arg9 : memref<!tpu.dma_semaphore, #tpu.memory_space<semaphore_mem>>) {add = true}
      %mul3A_147 = arith.constant 8 : i32
      %mul3A_148 = arith.muli %scan3A_62, %mul3A_147 : i32
      %add3A_149 = arith.constant 7 : i32
      %add3A_150 = arith.addi %mul3A_148, %add3A_149 : i32
      %mul3A_151 = arith.constant 16 : i32
      %mul3A_152 = arith.muli %add3A_150, %mul3A_151 : i32
      %get3A_153 = arith.index_cast %mul3A_152 : i32 to index
      %get3A_154 = tpu.vector_load %arg6[%get3A_153] {strides = array<i32>} : memref<10240xi32, #tpu.memory_space<vmem>>, vector<16xi32>,
      %get3A_155 = vector.shape_cast %get3A_154 : vector<16xi32> to vector<16xi32>
      %dma_start3A_156 = arith.constant 0 : i32
      %dma_start3A_157 = arith.constant 0 : i32
      %dma_start3A_158 = tpu.memref_slice %arg8[%dma_start3A_156, %dma_start3A_157] : memref<10240x128xf32, #tpu.memory_space<vmem_shared>> -> memref<10240x128xf32, #tpu.memory_space<vmem_shared>>
      tpu.enqueue_indirect_dma source(%arg7 : memref<16x128xf32, #tpu.memory_space<vmem>>) target(%dma_start3A_158 : memref<10240x128xf32, #tpu.memory_space<vmem_shared>>) offsets(%get3A_155 : vector<16xi32>) semaphore(%arg9 : memref<!tpu.dma_semaphore, #tpu.memory_space<semaphore_mem>>) {add = true}
    }
    %scan3A_9 = arith.constant 80 : i32
    %dma_wait3A = arith.constant 0 : i32
    %dma_wait3A_10 = arith.constant 0 : i32
    %dma_wait3A_11 = tpu.memref_slice %arg8[%dma_wait3A, %dma_wait3A_10] : memref<10240x128xf32, #tpu.memory_space<vmem_shared>> -> memref<16x128xf32, #tpu.memory_space<vmem_shared>>
    %dma_wait3A_12 = arith.constant 0 : i32
    %dma_wait3A_13 = arith.constant 0 : i32
    %dma_wait3A_14 = tpu.memref_slice %arg8[%dma_wait3A_12, %dma_wait3A_13] : memref<10240x128xf32, #tpu.memory_space<vmem_shared>> -> memref<16x128xf32, #tpu.memory_space<vmem_shared>>
    tpu.wait_dma2 semaphore(%arg9 : memref<!tpu.dma_semaphore, #tpu.memory_space<semaphore_mem>>) src(%arg7 : memref<16x128xf32, #tpu.memory_space<vmem>>) dst(%dma_wait3A_14 : memref<16x128xf32, #tpu.memory_space<vmem_shared>>)
    %dma_wait3A_15 = arith.constant 0 : i32
    %dma_wait3A_16 = arith.constant 0 : i32
    %dma_wait3A_17 = tpu.memref_slice %arg8[%dma_wait3A_15, %dma_wait3A_16] : memref<10240x128xf32, #tpu.memory_space<vmem_shared>> -> memref<16x128xf32, #tpu.memory_space<vmem_shared>>
    %dma_wait3A_18 = arith.constant 0 : i32
    %dma_wait3A_19 = arith.constant 0 : i32
    %dma_wait3A_20 = tpu.memref_slice %arg8[%dma_wait3A_18, %dma_wait3A_19] : memref<10240x128xf32, #tpu.memory_space<vmem_shared>> -> memref<16x128xf32, #tpu.memory_space<vmem_shared>>
    tpu.wait_dma2 semaphore(%arg9 : memref<!tpu.dma_semaphore, #tpu.memory_space<semaphore_mem>>) src(%arg7 : memref<16x128xf32, #tpu.memory_space<vmem>>) dst(%dma_wait3A_20 : memref<16x128xf32, #tpu.memory_space<vmem_shared>>)
    %dma_wait3A_21 = arith.constant 0 : i32
    %dma_wait3A_22 = arith.constant 0 : i32
    %dma_wait3A_23 = tpu.memref_slice %arg8[%dma_wait3A_21, %dma_wait3A_22] : memref<10240x128xf32, #tpu.memory_space<vmem_shared>> -> memref<16x128xf32, #tpu.memory_space<vmem_shared>>
    %dma_wait3A_24 = arith.constant 0 : i32
    %dma_wait3A_25 = arith.constant 0 : i32
    %dma_wait3A_26 = tpu.memref_slice %arg8[%dma_wait3A_24, %dma_wait3A_25] : memref<10240x128xf32, #tpu.memory_space<vmem_shared>> -> memref<16x128xf32, #tpu.memory_space<vmem_shared>>
    tpu.wait_dma2 semaphore(%arg9 : memref<!tpu.dma_semaphore, #tpu.memory_space<semaphore_mem>>) src(%arg7 : memref<16x128xf32, #tpu.memory_space<vmem>>) dst(%dma_wait3A_26 : memref<16x128xf32, #tpu.memory_space<vmem_shared>>)
    %dma_wait3A_27 = arith.constant 0 : i32
    %dma_wait3A_28 = arith.constant 0 : i32
    %dma_wait3A_29 = tpu.memref_slice %arg8[%dma_wait3A_27, %dma_wait3A_28] : memref<10240x128xf32, #tpu.memory_space<vmem_shared>> -> memref<16x128xf32, #tpu.memory_space<vmem_shared>>
    %dma_wait3A_30 = arith.constant 0 : i32
    %dma_wait3A_31 = arith.constant 0 : i32
    %dma_wait3A_32 = tpu.memref_slice %arg8[%dma_wait3A_30, %dma_wait3A_31] : memref<10240x128xf32, #tpu.memory_space<vmem_shared>> -> memref<16x128xf32, #tpu.memory_space<vmem_shared>>
    tpu.wait_dma2 semaphore(%arg9 : memref<!tpu.dma_semaphore, #tpu.memory_space<semaphore_mem>>) src(%arg7 : memref<16x128xf32, #tpu.memory_space<vmem>>) dst(%dma_wait3A_32 : memref<16x128xf32, #tpu.memory_space<vmem_shared>>)
    %dma_wait3A_33 = arith.constant 0 : i32
    %dma_wait3A_34 = arith.constant 0 : i32
    %dma_wait3A_35 = tpu.memref_slice %arg8[%dma_wait3A_33, %dma_wait3A_34] : memref<10240x128xf32, #tpu.memory_space<vmem_shared>> -> memref<16x128xf32, #tpu.memory_space<vmem_shared>>
    %dma_wait3A_36 = arith.constant 0 : i32
    %dma_wait3A_37 = arith.constant 0 : i32
    %dma_wait3A_38 = tpu.memref_slice %arg8[%dma_wait3A_36, %dma_wait3A_37] : memref<10240x128xf32, #tpu.memory_space<vmem_shared>> -> memref<16x128xf32, #tpu.memory_space<vmem_shared>>
    tpu.wait_dma2 semaphore(%arg9 : memref<!tpu.dma_semaphore, #tpu.memory_space<semaphore_mem>>) src(%arg7 : memref<16x128xf32, #tpu.memory_space<vmem>>) dst(%dma_wait3A_38 : memref<16x128xf32, #tpu.memory_space<vmem_shared>>)
    %dma_wait3A_39 = arith.constant 0 : i32
    %dma_wait3A_40 = arith.constant 0 : i32
    %dma_wait3A_41 = tpu.memref_slice %arg8[%dma_wait3A_39, %dma_wait3A_40] : memref<10240x128xf32, #tpu.memory_space<vmem_shared>> -> memref<16x128xf32, #tpu.memory_space<vmem_shared>>
    %dma_wait3A_42 = arith.constant 0 : i32
    %dma_wait3A_43 = arith.constant 0 : i32
    %dma_wait3A_44 = tpu.memref_slice %arg8[%dma_wait3A_42, %dma_wait3A_43] : memref<10240x128xf32, #tpu.memory_space<vmem_shared>> -> memref<16x128xf32, #tpu.memory_space<vmem_shared>>
    tpu.wait_dma2 semaphore(%arg9 : memref<!tpu.dma_semaphore, #tpu.memory_space<semaphore_mem>>) src(%arg7 : memref<16x128xf32, #tpu.memory_space<vmem>>) dst(%dma_wait3A_44 : memref<16x128xf32, #tpu.memory_space<vmem_shared>>)
    %dma_wait3A_45 = arith.constant 0 : i32
    %dma_wait3A_46 = arith.constant 0 : i32
    %dma_wait3A_47 = tpu.memref_slice %arg8[%dma_wait3A_45, %dma_wait3A_46] : memref<10240x128xf32, #tpu.memory_space<vmem_shared>> -> memref<16x128xf32, #tpu.memory_space<vmem_shared>>
    %dma_wait3A_48 = arith.constant 0 : i32
    %dma_wait3A_49 = arith.constant 0 : i32
    %dma_wait3A_50 = tpu.memref_slice %arg8[%dma_wait3A_48, %dma_wait3A_49] : memref<10240x128xf32, #tpu.memory_space<vmem_shared>> -> memref<16x128xf32, #tpu.memory_space<vmem_shared>>
    tpu.wait_dma2 semaphore(%arg9 : memref<!tpu.dma_semaphore, #tpu.memory_space<semaphore_mem>>) src(%arg7 : memref<16x128xf32, #tpu.memory_space<vmem>>) dst(%dma_wait3A_50 : memref<16x128xf32, #tpu.memory_space<vmem_shared>>)
    %dma_wait3A_51 = arith.constant 0 : i32
    %dma_wait3A_52 = arith.constant 0 : i32
    %dma_wait3A_53 = tpu.memref_slice %arg8[%dma_wait3A_51, %dma_wait3A_52] : memref<10240x128xf32, #tpu.memory_space<vmem_shared>> -> memref<16x128xf32, #tpu.memory_space<vmem_shared>>
    %dma_wait3A_54 = arith.constant 0 : i32
    %dma_wait3A_55 = arith.constant 0 : i32
    %dma_wait3A_56 = tpu.memref_slice %arg8[%dma_wait3A_54, %dma_wait3A_55] : memref<10240x128xf32, #tpu.memory_space<vmem_shared>> -> memref<16x128xf32, #tpu.memory_space<vmem_shared>>
    tpu.wait_dma2 semaphore(%arg9 : memref<!tpu.dma_semaphore, #tpu.memory_space<semaphore_mem>>) src(%arg7 : memref<16x128xf32, #tpu.memory_space<vmem>>) dst(%dma_wait3A_56 : memref<16x128xf32, #tpu.memory_space<vmem_shared>>)
    %barrier3A_57 = arith.constant 0 : index
    tpu.barrier barrier_id(%barrier3A_57)
    %mul3A_58 = arith.constant 640 : i32
    %mul3A_59 = arith.muli %arg1, %mul3A_58 : i32
    %mul3A_60 = arith.constant 640 : i32
    %mul3A_61 = arith.muli %arg1, %mul3A_60 : i32
    "tpu.region"() ({
      %run_scoped3A_62 = tpu.sem_alloc : memref<!tpu.dma_semaphore, #tpu.memory_space<semaphore_mem>>
      %dma_start3A = arith.constant 0 : i32
      %dma_start3A_63 = tpu.memref_slice %arg5[%arg0, %mul3A_61, %dma_start3A] : memref<2x10240x128xf32, #tpu.memory_space<hbm>> -> memref<1x640x128xf32, #tpu.memory_space<hbm>>
      %dma_start3A_64 = tpu.memref_squeeze %dma_start3A_63 : memref<1x640x128xf32, #tpu.memory_space<hbm>> -> memref<640x128xf32, #tpu.memory_space<hbm>>
      %dma_start3A_65 = arith.constant 0 : i32
      %dma_start3A_66 = tpu.memref_slice %arg8[%mul3A_59, %dma_start3A_65] : memref<10240x128xf32, #tpu.memory_space<vmem_shared>> -> memref<640x128xf32, #tpu.memory_space<vmem_shared>>
      tpu.enqueue_dma source(%dma_start3A_66 : memref<640x128xf32, #tpu.memory_space<vmem_shared>>) target(%dma_start3A_64 : memref<640x128xf32, #tpu.memory_space<hbm>>) target_semaphore(%run_scoped3A_62 : memref<!tpu.dma_semaphore, #tpu.memory_space<semaphore_mem>>)
      %dma_wait3A_67 = arith.constant 0 : i32
      %dma_wait3A_68 = tpu.memref_slice %arg5[%arg0, %mul3A_61, %dma_wait3A_67] : memref<2x10240x128xf32, #tpu.memory_space<hbm>> -> memref<1x640x128xf32, #tpu.memory_space<hbm>>
      %dma_wait3A_69 = tpu.memref_squeeze %dma_wait3A_68 : memref<1x640x128xf32, #tpu.memory_space<hbm>> -> memref<640x128xf32, #tpu.memory_space<hbm>>
      %dma_wait3A_70 = arith.constant 0 : i32
      %dma_wait3A_71 = tpu.memref_slice %arg8[%mul3A_59, %dma_wait3A_70] : memref<10240x128xf32, #tpu.memory_space<vmem_shared>> -> memref<640x128xf32, #tpu.memory_space<vmem_shared>>
      tpu.wait_dma2 semaphore(%run_scoped3A_62 : memref<!tpu.dma_semaphore, #tpu.memory_space<semaphore_mem>>) src(%dma_wait3A_71 : memref<640x128xf32, #tpu.memory_space<vmem_shared>>) dst(%dma_wait3A_69 : memref<640x128xf32, #tpu.memory_space<hbm>>)
      tpu.yield
    }) : () -> ()
    return
  }
}

#map = affine_map<(d0, d1) -> (0, 0)>
#map1 = affine_map<(d0, d1) -> (0, 0, 0)>
module attributes {stable_mosaic.version = 14 : i64} {
  func.func @sage_sc_agg(%arg0: i32, %arg1: i32, %arg2: memref<10000x128xf32, #tpu.memory_space<hbm>>, %arg3: memref<2x327680xi32, #tpu.memory_space<hbm>>, %arg4: memref<640x128xf32, #tpu.memory_space<hbm>>, %arg5: memref<2x10240x128xf32, #tpu.memory_space<hbm>>, %arg6: memref<10240xi32, #tpu.memory_space<vmem>>, %arg7: memref<10240xi32, #tpu.memory_space<vmem>>, %arg8: memref<10x16x128xf32, #tpu.memory_space<vmem>>, %arg9: memref<10240x128xf32, #tpu.memory_space<vmem_shared>>, %arg10: memref<!tpu.dma_semaphore, #tpu.memory_space<semaphore_mem>>, %arg11: memref<!tpu.dma_semaphore, #tpu.memory_space<semaphore_mem>>) attributes {dimension_semantics = [#tpu.dimension_semantics<core_parallel>, #tpu.dimension_semantics<subcore_parallel>], iteration_bounds = array<i64: 2, 16>, scalar_prefetch = 0 : i64, scratch_operands = 6 : i64, tpu.core_type = #tpu.core_type<sc_vector_subcore>, window_params = [{transform_indices = #map}, {transform_indices = #map}, {transform_indices = #map}, {transform_indices = #map1}]} {
    %mul3A = arith.constant 16 : i32
    %mul3A_0 = arith.muli %arg0, %mul3A : i32
    %add3A = arith.addi %mul3A_0, %arg1 : i32
    %mul3A_1 = arith.constant 640 : i32
    %mul3A_2 = arith.muli %arg1, %mul3A_1 : i32
    "tpu.region"() ({
      %run_scoped3A_167 = tpu.sem_alloc : memref<!tpu.dma_semaphore, #tpu.memory_space<semaphore_mem>>
      %dma_start3A = arith.constant 0 : i32
      %dma_start3A_168 = tpu.memref_slice %arg9[%mul3A_2, %dma_start3A] : memref<10240x128xf32, #tpu.memory_space<vmem_shared>> -> memref<640x128xf32, #tpu.memory_space<vmem_shared>>
      tpu.enqueue_dma source(%arg4 : memref<640x128xf32, #tpu.memory_space<hbm>>) target(%dma_start3A_168 : memref<640x128xf32, #tpu.memory_space<vmem_shared>>) target_semaphore(%run_scoped3A_167 : memref<!tpu.dma_semaphore, #tpu.memory_space<semaphore_mem>>)
      %dma_wait3A_169 = arith.constant 0 : i32
      %dma_wait3A_170 = tpu.memref_slice %arg9[%mul3A_2, %dma_wait3A_169] : memref<10240x128xf32, #tpu.memory_space<vmem_shared>> -> memref<640x128xf32, #tpu.memory_space<vmem_shared>>
      tpu.wait_dma2 semaphore(%run_scoped3A_167 : memref<!tpu.dma_semaphore, #tpu.memory_space<semaphore_mem>>) src(%arg4 : memref<640x128xf32, #tpu.memory_space<hbm>>) dst(%dma_wait3A_170 : memref<640x128xf32, #tpu.memory_space<vmem_shared>>)
      tpu.yield
    }) : () -> ()
    %mul3A_3 = arith.constant 10240 : i32
    %mul3A_4 = arith.muli %add3A, %mul3A_3 : i32
    %run_scoped3A = arith.constant 0 : i32
    "tpu.region"() ({
      %run_scoped3A_167 = tpu.sem_alloc : memref<!tpu.dma_semaphore, #tpu.memory_space<semaphore_mem>>
      %dma_start3A = tpu.memref_slice %arg3[%run_scoped3A, %mul3A_4] : memref<2x327680xi32, #tpu.memory_space<hbm>> -> memref<1x10240xi32, #tpu.memory_space<hbm>>
      %dma_start3A_168 = tpu.memref_squeeze %dma_start3A : memref<1x10240xi32, #tpu.memory_space<hbm>> -> memref<10240xi32, #tpu.memory_space<hbm>>
      %dma_start3A_169 = tpu.memref_slice %arg3[%run_scoped3A, %mul3A_4] : memref<2x327680xi32, #tpu.memory_space<hbm>> -> memref<1x10240xi32, #tpu.memory_space<hbm>>
      %dma_start3A_170 = tpu.memref_squeeze %dma_start3A_169 : memref<1x10240xi32, #tpu.memory_space<hbm>> -> memref<10240xi32, #tpu.memory_space<hbm>>
      tpu.enqueue_dma source(%dma_start3A_170 : memref<10240xi32, #tpu.memory_space<hbm>>) target(%arg6 : memref<10240xi32, #tpu.memory_space<vmem>>) target_semaphore(%run_scoped3A_167 : memref<!tpu.dma_semaphore, #tpu.memory_space<semaphore_mem>>)
      %dma_wait3A_171 = tpu.memref_slice %arg3[%run_scoped3A, %mul3A_4] : memref<2x327680xi32, #tpu.memory_space<hbm>> -> memref<1x10240xi32, #tpu.memory_space<hbm>>
      %dma_wait3A_172 = tpu.memref_squeeze %dma_wait3A_171 : memref<1x10240xi32, #tpu.memory_space<hbm>> -> memref<10240xi32, #tpu.memory_space<hbm>>
      %dma_wait3A_173 = tpu.memref_slice %arg3[%run_scoped3A, %mul3A_4] : memref<2x327680xi32, #tpu.memory_space<hbm>> -> memref<1x10240xi32, #tpu.memory_space<hbm>>
      %dma_wait3A_174 = tpu.memref_squeeze %dma_wait3A_173 : memref<1x10240xi32, #tpu.memory_space<hbm>> -> memref<10240xi32, #tpu.memory_space<hbm>>
      tpu.wait_dma2 semaphore(%run_scoped3A_167 : memref<!tpu.dma_semaphore, #tpu.memory_space<semaphore_mem>>) src(%dma_wait3A_174 : memref<10240xi32, #tpu.memory_space<hbm>>) dst(%arg6 : memref<10240xi32, #tpu.memory_space<vmem>>)
      tpu.yield
    }) : () -> ()
    %mul3A_5 = arith.constant 10240 : i32
    %mul3A_6 = arith.muli %add3A, %mul3A_5 : i32
    %run_scoped3A_7 = arith.constant 1 : i32
    "tpu.region"() ({
      %run_scoped3A_167 = tpu.sem_alloc : memref<!tpu.dma_semaphore, #tpu.memory_space<semaphore_mem>>
      %dma_start3A = tpu.memref_slice %arg3[%run_scoped3A_7, %mul3A_6] : memref<2x327680xi32, #tpu.memory_space<hbm>> -> memref<1x10240xi32, #tpu.memory_space<hbm>>
      %dma_start3A_168 = tpu.memref_squeeze %dma_start3A : memref<1x10240xi32, #tpu.memory_space<hbm>> -> memref<10240xi32, #tpu.memory_space<hbm>>
      %dma_start3A_169 = tpu.memref_slice %arg3[%run_scoped3A_7, %mul3A_6] : memref<2x327680xi32, #tpu.memory_space<hbm>> -> memref<1x10240xi32, #tpu.memory_space<hbm>>
      %dma_start3A_170 = tpu.memref_squeeze %dma_start3A_169 : memref<1x10240xi32, #tpu.memory_space<hbm>> -> memref<10240xi32, #tpu.memory_space<hbm>>
      tpu.enqueue_dma source(%dma_start3A_170 : memref<10240xi32, #tpu.memory_space<hbm>>) target(%arg7 : memref<10240xi32, #tpu.memory_space<vmem>>) target_semaphore(%run_scoped3A_167 : memref<!tpu.dma_semaphore, #tpu.memory_space<semaphore_mem>>)
      %dma_wait3A_171 = tpu.memref_slice %arg3[%run_scoped3A_7, %mul3A_6] : memref<2x327680xi32, #tpu.memory_space<hbm>> -> memref<1x10240xi32, #tpu.memory_space<hbm>>
      %dma_wait3A_172 = tpu.memref_squeeze %dma_wait3A_171 : memref<1x10240xi32, #tpu.memory_space<hbm>> -> memref<10240xi32, #tpu.memory_space<hbm>>
      %dma_wait3A_173 = tpu.memref_slice %arg3[%run_scoped3A_7, %mul3A_6] : memref<2x327680xi32, #tpu.memory_space<hbm>> -> memref<1x10240xi32, #tpu.memory_space<hbm>>
      %dma_wait3A_174 = tpu.memref_squeeze %dma_wait3A_173 : memref<1x10240xi32, #tpu.memory_space<hbm>> -> memref<10240xi32, #tpu.memory_space<hbm>>
      tpu.wait_dma2 semaphore(%run_scoped3A_167 : memref<!tpu.dma_semaphore, #tpu.memory_space<semaphore_mem>>) src(%dma_wait3A_174 : memref<10240xi32, #tpu.memory_space<hbm>>) dst(%arg7 : memref<10240xi32, #tpu.memory_space<vmem>>)
      tpu.yield
    }) : () -> ()
    %barrier3A = arith.constant 0 : index
    tpu.barrier barrier_id(%barrier3A)
    %scan3A = arith.constant 0 : i32
    %scan3A_8 = arith.constant 0 : i32
    %scan3A_9 = arith.constant 64 : i32
    %scan3A_10 = arith.addi %scan3A_8, %scan3A_9 : i32
    %scan3A_11 = arith.constant 1 : i32
    scf.for %scan3A_167 = %scan3A_8 to %scan3A_10 step %scan3A_11  : i32 {
      %gt3A = arith.constant 0 : i32
      %gt3A_168 = arith.cmpi sgt, %scan3A_167, %gt3A : i32
      %convert_element_type3A = arith.extui %gt3A_168 : i1 to i32
      %cond3A = arith.constant 0 : i32
      %cond3A_169 = arith.cmpi ne, %convert_element_type3A, %cond3A : i32
      scf.if %cond3A_169 {
        %dma_wait3A_598 = arith.constant 0 : i32
        %dma_wait3A_599 = arith.constant 0 : i32
        %dma_wait3A_600 = arith.constant 0 : i32
        %dma_wait3A_601 = tpu.memref_slice %arg8[%dma_wait3A_598, %dma_wait3A_599, %dma_wait3A_600] : memref<10x16x128xf32, #tpu.memory_space<vmem>> -> memref<1x16x128xf32, #tpu.memory_space<vmem>>
        %dma_wait3A_602 = tpu.memref_squeeze %dma_wait3A_601 : memref<1x16x128xf32, #tpu.memory_space<vmem>> -> memref<16x128xf32, #tpu.memory_space<vmem>>
        %dma_wait3A_603 = arith.constant 0 : i32
        %dma_wait3A_604 = arith.constant 0 : i32
        %dma_wait3A_605 = tpu.memref_slice %arg9[%dma_wait3A_603, %dma_wait3A_604] : memref<10240x128xf32, #tpu.memory_space<vmem_shared>> -> memref<16x128xf32, #tpu.memory_space<vmem_shared>>
        %dma_wait3A_606 = arith.constant 0 : i32
        %dma_wait3A_607 = arith.constant 0 : i32
        %dma_wait3A_608 = tpu.memref_slice %arg9[%dma_wait3A_606, %dma_wait3A_607] : memref<10240x128xf32, #tpu.memory_space<vmem_shared>> -> memref<16x128xf32, #tpu.memory_space<vmem_shared>>
        %dma_wait3A_609 = arith.constant 0 : i32
        %dma_wait3A_610 = arith.constant 0 : i32
        %dma_wait3A_611 = tpu.memref_slice %arg8[%dma_wait3A_598, %dma_wait3A_609, %dma_wait3A_610] : memref<10x16x128xf32, #tpu.memory_space<vmem>> -> memref<1x16x128xf32, #tpu.memory_space<vmem>>
        %dma_wait3A_612 = tpu.memref_squeeze %dma_wait3A_611 : memref<1x16x128xf32, #tpu.memory_space<vmem>> -> memref<16x128xf32, #tpu.memory_space<vmem>>
        tpu.wait_dma2 semaphore(%arg11 : memref<!tpu.dma_semaphore, #tpu.memory_space<semaphore_mem>>) src(%dma_wait3A_612 : memref<16x128xf32, #tpu.memory_space<vmem>>) dst(%dma_wait3A_608 : memref<16x128xf32, #tpu.memory_space<vmem_shared>>)
        %dma_wait3A_613 = arith.constant 0 : i32
        %dma_wait3A_614 = arith.constant 0 : i32
        %dma_wait3A_615 = arith.constant 0 : i32
        %dma_wait3A_616 = tpu.memref_slice %arg8[%dma_wait3A_613, %dma_wait3A_614, %dma_wait3A_615] : memref<10x16x128xf32, #tpu.memory_space<vmem>> -> memref<1x16x128xf32, #tpu.memory_space<vmem>>
        %dma_wait3A_617 = tpu.memref_squeeze %dma_wait3A_616 : memref<1x16x128xf32, #tpu.memory_space<vmem>> -> memref<16x128xf32, #tpu.memory_space<vmem>>
        %dma_wait3A_618 = arith.constant 0 : i32
        %dma_wait3A_619 = arith.constant 0 : i32
        %dma_wait3A_620 = tpu.memref_slice %arg9[%dma_wait3A_618, %dma_wait3A_619] : memref<10240x128xf32, #tpu.memory_space<vmem_shared>> -> memref<16x128xf32, #tpu.memory_space<vmem_shared>>
        %dma_wait3A_621 = arith.constant 0 : i32
        %dma_wait3A_622 = arith.constant 0 : i32
        %dma_wait3A_623 = tpu.memref_slice %arg9[%dma_wait3A_621, %dma_wait3A_622] : memref<10240x128xf32, #tpu.memory_space<vmem_shared>> -> memref<16x128xf32, #tpu.memory_space<vmem_shared>>
        %dma_wait3A_624 = arith.constant 0 : i32
        %dma_wait3A_625 = arith.constant 0 : i32
        %dma_wait3A_626 = tpu.memref_slice %arg8[%dma_wait3A_613, %dma_wait3A_624, %dma_wait3A_625] : memref<10x16x128xf32, #tpu.memory_space<vmem>> -> memref<1x16x128xf32, #tpu.memory_space<vmem>>
        %dma_wait3A_627 = tpu.memref_squeeze %dma_wait3A_626 : memref<1x16x128xf32, #tpu.memory_space<vmem>> -> memref<16x128xf32, #tpu.memory_space<vmem>>
        tpu.wait_dma2 semaphore(%arg11 : memref<!tpu.dma_semaphore, #tpu.memory_space<semaphore_mem>>) src(%dma_wait3A_627 : memref<16x128xf32, #tpu.memory_space<vmem>>) dst(%dma_wait3A_623 : memref<16x128xf32, #tpu.memory_space<vmem_shared>>)
        %dma_wait3A_628 = arith.constant 0 : i32
        %dma_wait3A_629 = arith.constant 0 : i32
        %dma_wait3A_630 = arith.constant 0 : i32
        %dma_wait3A_631 = tpu.memref_slice %arg8[%dma_wait3A_628, %dma_wait3A_629, %dma_wait3A_630] : memref<10x16x128xf32, #tpu.memory_space<vmem>> -> memref<1x16x128xf32, #tpu.memory_space<vmem>>
        %dma_wait3A_632 = tpu.memref_squeeze %dma_wait3A_631 : memref<1x16x128xf32, #tpu.memory_space<vmem>> -> memref<16x128xf32, #tpu.memory_space<vmem>>
        %dma_wait3A_633 = arith.constant 0 : i32
        %dma_wait3A_634 = arith.constant 0 : i32
        %dma_wait3A_635 = tpu.memref_slice %arg9[%dma_wait3A_633, %dma_wait3A_634] : memref<10240x128xf32, #tpu.memory_space<vmem_shared>> -> memref<16x128xf32, #tpu.memory_space<vmem_shared>>
        %dma_wait3A_636 = arith.constant 0 : i32
        %dma_wait3A_637 = arith.constant 0 : i32
        %dma_wait3A_638 = tpu.memref_slice %arg9[%dma_wait3A_636, %dma_wait3A_637] : memref<10240x128xf32, #tpu.memory_space<vmem_shared>> -> memref<16x128xf32, #tpu.memory_space<vmem_shared>>
        %dma_wait3A_639 = arith.constant 0 : i32
        %dma_wait3A_640 = arith.constant 0 : i32
        %dma_wait3A_641 = tpu.memref_slice %arg8[%dma_wait3A_628, %dma_wait3A_639, %dma_wait3A_640] : memref<10x16x128xf32, #tpu.memory_space<vmem>> -> memref<1x16x128xf32, #tpu.memory_space<vmem>>
        %dma_wait3A_642 = tpu.memref_squeeze %dma_wait3A_641 : memref<1x16x128xf32, #tpu.memory_space<vmem>> -> memref<16x128xf32, #tpu.memory_space<vmem>>
        tpu.wait_dma2 semaphore(%arg11 : memref<!tpu.dma_semaphore, #tpu.memory_space<semaphore_mem>>) src(%dma_wait3A_642 : memref<16x128xf32, #tpu.memory_space<vmem>>) dst(%dma_wait3A_638 : memref<16x128xf32, #tpu.memory_space<vmem_shared>>)
        %dma_wait3A_643 = arith.constant 0 : i32
        %dma_wait3A_644 = arith.constant 0 : i32
        %dma_wait3A_645 = arith.constant 0 : i32
        %dma_wait3A_646 = tpu.memref_slice %arg8[%dma_wait3A_643, %dma_wait3A_644, %dma_wait3A_645] : memref<10x16x128xf32, #tpu.memory_space<vmem>> -> memref<1x16x128xf32, #tpu.memory_space<vmem>>
        %dma_wait3A_647 = tpu.memref_squeeze %dma_wait3A_646 : memref<1x16x128xf32, #tpu.memory_space<vmem>> -> memref<16x128xf32, #tpu.memory_space<vmem>>
        %dma_wait3A_648 = arith.constant 0 : i32
        %dma_wait3A_649 = arith.constant 0 : i32
        %dma_wait3A_650 = tpu.memref_slice %arg9[%dma_wait3A_648, %dma_wait3A_649] : memref<10240x128xf32, #tpu.memory_space<vmem_shared>> -> memref<16x128xf32, #tpu.memory_space<vmem_shared>>
        %dma_wait3A_651 = arith.constant 0 : i32
        %dma_wait3A_652 = arith.constant 0 : i32
        %dma_wait3A_653 = tpu.memref_slice %arg9[%dma_wait3A_651, %dma_wait3A_652] : memref<10240x128xf32, #tpu.memory_space<vmem_shared>> -> memref<16x128xf32, #tpu.memory_space<vmem_shared>>
        %dma_wait3A_654 = arith.constant 0 : i32
        %dma_wait3A_655 = arith.constant 0 : i32
        %dma_wait3A_656 = tpu.memref_slice %arg8[%dma_wait3A_643, %dma_wait3A_654, %dma_wait3A_655] : memref<10x16x128xf32, #tpu.memory_space<vmem>> -> memref<1x16x128xf32, #tpu.memory_space<vmem>>
        %dma_wait3A_657 = tpu.memref_squeeze %dma_wait3A_656 : memref<1x16x128xf32, #tpu.memory_space<vmem>> -> memref<16x128xf32, #tpu.memory_space<vmem>>
        tpu.wait_dma2 semaphore(%arg11 : memref<!tpu.dma_semaphore, #tpu.memory_space<semaphore_mem>>) src(%dma_wait3A_657 : memref<16x128xf32, #tpu.memory_space<vmem>>) dst(%dma_wait3A_653 : memref<16x128xf32, #tpu.memory_space<vmem_shared>>)
        %dma_wait3A_658 = arith.constant 0 : i32
        %dma_wait3A_659 = arith.constant 0 : i32
        %dma_wait3A_660 = arith.constant 0 : i32
        %dma_wait3A_661 = tpu.memref_slice %arg8[%dma_wait3A_658, %dma_wait3A_659, %dma_wait3A_660] : memref<10x16x128xf32, #tpu.memory_space<vmem>> -> memref<1x16x128xf32, #tpu.memory_space<vmem>>
        %dma_wait3A_662 = tpu.memref_squeeze %dma_wait3A_661 : memref<1x16x128xf32, #tpu.memory_space<vmem>> -> memref<16x128xf32, #tpu.memory_space<vmem>>
        %dma_wait3A_663 = arith.constant 0 : i32
        %dma_wait3A_664 = arith.constant 0 : i32
        %dma_wait3A_665 = tpu.memref_slice %arg9[%dma_wait3A_663, %dma_wait3A_664] : memref<10240x128xf32, #tpu.memory_space<vmem_shared>> -> memref<16x128xf32, #tpu.memory_space<vmem_shared>>
        %dma_wait3A_666 = arith.constant 0 : i32
        %dma_wait3A_667 = arith.constant 0 : i32
        %dma_wait3A_668 = tpu.memref_slice %arg9[%dma_wait3A_666, %dma_wait3A_667] : memref<10240x128xf32, #tpu.memory_space<vmem_shared>> -> memref<16x128xf32, #tpu.memory_space<vmem_shared>>
        %dma_wait3A_669 = arith.constant 0 : i32
        %dma_wait3A_670 = arith.constant 0 : i32
        %dma_wait3A_671 = tpu.memref_slice %arg8[%dma_wait3A_658, %dma_wait3A_669, %dma_wait3A_670] : memref<10x16x128xf32, #tpu.memory_space<vmem>> -> memref<1x16x128xf32, #tpu.memory_space<vmem>>
        %dma_wait3A_672 = tpu.memref_squeeze %dma_wait3A_671 : memref<1x16x128xf32, #tpu.memory_space<vmem>> -> memref<16x128xf32, #tpu.memory_space<vmem>>
        tpu.wait_dma2 semaphore(%arg11 : memref<!tpu.dma_semaphore, #tpu.memory_space<semaphore_mem>>) src(%dma_wait3A_672 : memref<16x128xf32, #tpu.memory_space<vmem>>) dst(%dma_wait3A_668 : memref<16x128xf32, #tpu.memory_space<vmem_shared>>)
        %dma_wait3A_673 = arith.constant 0 : i32
        %dma_wait3A_674 = arith.constant 0 : i32
        %dma_wait3A_675 = arith.constant 0 : i32
        %dma_wait3A_676 = tpu.memref_slice %arg8[%dma_wait3A_673, %dma_wait3A_674, %dma_wait3A_675] : memref<10x16x128xf32, #tpu.memory_space<vmem>> -> memref<1x16x128xf32, #tpu.memory_space<vmem>>
        %dma_wait3A_677 = tpu.memref_squeeze %dma_wait3A_676 : memref<1x16x128xf32, #tpu.memory_space<vmem>> -> memref<16x128xf32, #tpu.memory_space<vmem>>
        %dma_wait3A_678 = arith.constant 0 : i32
        %dma_wait3A_679 = arith.constant 0 : i32
        %dma_wait3A_680 = tpu.memref_slice %arg9[%dma_wait3A_678, %dma_wait3A_679] : memref<10240x128xf32, #tpu.memory_space<vmem_shared>> -> memref<16x128xf32, #tpu.memory_space<vmem_shared>>
        %dma_wait3A_681 = arith.constant 0 : i32
        %dma_wait3A_682 = arith.constant 0 : i32
        %dma_wait3A_683 = tpu.memref_slice %arg9[%dma_wait3A_681, %dma_wait3A_682] : memref<10240x128xf32, #tpu.memory_space<vmem_shared>> -> memref<16x128xf32, #tpu.memory_space<vmem_shared>>
        %dma_wait3A_684 = arith.constant 0 : i32
        %dma_wait3A_685 = arith.constant 0 : i32
        %dma_wait3A_686 = tpu.memref_slice %arg8[%dma_wait3A_673, %dma_wait3A_684, %dma_wait3A_685] : memref<10x16x128xf32, #tpu.memory_space<vmem>> -> memref<1x16x128xf32, #tpu.memory_space<vmem>>
        %dma_wait3A_687 = tpu.memref_squeeze %dma_wait3A_686 : memref<1x16x128xf32, #tpu.memory_space<vmem>> -> memref<16x128xf32, #tpu.memory_space<vmem>>
        tpu.wait_dma2 semaphore(%arg11 : memref<!tpu.dma_semaphore, #tpu.memory_space<semaphore_mem>>) src(%dma_wait3A_687 : memref<16x128xf32, #tpu.memory_space<vmem>>) dst(%dma_wait3A_683 : memref<16x128xf32, #tpu.memory_space<vmem_shared>>)
        %dma_wait3A_688 = arith.constant 0 : i32
        %dma_wait3A_689 = arith.constant 0 : i32
        %dma_wait3A_690 = arith.constant 0 : i32
        %dma_wait3A_691 = tpu.memref_slice %arg8[%dma_wait3A_688, %dma_wait3A_689, %dma_wait3A_690] : memref<10x16x128xf32, #tpu.memory_space<vmem>> -> memref<1x16x128xf32, #tpu.memory_space<vmem>>
        %dma_wait3A_692 = tpu.memref_squeeze %dma_wait3A_691 : memref<1x16x128xf32, #tpu.memory_space<vmem>> -> memref<16x128xf32, #tpu.memory_space<vmem>>
        %dma_wait3A_693 = arith.constant 0 : i32
        %dma_wait3A_694 = arith.constant 0 : i32
        %dma_wait3A_695 = tpu.memref_slice %arg9[%dma_wait3A_693, %dma_wait3A_694] : memref<10240x128xf32, #tpu.memory_space<vmem_shared>> -> memref<16x128xf32, #tpu.memory_space<vmem_shared>>
        %dma_wait3A_696 = arith.constant 0 : i32
        %dma_wait3A_697 = arith.constant 0 : i32
        %dma_wait3A_698 = tpu.memref_slice %arg9[%dma_wait3A_696, %dma_wait3A_697] : memref<10240x128xf32, #tpu.memory_space<vmem_shared>> -> memref<16x128xf32, #tpu.memory_space<vmem_shared>>
        %dma_wait3A_699 = arith.constant 0 : i32
        %dma_wait3A_700 = arith.constant 0 : i32
        %dma_wait3A_701 = tpu.memref_slice %arg8[%dma_wait3A_688, %dma_wait3A_699, %dma_wait3A_700] : memref<10x16x128xf32, #tpu.memory_space<vmem>> -> memref<1x16x128xf32, #tpu.memory_space<vmem>>
        %dma_wait3A_702 = tpu.memref_squeeze %dma_wait3A_701 : memref<1x16x128xf32, #tpu.memory_space<vmem>> -> memref<16x128xf32, #tpu.memory_space<vmem>>
        tpu.wait_dma2 semaphore(%arg11 : memref<!tpu.dma_semaphore, #tpu.memory_space<semaphore_mem>>) src(%dma_wait3A_702 : memref<16x128xf32, #tpu.memory_space<vmem>>) dst(%dma_wait3A_698 : memref<16x128xf32, #tpu.memory_space<vmem_shared>>)
        %dma_wait3A_703 = arith.constant 0 : i32
        %dma_wait3A_704 = arith.constant 0 : i32
        %dma_wait3A_705 = arith.constant 0 : i32
        %dma_wait3A_706 = tpu.memref_slice %arg8[%dma_wait3A_703, %dma_wait3A_704, %dma_wait3A_705] : memref<10x16x128xf32, #tpu.memory_space<vmem>> -> memref<1x16x128xf32, #tpu.memory_space<vmem>>
        %dma_wait3A_707 = tpu.memref_squeeze %dma_wait3A_706 : memref<1x16x128xf32, #tpu.memory_space<vmem>> -> memref<16x128xf32, #tpu.memory_space<vmem>>
        %dma_wait3A_708 = arith.constant 0 : i32
        %dma_wait3A_709 = arith.constant 0 : i32
        %dma_wait3A_710 = tpu.memref_slice %arg9[%dma_wait3A_708, %dma_wait3A_709] : memref<10240x128xf32, #tpu.memory_space<vmem_shared>> -> memref<16x128xf32, #tpu.memory_space<vmem_shared>>
        %dma_wait3A_711 = arith.constant 0 : i32
        %dma_wait3A_712 = arith.constant 0 : i32
        %dma_wait3A_713 = tpu.memref_slice %arg9[%dma_wait3A_711, %dma_wait3A_712] : memref<10240x128xf32, #tpu.memory_space<vmem_shared>> -> memref<16x128xf32, #tpu.memory_space<vmem_shared>>
        %dma_wait3A_714 = arith.constant 0 : i32
        %dma_wait3A_715 = arith.constant 0 : i32
        %dma_wait3A_716 = tpu.memref_slice %arg8[%dma_wait3A_703, %dma_wait3A_714, %dma_wait3A_715] : memref<10x16x128xf32, #tpu.memory_space<vmem>> -> memref<1x16x128xf32, #tpu.memory_space<vmem>>
        %dma_wait3A_717 = tpu.memref_squeeze %dma_wait3A_716 : memref<1x16x128xf32, #tpu.memory_space<vmem>> -> memref<16x128xf32, #tpu.memory_space<vmem>>
        tpu.wait_dma2 semaphore(%arg11 : memref<!tpu.dma_semaphore, #tpu.memory_space<semaphore_mem>>) src(%dma_wait3A_717 : memref<16x128xf32, #tpu.memory_space<vmem>>) dst(%dma_wait3A_713 : memref<16x128xf32, #tpu.memory_space<vmem_shared>>)
        %dma_wait3A_718 = arith.constant 0 : i32
        %dma_wait3A_719 = arith.constant 0 : i32
        %dma_wait3A_720 = arith.constant 0 : i32
        %dma_wait3A_721 = tpu.memref_slice %arg8[%dma_wait3A_718, %dma_wait3A_719, %dma_wait3A_720] : memref<10x16x128xf32, #tpu.memory_space<vmem>> -> memref<1x16x128xf32, #tpu.memory_space<vmem>>
        %dma_wait3A_722 = tpu.memref_squeeze %dma_wait3A_721 : memref<1x16x128xf32, #tpu.memory_space<vmem>> -> memref<16x128xf32, #tpu.memory_space<vmem>>
        %dma_wait3A_723 = arith.constant 0 : i32
        %dma_wait3A_724 = arith.constant 0 : i32
        %dma_wait3A_725 = tpu.memref_slice %arg9[%dma_wait3A_723, %dma_wait3A_724] : memref<10240x128xf32, #tpu.memory_space<vmem_shared>> -> memref<16x128xf32, #tpu.memory_space<vmem_shared>>
        %dma_wait3A_726 = arith.constant 0 : i32
        %dma_wait3A_727 = arith.constant 0 : i32
        %dma_wait3A_728 = tpu.memref_slice %arg9[%dma_wait3A_726, %dma_wait3A_727] : memref<10240x128xf32, #tpu.memory_space<vmem_shared>> -> memref<16x128xf32, #tpu.memory_space<vmem_shared>>
        %dma_wait3A_729 = arith.constant 0 : i32
        %dma_wait3A_730 = arith.constant 0 : i32
        %dma_wait3A_731 = tpu.memref_slice %arg8[%dma_wait3A_718, %dma_wait3A_729, %dma_wait3A_730] : memref<10x16x128xf32, #tpu.memory_space<vmem>> -> memref<1x16x128xf32, #tpu.memory_space<vmem>>
        %dma_wait3A_732 = tpu.memref_squeeze %dma_wait3A_731 : memref<1x16x128xf32, #tpu.memory_space<vmem>> -> memref<16x128xf32, #tpu.memory_space<vmem>>
        tpu.wait_dma2 semaphore(%arg11 : memref<!tpu.dma_semaphore, #tpu.memory_space<semaphore_mem>>) src(%dma_wait3A_732 : memref<16x128xf32, #tpu.memory_space<vmem>>) dst(%dma_wait3A_728 : memref<16x128xf32, #tpu.memory_space<vmem_shared>>)
        %dma_wait3A_733 = arith.constant 0 : i32
        %dma_wait3A_734 = arith.constant 0 : i32
        %dma_wait3A_735 = arith.constant 0 : i32
        %dma_wait3A_736 = tpu.memref_slice %arg8[%dma_wait3A_733, %dma_wait3A_734, %dma_wait3A_735] : memref<10x16x128xf32, #tpu.memory_space<vmem>> -> memref<1x16x128xf32, #tpu.memory_space<vmem>>
        %dma_wait3A_737 = tpu.memref_squeeze %dma_wait3A_736 : memref<1x16x128xf32, #tpu.memory_space<vmem>> -> memref<16x128xf32, #tpu.memory_space<vmem>>
        %dma_wait3A_738 = arith.constant 0 : i32
        %dma_wait3A_739 = arith.constant 0 : i32
        %dma_wait3A_740 = tpu.memref_slice %arg9[%dma_wait3A_738, %dma_wait3A_739] : memref<10240x128xf32, #tpu.memory_space<vmem_shared>> -> memref<16x128xf32, #tpu.memory_space<vmem_shared>>
        %dma_wait3A_741 = arith.constant 0 : i32
        %dma_wait3A_742 = arith.constant 0 : i32
        %dma_wait3A_743 = tpu.memref_slice %arg9[%dma_wait3A_741, %dma_wait3A_742] : memref<10240x128xf32, #tpu.memory_space<vmem_shared>> -> memref<16x128xf32, #tpu.memory_space<vmem_shared>>
        %dma_wait3A_744 = arith.constant 0 : i32
        %dma_wait3A_745 = arith.constant 0 : i32
        %dma_wait3A_746 = tpu.memref_slice %arg8[%dma_wait3A_733, %dma_wait3A_744, %dma_wait3A_745] : memref<10x16x128xf32, #tpu.memory_space<vmem>> -> memref<1x16x128xf32, #tpu.memory_space<vmem>>
        %dma_wait3A_747 = tpu.memref_squeeze %dma_wait3A_746 : memref<1x16x128xf32, #tpu.memory_space<vmem>> -> memref<16x128xf32, #tpu.memory_space<vmem>>
        tpu.wait_dma2 semaphore(%arg11 : memref<!tpu.dma_semaphore, #tpu.memory_space<semaphore_mem>>) src(%dma_wait3A_747 : memref<16x128xf32, #tpu.memory_space<vmem>>) dst(%dma_wait3A_743 : memref<16x128xf32, #tpu.memory_space<vmem_shared>>)
      } else {
      }
      %mul3A_170 = arith.constant 10 : i32
      %mul3A_171 = arith.muli %scan3A_167, %mul3A_170 : i32
      %add3A_172 = arith.constant 0 : i32
      %add3A_173 = arith.addi %mul3A_171, %add3A_172 : i32
      %mul3A_174 = arith.constant 16 : i32
      %mul3A_175 = arith.muli %add3A_173, %mul3A_174 : i32
      %dma_start3A = arith.constant 0 : i32
      %dma_start3A_176 = arith.constant 0 : i32
      %dma_start3A_177 = arith.constant 0 : i32
      %dma_start3A_178 = tpu.memref_slice %arg8[%dma_start3A, %dma_start3A_176, %dma_start3A_177] : memref<10x16x128xf32, #tpu.memory_space<vmem>> -> memref<1x16x128xf32, #tpu.memory_space<vmem>>
      %dma_start3A_179 = tpu.memref_squeeze %dma_start3A_178 : memref<1x16x128xf32, #tpu.memory_space<vmem>> -> memref<16x128xf32, #tpu.memory_space<vmem>>
      %dma_start3A_180 = tpu.memref_slice %arg6[%mul3A_175] : memref<10240xi32, #tpu.memory_space<vmem>> -> memref<16xi32, #tpu.memory_space<vmem>>
      %dma_start3A_181 = arith.constant 0 : i32
      %dma_start3A_182 = arith.constant 0 : i32
      %dma_start3A_183 = tpu.memref_slice %arg2[%dma_start3A_181, %dma_start3A_182] : memref<10000x128xf32, #tpu.memory_space<hbm>> -> memref<10000x128xf32, #tpu.memory_space<hbm>>
      tpu.enqueue_indirect_dma source(%dma_start3A_183 : memref<10000x128xf32, #tpu.memory_space<hbm>>) target(%dma_start3A_179 : memref<16x128xf32, #tpu.memory_space<vmem>>) offsets(%dma_start3A_180 : memref<16xi32, #tpu.memory_space<vmem>>) semaphore(%arg10 : memref<!tpu.dma_semaphore, #tpu.memory_space<semaphore_mem>>)
      %mul3A_184 = arith.constant 10 : i32
      %mul3A_185 = arith.muli %scan3A_167, %mul3A_184 : i32
      %add3A_186 = arith.constant 1 : i32
      %add3A_187 = arith.addi %mul3A_185, %add3A_186 : i32
      %mul3A_188 = arith.constant 16 : i32
      %mul3A_189 = arith.muli %add3A_187, %mul3A_188 : i32
      %dma_start3A_190 = arith.constant 1 : i32
      %dma_start3A_191 = arith.constant 0 : i32
      %dma_start3A_192 = arith.constant 0 : i32
      %dma_start3A_193 = tpu.memref_slice %arg8[%dma_start3A_190, %dma_start3A_191, %dma_start3A_192] : memref<10x16x128xf32, #tpu.memory_space<vmem>> -> memref<1x16x128xf32, #tpu.memory_space<vmem>>
      %dma_start3A_194 = tpu.memref_squeeze %dma_start3A_193 : memref<1x16x128xf32, #tpu.memory_space<vmem>> -> memref<16x128xf32, #tpu.memory_space<vmem>>
      %dma_start3A_195 = tpu.memref_slice %arg6[%mul3A_189] : memref<10240xi32, #tpu.memory_space<vmem>> -> memref<16xi32, #tpu.memory_space<vmem>>
      %dma_start3A_196 = arith.constant 0 : i32
      %dma_start3A_197 = arith.constant 0 : i32
      %dma_start3A_198 = tpu.memref_slice %arg2[%dma_start3A_196, %dma_start3A_197] : memref<10000x128xf32, #tpu.memory_space<hbm>> -> memref<10000x128xf32, #tpu.memory_space<hbm>>
      tpu.enqueue_indirect_dma source(%dma_start3A_198 : memref<10000x128xf32, #tpu.memory_space<hbm>>) target(%dma_start3A_194 : memref<16x128xf32, #tpu.memory_space<vmem>>) offsets(%dma_start3A_195 : memref<16xi32, #tpu.memory_space<vmem>>) semaphore(%arg10 : memref<!tpu.dma_semaphore, #tpu.memory_space<semaphore_mem>>)
      %mul3A_199 = arith.constant 10 : i32
      %mul3A_200 = arith.muli %scan3A_167, %mul3A_199 : i32
      %add3A_201 = arith.constant 2 : i32
      %add3A_202 = arith.addi %mul3A_200, %add3A_201 : i32
      %mul3A_203 = arith.constant 16 : i32
      %mul3A_204 = arith.muli %add3A_202, %mul3A_203 : i32
      %dma_start3A_205 = arith.constant 2 : i32
      %dma_start3A_206 = arith.constant 0 : i32
      %dma_start3A_207 = arith.constant 0 : i32
      %dma_start3A_208 = tpu.memref_slice %arg8[%dma_start3A_205, %dma_start3A_206, %dma_start3A_207] : memref<10x16x128xf32, #tpu.memory_space<vmem>> -> memref<1x16x128xf32, #tpu.memory_space<vmem>>
      %dma_start3A_209 = tpu.memref_squeeze %dma_start3A_208 : memref<1x16x128xf32, #tpu.memory_space<vmem>> -> memref<16x128xf32, #tpu.memory_space<vmem>>
      %dma_start3A_210 = tpu.memref_slice %arg6[%mul3A_204] : memref<10240xi32, #tpu.memory_space<vmem>> -> memref<16xi32, #tpu.memory_space<vmem>>
      %dma_start3A_211 = arith.constant 0 : i32
      %dma_start3A_212 = arith.constant 0 : i32
      %dma_start3A_213 = tpu.memref_slice %arg2[%dma_start3A_211, %dma_start3A_212] : memref<10000x128xf32, #tpu.memory_space<hbm>> -> memref<10000x128xf32, #tpu.memory_space<hbm>>
      tpu.enqueue_indirect_dma source(%dma_start3A_213 : memref<10000x128xf32, #tpu.memory_space<hbm>>) target(%dma_start3A_209 : memref<16x128xf32, #tpu.memory_space<vmem>>) offsets(%dma_start3A_210 : memref<16xi32, #tpu.memory_space<vmem>>) semaphore(%arg10 : memref<!tpu.dma_semaphore, #tpu.memory_space<semaphore_mem>>)
      %mul3A_214 = arith.constant 10 : i32
      %mul3A_215 = arith.muli %scan3A_167, %mul3A_214 : i32
      %add3A_216 = arith.constant 3 : i32
      %add3A_217 = arith.addi %mul3A_215, %add3A_216 : i32
      %mul3A_218 = arith.constant 16 : i32
      %mul3A_219 = arith.muli %add3A_217, %mul3A_218 : i32
      %dma_start3A_220 = arith.constant 3 : i32
      %dma_start3A_221 = arith.constant 0 : i32
      %dma_start3A_222 = arith.constant 0 : i32
      %dma_start3A_223 = tpu.memref_slice %arg8[%dma_start3A_220, %dma_start3A_221, %dma_start3A_222] : memref<10x16x128xf32, #tpu.memory_space<vmem>> -> memref<1x16x128xf32, #tpu.memory_space<vmem>>
      %dma_start3A_224 = tpu.memref_squeeze %dma_start3A_223 : memref<1x16x128xf32, #tpu.memory_space<vmem>> -> memref<16x128xf32, #tpu.memory_space<vmem>>
      %dma_start3A_225 = tpu.memref_slice %arg6[%mul3A_219] : memref<10240xi32, #tpu.memory_space<vmem>> -> memref<16xi32, #tpu.memory_space<vmem>>
      %dma_start3A_226 = arith.constant 0 : i32
      %dma_start3A_227 = arith.constant 0 : i32
      %dma_start3A_228 = tpu.memref_slice %arg2[%dma_start3A_226, %dma_start3A_227] : memref<10000x128xf32, #tpu.memory_space<hbm>> -> memref<10000x128xf32, #tpu.memory_space<hbm>>
      tpu.enqueue_indirect_dma source(%dma_start3A_228 : memref<10000x128xf32, #tpu.memory_space<hbm>>) target(%dma_start3A_224 : memref<16x128xf32, #tpu.memory_space<vmem>>) offsets(%dma_start3A_225 : memref<16xi32, #tpu.memory_space<vmem>>) semaphore(%arg10 : memref<!tpu.dma_semaphore, #tpu.memory_space<semaphore_mem>>)
      %mul3A_229 = arith.constant 10 : i32
      %mul3A_230 = arith.muli %scan3A_167, %mul3A_229 : i32
      %add3A_231 = arith.constant 4 : i32
      %add3A_232 = arith.addi %mul3A_230, %add3A_231 : i32
      %mul3A_233 = arith.constant 16 : i32
      %mul3A_234 = arith.muli %add3A_232, %mul3A_233 : i32
      %dma_start3A_235 = arith.constant 4 : i32
      %dma_start3A_236 = arith.constant 0 : i32
      %dma_start3A_237 = arith.constant 0 : i32
      %dma_start3A_238 = tpu.memref_slice %arg8[%dma_start3A_235, %dma_start3A_236, %dma_start3A_237] : memref<10x16x128xf32, #tpu.memory_space<vmem>> -> memref<1x16x128xf32, #tpu.memory_space<vmem>>
      %dma_start3A_239 = tpu.memref_squeeze %dma_start3A_238 : memref<1x16x128xf32, #tpu.memory_space<vmem>> -> memref<16x128xf32, #tpu.memory_space<vmem>>
      %dma_start3A_240 = tpu.memref_slice %arg6[%mul3A_234] : memref<10240xi32, #tpu.memory_space<vmem>> -> memref<16xi32, #tpu.memory_space<vmem>>
      %dma_start3A_241 = arith.constant 0 : i32
      %dma_start3A_242 = arith.constant 0 : i32
      %dma_start3A_243 = tpu.memref_slice %arg2[%dma_start3A_241, %dma_start3A_242] : memref<10000x128xf32, #tpu.memory_space<hbm>> -> memref<10000x128xf32, #tpu.memory_space<hbm>>
      tpu.enqueue_indirect_dma source(%dma_start3A_243 : memref<10000x128xf32, #tpu.memory_space<hbm>>) target(%dma_start3A_239 : memref<16x128xf32, #tpu.memory_space<vmem>>) offsets(%dma_start3A_240 : memref<16xi32, #tpu.memory_space<vmem>>) semaphore(%arg10 : memref<!tpu.dma_semaphore, #tpu.memory_space<semaphore_mem>>)
      %mul3A_244 = arith.constant 10 : i32
      %mul3A_245 = arith.muli %scan3A_167, %mul3A_244 : i32
      %add3A_246 = arith.constant 5 : i32
      %add3A_247 = arith.addi %mul3A_245, %add3A_246 : i32
      %mul3A_248 = arith.constant 16 : i32
      %mul3A_249 = arith.muli %add3A_247, %mul3A_248 : i32
      %dma_start3A_250 = arith.constant 5 : i32
      %dma_start3A_251 = arith.constant 0 : i32
      %dma_start3A_252 = arith.constant 0 : i32
      %dma_start3A_253 = tpu.memref_slice %arg8[%dma_start3A_250, %dma_start3A_251, %dma_start3A_252] : memref<10x16x128xf32, #tpu.memory_space<vmem>> -> memref<1x16x128xf32, #tpu.memory_space<vmem>>
      %dma_start3A_254 = tpu.memref_squeeze %dma_start3A_253 : memref<1x16x128xf32, #tpu.memory_space<vmem>> -> memref<16x128xf32, #tpu.memory_space<vmem>>
      %dma_start3A_255 = tpu.memref_slice %arg6[%mul3A_249] : memref<10240xi32, #tpu.memory_space<vmem>> -> memref<16xi32, #tpu.memory_space<vmem>>
      %dma_start3A_256 = arith.constant 0 : i32
      %dma_start3A_257 = arith.constant 0 : i32
      %dma_start3A_258 = tpu.memref_slice %arg2[%dma_start3A_256, %dma_start3A_257] : memref<10000x128xf32, #tpu.memory_space<hbm>> -> memref<10000x128xf32, #tpu.memory_space<hbm>>
      tpu.enqueue_indirect_dma source(%dma_start3A_258 : memref<10000x128xf32, #tpu.memory_space<hbm>>) target(%dma_start3A_254 : memref<16x128xf32, #tpu.memory_space<vmem>>) offsets(%dma_start3A_255 : memref<16xi32, #tpu.memory_space<vmem>>) semaphore(%arg10 : memref<!tpu.dma_semaphore, #tpu.memory_space<semaphore_mem>>)
      %mul3A_259 = arith.constant 10 : i32
      %mul3A_260 = arith.muli %scan3A_167, %mul3A_259 : i32
      %add3A_261 = arith.constant 6 : i32
      %add3A_262 = arith.addi %mul3A_260, %add3A_261 : i32
      %mul3A_263 = arith.constant 16 : i32
      %mul3A_264 = arith.muli %add3A_262, %mul3A_263 : i32
      %dma_start3A_265 = arith.constant 6 : i32
      %dma_start3A_266 = arith.constant 0 : i32
      %dma_start3A_267 = arith.constant 0 : i32
      %dma_start3A_268 = tpu.memref_slice %arg8[%dma_start3A_265, %dma_start3A_266, %dma_start3A_267] : memref<10x16x128xf32, #tpu.memory_space<vmem>> -> memref<1x16x128xf32, #tpu.memory_space<vmem>>
      %dma_start3A_269 = tpu.memref_squeeze %dma_start3A_268 : memref<1x16x128xf32, #tpu.memory_space<vmem>> -> memref<16x128xf32, #tpu.memory_space<vmem>>
      %dma_start3A_270 = tpu.memref_slice %arg6[%mul3A_264] : memref<10240xi32, #tpu.memory_space<vmem>> -> memref<16xi32, #tpu.memory_space<vmem>>
      %dma_start3A_271 = arith.constant 0 : i32
      %dma_start3A_272 = arith.constant 0 : i32
      %dma_start3A_273 = tpu.memref_slice %arg2[%dma_start3A_271, %dma_start3A_272] : memref<10000x128xf32, #tpu.memory_space<hbm>> -> memref<10000x128xf32, #tpu.memory_space<hbm>>
      tpu.enqueue_indirect_dma source(%dma_start3A_273 : memref<10000x128xf32, #tpu.memory_space<hbm>>) target(%dma_start3A_269 : memref<16x128xf32, #tpu.memory_space<vmem>>) offsets(%dma_start3A_270 : memref<16xi32, #tpu.memory_space<vmem>>) semaphore(%arg10 : memref<!tpu.dma_semaphore, #tpu.memory_space<semaphore_mem>>)
      %mul3A_274 = arith.constant 10 : i32
      %mul3A_275 = arith.muli %scan3A_167, %mul3A_274 : i32
      %add3A_276 = arith.constant 7 : i32
      %add3A_277 = arith.addi %mul3A_275, %add3A_276 : i32
      %mul3A_278 = arith.constant 16 : i32
      %mul3A_279 = arith.muli %add3A_277, %mul3A_278 : i32
      %dma_start3A_280 = arith.constant 7 : i32
      %dma_start3A_281 = arith.constant 0 : i32
      %dma_start3A_282 = arith.constant 0 : i32
      %dma_start3A_283 = tpu.memref_slice %arg8[%dma_start3A_280, %dma_start3A_281, %dma_start3A_282] : memref<10x16x128xf32, #tpu.memory_space<vmem>> -> memref<1x16x128xf32, #tpu.memory_space<vmem>>
      %dma_start3A_284 = tpu.memref_squeeze %dma_start3A_283 : memref<1x16x128xf32, #tpu.memory_space<vmem>> -> memref<16x128xf32, #tpu.memory_space<vmem>>
      %dma_start3A_285 = tpu.memref_slice %arg6[%mul3A_279] : memref<10240xi32, #tpu.memory_space<vmem>> -> memref<16xi32, #tpu.memory_space<vmem>>
      %dma_start3A_286 = arith.constant 0 : i32
      %dma_start3A_287 = arith.constant 0 : i32
      %dma_start3A_288 = tpu.memref_slice %arg2[%dma_start3A_286, %dma_start3A_287] : memref<10000x128xf32, #tpu.memory_space<hbm>> -> memref<10000x128xf32, #tpu.memory_space<hbm>>
      tpu.enqueue_indirect_dma source(%dma_start3A_288 : memref<10000x128xf32, #tpu.memory_space<hbm>>) target(%dma_start3A_284 : memref<16x128xf32, #tpu.memory_space<vmem>>) offsets(%dma_start3A_285 : memref<16xi32, #tpu.memory_space<vmem>>) semaphore(%arg10 : memref<!tpu.dma_semaphore, #tpu.memory_space<semaphore_mem>>)
      %mul3A_289 = arith.constant 10 : i32
      %mul3A_290 = arith.muli %scan3A_167, %mul3A_289 : i32
      %add3A_291 = arith.constant 8 : i32
      %add3A_292 = arith.addi %mul3A_290, %add3A_291 : i32
      %mul3A_293 = arith.constant 16 : i32
      %mul3A_294 = arith.muli %add3A_292, %mul3A_293 : i32
      %dma_start3A_295 = arith.constant 8 : i32
      %dma_start3A_296 = arith.constant 0 : i32
      %dma_start3A_297 = arith.constant 0 : i32
      %dma_start3A_298 = tpu.memref_slice %arg8[%dma_start3A_295, %dma_start3A_296, %dma_start3A_297] : memref<10x16x128xf32, #tpu.memory_space<vmem>> -> memref<1x16x128xf32, #tpu.memory_space<vmem>>
      %dma_start3A_299 = tpu.memref_squeeze %dma_start3A_298 : memref<1x16x128xf32, #tpu.memory_space<vmem>> -> memref<16x128xf32, #tpu.memory_space<vmem>>
      %dma_start3A_300 = tpu.memref_slice %arg6[%mul3A_294] : memref<10240xi32, #tpu.memory_space<vmem>> -> memref<16xi32, #tpu.memory_space<vmem>>
      %dma_start3A_301 = arith.constant 0 : i32
      %dma_start3A_302 = arith.constant 0 : i32
      %dma_start3A_303 = tpu.memref_slice %arg2[%dma_start3A_301, %dma_start3A_302] : memref<10000x128xf32, #tpu.memory_space<hbm>> -> memref<10000x128xf32, #tpu.memory_space<hbm>>
      tpu.enqueue_indirect_dma source(%dma_start3A_303 : memref<10000x128xf32, #tpu.memory_space<hbm>>) target(%dma_start3A_299 : memref<16x128xf32, #tpu.memory_space<vmem>>) offsets(%dma_start3A_300 : memref<16xi32, #tpu.memory_space<vmem>>) semaphore(%arg10 : memref<!tpu.dma_semaphore, #tpu.memory_space<semaphore_mem>>)
      %mul3A_304 = arith.constant 10 : i32
      %mul3A_305 = arith.muli %scan3A_167, %mul3A_304 : i32
      %add3A_306 = arith.constant 9 : i32
      %add3A_307 = arith.addi %mul3A_305, %add3A_306 : i32
      %mul3A_308 = arith.constant 16 : i32
      %mul3A_309 = arith.muli %add3A_307, %mul3A_308 : i32
      %dma_start3A_310 = arith.constant 9 : i32
      %dma_start3A_311 = arith.constant 0 : i32
      %dma_start3A_312 = arith.constant 0 : i32
      %dma_start3A_313 = tpu.memref_slice %arg8[%dma_start3A_310, %dma_start3A_311, %dma_start3A_312] : memref<10x16x128xf32, #tpu.memory_space<vmem>> -> memref<1x16x128xf32, #tpu.memory_space<vmem>>
      %dma_start3A_314 = tpu.memref_squeeze %dma_start3A_313 : memref<1x16x128xf32, #tpu.memory_space<vmem>> -> memref<16x128xf32, #tpu.memory_space<vmem>>
      %dma_start3A_315 = tpu.memref_slice %arg6[%mul3A_309] : memref<10240xi32, #tpu.memory_space<vmem>> -> memref<16xi32, #tpu.memory_space<vmem>>
      %dma_start3A_316 = arith.constant 0 : i32
      %dma_start3A_317 = arith.constant 0 : i32
      %dma_start3A_318 = tpu.memref_slice %arg2[%dma_start3A_316, %dma_start3A_317] : memref<10000x128xf32, #tpu.memory_space<hbm>> -> memref<10000x128xf32, #tpu.memory_space<hbm>>
      tpu.enqueue_indirect_dma source(%dma_start3A_318 : memref<10000x128xf32, #tpu.memory_space<hbm>>) target(%dma_start3A_314 : memref<16x128xf32, #tpu.memory_space<vmem>>) offsets(%dma_start3A_315 : memref<16xi32, #tpu.memory_space<vmem>>) semaphore(%arg10 : memref<!tpu.dma_semaphore, #tpu.memory_space<semaphore_mem>>)
      %dma_wait3A_319 = arith.constant 0 : i32
      %dma_wait3A_320 = arith.constant 0 : i32
      %dma_wait3A_321 = arith.constant 0 : i32
      %dma_wait3A_322 = tpu.memref_slice %arg8[%dma_wait3A_319, %dma_wait3A_320, %dma_wait3A_321] : memref<10x16x128xf32, #tpu.memory_space<vmem>> -> memref<1x16x128xf32, #tpu.memory_space<vmem>>
      %dma_wait3A_323 = tpu.memref_squeeze %dma_wait3A_322 : memref<1x16x128xf32, #tpu.memory_space<vmem>> -> memref<16x128xf32, #tpu.memory_space<vmem>>
      %dma_wait3A_324 = tpu.memref_slice %arg6[%mul3A_175] : memref<10240xi32, #tpu.memory_space<vmem>> -> memref<16xi32, #tpu.memory_space<vmem>>
      %dma_wait3A_325 = arith.constant 0 : i32
      %dma_wait3A_326 = arith.constant 0 : i32
      %dma_wait3A_327 = tpu.memref_slice %arg2[%dma_wait3A_325, %dma_wait3A_326] : memref<10000x128xf32, #tpu.memory_space<hbm>> -> memref<10000x128xf32, #tpu.memory_space<hbm>>
      tpu.wait_indirect_dma semaphore(%arg10 : memref<!tpu.dma_semaphore, #tpu.memory_space<semaphore_mem>>) src(%dma_wait3A_327 : memref<10000x128xf32, #tpu.memory_space<hbm>>) dst(%dma_wait3A_323 : memref<16x128xf32, #tpu.memory_space<vmem>>)
      %mul3A_328 = arith.constant 10 : i32
      %mul3A_329 = arith.muli %scan3A_167, %mul3A_328 : i32
      %add3A_330 = arith.constant 0 : i32
      %add3A_331 = arith.addi %mul3A_329, %add3A_330 : i32
      %mul3A_332 = arith.constant 16 : i32
      %mul3A_333 = arith.muli %add3A_331, %mul3A_332 : i32
      %add3A_334 = arith.constant 0 : i32
      %add3A_335 = arith.addi %mul3A_333, %add3A_334 : i32
      %get3A = arith.index_cast %add3A_335 : i32 to index
      %get3A_336 = tpu.vector_load %arg7[%get3A] {strides = array<i32>} : memref<10240xi32, #tpu.memory_space<vmem>>, vector<16xi32>,
      %get3A_337 = vector.shape_cast %get3A_336 : vector<16xi32> to vector<16xi32>
      %dma_start3A_338 = arith.constant 0 : i32
      %dma_start3A_339 = arith.constant 0 : i32
      %dma_start3A_340 = arith.constant 0 : i32
      %dma_start3A_341 = tpu.memref_slice %arg8[%dma_start3A_338, %dma_start3A_339, %dma_start3A_340] : memref<10x16x128xf32, #tpu.memory_space<vmem>> -> memref<1x16x128xf32, #tpu.memory_space<vmem>>
      %dma_start3A_342 = tpu.memref_squeeze %dma_start3A_341 : memref<1x16x128xf32, #tpu.memory_space<vmem>> -> memref<16x128xf32, #tpu.memory_space<vmem>>
      %dma_start3A_343 = arith.constant 0 : i32
      %dma_start3A_344 = arith.constant 0 : i32
      %dma_start3A_345 = tpu.memref_slice %arg9[%dma_start3A_343, %dma_start3A_344] : memref<10240x128xf32, #tpu.memory_space<vmem_shared>> -> memref<10240x128xf32, #tpu.memory_space<vmem_shared>>
      tpu.enqueue_indirect_dma source(%dma_start3A_342 : memref<16x128xf32, #tpu.memory_space<vmem>>) target(%dma_start3A_345 : memref<10240x128xf32, #tpu.memory_space<vmem_shared>>) offsets(%get3A_337 : vector<16xi32>) semaphore(%arg11 : memref<!tpu.dma_semaphore, #tpu.memory_space<semaphore_mem>>) {add = true}
      %dma_wait3A_346 = arith.constant 1 : i32
      %dma_wait3A_347 = arith.constant 0 : i32
      %dma_wait3A_348 = arith.constant 0 : i32
      %dma_wait3A_349 = tpu.memref_slice %arg8[%dma_wait3A_346, %dma_wait3A_347, %dma_wait3A_348] : memref<10x16x128xf32, #tpu.memory_space<vmem>> -> memref<1x16x128xf32, #tpu.memory_space<vmem>>
      %dma_wait3A_350 = tpu.memref_squeeze %dma_wait3A_349 : memref<1x16x128xf32, #tpu.memory_space<vmem>> -> memref<16x128xf32, #tpu.memory_space<vmem>>
      %dma_wait3A_351 = tpu.memref_slice %arg6[%mul3A_189] : memref<10240xi32, #tpu.memory_space<vmem>> -> memref<16xi32, #tpu.memory_space<vmem>>
      %dma_wait3A_352 = arith.constant 0 : i32
      %dma_wait3A_353 = arith.constant 0 : i32
      %dma_wait3A_354 = tpu.memref_slice %arg2[%dma_wait3A_352, %dma_wait3A_353] : memref<10000x128xf32, #tpu.memory_space<hbm>> -> memref<10000x128xf32, #tpu.memory_space<hbm>>
      tpu.wait_indirect_dma semaphore(%arg10 : memref<!tpu.dma_semaphore, #tpu.memory_space<semaphore_mem>>) src(%dma_wait3A_354 : memref<10000x128xf32, #tpu.memory_space<hbm>>) dst(%dma_wait3A_350 : memref<16x128xf32, #tpu.memory_space<vmem>>)
      %mul3A_355 = arith.constant 10 : i32
      %mul3A_356 = arith.muli %scan3A_167, %mul3A_355 : i32
      %add3A_357 = arith.constant 1 : i32
      %add3A_358 = arith.addi %mul3A_356, %add3A_357 : i32
      %mul3A_359 = arith.constant 16 : i32
      %mul3A_360 = arith.muli %add3A_358, %mul3A_359 : i32
      %add3A_361 = arith.constant 0 : i32
      %add3A_362 = arith.addi %mul3A_360, %add3A_361 : i32
      %get3A_363 = arith.index_cast %add3A_362 : i32 to index
      %get3A_364 = tpu.vector_load %arg7[%get3A_363] {strides = array<i32>} : memref<10240xi32, #tpu.memory_space<vmem>>, vector<16xi32>,
      %get3A_365 = vector.shape_cast %get3A_364 : vector<16xi32> to vector<16xi32>
      %dma_start3A_366 = arith.constant 1 : i32
      %dma_start3A_367 = arith.constant 0 : i32
      %dma_start3A_368 = arith.constant 0 : i32
      %dma_start3A_369 = tpu.memref_slice %arg8[%dma_start3A_366, %dma_start3A_367, %dma_start3A_368] : memref<10x16x128xf32, #tpu.memory_space<vmem>> -> memref<1x16x128xf32, #tpu.memory_space<vmem>>
      %dma_start3A_370 = tpu.memref_squeeze %dma_start3A_369 : memref<1x16x128xf32, #tpu.memory_space<vmem>> -> memref<16x128xf32, #tpu.memory_space<vmem>>
      %dma_start3A_371 = arith.constant 0 : i32
      %dma_start3A_372 = arith.constant 0 : i32
      %dma_start3A_373 = tpu.memref_slice %arg9[%dma_start3A_371, %dma_start3A_372] : memref<10240x128xf32, #tpu.memory_space<vmem_shared>> -> memref<10240x128xf32, #tpu.memory_space<vmem_shared>>
      tpu.enqueue_indirect_dma source(%dma_start3A_370 : memref<16x128xf32, #tpu.memory_space<vmem>>) target(%dma_start3A_373 : memref<10240x128xf32, #tpu.memory_space<vmem_shared>>) offsets(%get3A_365 : vector<16xi32>) semaphore(%arg11 : memref<!tpu.dma_semaphore, #tpu.memory_space<semaphore_mem>>) {add = true}
      %dma_wait3A_374 = arith.constant 2 : i32
      %dma_wait3A_375 = arith.constant 0 : i32
      %dma_wait3A_376 = arith.constant 0 : i32
      %dma_wait3A_377 = tpu.memref_slice %arg8[%dma_wait3A_374, %dma_wait3A_375, %dma_wait3A_376] : memref<10x16x128xf32, #tpu.memory_space<vmem>> -> memref<1x16x128xf32, #tpu.memory_space<vmem>>
      %dma_wait3A_378 = tpu.memref_squeeze %dma_wait3A_377 : memref<1x16x128xf32, #tpu.memory_space<vmem>> -> memref<16x128xf32, #tpu.memory_space<vmem>>
      %dma_wait3A_379 = tpu.memref_slice %arg6[%mul3A_204] : memref<10240xi32, #tpu.memory_space<vmem>> -> memref<16xi32, #tpu.memory_space<vmem>>
      %dma_wait3A_380 = arith.constant 0 : i32
      %dma_wait3A_381 = arith.constant 0 : i32
      %dma_wait3A_382 = tpu.memref_slice %arg2[%dma_wait3A_380, %dma_wait3A_381] : memref<10000x128xf32, #tpu.memory_space<hbm>> -> memref<10000x128xf32, #tpu.memory_space<hbm>>
      tpu.wait_indirect_dma semaphore(%arg10 : memref<!tpu.dma_semaphore, #tpu.memory_space<semaphore_mem>>) src(%dma_wait3A_382 : memref<10000x128xf32, #tpu.memory_space<hbm>>) dst(%dma_wait3A_378 : memref<16x128xf32, #tpu.memory_space<vmem>>)
      %mul3A_383 = arith.constant 10 : i32
      %mul3A_384 = arith.muli %scan3A_167, %mul3A_383 : i32
      %add3A_385 = arith.constant 2 : i32
      %add3A_386 = arith.addi %mul3A_384, %add3A_385 : i32
      %mul3A_387 = arith.constant 16 : i32
      %mul3A_388 = arith.muli %add3A_386, %mul3A_387 : i32
      %add3A_389 = arith.constant 0 : i32
      %add3A_390 = arith.addi %mul3A_388, %add3A_389 : i32
      %get3A_391 = arith.index_cast %add3A_390 : i32 to index
      %get3A_392 = tpu.vector_load %arg7[%get3A_391] {strides = array<i32>} : memref<10240xi32, #tpu.memory_space<vmem>>, vector<16xi32>,
      %get3A_393 = vector.shape_cast %get3A_392 : vector<16xi32> to vector<16xi32>
      %dma_start3A_394 = arith.constant 2 : i32
      %dma_start3A_395 = arith.constant 0 : i32
      %dma_start3A_396 = arith.constant 0 : i32
      %dma_start3A_397 = tpu.memref_slice %arg8[%dma_start3A_394, %dma_start3A_395, %dma_start3A_396] : memref<10x16x128xf32, #tpu.memory_space<vmem>> -> memref<1x16x128xf32, #tpu.memory_space<vmem>>
      %dma_start3A_398 = tpu.memref_squeeze %dma_start3A_397 : memref<1x16x128xf32, #tpu.memory_space<vmem>> -> memref<16x128xf32, #tpu.memory_space<vmem>>
      %dma_start3A_399 = arith.constant 0 : i32
      %dma_start3A_400 = arith.constant 0 : i32
      %dma_start3A_401 = tpu.memref_slice %arg9[%dma_start3A_399, %dma_start3A_400] : memref<10240x128xf32, #tpu.memory_space<vmem_shared>> -> memref<10240x128xf32, #tpu.memory_space<vmem_shared>>
      tpu.enqueue_indirect_dma source(%dma_start3A_398 : memref<16x128xf32, #tpu.memory_space<vmem>>) target(%dma_start3A_401 : memref<10240x128xf32, #tpu.memory_space<vmem_shared>>) offsets(%get3A_393 : vector<16xi32>) semaphore(%arg11 : memref<!tpu.dma_semaphore, #tpu.memory_space<semaphore_mem>>) {add = true}
      %dma_wait3A_402 = arith.constant 3 : i32
      %dma_wait3A_403 = arith.constant 0 : i32
      %dma_wait3A_404 = arith.constant 0 : i32
      %dma_wait3A_405 = tpu.memref_slice %arg8[%dma_wait3A_402, %dma_wait3A_403, %dma_wait3A_404] : memref<10x16x128xf32, #tpu.memory_space<vmem>> -> memref<1x16x128xf32, #tpu.memory_space<vmem>>
      %dma_wait3A_406 = tpu.memref_squeeze %dma_wait3A_405 : memref<1x16x128xf32, #tpu.memory_space<vmem>> -> memref<16x128xf32, #tpu.memory_space<vmem>>
      %dma_wait3A_407 = tpu.memref_slice %arg6[%mul3A_219] : memref<10240xi32, #tpu.memory_space<vmem>> -> memref<16xi32, #tpu.memory_space<vmem>>
      %dma_wait3A_408 = arith.constant 0 : i32
      %dma_wait3A_409 = arith.constant 0 : i32
      %dma_wait3A_410 = tpu.memref_slice %arg2[%dma_wait3A_408, %dma_wait3A_409] : memref<10000x128xf32, #tpu.memory_space<hbm>> -> memref<10000x128xf32, #tpu.memory_space<hbm>>
      tpu.wait_indirect_dma semaphore(%arg10 : memref<!tpu.dma_semaphore, #tpu.memory_space<semaphore_mem>>) src(%dma_wait3A_410 : memref<10000x128xf32, #tpu.memory_space<hbm>>) dst(%dma_wait3A_406 : memref<16x128xf32, #tpu.memory_space<vmem>>)
      %mul3A_411 = arith.constant 10 : i32
      %mul3A_412 = arith.muli %scan3A_167, %mul3A_411 : i32
      %add3A_413 = arith.constant 3 : i32
      %add3A_414 = arith.addi %mul3A_412, %add3A_413 : i32
      %mul3A_415 = arith.constant 16 : i32
      %mul3A_416 = arith.muli %add3A_414, %mul3A_415 : i32
      %add3A_417 = arith.constant 0 : i32
      %add3A_418 = arith.addi %mul3A_416, %add3A_417 : i32
      %get3A_419 = arith.index_cast %add3A_418 : i32 to index
      %get3A_420 = tpu.vector_load %arg7[%get3A_419] {strides = array<i32>} : memref<10240xi32, #tpu.memory_space<vmem>>, vector<16xi32>,
      %get3A_421 = vector.shape_cast %get3A_420 : vector<16xi32> to vector<16xi32>
      %dma_start3A_422 = arith.constant 3 : i32
      %dma_start3A_423 = arith.constant 0 : i32
      %dma_start3A_424 = arith.constant 0 : i32
      %dma_start3A_425 = tpu.memref_slice %arg8[%dma_start3A_422, %dma_start3A_423, %dma_start3A_424] : memref<10x16x128xf32, #tpu.memory_space<vmem>> -> memref<1x16x128xf32, #tpu.memory_space<vmem>>
      %dma_start3A_426 = tpu.memref_squeeze %dma_start3A_425 : memref<1x16x128xf32, #tpu.memory_space<vmem>> -> memref<16x128xf32, #tpu.memory_space<vmem>>
      %dma_start3A_427 = arith.constant 0 : i32
      %dma_start3A_428 = arith.constant 0 : i32
      %dma_start3A_429 = tpu.memref_slice %arg9[%dma_start3A_427, %dma_start3A_428] : memref<10240x128xf32, #tpu.memory_space<vmem_shared>> -> memref<10240x128xf32, #tpu.memory_space<vmem_shared>>
      tpu.enqueue_indirect_dma source(%dma_start3A_426 : memref<16x128xf32, #tpu.memory_space<vmem>>) target(%dma_start3A_429 : memref<10240x128xf32, #tpu.memory_space<vmem_shared>>) offsets(%get3A_421 : vector<16xi32>) semaphore(%arg11 : memref<!tpu.dma_semaphore, #tpu.memory_space<semaphore_mem>>) {add = true}
      %dma_wait3A_430 = arith.constant 4 : i32
      %dma_wait3A_431 = arith.constant 0 : i32
      %dma_wait3A_432 = arith.constant 0 : i32
      %dma_wait3A_433 = tpu.memref_slice %arg8[%dma_wait3A_430, %dma_wait3A_431, %dma_wait3A_432] : memref<10x16x128xf32, #tpu.memory_space<vmem>> -> memref<1x16x128xf32, #tpu.memory_space<vmem>>
      %dma_wait3A_434 = tpu.memref_squeeze %dma_wait3A_433 : memref<1x16x128xf32, #tpu.memory_space<vmem>> -> memref<16x128xf32, #tpu.memory_space<vmem>>
      %dma_wait3A_435 = tpu.memref_slice %arg6[%mul3A_234] : memref<10240xi32, #tpu.memory_space<vmem>> -> memref<16xi32, #tpu.memory_space<vmem>>
      %dma_wait3A_436 = arith.constant 0 : i32
      %dma_wait3A_437 = arith.constant 0 : i32
      %dma_wait3A_438 = tpu.memref_slice %arg2[%dma_wait3A_436, %dma_wait3A_437] : memref<10000x128xf32, #tpu.memory_space<hbm>> -> memref<10000x128xf32, #tpu.memory_space<hbm>>
      tpu.wait_indirect_dma semaphore(%arg10 : memref<!tpu.dma_semaphore, #tpu.memory_space<semaphore_mem>>) src(%dma_wait3A_438 : memref<10000x128xf32, #tpu.memory_space<hbm>>) dst(%dma_wait3A_434 : memref<16x128xf32, #tpu.memory_space<vmem>>)
      %mul3A_439 = arith.constant 10 : i32
      %mul3A_440 = arith.muli %scan3A_167, %mul3A_439 : i32
      %add3A_441 = arith.constant 4 : i32
      %add3A_442 = arith.addi %mul3A_440, %add3A_441 : i32
      %mul3A_443 = arith.constant 16 : i32
      %mul3A_444 = arith.muli %add3A_442, %mul3A_443 : i32
      %add3A_445 = arith.constant 0 : i32
      %add3A_446 = arith.addi %mul3A_444, %add3A_445 : i32
      %get3A_447 = arith.index_cast %add3A_446 : i32 to index
      %get3A_448 = tpu.vector_load %arg7[%get3A_447] {strides = array<i32>} : memref<10240xi32, #tpu.memory_space<vmem>>, vector<16xi32>,
      %get3A_449 = vector.shape_cast %get3A_448 : vector<16xi32> to vector<16xi32>
      %dma_start3A_450 = arith.constant 4 : i32
      %dma_start3A_451 = arith.constant 0 : i32
      %dma_start3A_452 = arith.constant 0 : i32
      %dma_start3A_453 = tpu.memref_slice %arg8[%dma_start3A_450, %dma_start3A_451, %dma_start3A_452] : memref<10x16x128xf32, #tpu.memory_space<vmem>> -> memref<1x16x128xf32, #tpu.memory_space<vmem>>
      %dma_start3A_454 = tpu.memref_squeeze %dma_start3A_453 : memref<1x16x128xf32, #tpu.memory_space<vmem>> -> memref<16x128xf32, #tpu.memory_space<vmem>>
      %dma_start3A_455 = arith.constant 0 : i32
      %dma_start3A_456 = arith.constant 0 : i32
      %dma_start3A_457 = tpu.memref_slice %arg9[%dma_start3A_455, %dma_start3A_456] : memref<10240x128xf32, #tpu.memory_space<vmem_shared>> -> memref<10240x128xf32, #tpu.memory_space<vmem_shared>>
      tpu.enqueue_indirect_dma source(%dma_start3A_454 : memref<16x128xf32, #tpu.memory_space<vmem>>) target(%dma_start3A_457 : memref<10240x128xf32, #tpu.memory_space<vmem_shared>>) offsets(%get3A_449 : vector<16xi32>) semaphore(%arg11 : memref<!tpu.dma_semaphore, #tpu.memory_space<semaphore_mem>>) {add = true}
      %dma_wait3A_458 = arith.constant 5 : i32
      %dma_wait3A_459 = arith.constant 0 : i32
      %dma_wait3A_460 = arith.constant 0 : i32
      %dma_wait3A_461 = tpu.memref_slice %arg8[%dma_wait3A_458, %dma_wait3A_459, %dma_wait3A_460] : memref<10x16x128xf32, #tpu.memory_space<vmem>> -> memref<1x16x128xf32, #tpu.memory_space<vmem>>
      %dma_wait3A_462 = tpu.memref_squeeze %dma_wait3A_461 : memref<1x16x128xf32, #tpu.memory_space<vmem>> -> memref<16x128xf32, #tpu.memory_space<vmem>>
      %dma_wait3A_463 = tpu.memref_slice %arg6[%mul3A_249] : memref<10240xi32, #tpu.memory_space<vmem>> -> memref<16xi32, #tpu.memory_space<vmem>>
      %dma_wait3A_464 = arith.constant 0 : i32
      %dma_wait3A_465 = arith.constant 0 : i32
      %dma_wait3A_466 = tpu.memref_slice %arg2[%dma_wait3A_464, %dma_wait3A_465] : memref<10000x128xf32, #tpu.memory_space<hbm>> -> memref<10000x128xf32, #tpu.memory_space<hbm>>
      tpu.wait_indirect_dma semaphore(%arg10 : memref<!tpu.dma_semaphore, #tpu.memory_space<semaphore_mem>>) src(%dma_wait3A_466 : memref<10000x128xf32, #tpu.memory_space<hbm>>) dst(%dma_wait3A_462 : memref<16x128xf32, #tpu.memory_space<vmem>>)
      %mul3A_467 = arith.constant 10 : i32
      %mul3A_468 = arith.muli %scan3A_167, %mul3A_467 : i32
      %add3A_469 = arith.constant 5 : i32
      %add3A_470 = arith.addi %mul3A_468, %add3A_469 : i32
      %mul3A_471 = arith.constant 16 : i32
      %mul3A_472 = arith.muli %add3A_470, %mul3A_471 : i32
      %add3A_473 = arith.constant 0 : i32
      %add3A_474 = arith.addi %mul3A_472, %add3A_473 : i32
      %get3A_475 = arith.index_cast %add3A_474 : i32 to index
      %get3A_476 = tpu.vector_load %arg7[%get3A_475] {strides = array<i32>} : memref<10240xi32, #tpu.memory_space<vmem>>, vector<16xi32>,
      %get3A_477 = vector.shape_cast %get3A_476 : vector<16xi32> to vector<16xi32>
      %dma_start3A_478 = arith.constant 5 : i32
      %dma_start3A_479 = arith.constant 0 : i32
      %dma_start3A_480 = arith.constant 0 : i32
      %dma_start3A_481 = tpu.memref_slice %arg8[%dma_start3A_478, %dma_start3A_479, %dma_start3A_480] : memref<10x16x128xf32, #tpu.memory_space<vmem>> -> memref<1x16x128xf32, #tpu.memory_space<vmem>>
      %dma_start3A_482 = tpu.memref_squeeze %dma_start3A_481 : memref<1x16x128xf32, #tpu.memory_space<vmem>> -> memref<16x128xf32, #tpu.memory_space<vmem>>
      %dma_start3A_483 = arith.constant 0 : i32
      %dma_start3A_484 = arith.constant 0 : i32
      %dma_start3A_485 = tpu.memref_slice %arg9[%dma_start3A_483, %dma_start3A_484] : memref<10240x128xf32, #tpu.memory_space<vmem_shared>> -> memref<10240x128xf32, #tpu.memory_space<vmem_shared>>
      tpu.enqueue_indirect_dma source(%dma_start3A_482 : memref<16x128xf32, #tpu.memory_space<vmem>>) target(%dma_start3A_485 : memref<10240x128xf32, #tpu.memory_space<vmem_shared>>) offsets(%get3A_477 : vector<16xi32>) semaphore(%arg11 : memref<!tpu.dma_semaphore, #tpu.memory_space<semaphore_mem>>) {add = true}
      %dma_wait3A_486 = arith.constant 6 : i32
      %dma_wait3A_487 = arith.constant 0 : i32
      %dma_wait3A_488 = arith.constant 0 : i32
      %dma_wait3A_489 = tpu.memref_slice %arg8[%dma_wait3A_486, %dma_wait3A_487, %dma_wait3A_488] : memref<10x16x128xf32, #tpu.memory_space<vmem>> -> memref<1x16x128xf32, #tpu.memory_space<vmem>>
      %dma_wait3A_490 = tpu.memref_squeeze %dma_wait3A_489 : memref<1x16x128xf32, #tpu.memory_space<vmem>> -> memref<16x128xf32, #tpu.memory_space<vmem>>
      %dma_wait3A_491 = tpu.memref_slice %arg6[%mul3A_264] : memref<10240xi32, #tpu.memory_space<vmem>> -> memref<16xi32, #tpu.memory_space<vmem>>
      %dma_wait3A_492 = arith.constant 0 : i32
      %dma_wait3A_493 = arith.constant 0 : i32
      %dma_wait3A_494 = tpu.memref_slice %arg2[%dma_wait3A_492, %dma_wait3A_493] : memref<10000x128xf32, #tpu.memory_space<hbm>> -> memref<10000x128xf32, #tpu.memory_space<hbm>>
      tpu.wait_indirect_dma semaphore(%arg10 : memref<!tpu.dma_semaphore, #tpu.memory_space<semaphore_mem>>) src(%dma_wait3A_494 : memref<10000x128xf32, #tpu.memory_space<hbm>>) dst(%dma_wait3A_490 : memref<16x128xf32, #tpu.memory_space<vmem>>)
      %mul3A_495 = arith.constant 10 : i32
      %mul3A_496 = arith.muli %scan3A_167, %mul3A_495 : i32
      %add3A_497 = arith.constant 6 : i32
      %add3A_498 = arith.addi %mul3A_496, %add3A_497 : i32
      %mul3A_499 = arith.constant 16 : i32
      %mul3A_500 = arith.muli %add3A_498, %mul3A_499 : i32
      %add3A_501 = arith.constant 0 : i32
      %add3A_502 = arith.addi %mul3A_500, %add3A_501 : i32
      %get3A_503 = arith.index_cast %add3A_502 : i32 to index
      %get3A_504 = tpu.vector_load %arg7[%get3A_503] {strides = array<i32>} : memref<10240xi32, #tpu.memory_space<vmem>>, vector<16xi32>,
      %get3A_505 = vector.shape_cast %get3A_504 : vector<16xi32> to vector<16xi32>
      %dma_start3A_506 = arith.constant 6 : i32
      %dma_start3A_507 = arith.constant 0 : i32
      %dma_start3A_508 = arith.constant 0 : i32
      %dma_start3A_509 = tpu.memref_slice %arg8[%dma_start3A_506, %dma_start3A_507, %dma_start3A_508] : memref<10x16x128xf32, #tpu.memory_space<vmem>> -> memref<1x16x128xf32, #tpu.memory_space<vmem>>
      %dma_start3A_510 = tpu.memref_squeeze %dma_start3A_509 : memref<1x16x128xf32, #tpu.memory_space<vmem>> -> memref<16x128xf32, #tpu.memory_space<vmem>>
      %dma_start3A_511 = arith.constant 0 : i32
      %dma_start3A_512 = arith.constant 0 : i32
      %dma_start3A_513 = tpu.memref_slice %arg9[%dma_start3A_511, %dma_start3A_512] : memref<10240x128xf32, #tpu.memory_space<vmem_shared>> -> memref<10240x128xf32, #tpu.memory_space<vmem_shared>>
      tpu.enqueue_indirect_dma source(%dma_start3A_510 : memref<16x128xf32, #tpu.memory_space<vmem>>) target(%dma_start3A_513 : memref<10240x128xf32, #tpu.memory_space<vmem_shared>>) offsets(%get3A_505 : vector<16xi32>) semaphore(%arg11 : memref<!tpu.dma_semaphore, #tpu.memory_space<semaphore_mem>>) {add = true}
      %dma_wait3A_514 = arith.constant 7 : i32
      %dma_wait3A_515 = arith.constant 0 : i32
      %dma_wait3A_516 = arith.constant 0 : i32
      %dma_wait3A_517 = tpu.memref_slice %arg8[%dma_wait3A_514, %dma_wait3A_515, %dma_wait3A_516] : memref<10x16x128xf32, #tpu.memory_space<vmem>> -> memref<1x16x128xf32, #tpu.memory_space<vmem>>
      %dma_wait3A_518 = tpu.memref_squeeze %dma_wait3A_517 : memref<1x16x128xf32, #tpu.memory_space<vmem>> -> memref<16x128xf32, #tpu.memory_space<vmem>>
      %dma_wait3A_519 = tpu.memref_slice %arg6[%mul3A_279] : memref<10240xi32, #tpu.memory_space<vmem>> -> memref<16xi32, #tpu.memory_space<vmem>>
      %dma_wait3A_520 = arith.constant 0 : i32
      %dma_wait3A_521 = arith.constant 0 : i32
      %dma_wait3A_522 = tpu.memref_slice %arg2[%dma_wait3A_520, %dma_wait3A_521] : memref<10000x128xf32, #tpu.memory_space<hbm>> -> memref<10000x128xf32, #tpu.memory_space<hbm>>
      tpu.wait_indirect_dma semaphore(%arg10 : memref<!tpu.dma_semaphore, #tpu.memory_space<semaphore_mem>>) src(%dma_wait3A_522 : memref<10000x128xf32, #tpu.memory_space<hbm>>) dst(%dma_wait3A_518 : memref<16x128xf32, #tpu.memory_space<vmem>>)
      %mul3A_523 = arith.constant 10 : i32
      %mul3A_524 = arith.muli %scan3A_167, %mul3A_523 : i32
      %add3A_525 = arith.constant 7 : i32
      %add3A_526 = arith.addi %mul3A_524, %add3A_525 : i32
      %mul3A_527 = arith.constant 16 : i32
      %mul3A_528 = arith.muli %add3A_526, %mul3A_527 : i32
      %add3A_529 = arith.constant 0 : i32
      %add3A_530 = arith.addi %mul3A_528, %add3A_529 : i32
      %get3A_531 = arith.index_cast %add3A_530 : i32 to index
      %get3A_532 = tpu.vector_load %arg7[%get3A_531] {strides = array<i32>} : memref<10240xi32, #tpu.memory_space<vmem>>, vector<16xi32>,
      %get3A_533 = vector.shape_cast %get3A_532 : vector<16xi32> to vector<16xi32>
      %dma_start3A_534 = arith.constant 7 : i32
      %dma_start3A_535 = arith.constant 0 : i32
      %dma_start3A_536 = arith.constant 0 : i32
      %dma_start3A_537 = tpu.memref_slice %arg8[%dma_start3A_534, %dma_start3A_535, %dma_start3A_536] : memref<10x16x128xf32, #tpu.memory_space<vmem>> -> memref<1x16x128xf32, #tpu.memory_space<vmem>>
      %dma_start3A_538 = tpu.memref_squeeze %dma_start3A_537 : memref<1x16x128xf32, #tpu.memory_space<vmem>> -> memref<16x128xf32, #tpu.memory_space<vmem>>
      %dma_start3A_539 = arith.constant 0 : i32
      %dma_start3A_540 = arith.constant 0 : i32
      %dma_start3A_541 = tpu.memref_slice %arg9[%dma_start3A_539, %dma_start3A_540] : memref<10240x128xf32, #tpu.memory_space<vmem_shared>> -> memref<10240x128xf32, #tpu.memory_space<vmem_shared>>
      tpu.enqueue_indirect_dma source(%dma_start3A_538 : memref<16x128xf32, #tpu.memory_space<vmem>>) target(%dma_start3A_541 : memref<10240x128xf32, #tpu.memory_space<vmem_shared>>) offsets(%get3A_533 : vector<16xi32>) semaphore(%arg11 : memref<!tpu.dma_semaphore, #tpu.memory_space<semaphore_mem>>) {add = true}
      %dma_wait3A_542 = arith.constant 8 : i32
      %dma_wait3A_543 = arith.constant 0 : i32
      %dma_wait3A_544 = arith.constant 0 : i32
      %dma_wait3A_545 = tpu.memref_slice %arg8[%dma_wait3A_542, %dma_wait3A_543, %dma_wait3A_544] : memref<10x16x128xf32, #tpu.memory_space<vmem>> -> memref<1x16x128xf32, #tpu.memory_space<vmem>>
      %dma_wait3A_546 = tpu.memref_squeeze %dma_wait3A_545 : memref<1x16x128xf32, #tpu.memory_space<vmem>> -> memref<16x128xf32, #tpu.memory_space<vmem>>
      %dma_wait3A_547 = tpu.memref_slice %arg6[%mul3A_294] : memref<10240xi32, #tpu.memory_space<vmem>> -> memref<16xi32, #tpu.memory_space<vmem>>
      %dma_wait3A_548 = arith.constant 0 : i32
      %dma_wait3A_549 = arith.constant 0 : i32
      %dma_wait3A_550 = tpu.memref_slice %arg2[%dma_wait3A_548, %dma_wait3A_549] : memref<10000x128xf32, #tpu.memory_space<hbm>> -> memref<10000x128xf32, #tpu.memory_space<hbm>>
      tpu.wait_indirect_dma semaphore(%arg10 : memref<!tpu.dma_semaphore, #tpu.memory_space<semaphore_mem>>) src(%dma_wait3A_550 : memref<10000x128xf32, #tpu.memory_space<hbm>>) dst(%dma_wait3A_546 : memref<16x128xf32, #tpu.memory_space<vmem>>)
      %mul3A_551 = arith.constant 10 : i32
      %mul3A_552 = arith.muli %scan3A_167, %mul3A_551 : i32
      %add3A_553 = arith.constant 8 : i32
      %add3A_554 = arith.addi %mul3A_552, %add3A_553 : i32
      %mul3A_555 = arith.constant 16 : i32
      %mul3A_556 = arith.muli %add3A_554, %mul3A_555 : i32
      %add3A_557 = arith.constant 0 : i32
      %add3A_558 = arith.addi %mul3A_556, %add3A_557 : i32
      %get3A_559 = arith.index_cast %add3A_558 : i32 to index
      %get3A_560 = tpu.vector_load %arg7[%get3A_559] {strides = array<i32>} : memref<10240xi32, #tpu.memory_space<vmem>>, vector<16xi32>,
      %get3A_561 = vector.shape_cast %get3A_560 : vector<16xi32> to vector<16xi32>
      %dma_start3A_562 = arith.constant 8 : i32
      %dma_start3A_563 = arith.constant 0 : i32
      %dma_start3A_564 = arith.constant 0 : i32
      %dma_start3A_565 = tpu.memref_slice %arg8[%dma_start3A_562, %dma_start3A_563, %dma_start3A_564] : memref<10x16x128xf32, #tpu.memory_space<vmem>> -> memref<1x16x128xf32, #tpu.memory_space<vmem>>
      %dma_start3A_566 = tpu.memref_squeeze %dma_start3A_565 : memref<1x16x128xf32, #tpu.memory_space<vmem>> -> memref<16x128xf32, #tpu.memory_space<vmem>>
      %dma_start3A_567 = arith.constant 0 : i32
      %dma_start3A_568 = arith.constant 0 : i32
      %dma_start3A_569 = tpu.memref_slice %arg9[%dma_start3A_567, %dma_start3A_568] : memref<10240x128xf32, #tpu.memory_space<vmem_shared>> -> memref<10240x128xf32, #tpu.memory_space<vmem_shared>>
      tpu.enqueue_indirect_dma source(%dma_start3A_566 : memref<16x128xf32, #tpu.memory_space<vmem>>) target(%dma_start3A_569 : memref<10240x128xf32, #tpu.memory_space<vmem_shared>>) offsets(%get3A_561 : vector<16xi32>) semaphore(%arg11 : memref<!tpu.dma_semaphore, #tpu.memory_space<semaphore_mem>>) {add = true}
      %dma_wait3A_570 = arith.constant 9 : i32
      %dma_wait3A_571 = arith.constant 0 : i32
      %dma_wait3A_572 = arith.constant 0 : i32
      %dma_wait3A_573 = tpu.memref_slice %arg8[%dma_wait3A_570, %dma_wait3A_571, %dma_wait3A_572] : memref<10x16x128xf32, #tpu.memory_space<vmem>> -> memref<1x16x128xf32, #tpu.memory_space<vmem>>
      %dma_wait3A_574 = tpu.memref_squeeze %dma_wait3A_573 : memref<1x16x128xf32, #tpu.memory_space<vmem>> -> memref<16x128xf32, #tpu.memory_space<vmem>>
      %dma_wait3A_575 = tpu.memref_slice %arg6[%mul3A_309] : memref<10240xi32, #tpu.memory_space<vmem>> -> memref<16xi32, #tpu.memory_space<vmem>>
      %dma_wait3A_576 = arith.constant 0 : i32
      %dma_wait3A_577 = arith.constant 0 : i32
      %dma_wait3A_578 = tpu.memref_slice %arg2[%dma_wait3A_576, %dma_wait3A_577] : memref<10000x128xf32, #tpu.memory_space<hbm>> -> memref<10000x128xf32, #tpu.memory_space<hbm>>
      tpu.wait_indirect_dma semaphore(%arg10 : memref<!tpu.dma_semaphore, #tpu.memory_space<semaphore_mem>>) src(%dma_wait3A_578 : memref<10000x128xf32, #tpu.memory_space<hbm>>) dst(%dma_wait3A_574 : memref<16x128xf32, #tpu.memory_space<vmem>>)
      %mul3A_579 = arith.constant 10 : i32
      %mul3A_580 = arith.muli %scan3A_167, %mul3A_579 : i32
      %add3A_581 = arith.constant 9 : i32
      %add3A_582 = arith.addi %mul3A_580, %add3A_581 : i32
      %mul3A_583 = arith.constant 16 : i32
      %mul3A_584 = arith.muli %add3A_582, %mul3A_583 : i32
      %add3A_585 = arith.constant 0 : i32
      %add3A_586 = arith.addi %mul3A_584, %add3A_585 : i32
      %get3A_587 = arith.index_cast %add3A_586 : i32 to index
      %get3A_588 = tpu.vector_load %arg7[%get3A_587] {strides = array<i32>} : memref<10240xi32, #tpu.memory_space<vmem>>, vector<16xi32>,
      %get3A_589 = vector.shape_cast %get3A_588 : vector<16xi32> to vector<16xi32>
      %dma_start3A_590 = arith.constant 9 : i32
      %dma_start3A_591 = arith.constant 0 : i32
      %dma_start3A_592 = arith.constant 0 : i32
      %dma_start3A_593 = tpu.memref_slice %arg8[%dma_start3A_590, %dma_start3A_591, %dma_start3A_592] : memref<10x16x128xf32, #tpu.memory_space<vmem>> -> memref<1x16x128xf32, #tpu.memory_space<vmem>>
      %dma_start3A_594 = tpu.memref_squeeze %dma_start3A_593 : memref<1x16x128xf32, #tpu.memory_space<vmem>> -> memref<16x128xf32, #tpu.memory_space<vmem>>
      %dma_start3A_595 = arith.constant 0 : i32
      %dma_start3A_596 = arith.constant 0 : i32
      %dma_start3A_597 = tpu.memref_slice %arg9[%dma_start3A_595, %dma_start3A_596] : memref<10240x128xf32, #tpu.memory_space<vmem_shared>> -> memref<10240x128xf32, #tpu.memory_space<vmem_shared>>
      tpu.enqueue_indirect_dma source(%dma_start3A_594 : memref<16x128xf32, #tpu.memory_space<vmem>>) target(%dma_start3A_597 : memref<10240x128xf32, #tpu.memory_space<vmem_shared>>) offsets(%get3A_589 : vector<16xi32>) semaphore(%arg11 : memref<!tpu.dma_semaphore, #tpu.memory_space<semaphore_mem>>) {add = true}
    }
    %scan3A_12 = arith.constant 64 : i32
    %dma_wait3A = arith.constant 0 : i32
    %dma_wait3A_13 = arith.constant 0 : i32
    %dma_wait3A_14 = arith.constant 0 : i32
    %dma_wait3A_15 = tpu.memref_slice %arg8[%dma_wait3A, %dma_wait3A_13, %dma_wait3A_14] : memref<10x16x128xf32, #tpu.memory_space<vmem>> -> memref<1x16x128xf32, #tpu.memory_space<vmem>>
    %dma_wait3A_16 = tpu.memref_squeeze %dma_wait3A_15 : memref<1x16x128xf32, #tpu.memory_space<vmem>> -> memref<16x128xf32, #tpu.memory_space<vmem>>
    %dma_wait3A_17 = arith.constant 0 : i32
    %dma_wait3A_18 = arith.constant 0 : i32
    %dma_wait3A_19 = tpu.memref_slice %arg9[%dma_wait3A_17, %dma_wait3A_18] : memref<10240x128xf32, #tpu.memory_space<vmem_shared>> -> memref<16x128xf32, #tpu.memory_space<vmem_shared>>
    %dma_wait3A_20 = arith.constant 0 : i32
    %dma_wait3A_21 = arith.constant 0 : i32
    %dma_wait3A_22 = tpu.memref_slice %arg9[%dma_wait3A_20, %dma_wait3A_21] : memref<10240x128xf32, #tpu.memory_space<vmem_shared>> -> memref<16x128xf32, #tpu.memory_space<vmem_shared>>
    %dma_wait3A_23 = arith.constant 0 : i32
    %dma_wait3A_24 = arith.constant 0 : i32
    %dma_wait3A_25 = tpu.memref_slice %arg8[%dma_wait3A, %dma_wait3A_23, %dma_wait3A_24] : memref<10x16x128xf32, #tpu.memory_space<vmem>> -> memref<1x16x128xf32, #tpu.memory_space<vmem>>
    %dma_wait3A_26 = tpu.memref_squeeze %dma_wait3A_25 : memref<1x16x128xf32, #tpu.memory_space<vmem>> -> memref<16x128xf32, #tpu.memory_space<vmem>>
    tpu.wait_dma2 semaphore(%arg11 : memref<!tpu.dma_semaphore, #tpu.memory_space<semaphore_mem>>) src(%dma_wait3A_26 : memref<16x128xf32, #tpu.memory_space<vmem>>) dst(%dma_wait3A_22 : memref<16x128xf32, #tpu.memory_space<vmem_shared>>)
    %dma_wait3A_27 = arith.constant 0 : i32
    %dma_wait3A_28 = arith.constant 0 : i32
    %dma_wait3A_29 = arith.constant 0 : i32
    %dma_wait3A_30 = tpu.memref_slice %arg8[%dma_wait3A_27, %dma_wait3A_28, %dma_wait3A_29] : memref<10x16x128xf32, #tpu.memory_space<vmem>> -> memref<1x16x128xf32, #tpu.memory_space<vmem>>
    %dma_wait3A_31 = tpu.memref_squeeze %dma_wait3A_30 : memref<1x16x128xf32, #tpu.memory_space<vmem>> -> memref<16x128xf32, #tpu.memory_space<vmem>>
    %dma_wait3A_32 = arith.constant 0 : i32
    %dma_wait3A_33 = arith.constant 0 : i32
    %dma_wait3A_34 = tpu.memref_slice %arg9[%dma_wait3A_32, %dma_wait3A_33] : memref<10240x128xf32, #tpu.memory_space<vmem_shared>> -> memref<16x128xf32, #tpu.memory_space<vmem_shared>>
    %dma_wait3A_35 = arith.constant 0 : i32
    %dma_wait3A_36 = arith.constant 0 : i32
    %dma_wait3A_37 = tpu.memref_slice %arg9[%dma_wait3A_35, %dma_wait3A_36] : memref<10240x128xf32, #tpu.memory_space<vmem_shared>> -> memref<16x128xf32, #tpu.memory_space<vmem_shared>>
    %dma_wait3A_38 = arith.constant 0 : i32
    %dma_wait3A_39 = arith.constant 0 : i32
    %dma_wait3A_40 = tpu.memref_slice %arg8[%dma_wait3A_27, %dma_wait3A_38, %dma_wait3A_39] : memref<10x16x128xf32, #tpu.memory_space<vmem>> -> memref<1x16x128xf32, #tpu.memory_space<vmem>>
    %dma_wait3A_41 = tpu.memref_squeeze %dma_wait3A_40 : memref<1x16x128xf32, #tpu.memory_space<vmem>> -> memref<16x128xf32, #tpu.memory_space<vmem>>
    tpu.wait_dma2 semaphore(%arg11 : memref<!tpu.dma_semaphore, #tpu.memory_space<semaphore_mem>>) src(%dma_wait3A_41 : memref<16x128xf32, #tpu.memory_space<vmem>>) dst(%dma_wait3A_37 : memref<16x128xf32, #tpu.memory_space<vmem_shared>>)
    %dma_wait3A_42 = arith.constant 0 : i32
    %dma_wait3A_43 = arith.constant 0 : i32
    %dma_wait3A_44 = arith.constant 0 : i32
    %dma_wait3A_45 = tpu.memref_slice %arg8[%dma_wait3A_42, %dma_wait3A_43, %dma_wait3A_44] : memref<10x16x128xf32, #tpu.memory_space<vmem>> -> memref<1x16x128xf32, #tpu.memory_space<vmem>>
    %dma_wait3A_46 = tpu.memref_squeeze %dma_wait3A_45 : memref<1x16x128xf32, #tpu.memory_space<vmem>> -> memref<16x128xf32, #tpu.memory_space<vmem>>
    %dma_wait3A_47 = arith.constant 0 : i32
    %dma_wait3A_48 = arith.constant 0 : i32
    %dma_wait3A_49 = tpu.memref_slice %arg9[%dma_wait3A_47, %dma_wait3A_48] : memref<10240x128xf32, #tpu.memory_space<vmem_shared>> -> memref<16x128xf32, #tpu.memory_space<vmem_shared>>
    %dma_wait3A_50 = arith.constant 0 : i32
    %dma_wait3A_51 = arith.constant 0 : i32
    %dma_wait3A_52 = tpu.memref_slice %arg9[%dma_wait3A_50, %dma_wait3A_51] : memref<10240x128xf32, #tpu.memory_space<vmem_shared>> -> memref<16x128xf32, #tpu.memory_space<vmem_shared>>
    %dma_wait3A_53 = arith.constant 0 : i32
    %dma_wait3A_54 = arith.constant 0 : i32
    %dma_wait3A_55 = tpu.memref_slice %arg8[%dma_wait3A_42, %dma_wait3A_53, %dma_wait3A_54] : memref<10x16x128xf32, #tpu.memory_space<vmem>> -> memref<1x16x128xf32, #tpu.memory_space<vmem>>
    %dma_wait3A_56 = tpu.memref_squeeze %dma_wait3A_55 : memref<1x16x128xf32, #tpu.memory_space<vmem>> -> memref<16x128xf32, #tpu.memory_space<vmem>>
    tpu.wait_dma2 semaphore(%arg11 : memref<!tpu.dma_semaphore, #tpu.memory_space<semaphore_mem>>) src(%dma_wait3A_56 : memref<16x128xf32, #tpu.memory_space<vmem>>) dst(%dma_wait3A_52 : memref<16x128xf32, #tpu.memory_space<vmem_shared>>)
    %dma_wait3A_57 = arith.constant 0 : i32
    %dma_wait3A_58 = arith.constant 0 : i32
    %dma_wait3A_59 = arith.constant 0 : i32
    %dma_wait3A_60 = tpu.memref_slice %arg8[%dma_wait3A_57, %dma_wait3A_58, %dma_wait3A_59] : memref<10x16x128xf32, #tpu.memory_space<vmem>> -> memref<1x16x128xf32, #tpu.memory_space<vmem>>
    %dma_wait3A_61 = tpu.memref_squeeze %dma_wait3A_60 : memref<1x16x128xf32, #tpu.memory_space<vmem>> -> memref<16x128xf32, #tpu.memory_space<vmem>>
    %dma_wait3A_62 = arith.constant 0 : i32
    %dma_wait3A_63 = arith.constant 0 : i32
    %dma_wait3A_64 = tpu.memref_slice %arg9[%dma_wait3A_62, %dma_wait3A_63] : memref<10240x128xf32, #tpu.memory_space<vmem_shared>> -> memref<16x128xf32, #tpu.memory_space<vmem_shared>>
    %dma_wait3A_65 = arith.constant 0 : i32
    %dma_wait3A_66 = arith.constant 0 : i32
    %dma_wait3A_67 = tpu.memref_slice %arg9[%dma_wait3A_65, %dma_wait3A_66] : memref<10240x128xf32, #tpu.memory_space<vmem_shared>> -> memref<16x128xf32, #tpu.memory_space<vmem_shared>>
    %dma_wait3A_68 = arith.constant 0 : i32
    %dma_wait3A_69 = arith.constant 0 : i32
    %dma_wait3A_70 = tpu.memref_slice %arg8[%dma_wait3A_57, %dma_wait3A_68, %dma_wait3A_69] : memref<10x16x128xf32, #tpu.memory_space<vmem>> -> memref<1x16x128xf32, #tpu.memory_space<vmem>>
    %dma_wait3A_71 = tpu.memref_squeeze %dma_wait3A_70 : memref<1x16x128xf32, #tpu.memory_space<vmem>> -> memref<16x128xf32, #tpu.memory_space<vmem>>
    tpu.wait_dma2 semaphore(%arg11 : memref<!tpu.dma_semaphore, #tpu.memory_space<semaphore_mem>>) src(%dma_wait3A_71 : memref<16x128xf32, #tpu.memory_space<vmem>>) dst(%dma_wait3A_67 : memref<16x128xf32, #tpu.memory_space<vmem_shared>>)
    %dma_wait3A_72 = arith.constant 0 : i32
    %dma_wait3A_73 = arith.constant 0 : i32
    %dma_wait3A_74 = arith.constant 0 : i32
    %dma_wait3A_75 = tpu.memref_slice %arg8[%dma_wait3A_72, %dma_wait3A_73, %dma_wait3A_74] : memref<10x16x128xf32, #tpu.memory_space<vmem>> -> memref<1x16x128xf32, #tpu.memory_space<vmem>>
    %dma_wait3A_76 = tpu.memref_squeeze %dma_wait3A_75 : memref<1x16x128xf32, #tpu.memory_space<vmem>> -> memref<16x128xf32, #tpu.memory_space<vmem>>
    %dma_wait3A_77 = arith.constant 0 : i32
    %dma_wait3A_78 = arith.constant 0 : i32
    %dma_wait3A_79 = tpu.memref_slice %arg9[%dma_wait3A_77, %dma_wait3A_78] : memref<10240x128xf32, #tpu.memory_space<vmem_shared>> -> memref<16x128xf32, #tpu.memory_space<vmem_shared>>
    %dma_wait3A_80 = arith.constant 0 : i32
    %dma_wait3A_81 = arith.constant 0 : i32
    %dma_wait3A_82 = tpu.memref_slice %arg9[%dma_wait3A_80, %dma_wait3A_81] : memref<10240x128xf32, #tpu.memory_space<vmem_shared>> -> memref<16x128xf32, #tpu.memory_space<vmem_shared>>
    %dma_wait3A_83 = arith.constant 0 : i32
    %dma_wait3A_84 = arith.constant 0 : i32
    %dma_wait3A_85 = tpu.memref_slice %arg8[%dma_wait3A_72, %dma_wait3A_83, %dma_wait3A_84] : memref<10x16x128xf32, #tpu.memory_space<vmem>> -> memref<1x16x128xf32, #tpu.memory_space<vmem>>
    %dma_wait3A_86 = tpu.memref_squeeze %dma_wait3A_85 : memref<1x16x128xf32, #tpu.memory_space<vmem>> -> memref<16x128xf32, #tpu.memory_space<vmem>>
    tpu.wait_dma2 semaphore(%arg11 : memref<!tpu.dma_semaphore, #tpu.memory_space<semaphore_mem>>) src(%dma_wait3A_86 : memref<16x128xf32, #tpu.memory_space<vmem>>) dst(%dma_wait3A_82 : memref<16x128xf32, #tpu.memory_space<vmem_shared>>)
    %dma_wait3A_87 = arith.constant 0 : i32
    %dma_wait3A_88 = arith.constant 0 : i32
    %dma_wait3A_89 = arith.constant 0 : i32
    %dma_wait3A_90 = tpu.memref_slice %arg8[%dma_wait3A_87, %dma_wait3A_88, %dma_wait3A_89] : memref<10x16x128xf32, #tpu.memory_space<vmem>> -> memref<1x16x128xf32, #tpu.memory_space<vmem>>
    %dma_wait3A_91 = tpu.memref_squeeze %dma_wait3A_90 : memref<1x16x128xf32, #tpu.memory_space<vmem>> -> memref<16x128xf32, #tpu.memory_space<vmem>>
    %dma_wait3A_92 = arith.constant 0 : i32
    %dma_wait3A_93 = arith.constant 0 : i32
    %dma_wait3A_94 = tpu.memref_slice %arg9[%dma_wait3A_92, %dma_wait3A_93] : memref<10240x128xf32, #tpu.memory_space<vmem_shared>> -> memref<16x128xf32, #tpu.memory_space<vmem_shared>>
    %dma_wait3A_95 = arith.constant 0 : i32
    %dma_wait3A_96 = arith.constant 0 : i32
    %dma_wait3A_97 = tpu.memref_slice %arg9[%dma_wait3A_95, %dma_wait3A_96] : memref<10240x128xf32, #tpu.memory_space<vmem_shared>> -> memref<16x128xf32, #tpu.memory_space<vmem_shared>>
    %dma_wait3A_98 = arith.constant 0 : i32
    %dma_wait3A_99 = arith.constant 0 : i32
    %dma_wait3A_100 = tpu.memref_slice %arg8[%dma_wait3A_87, %dma_wait3A_98, %dma_wait3A_99] : memref<10x16x128xf32, #tpu.memory_space<vmem>> -> memref<1x16x128xf32, #tpu.memory_space<vmem>>
    %dma_wait3A_101 = tpu.memref_squeeze %dma_wait3A_100 : memref<1x16x128xf32, #tpu.memory_space<vmem>> -> memref<16x128xf32, #tpu.memory_space<vmem>>
    tpu.wait_dma2 semaphore(%arg11 : memref<!tpu.dma_semaphore, #tpu.memory_space<semaphore_mem>>) src(%dma_wait3A_101 : memref<16x128xf32, #tpu.memory_space<vmem>>) dst(%dma_wait3A_97 : memref<16x128xf32, #tpu.memory_space<vmem_shared>>)
    %dma_wait3A_102 = arith.constant 0 : i32
    %dma_wait3A_103 = arith.constant 0 : i32
    %dma_wait3A_104 = arith.constant 0 : i32
    %dma_wait3A_105 = tpu.memref_slice %arg8[%dma_wait3A_102, %dma_wait3A_103, %dma_wait3A_104] : memref<10x16x128xf32, #tpu.memory_space<vmem>> -> memref<1x16x128xf32, #tpu.memory_space<vmem>>
    %dma_wait3A_106 = tpu.memref_squeeze %dma_wait3A_105 : memref<1x16x128xf32, #tpu.memory_space<vmem>> -> memref<16x128xf32, #tpu.memory_space<vmem>>
    %dma_wait3A_107 = arith.constant 0 : i32
    %dma_wait3A_108 = arith.constant 0 : i32
    %dma_wait3A_109 = tpu.memref_slice %arg9[%dma_wait3A_107, %dma_wait3A_108] : memref<10240x128xf32, #tpu.memory_space<vmem_shared>> -> memref<16x128xf32, #tpu.memory_space<vmem_shared>>
    %dma_wait3A_110 = arith.constant 0 : i32
    %dma_wait3A_111 = arith.constant 0 : i32
    %dma_wait3A_112 = tpu.memref_slice %arg9[%dma_wait3A_110, %dma_wait3A_111] : memref<10240x128xf32, #tpu.memory_space<vmem_shared>> -> memref<16x128xf32, #tpu.memory_space<vmem_shared>>
    %dma_wait3A_113 = arith.constant 0 : i32
    %dma_wait3A_114 = arith.constant 0 : i32
    %dma_wait3A_115 = tpu.memref_slice %arg8[%dma_wait3A_102, %dma_wait3A_113, %dma_wait3A_114] : memref<10x16x128xf32, #tpu.memory_space<vmem>> -> memref<1x16x128xf32, #tpu.memory_space<vmem>>
    %dma_wait3A_116 = tpu.memref_squeeze %dma_wait3A_115 : memref<1x16x128xf32, #tpu.memory_space<vmem>> -> memref<16x128xf32, #tpu.memory_space<vmem>>
    tpu.wait_dma2 semaphore(%arg11 : memref<!tpu.dma_semaphore, #tpu.memory_space<semaphore_mem>>) src(%dma_wait3A_116 : memref<16x128xf32, #tpu.memory_space<vmem>>) dst(%dma_wait3A_112 : memref<16x128xf32, #tpu.memory_space<vmem_shared>>)
    %dma_wait3A_117 = arith.constant 0 : i32
    %dma_wait3A_118 = arith.constant 0 : i32
    %dma_wait3A_119 = arith.constant 0 : i32
    %dma_wait3A_120 = tpu.memref_slice %arg8[%dma_wait3A_117, %dma_wait3A_118, %dma_wait3A_119] : memref<10x16x128xf32, #tpu.memory_space<vmem>> -> memref<1x16x128xf32, #tpu.memory_space<vmem>>
    %dma_wait3A_121 = tpu.memref_squeeze %dma_wait3A_120 : memref<1x16x128xf32, #tpu.memory_space<vmem>> -> memref<16x128xf32, #tpu.memory_space<vmem>>
    %dma_wait3A_122 = arith.constant 0 : i32
    %dma_wait3A_123 = arith.constant 0 : i32
    %dma_wait3A_124 = tpu.memref_slice %arg9[%dma_wait3A_122, %dma_wait3A_123] : memref<10240x128xf32, #tpu.memory_space<vmem_shared>> -> memref<16x128xf32, #tpu.memory_space<vmem_shared>>
    %dma_wait3A_125 = arith.constant 0 : i32
    %dma_wait3A_126 = arith.constant 0 : i32
    %dma_wait3A_127 = tpu.memref_slice %arg9[%dma_wait3A_125, %dma_wait3A_126] : memref<10240x128xf32, #tpu.memory_space<vmem_shared>> -> memref<16x128xf32, #tpu.memory_space<vmem_shared>>
    %dma_wait3A_128 = arith.constant 0 : i32
    %dma_wait3A_129 = arith.constant 0 : i32
    %dma_wait3A_130 = tpu.memref_slice %arg8[%dma_wait3A_117, %dma_wait3A_128, %dma_wait3A_129] : memref<10x16x128xf32, #tpu.memory_space<vmem>> -> memref<1x16x128xf32, #tpu.memory_space<vmem>>
    %dma_wait3A_131 = tpu.memref_squeeze %dma_wait3A_130 : memref<1x16x128xf32, #tpu.memory_space<vmem>> -> memref<16x128xf32, #tpu.memory_space<vmem>>
    tpu.wait_dma2 semaphore(%arg11 : memref<!tpu.dma_semaphore, #tpu.memory_space<semaphore_mem>>) src(%dma_wait3A_131 : memref<16x128xf32, #tpu.memory_space<vmem>>) dst(%dma_wait3A_127 : memref<16x128xf32, #tpu.memory_space<vmem_shared>>)
    %dma_wait3A_132 = arith.constant 0 : i32
    %dma_wait3A_133 = arith.constant 0 : i32
    %dma_wait3A_134 = arith.constant 0 : i32
    %dma_wait3A_135 = tpu.memref_slice %arg8[%dma_wait3A_132, %dma_wait3A_133, %dma_wait3A_134] : memref<10x16x128xf32, #tpu.memory_space<vmem>> -> memref<1x16x128xf32, #tpu.memory_space<vmem>>
    %dma_wait3A_136 = tpu.memref_squeeze %dma_wait3A_135 : memref<1x16x128xf32, #tpu.memory_space<vmem>> -> memref<16x128xf32, #tpu.memory_space<vmem>>
    %dma_wait3A_137 = arith.constant 0 : i32
    %dma_wait3A_138 = arith.constant 0 : i32
    %dma_wait3A_139 = tpu.memref_slice %arg9[%dma_wait3A_137, %dma_wait3A_138] : memref<10240x128xf32, #tpu.memory_space<vmem_shared>> -> memref<16x128xf32, #tpu.memory_space<vmem_shared>>
    %dma_wait3A_140 = arith.constant 0 : i32
    %dma_wait3A_141 = arith.constant 0 : i32
    %dma_wait3A_142 = tpu.memref_slice %arg9[%dma_wait3A_140, %dma_wait3A_141] : memref<10240x128xf32, #tpu.memory_space<vmem_shared>> -> memref<16x128xf32, #tpu.memory_space<vmem_shared>>
    %dma_wait3A_143 = arith.constant 0 : i32
    %dma_wait3A_144 = arith.constant 0 : i32
    %dma_wait3A_145 = tpu.memref_slice %arg8[%dma_wait3A_132, %dma_wait3A_143, %dma_wait3A_144] : memref<10x16x128xf32, #tpu.memory_space<vmem>> -> memref<1x16x128xf32, #tpu.memory_space<vmem>>
    %dma_wait3A_146 = tpu.memref_squeeze %dma_wait3A_145 : memref<1x16x128xf32, #tpu.memory_space<vmem>> -> memref<16x128xf32, #tpu.memory_space<vmem>>
    tpu.wait_dma2 semaphore(%arg11 : memref<!tpu.dma_semaphore, #tpu.memory_space<semaphore_mem>>) src(%dma_wait3A_146 : memref<16x128xf32, #tpu.memory_space<vmem>>) dst(%dma_wait3A_142 : memref<16x128xf32, #tpu.memory_space<vmem_shared>>)
    %dma_wait3A_147 = arith.constant 0 : i32
    %dma_wait3A_148 = arith.constant 0 : i32
    %dma_wait3A_149 = arith.constant 0 : i32
    %dma_wait3A_150 = tpu.memref_slice %arg8[%dma_wait3A_147, %dma_wait3A_148, %dma_wait3A_149] : memref<10x16x128xf32, #tpu.memory_space<vmem>> -> memref<1x16x128xf32, #tpu.memory_space<vmem>>
    %dma_wait3A_151 = tpu.memref_squeeze %dma_wait3A_150 : memref<1x16x128xf32, #tpu.memory_space<vmem>> -> memref<16x128xf32, #tpu.memory_space<vmem>>
    %dma_wait3A_152 = arith.constant 0 : i32
    %dma_wait3A_153 = arith.constant 0 : i32
    %dma_wait3A_154 = tpu.memref_slice %arg9[%dma_wait3A_152, %dma_wait3A_153] : memref<10240x128xf32, #tpu.memory_space<vmem_shared>> -> memref<16x128xf32, #tpu.memory_space<vmem_shared>>
    %dma_wait3A_155 = arith.constant 0 : i32
    %dma_wait3A_156 = arith.constant 0 : i32
    %dma_wait3A_157 = tpu.memref_slice %arg9[%dma_wait3A_155, %dma_wait3A_156] : memref<10240x128xf32, #tpu.memory_space<vmem_shared>> -> memref<16x128xf32, #tpu.memory_space<vmem_shared>>
    %dma_wait3A_158 = arith.constant 0 : i32
    %dma_wait3A_159 = arith.constant 0 : i32
    %dma_wait3A_160 = tpu.memref_slice %arg8[%dma_wait3A_147, %dma_wait3A_158, %dma_wait3A_159] : memref<10x16x128xf32, #tpu.memory_space<vmem>> -> memref<1x16x128xf32, #tpu.memory_space<vmem>>
    %dma_wait3A_161 = tpu.memref_squeeze %dma_wait3A_160 : memref<1x16x128xf32, #tpu.memory_space<vmem>> -> memref<16x128xf32, #tpu.memory_space<vmem>>
    tpu.wait_dma2 semaphore(%arg11 : memref<!tpu.dma_semaphore, #tpu.memory_space<semaphore_mem>>) src(%dma_wait3A_161 : memref<16x128xf32, #tpu.memory_space<vmem>>) dst(%dma_wait3A_157 : memref<16x128xf32, #tpu.memory_space<vmem_shared>>)
    %barrier3A_162 = arith.constant 0 : index
    tpu.barrier barrier_id(%barrier3A_162)
    %mul3A_163 = arith.constant 640 : i32
    %mul3A_164 = arith.muli %arg1, %mul3A_163 : i32
    %mul3A_165 = arith.constant 640 : i32
    %mul3A_166 = arith.muli %arg1, %mul3A_165 : i32
    "tpu.region"() ({
      %run_scoped3A_167 = tpu.sem_alloc : memref<!tpu.dma_semaphore, #tpu.memory_space<semaphore_mem>>
      %dma_start3A = arith.constant 0 : i32
      %dma_start3A_168 = tpu.memref_slice %arg5[%arg0, %mul3A_166, %dma_start3A] : memref<2x10240x128xf32, #tpu.memory_space<hbm>> -> memref<1x640x128xf32, #tpu.memory_space<hbm>>
      %dma_start3A_169 = tpu.memref_squeeze %dma_start3A_168 : memref<1x640x128xf32, #tpu.memory_space<hbm>> -> memref<640x128xf32, #tpu.memory_space<hbm>>
      %dma_start3A_170 = arith.constant 0 : i32
      %dma_start3A_171 = tpu.memref_slice %arg9[%mul3A_164, %dma_start3A_170] : memref<10240x128xf32, #tpu.memory_space<vmem_shared>> -> memref<640x128xf32, #tpu.memory_space<vmem_shared>>
      tpu.enqueue_dma source(%dma_start3A_171 : memref<640x128xf32, #tpu.memory_space<vmem_shared>>) target(%dma_start3A_169 : memref<640x128xf32, #tpu.memory_space<hbm>>) target_semaphore(%run_scoped3A_167 : memref<!tpu.dma_semaphore, #tpu.memory_space<semaphore_mem>>)
      %dma_wait3A_172 = arith.constant 0 : i32
      %dma_wait3A_173 = tpu.memref_slice %arg5[%arg0, %mul3A_166, %dma_wait3A_172] : memref<2x10240x128xf32, #tpu.memory_space<hbm>> -> memref<1x640x128xf32, #tpu.memory_space<hbm>>
      %dma_wait3A_174 = tpu.memref_squeeze %dma_wait3A_173 : memref<1x640x128xf32, #tpu.memory_space<hbm>> -> memref<640x128xf32, #tpu.memory_space<hbm>>
      %dma_wait3A_175 = arith.constant 0 : i32
      %dma_wait3A_176 = tpu.memref_slice %arg9[%mul3A_164, %dma_wait3A_175] : memref<10240x128xf32, #tpu.memory_space<vmem_shared>> -> memref<640x128xf32, #tpu.memory_space<vmem_shared>>
      tpu.wait_dma2 semaphore(%run_scoped3A_167 : memref<!tpu.dma_semaphore, #tpu.memory_space<semaphore_mem>>) src(%dma_wait3A_176 : memref<640x128xf32, #tpu.memory_space<vmem_shared>>) dst(%dma_wait3A_174 : memref<640x128xf32, #tpu.memory_space<hbm>>)
      tpu.yield
    }) : () -> ()
    return
  }
}

#map = affine_map<(d0, d1) -> (0, 0)>
#map1 = affine_map<(d0, d1) -> (0, 0, 0)>
module attributes {stable_mosaic.version = 14 : i64} {
  func.func @sage_sc_agg(%arg0: i32, %arg1: i32, %arg2: memref<10000x128xf32, #tpu.memory_space<hbm>>, %arg3: memref<2x327680xi32, #tpu.memory_space<hbm>>, %arg4: memref<640x128xf32, #tpu.memory_space<hbm>>, %arg5: memref<2x10240x128xf32, #tpu.memory_space<hbm>>, %arg6: memref<10240xi32, #tpu.memory_space<vmem>>, %arg7: memref<10240xi32, #tpu.memory_space<vmem>>, %arg8: memref<10x16x128xf32, #tpu.memory_space<vmem>>, %arg9: memref<10240x128xf32, #tpu.memory_space<vmem_shared>>, %arg10: memref<!tpu.dma_semaphore, #tpu.memory_space<semaphore_mem>>, %arg11: memref<!tpu.dma_semaphore, #tpu.memory_space<semaphore_mem>>) attributes {dimension_semantics = [#tpu.dimension_semantics<core_parallel>, #tpu.dimension_semantics<subcore_parallel>], iteration_bounds = array<i64: 2, 16>, scalar_prefetch = 0 : i64, scratch_operands = 6 : i64, tpu.core_type = #tpu.core_type<sc_vector_subcore>, window_params = [{transform_indices = #map}, {transform_indices = #map}, {transform_indices = #map}, {transform_indices = #map1}]} {
    %mul3A = arith.constant 16 : i32
    %mul3A_0 = arith.muli %arg0, %mul3A : i32
    %add3A = arith.addi %mul3A_0, %arg1 : i32
    %mul3A_1 = arith.constant 640 : i32
    %mul3A_2 = arith.muli %arg1, %mul3A_1 : i32
    "tpu.region"() ({
      %run_scoped3A_167 = tpu.sem_alloc : memref<!tpu.dma_semaphore, #tpu.memory_space<semaphore_mem>>
      %dma_start3A = arith.constant 0 : i32
      %dma_start3A_168 = tpu.memref_slice %arg9[%mul3A_2, %dma_start3A] : memref<10240x128xf32, #tpu.memory_space<vmem_shared>> -> memref<640x128xf32, #tpu.memory_space<vmem_shared>>
      tpu.enqueue_dma source(%arg4 : memref<640x128xf32, #tpu.memory_space<hbm>>) target(%dma_start3A_168 : memref<640x128xf32, #tpu.memory_space<vmem_shared>>) target_semaphore(%run_scoped3A_167 : memref<!tpu.dma_semaphore, #tpu.memory_space<semaphore_mem>>)
      %dma_wait3A_169 = arith.constant 0 : i32
      %dma_wait3A_170 = tpu.memref_slice %arg9[%mul3A_2, %dma_wait3A_169] : memref<10240x128xf32, #tpu.memory_space<vmem_shared>> -> memref<640x128xf32, #tpu.memory_space<vmem_shared>>
      tpu.wait_dma2 semaphore(%run_scoped3A_167 : memref<!tpu.dma_semaphore, #tpu.memory_space<semaphore_mem>>) src(%arg4 : memref<640x128xf32, #tpu.memory_space<hbm>>) dst(%dma_wait3A_170 : memref<640x128xf32, #tpu.memory_space<vmem_shared>>)
      tpu.yield
    }) : () -> ()
    %mul3A_3 = arith.constant 10240 : i32
    %mul3A_4 = arith.muli %add3A, %mul3A_3 : i32
    %run_scoped3A = arith.constant 0 : i32
    "tpu.region"() ({
      %run_scoped3A_167 = tpu.sem_alloc : memref<!tpu.dma_semaphore, #tpu.memory_space<semaphore_mem>>
      %dma_start3A = tpu.memref_slice %arg3[%run_scoped3A, %mul3A_4] : memref<2x327680xi32, #tpu.memory_space<hbm>> -> memref<1x10240xi32, #tpu.memory_space<hbm>>
      %dma_start3A_168 = tpu.memref_squeeze %dma_start3A : memref<1x10240xi32, #tpu.memory_space<hbm>> -> memref<10240xi32, #tpu.memory_space<hbm>>
      %dma_start3A_169 = tpu.memref_slice %arg3[%run_scoped3A, %mul3A_4] : memref<2x327680xi32, #tpu.memory_space<hbm>> -> memref<1x10240xi32, #tpu.memory_space<hbm>>
      %dma_start3A_170 = tpu.memref_squeeze %dma_start3A_169 : memref<1x10240xi32, #tpu.memory_space<hbm>> -> memref<10240xi32, #tpu.memory_space<hbm>>
      tpu.enqueue_dma source(%dma_start3A_170 : memref<10240xi32, #tpu.memory_space<hbm>>) target(%arg6 : memref<10240xi32, #tpu.memory_space<vmem>>) target_semaphore(%run_scoped3A_167 : memref<!tpu.dma_semaphore, #tpu.memory_space<semaphore_mem>>)
      %dma_wait3A_171 = tpu.memref_slice %arg3[%run_scoped3A, %mul3A_4] : memref<2x327680xi32, #tpu.memory_space<hbm>> -> memref<1x10240xi32, #tpu.memory_space<hbm>>
      %dma_wait3A_172 = tpu.memref_squeeze %dma_wait3A_171 : memref<1x10240xi32, #tpu.memory_space<hbm>> -> memref<10240xi32, #tpu.memory_space<hbm>>
      %dma_wait3A_173 = tpu.memref_slice %arg3[%run_scoped3A, %mul3A_4] : memref<2x327680xi32, #tpu.memory_space<hbm>> -> memref<1x10240xi32, #tpu.memory_space<hbm>>
      %dma_wait3A_174 = tpu.memref_squeeze %dma_wait3A_173 : memref<1x10240xi32, #tpu.memory_space<hbm>> -> memref<10240xi32, #tpu.memory_space<hbm>>
      tpu.wait_dma2 semaphore(%run_scoped3A_167 : memref<!tpu.dma_semaphore, #tpu.memory_space<semaphore_mem>>) src(%dma_wait3A_174 : memref<10240xi32, #tpu.memory_space<hbm>>) dst(%arg6 : memref<10240xi32, #tpu.memory_space<vmem>>)
      tpu.yield
    }) : () -> ()
    %mul3A_5 = arith.constant 10240 : i32
    %mul3A_6 = arith.muli %add3A, %mul3A_5 : i32
    %run_scoped3A_7 = arith.constant 1 : i32
    "tpu.region"() ({
      %run_scoped3A_167 = tpu.sem_alloc : memref<!tpu.dma_semaphore, #tpu.memory_space<semaphore_mem>>
      %dma_start3A = tpu.memref_slice %arg3[%run_scoped3A_7, %mul3A_6] : memref<2x327680xi32, #tpu.memory_space<hbm>> -> memref<1x10240xi32, #tpu.memory_space<hbm>>
      %dma_start3A_168 = tpu.memref_squeeze %dma_start3A : memref<1x10240xi32, #tpu.memory_space<hbm>> -> memref<10240xi32, #tpu.memory_space<hbm>>
      %dma_start3A_169 = tpu.memref_slice %arg3[%run_scoped3A_7, %mul3A_6] : memref<2x327680xi32, #tpu.memory_space<hbm>> -> memref<1x10240xi32, #tpu.memory_space<hbm>>
      %dma_start3A_170 = tpu.memref_squeeze %dma_start3A_169 : memref<1x10240xi32, #tpu.memory_space<hbm>> -> memref<10240xi32, #tpu.memory_space<hbm>>
      tpu.enqueue_dma source(%dma_start3A_170 : memref<10240xi32, #tpu.memory_space<hbm>>) target(%arg7 : memref<10240xi32, #tpu.memory_space<vmem>>) target_semaphore(%run_scoped3A_167 : memref<!tpu.dma_semaphore, #tpu.memory_space<semaphore_mem>>)
      %dma_wait3A_171 = tpu.memref_slice %arg3[%run_scoped3A_7, %mul3A_6] : memref<2x327680xi32, #tpu.memory_space<hbm>> -> memref<1x10240xi32, #tpu.memory_space<hbm>>
      %dma_wait3A_172 = tpu.memref_squeeze %dma_wait3A_171 : memref<1x10240xi32, #tpu.memory_space<hbm>> -> memref<10240xi32, #tpu.memory_space<hbm>>
      %dma_wait3A_173 = tpu.memref_slice %arg3[%run_scoped3A_7, %mul3A_6] : memref<2x327680xi32, #tpu.memory_space<hbm>> -> memref<1x10240xi32, #tpu.memory_space<hbm>>
      %dma_wait3A_174 = tpu.memref_squeeze %dma_wait3A_173 : memref<1x10240xi32, #tpu.memory_space<hbm>> -> memref<10240xi32, #tpu.memory_space<hbm>>
      tpu.wait_dma2 semaphore(%run_scoped3A_167 : memref<!tpu.dma_semaphore, #tpu.memory_space<semaphore_mem>>) src(%dma_wait3A_174 : memref<10240xi32, #tpu.memory_space<hbm>>) dst(%arg7 : memref<10240xi32, #tpu.memory_space<vmem>>)
      tpu.yield
    }) : () -> ()
    %barrier3A = arith.constant 0 : index
    tpu.barrier barrier_id(%barrier3A)
    %scan3A = arith.constant 0 : i32
    %scan3A_8 = arith.constant 0 : i32
    %scan3A_9 = arith.constant 64 : i32
    %scan3A_10 = arith.addi %scan3A_8, %scan3A_9 : i32
    %scan3A_11 = arith.constant 1 : i32
    scf.for %scan3A_167 = %scan3A_8 to %scan3A_10 step %scan3A_11  : i32 {
      %gt3A = arith.constant 0 : i32
      %gt3A_168 = arith.cmpi sgt, %scan3A_167, %gt3A : i32
      %convert_element_type3A = arith.extui %gt3A_168 : i1 to i32
      %cond3A = arith.constant 0 : i32
      %cond3A_169 = arith.cmpi ne, %convert_element_type3A, %cond3A : i32
      scf.if %cond3A_169 {
        %dma_wait3A_598 = arith.constant 0 : i32
        %dma_wait3A_599 = arith.constant 0 : i32
        %dma_wait3A_600 = arith.constant 0 : i32
        %dma_wait3A_601 = tpu.memref_slice %arg8[%dma_wait3A_598, %dma_wait3A_599, %dma_wait3A_600] : memref<10x16x128xf32, #tpu.memory_space<vmem>> -> memref<1x16x128xf32, #tpu.memory_space<vmem>>
        %dma_wait3A_602 = tpu.memref_squeeze %dma_wait3A_601 : memref<1x16x128xf32, #tpu.memory_space<vmem>> -> memref<16x128xf32, #tpu.memory_space<vmem>>
        %dma_wait3A_603 = arith.constant 0 : i32
        %dma_wait3A_604 = arith.constant 0 : i32
        %dma_wait3A_605 = tpu.memref_slice %arg9[%dma_wait3A_603, %dma_wait3A_604] : memref<10240x128xf32, #tpu.memory_space<vmem_shared>> -> memref<16x128xf32, #tpu.memory_space<vmem_shared>>
        %dma_wait3A_606 = arith.constant 0 : i32
        %dma_wait3A_607 = arith.constant 0 : i32
        %dma_wait3A_608 = tpu.memref_slice %arg9[%dma_wait3A_606, %dma_wait3A_607] : memref<10240x128xf32, #tpu.memory_space<vmem_shared>> -> memref<16x128xf32, #tpu.memory_space<vmem_shared>>
        %dma_wait3A_609 = arith.constant 0 : i32
        %dma_wait3A_610 = arith.constant 0 : i32
        %dma_wait3A_611 = tpu.memref_slice %arg8[%dma_wait3A_598, %dma_wait3A_609, %dma_wait3A_610] : memref<10x16x128xf32, #tpu.memory_space<vmem>> -> memref<1x16x128xf32, #tpu.memory_space<vmem>>
        %dma_wait3A_612 = tpu.memref_squeeze %dma_wait3A_611 : memref<1x16x128xf32, #tpu.memory_space<vmem>> -> memref<16x128xf32, #tpu.memory_space<vmem>>
        tpu.wait_dma2 semaphore(%arg11 : memref<!tpu.dma_semaphore, #tpu.memory_space<semaphore_mem>>) src(%dma_wait3A_612 : memref<16x128xf32, #tpu.memory_space<vmem>>) dst(%dma_wait3A_608 : memref<16x128xf32, #tpu.memory_space<vmem_shared>>)
        %dma_wait3A_613 = arith.constant 0 : i32
        %dma_wait3A_614 = arith.constant 0 : i32
        %dma_wait3A_615 = arith.constant 0 : i32
        %dma_wait3A_616 = tpu.memref_slice %arg8[%dma_wait3A_613, %dma_wait3A_614, %dma_wait3A_615] : memref<10x16x128xf32, #tpu.memory_space<vmem>> -> memref<1x16x128xf32, #tpu.memory_space<vmem>>
        %dma_wait3A_617 = tpu.memref_squeeze %dma_wait3A_616 : memref<1x16x128xf32, #tpu.memory_space<vmem>> -> memref<16x128xf32, #tpu.memory_space<vmem>>
        %dma_wait3A_618 = arith.constant 0 : i32
        %dma_wait3A_619 = arith.constant 0 : i32
        %dma_wait3A_620 = tpu.memref_slice %arg9[%dma_wait3A_618, %dma_wait3A_619] : memref<10240x128xf32, #tpu.memory_space<vmem_shared>> -> memref<16x128xf32, #tpu.memory_space<vmem_shared>>
        %dma_wait3A_621 = arith.constant 0 : i32
        %dma_wait3A_622 = arith.constant 0 : i32
        %dma_wait3A_623 = tpu.memref_slice %arg9[%dma_wait3A_621, %dma_wait3A_622] : memref<10240x128xf32, #tpu.memory_space<vmem_shared>> -> memref<16x128xf32, #tpu.memory_space<vmem_shared>>
        %dma_wait3A_624 = arith.constant 0 : i32
        %dma_wait3A_625 = arith.constant 0 : i32
        %dma_wait3A_626 = tpu.memref_slice %arg8[%dma_wait3A_613, %dma_wait3A_624, %dma_wait3A_625] : memref<10x16x128xf32, #tpu.memory_space<vmem>> -> memref<1x16x128xf32, #tpu.memory_space<vmem>>
        %dma_wait3A_627 = tpu.memref_squeeze %dma_wait3A_626 : memref<1x16x128xf32, #tpu.memory_space<vmem>> -> memref<16x128xf32, #tpu.memory_space<vmem>>
        tpu.wait_dma2 semaphore(%arg11 : memref<!tpu.dma_semaphore, #tpu.memory_space<semaphore_mem>>) src(%dma_wait3A_627 : memref<16x128xf32, #tpu.memory_space<vmem>>) dst(%dma_wait3A_623 : memref<16x128xf32, #tpu.memory_space<vmem_shared>>)
        %dma_wait3A_628 = arith.constant 0 : i32
        %dma_wait3A_629 = arith.constant 0 : i32
        %dma_wait3A_630 = arith.constant 0 : i32
        %dma_wait3A_631 = tpu.memref_slice %arg8[%dma_wait3A_628, %dma_wait3A_629, %dma_wait3A_630] : memref<10x16x128xf32, #tpu.memory_space<vmem>> -> memref<1x16x128xf32, #tpu.memory_space<vmem>>
        %dma_wait3A_632 = tpu.memref_squeeze %dma_wait3A_631 : memref<1x16x128xf32, #tpu.memory_space<vmem>> -> memref<16x128xf32, #tpu.memory_space<vmem>>
        %dma_wait3A_633 = arith.constant 0 : i32
        %dma_wait3A_634 = arith.constant 0 : i32
        %dma_wait3A_635 = tpu.memref_slice %arg9[%dma_wait3A_633, %dma_wait3A_634] : memref<10240x128xf32, #tpu.memory_space<vmem_shared>> -> memref<16x128xf32, #tpu.memory_space<vmem_shared>>
        %dma_wait3A_636 = arith.constant 0 : i32
        %dma_wait3A_637 = arith.constant 0 : i32
        %dma_wait3A_638 = tpu.memref_slice %arg9[%dma_wait3A_636, %dma_wait3A_637] : memref<10240x128xf32, #tpu.memory_space<vmem_shared>> -> memref<16x128xf32, #tpu.memory_space<vmem_shared>>
        %dma_wait3A_639 = arith.constant 0 : i32
        %dma_wait3A_640 = arith.constant 0 : i32
        %dma_wait3A_641 = tpu.memref_slice %arg8[%dma_wait3A_628, %dma_wait3A_639, %dma_wait3A_640] : memref<10x16x128xf32, #tpu.memory_space<vmem>> -> memref<1x16x128xf32, #tpu.memory_space<vmem>>
        %dma_wait3A_642 = tpu.memref_squeeze %dma_wait3A_641 : memref<1x16x128xf32, #tpu.memory_space<vmem>> -> memref<16x128xf32, #tpu.memory_space<vmem>>
        tpu.wait_dma2 semaphore(%arg11 : memref<!tpu.dma_semaphore, #tpu.memory_space<semaphore_mem>>) src(%dma_wait3A_642 : memref<16x128xf32, #tpu.memory_space<vmem>>) dst(%dma_wait3A_638 : memref<16x128xf32, #tpu.memory_space<vmem_shared>>)
        %dma_wait3A_643 = arith.constant 0 : i32
        %dma_wait3A_644 = arith.constant 0 : i32
        %dma_wait3A_645 = arith.constant 0 : i32
        %dma_wait3A_646 = tpu.memref_slice %arg8[%dma_wait3A_643, %dma_wait3A_644, %dma_wait3A_645] : memref<10x16x128xf32, #tpu.memory_space<vmem>> -> memref<1x16x128xf32, #tpu.memory_space<vmem>>
        %dma_wait3A_647 = tpu.memref_squeeze %dma_wait3A_646 : memref<1x16x128xf32, #tpu.memory_space<vmem>> -> memref<16x128xf32, #tpu.memory_space<vmem>>
        %dma_wait3A_648 = arith.constant 0 : i32
        %dma_wait3A_649 = arith.constant 0 : i32
        %dma_wait3A_650 = tpu.memref_slice %arg9[%dma_wait3A_648, %dma_wait3A_649] : memref<10240x128xf32, #tpu.memory_space<vmem_shared>> -> memref<16x128xf32, #tpu.memory_space<vmem_shared>>
        %dma_wait3A_651 = arith.constant 0 : i32
        %dma_wait3A_652 = arith.constant 0 : i32
        %dma_wait3A_653 = tpu.memref_slice %arg9[%dma_wait3A_651, %dma_wait3A_652] : memref<10240x128xf32, #tpu.memory_space<vmem_shared>> -> memref<16x128xf32, #tpu.memory_space<vmem_shared>>
        %dma_wait3A_654 = arith.constant 0 : i32
        %dma_wait3A_655 = arith.constant 0 : i32
        %dma_wait3A_656 = tpu.memref_slice %arg8[%dma_wait3A_643, %dma_wait3A_654, %dma_wait3A_655] : memref<10x16x128xf32, #tpu.memory_space<vmem>> -> memref<1x16x128xf32, #tpu.memory_space<vmem>>
        %dma_wait3A_657 = tpu.memref_squeeze %dma_wait3A_656 : memref<1x16x128xf32, #tpu.memory_space<vmem>> -> memref<16x128xf32, #tpu.memory_space<vmem>>
        tpu.wait_dma2 semaphore(%arg11 : memref<!tpu.dma_semaphore, #tpu.memory_space<semaphore_mem>>) src(%dma_wait3A_657 : memref<16x128xf32, #tpu.memory_space<vmem>>) dst(%dma_wait3A_653 : memref<16x128xf32, #tpu.memory_space<vmem_shared>>)
        %dma_wait3A_658 = arith.constant 0 : i32
        %dma_wait3A_659 = arith.constant 0 : i32
        %dma_wait3A_660 = arith.constant 0 : i32
        %dma_wait3A_661 = tpu.memref_slice %arg8[%dma_wait3A_658, %dma_wait3A_659, %dma_wait3A_660] : memref<10x16x128xf32, #tpu.memory_space<vmem>> -> memref<1x16x128xf32, #tpu.memory_space<vmem>>
        %dma_wait3A_662 = tpu.memref_squeeze %dma_wait3A_661 : memref<1x16x128xf32, #tpu.memory_space<vmem>> -> memref<16x128xf32, #tpu.memory_space<vmem>>
        %dma_wait3A_663 = arith.constant 0 : i32
        %dma_wait3A_664 = arith.constant 0 : i32
        %dma_wait3A_665 = tpu.memref_slice %arg9[%dma_wait3A_663, %dma_wait3A_664] : memref<10240x128xf32, #tpu.memory_space<vmem_shared>> -> memref<16x128xf32, #tpu.memory_space<vmem_shared>>
        %dma_wait3A_666 = arith.constant 0 : i32
        %dma_wait3A_667 = arith.constant 0 : i32
        %dma_wait3A_668 = tpu.memref_slice %arg9[%dma_wait3A_666, %dma_wait3A_667] : memref<10240x128xf32, #tpu.memory_space<vmem_shared>> -> memref<16x128xf32, #tpu.memory_space<vmem_shared>>
        %dma_wait3A_669 = arith.constant 0 : i32
        %dma_wait3A_670 = arith.constant 0 : i32
        %dma_wait3A_671 = tpu.memref_slice %arg8[%dma_wait3A_658, %dma_wait3A_669, %dma_wait3A_670] : memref<10x16x128xf32, #tpu.memory_space<vmem>> -> memref<1x16x128xf32, #tpu.memory_space<vmem>>
        %dma_wait3A_672 = tpu.memref_squeeze %dma_wait3A_671 : memref<1x16x128xf32, #tpu.memory_space<vmem>> -> memref<16x128xf32, #tpu.memory_space<vmem>>
        tpu.wait_dma2 semaphore(%arg11 : memref<!tpu.dma_semaphore, #tpu.memory_space<semaphore_mem>>) src(%dma_wait3A_672 : memref<16x128xf32, #tpu.memory_space<vmem>>) dst(%dma_wait3A_668 : memref<16x128xf32, #tpu.memory_space<vmem_shared>>)
        %dma_wait3A_673 = arith.constant 0 : i32
        %dma_wait3A_674 = arith.constant 0 : i32
        %dma_wait3A_675 = arith.constant 0 : i32
        %dma_wait3A_676 = tpu.memref_slice %arg8[%dma_wait3A_673, %dma_wait3A_674, %dma_wait3A_675] : memref<10x16x128xf32, #tpu.memory_space<vmem>> -> memref<1x16x128xf32, #tpu.memory_space<vmem>>
        %dma_wait3A_677 = tpu.memref_squeeze %dma_wait3A_676 : memref<1x16x128xf32, #tpu.memory_space<vmem>> -> memref<16x128xf32, #tpu.memory_space<vmem>>
        %dma_wait3A_678 = arith.constant 0 : i32
        %dma_wait3A_679 = arith.constant 0 : i32
        %dma_wait3A_680 = tpu.memref_slice %arg9[%dma_wait3A_678, %dma_wait3A_679] : memref<10240x128xf32, #tpu.memory_space<vmem_shared>> -> memref<16x128xf32, #tpu.memory_space<vmem_shared>>
        %dma_wait3A_681 = arith.constant 0 : i32
        %dma_wait3A_682 = arith.constant 0 : i32
        %dma_wait3A_683 = tpu.memref_slice %arg9[%dma_wait3A_681, %dma_wait3A_682] : memref<10240x128xf32, #tpu.memory_space<vmem_shared>> -> memref<16x128xf32, #tpu.memory_space<vmem_shared>>
        %dma_wait3A_684 = arith.constant 0 : i32
        %dma_wait3A_685 = arith.constant 0 : i32
        %dma_wait3A_686 = tpu.memref_slice %arg8[%dma_wait3A_673, %dma_wait3A_684, %dma_wait3A_685] : memref<10x16x128xf32, #tpu.memory_space<vmem>> -> memref<1x16x128xf32, #tpu.memory_space<vmem>>
        %dma_wait3A_687 = tpu.memref_squeeze %dma_wait3A_686 : memref<1x16x128xf32, #tpu.memory_space<vmem>> -> memref<16x128xf32, #tpu.memory_space<vmem>>
        tpu.wait_dma2 semaphore(%arg11 : memref<!tpu.dma_semaphore, #tpu.memory_space<semaphore_mem>>) src(%dma_wait3A_687 : memref<16x128xf32, #tpu.memory_space<vmem>>) dst(%dma_wait3A_683 : memref<16x128xf32, #tpu.memory_space<vmem_shared>>)
        %dma_wait3A_688 = arith.constant 0 : i32
        %dma_wait3A_689 = arith.constant 0 : i32
        %dma_wait3A_690 = arith.constant 0 : i32
        %dma_wait3A_691 = tpu.memref_slice %arg8[%dma_wait3A_688, %dma_wait3A_689, %dma_wait3A_690] : memref<10x16x128xf32, #tpu.memory_space<vmem>> -> memref<1x16x128xf32, #tpu.memory_space<vmem>>
        %dma_wait3A_692 = tpu.memref_squeeze %dma_wait3A_691 : memref<1x16x128xf32, #tpu.memory_space<vmem>> -> memref<16x128xf32, #tpu.memory_space<vmem>>
        %dma_wait3A_693 = arith.constant 0 : i32
        %dma_wait3A_694 = arith.constant 0 : i32
        %dma_wait3A_695 = tpu.memref_slice %arg9[%dma_wait3A_693, %dma_wait3A_694] : memref<10240x128xf32, #tpu.memory_space<vmem_shared>> -> memref<16x128xf32, #tpu.memory_space<vmem_shared>>
        %dma_wait3A_696 = arith.constant 0 : i32
        %dma_wait3A_697 = arith.constant 0 : i32
        %dma_wait3A_698 = tpu.memref_slice %arg9[%dma_wait3A_696, %dma_wait3A_697] : memref<10240x128xf32, #tpu.memory_space<vmem_shared>> -> memref<16x128xf32, #tpu.memory_space<vmem_shared>>
        %dma_wait3A_699 = arith.constant 0 : i32
        %dma_wait3A_700 = arith.constant 0 : i32
        %dma_wait3A_701 = tpu.memref_slice %arg8[%dma_wait3A_688, %dma_wait3A_699, %dma_wait3A_700] : memref<10x16x128xf32, #tpu.memory_space<vmem>> -> memref<1x16x128xf32, #tpu.memory_space<vmem>>
        %dma_wait3A_702 = tpu.memref_squeeze %dma_wait3A_701 : memref<1x16x128xf32, #tpu.memory_space<vmem>> -> memref<16x128xf32, #tpu.memory_space<vmem>>
        tpu.wait_dma2 semaphore(%arg11 : memref<!tpu.dma_semaphore, #tpu.memory_space<semaphore_mem>>) src(%dma_wait3A_702 : memref<16x128xf32, #tpu.memory_space<vmem>>) dst(%dma_wait3A_698 : memref<16x128xf32, #tpu.memory_space<vmem_shared>>)
        %dma_wait3A_703 = arith.constant 0 : i32
        %dma_wait3A_704 = arith.constant 0 : i32
        %dma_wait3A_705 = arith.constant 0 : i32
        %dma_wait3A_706 = tpu.memref_slice %arg8[%dma_wait3A_703, %dma_wait3A_704, %dma_wait3A_705] : memref<10x16x128xf32, #tpu.memory_space<vmem>> -> memref<1x16x128xf32, #tpu.memory_space<vmem>>
        %dma_wait3A_707 = tpu.memref_squeeze %dma_wait3A_706 : memref<1x16x128xf32, #tpu.memory_space<vmem>> -> memref<16x128xf32, #tpu.memory_space<vmem>>
        %dma_wait3A_708 = arith.constant 0 : i32
        %dma_wait3A_709 = arith.constant 0 : i32
        %dma_wait3A_710 = tpu.memref_slice %arg9[%dma_wait3A_708, %dma_wait3A_709] : memref<10240x128xf32, #tpu.memory_space<vmem_shared>> -> memref<16x128xf32, #tpu.memory_space<vmem_shared>>
        %dma_wait3A_711 = arith.constant 0 : i32
        %dma_wait3A_712 = arith.constant 0 : i32
        %dma_wait3A_713 = tpu.memref_slice %arg9[%dma_wait3A_711, %dma_wait3A_712] : memref<10240x128xf32, #tpu.memory_space<vmem_shared>> -> memref<16x128xf32, #tpu.memory_space<vmem_shared>>
        %dma_wait3A_714 = arith.constant 0 : i32
        %dma_wait3A_715 = arith.constant 0 : i32
        %dma_wait3A_716 = tpu.memref_slice %arg8[%dma_wait3A_703, %dma_wait3A_714, %dma_wait3A_715] : memref<10x16x128xf32, #tpu.memory_space<vmem>> -> memref<1x16x128xf32, #tpu.memory_space<vmem>>
        %dma_wait3A_717 = tpu.memref_squeeze %dma_wait3A_716 : memref<1x16x128xf32, #tpu.memory_space<vmem>> -> memref<16x128xf32, #tpu.memory_space<vmem>>
        tpu.wait_dma2 semaphore(%arg11 : memref<!tpu.dma_semaphore, #tpu.memory_space<semaphore_mem>>) src(%dma_wait3A_717 : memref<16x128xf32, #tpu.memory_space<vmem>>) dst(%dma_wait3A_713 : memref<16x128xf32, #tpu.memory_space<vmem_shared>>)
        %dma_wait3A_718 = arith.constant 0 : i32
        %dma_wait3A_719 = arith.constant 0 : i32
        %dma_wait3A_720 = arith.constant 0 : i32
        %dma_wait3A_721 = tpu.memref_slice %arg8[%dma_wait3A_718, %dma_wait3A_719, %dma_wait3A_720] : memref<10x16x128xf32, #tpu.memory_space<vmem>> -> memref<1x16x128xf32, #tpu.memory_space<vmem>>
        %dma_wait3A_722 = tpu.memref_squeeze %dma_wait3A_721 : memref<1x16x128xf32, #tpu.memory_space<vmem>> -> memref<16x128xf32, #tpu.memory_space<vmem>>
        %dma_wait3A_723 = arith.constant 0 : i32
        %dma_wait3A_724 = arith.constant 0 : i32
        %dma_wait3A_725 = tpu.memref_slice %arg9[%dma_wait3A_723, %dma_wait3A_724] : memref<10240x128xf32, #tpu.memory_space<vmem_shared>> -> memref<16x128xf32, #tpu.memory_space<vmem_shared>>
        %dma_wait3A_726 = arith.constant 0 : i32
        %dma_wait3A_727 = arith.constant 0 : i32
        %dma_wait3A_728 = tpu.memref_slice %arg9[%dma_wait3A_726, %dma_wait3A_727] : memref<10240x128xf32, #tpu.memory_space<vmem_shared>> -> memref<16x128xf32, #tpu.memory_space<vmem_shared>>
        %dma_wait3A_729 = arith.constant 0 : i32
        %dma_wait3A_730 = arith.constant 0 : i32
        %dma_wait3A_731 = tpu.memref_slice %arg8[%dma_wait3A_718, %dma_wait3A_729, %dma_wait3A_730] : memref<10x16x128xf32, #tpu.memory_space<vmem>> -> memref<1x16x128xf32, #tpu.memory_space<vmem>>
        %dma_wait3A_732 = tpu.memref_squeeze %dma_wait3A_731 : memref<1x16x128xf32, #tpu.memory_space<vmem>> -> memref<16x128xf32, #tpu.memory_space<vmem>>
        tpu.wait_dma2 semaphore(%arg11 : memref<!tpu.dma_semaphore, #tpu.memory_space<semaphore_mem>>) src(%dma_wait3A_732 : memref<16x128xf32, #tpu.memory_space<vmem>>) dst(%dma_wait3A_728 : memref<16x128xf32, #tpu.memory_space<vmem_shared>>)
        %dma_wait3A_733 = arith.constant 0 : i32
        %dma_wait3A_734 = arith.constant 0 : i32
        %dma_wait3A_735 = arith.constant 0 : i32
        %dma_wait3A_736 = tpu.memref_slice %arg8[%dma_wait3A_733, %dma_wait3A_734, %dma_wait3A_735] : memref<10x16x128xf32, #tpu.memory_space<vmem>> -> memref<1x16x128xf32, #tpu.memory_space<vmem>>
        %dma_wait3A_737 = tpu.memref_squeeze %dma_wait3A_736 : memref<1x16x128xf32, #tpu.memory_space<vmem>> -> memref<16x128xf32, #tpu.memory_space<vmem>>
        %dma_wait3A_738 = arith.constant 0 : i32
        %dma_wait3A_739 = arith.constant 0 : i32
        %dma_wait3A_740 = tpu.memref_slice %arg9[%dma_wait3A_738, %dma_wait3A_739] : memref<10240x128xf32, #tpu.memory_space<vmem_shared>> -> memref<16x128xf32, #tpu.memory_space<vmem_shared>>
        %dma_wait3A_741 = arith.constant 0 : i32
        %dma_wait3A_742 = arith.constant 0 : i32
        %dma_wait3A_743 = tpu.memref_slice %arg9[%dma_wait3A_741, %dma_wait3A_742] : memref<10240x128xf32, #tpu.memory_space<vmem_shared>> -> memref<16x128xf32, #tpu.memory_space<vmem_shared>>
        %dma_wait3A_744 = arith.constant 0 : i32
        %dma_wait3A_745 = arith.constant 0 : i32
        %dma_wait3A_746 = tpu.memref_slice %arg8[%dma_wait3A_733, %dma_wait3A_744, %dma_wait3A_745] : memref<10x16x128xf32, #tpu.memory_space<vmem>> -> memref<1x16x128xf32, #tpu.memory_space<vmem>>
        %dma_wait3A_747 = tpu.memref_squeeze %dma_wait3A_746 : memref<1x16x128xf32, #tpu.memory_space<vmem>> -> memref<16x128xf32, #tpu.memory_space<vmem>>
        tpu.wait_dma2 semaphore(%arg11 : memref<!tpu.dma_semaphore, #tpu.memory_space<semaphore_mem>>) src(%dma_wait3A_747 : memref<16x128xf32, #tpu.memory_space<vmem>>) dst(%dma_wait3A_743 : memref<16x128xf32, #tpu.memory_space<vmem_shared>>)
      } else {
      }
      %mul3A_170 = arith.constant 10 : i32
      %mul3A_171 = arith.muli %scan3A_167, %mul3A_170 : i32
      %add3A_172 = arith.constant 0 : i32
      %add3A_173 = arith.addi %mul3A_171, %add3A_172 : i32
      %mul3A_174 = arith.constant 16 : i32
      %mul3A_175 = arith.muli %add3A_173, %mul3A_174 : i32
      %dma_start3A = arith.constant 0 : i32
      %dma_start3A_176 = arith.constant 0 : i32
      %dma_start3A_177 = arith.constant 0 : i32
      %dma_start3A_178 = tpu.memref_slice %arg8[%dma_start3A, %dma_start3A_176, %dma_start3A_177] : memref<10x16x128xf32, #tpu.memory_space<vmem>> -> memref<1x16x128xf32, #tpu.memory_space<vmem>>
      %dma_start3A_179 = tpu.memref_squeeze %dma_start3A_178 : memref<1x16x128xf32, #tpu.memory_space<vmem>> -> memref<16x128xf32, #tpu.memory_space<vmem>>
      %dma_start3A_180 = tpu.memref_slice %arg6[%mul3A_175] : memref<10240xi32, #tpu.memory_space<vmem>> -> memref<16xi32, #tpu.memory_space<vmem>>
      %dma_start3A_181 = arith.constant 0 : i32
      %dma_start3A_182 = arith.constant 0 : i32
      %dma_start3A_183 = tpu.memref_slice %arg2[%dma_start3A_181, %dma_start3A_182] : memref<10000x128xf32, #tpu.memory_space<hbm>> -> memref<10000x128xf32, #tpu.memory_space<hbm>>
      tpu.enqueue_indirect_dma source(%dma_start3A_183 : memref<10000x128xf32, #tpu.memory_space<hbm>>) target(%dma_start3A_179 : memref<16x128xf32, #tpu.memory_space<vmem>>) offsets(%dma_start3A_180 : memref<16xi32, #tpu.memory_space<vmem>>) semaphore(%arg10 : memref<!tpu.dma_semaphore, #tpu.memory_space<semaphore_mem>>)
      %mul3A_184 = arith.constant 10 : i32
      %mul3A_185 = arith.muli %scan3A_167, %mul3A_184 : i32
      %add3A_186 = arith.constant 1 : i32
      %add3A_187 = arith.addi %mul3A_185, %add3A_186 : i32
      %mul3A_188 = arith.constant 16 : i32
      %mul3A_189 = arith.muli %add3A_187, %mul3A_188 : i32
      %dma_start3A_190 = arith.constant 1 : i32
      %dma_start3A_191 = arith.constant 0 : i32
      %dma_start3A_192 = arith.constant 0 : i32
      %dma_start3A_193 = tpu.memref_slice %arg8[%dma_start3A_190, %dma_start3A_191, %dma_start3A_192] : memref<10x16x128xf32, #tpu.memory_space<vmem>> -> memref<1x16x128xf32, #tpu.memory_space<vmem>>
      %dma_start3A_194 = tpu.memref_squeeze %dma_start3A_193 : memref<1x16x128xf32, #tpu.memory_space<vmem>> -> memref<16x128xf32, #tpu.memory_space<vmem>>
      %dma_start3A_195 = tpu.memref_slice %arg6[%mul3A_189] : memref<10240xi32, #tpu.memory_space<vmem>> -> memref<16xi32, #tpu.memory_space<vmem>>
      %dma_start3A_196 = arith.constant 0 : i32
      %dma_start3A_197 = arith.constant 0 : i32
      %dma_start3A_198 = tpu.memref_slice %arg2[%dma_start3A_196, %dma_start3A_197] : memref<10000x128xf32, #tpu.memory_space<hbm>> -> memref<10000x128xf32, #tpu.memory_space<hbm>>
      tpu.enqueue_indirect_dma source(%dma_start3A_198 : memref<10000x128xf32, #tpu.memory_space<hbm>>) target(%dma_start3A_194 : memref<16x128xf32, #tpu.memory_space<vmem>>) offsets(%dma_start3A_195 : memref<16xi32, #tpu.memory_space<vmem>>) semaphore(%arg10 : memref<!tpu.dma_semaphore, #tpu.memory_space<semaphore_mem>>)
      %mul3A_199 = arith.constant 10 : i32
      %mul3A_200 = arith.muli %scan3A_167, %mul3A_199 : i32
      %add3A_201 = arith.constant 2 : i32
      %add3A_202 = arith.addi %mul3A_200, %add3A_201 : i32
      %mul3A_203 = arith.constant 16 : i32
      %mul3A_204 = arith.muli %add3A_202, %mul3A_203 : i32
      %dma_start3A_205 = arith.constant 2 : i32
      %dma_start3A_206 = arith.constant 0 : i32
      %dma_start3A_207 = arith.constant 0 : i32
      %dma_start3A_208 = tpu.memref_slice %arg8[%dma_start3A_205, %dma_start3A_206, %dma_start3A_207] : memref<10x16x128xf32, #tpu.memory_space<vmem>> -> memref<1x16x128xf32, #tpu.memory_space<vmem>>
      %dma_start3A_209 = tpu.memref_squeeze %dma_start3A_208 : memref<1x16x128xf32, #tpu.memory_space<vmem>> -> memref<16x128xf32, #tpu.memory_space<vmem>>
      %dma_start3A_210 = tpu.memref_slice %arg6[%mul3A_204] : memref<10240xi32, #tpu.memory_space<vmem>> -> memref<16xi32, #tpu.memory_space<vmem>>
      %dma_start3A_211 = arith.constant 0 : i32
      %dma_start3A_212 = arith.constant 0 : i32
      %dma_start3A_213 = tpu.memref_slice %arg2[%dma_start3A_211, %dma_start3A_212] : memref<10000x128xf32, #tpu.memory_space<hbm>> -> memref<10000x128xf32, #tpu.memory_space<hbm>>
      tpu.enqueue_indirect_dma source(%dma_start3A_213 : memref<10000x128xf32, #tpu.memory_space<hbm>>) target(%dma_start3A_209 : memref<16x128xf32, #tpu.memory_space<vmem>>) offsets(%dma_start3A_210 : memref<16xi32, #tpu.memory_space<vmem>>) semaphore(%arg10 : memref<!tpu.dma_semaphore, #tpu.memory_space<semaphore_mem>>)
      %mul3A_214 = arith.constant 10 : i32
      %mul3A_215 = arith.muli %scan3A_167, %mul3A_214 : i32
      %add3A_216 = arith.constant 3 : i32
      %add3A_217 = arith.addi %mul3A_215, %add3A_216 : i32
      %mul3A_218 = arith.constant 16 : i32
      %mul3A_219 = arith.muli %add3A_217, %mul3A_218 : i32
      %dma_start3A_220 = arith.constant 3 : i32
      %dma_start3A_221 = arith.constant 0 : i32
      %dma_start3A_222 = arith.constant 0 : i32
      %dma_start3A_223 = tpu.memref_slice %arg8[%dma_start3A_220, %dma_start3A_221, %dma_start3A_222] : memref<10x16x128xf32, #tpu.memory_space<vmem>> -> memref<1x16x128xf32, #tpu.memory_space<vmem>>
      %dma_start3A_224 = tpu.memref_squeeze %dma_start3A_223 : memref<1x16x128xf32, #tpu.memory_space<vmem>> -> memref<16x128xf32, #tpu.memory_space<vmem>>
      %dma_start3A_225 = tpu.memref_slice %arg6[%mul3A_219] : memref<10240xi32, #tpu.memory_space<vmem>> -> memref<16xi32, #tpu.memory_space<vmem>>
      %dma_start3A_226 = arith.constant 0 : i32
      %dma_start3A_227 = arith.constant 0 : i32
      %dma_start3A_228 = tpu.memref_slice %arg2[%dma_start3A_226, %dma_start3A_227] : memref<10000x128xf32, #tpu.memory_space<hbm>> -> memref<10000x128xf32, #tpu.memory_space<hbm>>
      tpu.enqueue_indirect_dma source(%dma_start3A_228 : memref<10000x128xf32, #tpu.memory_space<hbm>>) target(%dma_start3A_224 : memref<16x128xf32, #tpu.memory_space<vmem>>) offsets(%dma_start3A_225 : memref<16xi32, #tpu.memory_space<vmem>>) semaphore(%arg10 : memref<!tpu.dma_semaphore, #tpu.memory_space<semaphore_mem>>)
      %mul3A_229 = arith.constant 10 : i32
      %mul3A_230 = arith.muli %scan3A_167, %mul3A_229 : i32
      %add3A_231 = arith.constant 4 : i32
      %add3A_232 = arith.addi %mul3A_230, %add3A_231 : i32
      %mul3A_233 = arith.constant 16 : i32
      %mul3A_234 = arith.muli %add3A_232, %mul3A_233 : i32
      %dma_start3A_235 = arith.constant 4 : i32
      %dma_start3A_236 = arith.constant 0 : i32
      %dma_start3A_237 = arith.constant 0 : i32
      %dma_start3A_238 = tpu.memref_slice %arg8[%dma_start3A_235, %dma_start3A_236, %dma_start3A_237] : memref<10x16x128xf32, #tpu.memory_space<vmem>> -> memref<1x16x128xf32, #tpu.memory_space<vmem>>
      %dma_start3A_239 = tpu.memref_squeeze %dma_start3A_238 : memref<1x16x128xf32, #tpu.memory_space<vmem>> -> memref<16x128xf32, #tpu.memory_space<vmem>>
      %dma_start3A_240 = tpu.memref_slice %arg6[%mul3A_234] : memref<10240xi32, #tpu.memory_space<vmem>> -> memref<16xi32, #tpu.memory_space<vmem>>
      %dma_start3A_241 = arith.constant 0 : i32
      %dma_start3A_242 = arith.constant 0 : i32
      %dma_start3A_243 = tpu.memref_slice %arg2[%dma_start3A_241, %dma_start3A_242] : memref<10000x128xf32, #tpu.memory_space<hbm>> -> memref<10000x128xf32, #tpu.memory_space<hbm>>
      tpu.enqueue_indirect_dma source(%dma_start3A_243 : memref<10000x128xf32, #tpu.memory_space<hbm>>) target(%dma_start3A_239 : memref<16x128xf32, #tpu.memory_space<vmem>>) offsets(%dma_start3A_240 : memref<16xi32, #tpu.memory_space<vmem>>) semaphore(%arg10 : memref<!tpu.dma_semaphore, #tpu.memory_space<semaphore_mem>>)
      %mul3A_244 = arith.constant 10 : i32
      %mul3A_245 = arith.muli %scan3A_167, %mul3A_244 : i32
      %add3A_246 = arith.constant 5 : i32
      %add3A_247 = arith.addi %mul3A_245, %add3A_246 : i32
      %mul3A_248 = arith.constant 16 : i32
      %mul3A_249 = arith.muli %add3A_247, %mul3A_248 : i32
      %dma_start3A_250 = arith.constant 5 : i32
      %dma_start3A_251 = arith.constant 0 : i32
      %dma_start3A_252 = arith.constant 0 : i32
      %dma_start3A_253 = tpu.memref_slice %arg8[%dma_start3A_250, %dma_start3A_251, %dma_start3A_252] : memref<10x16x128xf32, #tpu.memory_space<vmem>> -> memref<1x16x128xf32, #tpu.memory_space<vmem>>
      %dma_start3A_254 = tpu.memref_squeeze %dma_start3A_253 : memref<1x16x128xf32, #tpu.memory_space<vmem>> -> memref<16x128xf32, #tpu.memory_space<vmem>>
      %dma_start3A_255 = tpu.memref_slice %arg6[%mul3A_249] : memref<10240xi32, #tpu.memory_space<vmem>> -> memref<16xi32, #tpu.memory_space<vmem>>
      %dma_start3A_256 = arith.constant 0 : i32
      %dma_start3A_257 = arith.constant 0 : i32
      %dma_start3A_258 = tpu.memref_slice %arg2[%dma_start3A_256, %dma_start3A_257] : memref<10000x128xf32, #tpu.memory_space<hbm>> -> memref<10000x128xf32, #tpu.memory_space<hbm>>
      tpu.enqueue_indirect_dma source(%dma_start3A_258 : memref<10000x128xf32, #tpu.memory_space<hbm>>) target(%dma_start3A_254 : memref<16x128xf32, #tpu.memory_space<vmem>>) offsets(%dma_start3A_255 : memref<16xi32, #tpu.memory_space<vmem>>) semaphore(%arg10 : memref<!tpu.dma_semaphore, #tpu.memory_space<semaphore_mem>>)
      %mul3A_259 = arith.constant 10 : i32
      %mul3A_260 = arith.muli %scan3A_167, %mul3A_259 : i32
      %add3A_261 = arith.constant 6 : i32
      %add3A_262 = arith.addi %mul3A_260, %add3A_261 : i32
      %mul3A_263 = arith.constant 16 : i32
      %mul3A_264 = arith.muli %add3A_262, %mul3A_263 : i32
      %dma_start3A_265 = arith.constant 6 : i32
      %dma_start3A_266 = arith.constant 0 : i32
      %dma_start3A_267 = arith.constant 0 : i32
      %dma_start3A_268 = tpu.memref_slice %arg8[%dma_start3A_265, %dma_start3A_266, %dma_start3A_267] : memref<10x16x128xf32, #tpu.memory_space<vmem>> -> memref<1x16x128xf32, #tpu.memory_space<vmem>>
      %dma_start3A_269 = tpu.memref_squeeze %dma_start3A_268 : memref<1x16x128xf32, #tpu.memory_space<vmem>> -> memref<16x128xf32, #tpu.memory_space<vmem>>
      %dma_start3A_270 = tpu.memref_slice %arg6[%mul3A_264] : memref<10240xi32, #tpu.memory_space<vmem>> -> memref<16xi32, #tpu.memory_space<vmem>>
      %dma_start3A_271 = arith.constant 0 : i32
      %dma_start3A_272 = arith.constant 0 : i32
      %dma_start3A_273 = tpu.memref_slice %arg2[%dma_start3A_271, %dma_start3A_272] : memref<10000x128xf32, #tpu.memory_space<hbm>> -> memref<10000x128xf32, #tpu.memory_space<hbm>>
      tpu.enqueue_indirect_dma source(%dma_start3A_273 : memref<10000x128xf32, #tpu.memory_space<hbm>>) target(%dma_start3A_269 : memref<16x128xf32, #tpu.memory_space<vmem>>) offsets(%dma_start3A_270 : memref<16xi32, #tpu.memory_space<vmem>>) semaphore(%arg10 : memref<!tpu.dma_semaphore, #tpu.memory_space<semaphore_mem>>)
      %mul3A_274 = arith.constant 10 : i32
      %mul3A_275 = arith.muli %scan3A_167, %mul3A_274 : i32
      %add3A_276 = arith.constant 7 : i32
      %add3A_277 = arith.addi %mul3A_275, %add3A_276 : i32
      %mul3A_278 = arith.constant 16 : i32
      %mul3A_279 = arith.muli %add3A_277, %mul3A_278 : i32
      %dma_start3A_280 = arith.constant 7 : i32
      %dma_start3A_281 = arith.constant 0 : i32
      %dma_start3A_282 = arith.constant 0 : i32
      %dma_start3A_283 = tpu.memref_slice %arg8[%dma_start3A_280, %dma_start3A_281, %dma_start3A_282] : memref<10x16x128xf32, #tpu.memory_space<vmem>> -> memref<1x16x128xf32, #tpu.memory_space<vmem>>
      %dma_start3A_284 = tpu.memref_squeeze %dma_start3A_283 : memref<1x16x128xf32, #tpu.memory_space<vmem>> -> memref<16x128xf32, #tpu.memory_space<vmem>>
      %dma_start3A_285 = tpu.memref_slice %arg6[%mul3A_279] : memref<10240xi32, #tpu.memory_space<vmem>> -> memref<16xi32, #tpu.memory_space<vmem>>
      %dma_start3A_286 = arith.constant 0 : i32
      %dma_start3A_287 = arith.constant 0 : i32
      %dma_start3A_288 = tpu.memref_slice %arg2[%dma_start3A_286, %dma_start3A_287] : memref<10000x128xf32, #tpu.memory_space<hbm>> -> memref<10000x128xf32, #tpu.memory_space<hbm>>
      tpu.enqueue_indirect_dma source(%dma_start3A_288 : memref<10000x128xf32, #tpu.memory_space<hbm>>) target(%dma_start3A_284 : memref<16x128xf32, #tpu.memory_space<vmem>>) offsets(%dma_start3A_285 : memref<16xi32, #tpu.memory_space<vmem>>) semaphore(%arg10 : memref<!tpu.dma_semaphore, #tpu.memory_space<semaphore_mem>>)
      %mul3A_289 = arith.constant 10 : i32
      %mul3A_290 = arith.muli %scan3A_167, %mul3A_289 : i32
      %add3A_291 = arith.constant 8 : i32
      %add3A_292 = arith.addi %mul3A_290, %add3A_291 : i32
      %mul3A_293 = arith.constant 16 : i32
      %mul3A_294 = arith.muli %add3A_292, %mul3A_293 : i32
      %dma_start3A_295 = arith.constant 8 : i32
      %dma_start3A_296 = arith.constant 0 : i32
      %dma_start3A_297 = arith.constant 0 : i32
      %dma_start3A_298 = tpu.memref_slice %arg8[%dma_start3A_295, %dma_start3A_296, %dma_start3A_297] : memref<10x16x128xf32, #tpu.memory_space<vmem>> -> memref<1x16x128xf32, #tpu.memory_space<vmem>>
      %dma_start3A_299 = tpu.memref_squeeze %dma_start3A_298 : memref<1x16x128xf32, #tpu.memory_space<vmem>> -> memref<16x128xf32, #tpu.memory_space<vmem>>
      %dma_start3A_300 = tpu.memref_slice %arg6[%mul3A_294] : memref<10240xi32, #tpu.memory_space<vmem>> -> memref<16xi32, #tpu.memory_space<vmem>>
      %dma_start3A_301 = arith.constant 0 : i32
      %dma_start3A_302 = arith.constant 0 : i32
      %dma_start3A_303 = tpu.memref_slice %arg2[%dma_start3A_301, %dma_start3A_302] : memref<10000x128xf32, #tpu.memory_space<hbm>> -> memref<10000x128xf32, #tpu.memory_space<hbm>>
      tpu.enqueue_indirect_dma source(%dma_start3A_303 : memref<10000x128xf32, #tpu.memory_space<hbm>>) target(%dma_start3A_299 : memref<16x128xf32, #tpu.memory_space<vmem>>) offsets(%dma_start3A_300 : memref<16xi32, #tpu.memory_space<vmem>>) semaphore(%arg10 : memref<!tpu.dma_semaphore, #tpu.memory_space<semaphore_mem>>)
      %mul3A_304 = arith.constant 10 : i32
      %mul3A_305 = arith.muli %scan3A_167, %mul3A_304 : i32
      %add3A_306 = arith.constant 9 : i32
      %add3A_307 = arith.addi %mul3A_305, %add3A_306 : i32
      %mul3A_308 = arith.constant 16 : i32
      %mul3A_309 = arith.muli %add3A_307, %mul3A_308 : i32
      %dma_start3A_310 = arith.constant 9 : i32
      %dma_start3A_311 = arith.constant 0 : i32
      %dma_start3A_312 = arith.constant 0 : i32
      %dma_start3A_313 = tpu.memref_slice %arg8[%dma_start3A_310, %dma_start3A_311, %dma_start3A_312] : memref<10x16x128xf32, #tpu.memory_space<vmem>> -> memref<1x16x128xf32, #tpu.memory_space<vmem>>
      %dma_start3A_314 = tpu.memref_squeeze %dma_start3A_313 : memref<1x16x128xf32, #tpu.memory_space<vmem>> -> memref<16x128xf32, #tpu.memory_space<vmem>>
      %dma_start3A_315 = tpu.memref_slice %arg6[%mul3A_309] : memref<10240xi32, #tpu.memory_space<vmem>> -> memref<16xi32, #tpu.memory_space<vmem>>
      %dma_start3A_316 = arith.constant 0 : i32
      %dma_start3A_317 = arith.constant 0 : i32
      %dma_start3A_318 = tpu.memref_slice %arg2[%dma_start3A_316, %dma_start3A_317] : memref<10000x128xf32, #tpu.memory_space<hbm>> -> memref<10000x128xf32, #tpu.memory_space<hbm>>
      tpu.enqueue_indirect_dma source(%dma_start3A_318 : memref<10000x128xf32, #tpu.memory_space<hbm>>) target(%dma_start3A_314 : memref<16x128xf32, #tpu.memory_space<vmem>>) offsets(%dma_start3A_315 : memref<16xi32, #tpu.memory_space<vmem>>) semaphore(%arg10 : memref<!tpu.dma_semaphore, #tpu.memory_space<semaphore_mem>>)
      %dma_wait3A_319 = arith.constant 0 : i32
      %dma_wait3A_320 = arith.constant 0 : i32
      %dma_wait3A_321 = arith.constant 0 : i32
      %dma_wait3A_322 = tpu.memref_slice %arg8[%dma_wait3A_319, %dma_wait3A_320, %dma_wait3A_321] : memref<10x16x128xf32, #tpu.memory_space<vmem>> -> memref<1x16x128xf32, #tpu.memory_space<vmem>>
      %dma_wait3A_323 = tpu.memref_squeeze %dma_wait3A_322 : memref<1x16x128xf32, #tpu.memory_space<vmem>> -> memref<16x128xf32, #tpu.memory_space<vmem>>
      %dma_wait3A_324 = tpu.memref_slice %arg6[%mul3A_175] : memref<10240xi32, #tpu.memory_space<vmem>> -> memref<16xi32, #tpu.memory_space<vmem>>
      %dma_wait3A_325 = arith.constant 0 : i32
      %dma_wait3A_326 = arith.constant 0 : i32
      %dma_wait3A_327 = tpu.memref_slice %arg2[%dma_wait3A_325, %dma_wait3A_326] : memref<10000x128xf32, #tpu.memory_space<hbm>> -> memref<10000x128xf32, #tpu.memory_space<hbm>>
      tpu.wait_indirect_dma semaphore(%arg10 : memref<!tpu.dma_semaphore, #tpu.memory_space<semaphore_mem>>) src(%dma_wait3A_327 : memref<10000x128xf32, #tpu.memory_space<hbm>>) dst(%dma_wait3A_323 : memref<16x128xf32, #tpu.memory_space<vmem>>)
      %mul3A_328 = arith.constant 10 : i32
      %mul3A_329 = arith.muli %scan3A_167, %mul3A_328 : i32
      %add3A_330 = arith.constant 0 : i32
      %add3A_331 = arith.addi %mul3A_329, %add3A_330 : i32
      %mul3A_332 = arith.constant 16 : i32
      %mul3A_333 = arith.muli %add3A_331, %mul3A_332 : i32
      %add3A_334 = arith.constant 0 : i32
      %add3A_335 = arith.addi %mul3A_333, %add3A_334 : i32
      %get3A = arith.index_cast %add3A_335 : i32 to index
      %get3A_336 = tpu.vector_load %arg7[%get3A] {strides = array<i32>} : memref<10240xi32, #tpu.memory_space<vmem>>, vector<16xi32>,
      %get3A_337 = vector.shape_cast %get3A_336 : vector<16xi32> to vector<16xi32>
      %dma_start3A_338 = arith.constant 0 : i32
      %dma_start3A_339 = arith.constant 0 : i32
      %dma_start3A_340 = arith.constant 0 : i32
      %dma_start3A_341 = tpu.memref_slice %arg8[%dma_start3A_338, %dma_start3A_339, %dma_start3A_340] : memref<10x16x128xf32, #tpu.memory_space<vmem>> -> memref<1x16x128xf32, #tpu.memory_space<vmem>>
      %dma_start3A_342 = tpu.memref_squeeze %dma_start3A_341 : memref<1x16x128xf32, #tpu.memory_space<vmem>> -> memref<16x128xf32, #tpu.memory_space<vmem>>
      %dma_start3A_343 = arith.constant 0 : i32
      %dma_start3A_344 = arith.constant 0 : i32
      %dma_start3A_345 = tpu.memref_slice %arg9[%dma_start3A_343, %dma_start3A_344] : memref<10240x128xf32, #tpu.memory_space<vmem_shared>> -> memref<10240x128xf32, #tpu.memory_space<vmem_shared>>
      tpu.enqueue_indirect_dma source(%dma_start3A_342 : memref<16x128xf32, #tpu.memory_space<vmem>>) target(%dma_start3A_345 : memref<10240x128xf32, #tpu.memory_space<vmem_shared>>) offsets(%get3A_337 : vector<16xi32>) semaphore(%arg11 : memref<!tpu.dma_semaphore, #tpu.memory_space<semaphore_mem>>) {add = true}
      %dma_wait3A_346 = arith.constant 1 : i32
      %dma_wait3A_347 = arith.constant 0 : i32
      %dma_wait3A_348 = arith.constant 0 : i32
      %dma_wait3A_349 = tpu.memref_slice %arg8[%dma_wait3A_346, %dma_wait3A_347, %dma_wait3A_348] : memref<10x16x128xf32, #tpu.memory_space<vmem>> -> memref<1x16x128xf32, #tpu.memory_space<vmem>>
      %dma_wait3A_350 = tpu.memref_squeeze %dma_wait3A_349 : memref<1x16x128xf32, #tpu.memory_space<vmem>> -> memref<16x128xf32, #tpu.memory_space<vmem>>
      %dma_wait3A_351 = tpu.memref_slice %arg6[%mul3A_189] : memref<10240xi32, #tpu.memory_space<vmem>> -> memref<16xi32, #tpu.memory_space<vmem>>
      %dma_wait3A_352 = arith.constant 0 : i32
      %dma_wait3A_353 = arith.constant 0 : i32
      %dma_wait3A_354 = tpu.memref_slice %arg2[%dma_wait3A_352, %dma_wait3A_353] : memref<10000x128xf32, #tpu.memory_space<hbm>> -> memref<10000x128xf32, #tpu.memory_space<hbm>>
      tpu.wait_indirect_dma semaphore(%arg10 : memref<!tpu.dma_semaphore, #tpu.memory_space<semaphore_mem>>) src(%dma_wait3A_354 : memref<10000x128xf32, #tpu.memory_space<hbm>>) dst(%dma_wait3A_350 : memref<16x128xf32, #tpu.memory_space<vmem>>)
      %mul3A_355 = arith.constant 10 : i32
      %mul3A_356 = arith.muli %scan3A_167, %mul3A_355 : i32
      %add3A_357 = arith.constant 1 : i32
      %add3A_358 = arith.addi %mul3A_356, %add3A_357 : i32
      %mul3A_359 = arith.constant 16 : i32
      %mul3A_360 = arith.muli %add3A_358, %mul3A_359 : i32
      %add3A_361 = arith.constant 0 : i32
      %add3A_362 = arith.addi %mul3A_360, %add3A_361 : i32
      %get3A_363 = arith.index_cast %add3A_362 : i32 to index
      %get3A_364 = tpu.vector_load %arg7[%get3A_363] {strides = array<i32>} : memref<10240xi32, #tpu.memory_space<vmem>>, vector<16xi32>,
      %get3A_365 = vector.shape_cast %get3A_364 : vector<16xi32> to vector<16xi32>
      %dma_start3A_366 = arith.constant 1 : i32
      %dma_start3A_367 = arith.constant 0 : i32
      %dma_start3A_368 = arith.constant 0 : i32
      %dma_start3A_369 = tpu.memref_slice %arg8[%dma_start3A_366, %dma_start3A_367, %dma_start3A_368] : memref<10x16x128xf32, #tpu.memory_space<vmem>> -> memref<1x16x128xf32, #tpu.memory_space<vmem>>
      %dma_start3A_370 = tpu.memref_squeeze %dma_start3A_369 : memref<1x16x128xf32, #tpu.memory_space<vmem>> -> memref<16x128xf32, #tpu.memory_space<vmem>>
      %dma_start3A_371 = arith.constant 0 : i32
      %dma_start3A_372 = arith.constant 0 : i32
      %dma_start3A_373 = tpu.memref_slice %arg9[%dma_start3A_371, %dma_start3A_372] : memref<10240x128xf32, #tpu.memory_space<vmem_shared>> -> memref<10240x128xf32, #tpu.memory_space<vmem_shared>>
      tpu.enqueue_indirect_dma source(%dma_start3A_370 : memref<16x128xf32, #tpu.memory_space<vmem>>) target(%dma_start3A_373 : memref<10240x128xf32, #tpu.memory_space<vmem_shared>>) offsets(%get3A_365 : vector<16xi32>) semaphore(%arg11 : memref<!tpu.dma_semaphore, #tpu.memory_space<semaphore_mem>>) {add = true}
      %dma_wait3A_374 = arith.constant 2 : i32
      %dma_wait3A_375 = arith.constant 0 : i32
      %dma_wait3A_376 = arith.constant 0 : i32
      %dma_wait3A_377 = tpu.memref_slice %arg8[%dma_wait3A_374, %dma_wait3A_375, %dma_wait3A_376] : memref<10x16x128xf32, #tpu.memory_space<vmem>> -> memref<1x16x128xf32, #tpu.memory_space<vmem>>
      %dma_wait3A_378 = tpu.memref_squeeze %dma_wait3A_377 : memref<1x16x128xf32, #tpu.memory_space<vmem>> -> memref<16x128xf32, #tpu.memory_space<vmem>>
      %dma_wait3A_379 = tpu.memref_slice %arg6[%mul3A_204] : memref<10240xi32, #tpu.memory_space<vmem>> -> memref<16xi32, #tpu.memory_space<vmem>>
      %dma_wait3A_380 = arith.constant 0 : i32
      %dma_wait3A_381 = arith.constant 0 : i32
      %dma_wait3A_382 = tpu.memref_slice %arg2[%dma_wait3A_380, %dma_wait3A_381] : memref<10000x128xf32, #tpu.memory_space<hbm>> -> memref<10000x128xf32, #tpu.memory_space<hbm>>
      tpu.wait_indirect_dma semaphore(%arg10 : memref<!tpu.dma_semaphore, #tpu.memory_space<semaphore_mem>>) src(%dma_wait3A_382 : memref<10000x128xf32, #tpu.memory_space<hbm>>) dst(%dma_wait3A_378 : memref<16x128xf32, #tpu.memory_space<vmem>>)
      %mul3A_383 = arith.constant 10 : i32
      %mul3A_384 = arith.muli %scan3A_167, %mul3A_383 : i32
      %add3A_385 = arith.constant 2 : i32
      %add3A_386 = arith.addi %mul3A_384, %add3A_385 : i32
      %mul3A_387 = arith.constant 16 : i32
      %mul3A_388 = arith.muli %add3A_386, %mul3A_387 : i32
      %add3A_389 = arith.constant 0 : i32
      %add3A_390 = arith.addi %mul3A_388, %add3A_389 : i32
      %get3A_391 = arith.index_cast %add3A_390 : i32 to index
      %get3A_392 = tpu.vector_load %arg7[%get3A_391] {strides = array<i32>} : memref<10240xi32, #tpu.memory_space<vmem>>, vector<16xi32>,
      %get3A_393 = vector.shape_cast %get3A_392 : vector<16xi32> to vector<16xi32>
      %dma_start3A_394 = arith.constant 2 : i32
      %dma_start3A_395 = arith.constant 0 : i32
      %dma_start3A_396 = arith.constant 0 : i32
      %dma_start3A_397 = tpu.memref_slice %arg8[%dma_start3A_394, %dma_start3A_395, %dma_start3A_396] : memref<10x16x128xf32, #tpu.memory_space<vmem>> -> memref<1x16x128xf32, #tpu.memory_space<vmem>>
      %dma_start3A_398 = tpu.memref_squeeze %dma_start3A_397 : memref<1x16x128xf32, #tpu.memory_space<vmem>> -> memref<16x128xf32, #tpu.memory_space<vmem>>
      %dma_start3A_399 = arith.constant 0 : i32
      %dma_start3A_400 = arith.constant 0 : i32
      %dma_start3A_401 = tpu.memref_slice %arg9[%dma_start3A_399, %dma_start3A_400] : memref<10240x128xf32, #tpu.memory_space<vmem_shared>> -> memref<10240x128xf32, #tpu.memory_space<vmem_shared>>
      tpu.enqueue_indirect_dma source(%dma_start3A_398 : memref<16x128xf32, #tpu.memory_space<vmem>>) target(%dma_start3A_401 : memref<10240x128xf32, #tpu.memory_space<vmem_shared>>) offsets(%get3A_393 : vector<16xi32>) semaphore(%arg11 : memref<!tpu.dma_semaphore, #tpu.memory_space<semaphore_mem>>) {add = true}
      %dma_wait3A_402 = arith.constant 3 : i32
      %dma_wait3A_403 = arith.constant 0 : i32
      %dma_wait3A_404 = arith.constant 0 : i32
      %dma_wait3A_405 = tpu.memref_slice %arg8[%dma_wait3A_402, %dma_wait3A_403, %dma_wait3A_404] : memref<10x16x128xf32, #tpu.memory_space<vmem>> -> memref<1x16x128xf32, #tpu.memory_space<vmem>>
      %dma_wait3A_406 = tpu.memref_squeeze %dma_wait3A_405 : memref<1x16x128xf32, #tpu.memory_space<vmem>> -> memref<16x128xf32, #tpu.memory_space<vmem>>
      %dma_wait3A_407 = tpu.memref_slice %arg6[%mul3A_219] : memref<10240xi32, #tpu.memory_space<vmem>> -> memref<16xi32, #tpu.memory_space<vmem>>
      %dma_wait3A_408 = arith.constant 0 : i32
      %dma_wait3A_409 = arith.constant 0 : i32
      %dma_wait3A_410 = tpu.memref_slice %arg2[%dma_wait3A_408, %dma_wait3A_409] : memref<10000x128xf32, #tpu.memory_space<hbm>> -> memref<10000x128xf32, #tpu.memory_space<hbm>>
      tpu.wait_indirect_dma semaphore(%arg10 : memref<!tpu.dma_semaphore, #tpu.memory_space<semaphore_mem>>) src(%dma_wait3A_410 : memref<10000x128xf32, #tpu.memory_space<hbm>>) dst(%dma_wait3A_406 : memref<16x128xf32, #tpu.memory_space<vmem>>)
      %mul3A_411 = arith.constant 10 : i32
      %mul3A_412 = arith.muli %scan3A_167, %mul3A_411 : i32
      %add3A_413 = arith.constant 3 : i32
      %add3A_414 = arith.addi %mul3A_412, %add3A_413 : i32
      %mul3A_415 = arith.constant 16 : i32
      %mul3A_416 = arith.muli %add3A_414, %mul3A_415 : i32
      %add3A_417 = arith.constant 0 : i32
      %add3A_418 = arith.addi %mul3A_416, %add3A_417 : i32
      %get3A_419 = arith.index_cast %add3A_418 : i32 to index
      %get3A_420 = tpu.vector_load %arg7[%get3A_419] {strides = array<i32>} : memref<10240xi32, #tpu.memory_space<vmem>>, vector<16xi32>,
      %get3A_421 = vector.shape_cast %get3A_420 : vector<16xi32> to vector<16xi32>
      %dma_start3A_422 = arith.constant 3 : i32
      %dma_start3A_423 = arith.constant 0 : i32
      %dma_start3A_424 = arith.constant 0 : i32
      %dma_start3A_425 = tpu.memref_slice %arg8[%dma_start3A_422, %dma_start3A_423, %dma_start3A_424] : memref<10x16x128xf32, #tpu.memory_space<vmem>> -> memref<1x16x128xf32, #tpu.memory_space<vmem>>
      %dma_start3A_426 = tpu.memref_squeeze %dma_start3A_425 : memref<1x16x128xf32, #tpu.memory_space<vmem>> -> memref<16x128xf32, #tpu.memory_space<vmem>>
      %dma_start3A_427 = arith.constant 0 : i32
      %dma_start3A_428 = arith.constant 0 : i32
      %dma_start3A_429 = tpu.memref_slice %arg9[%dma_start3A_427, %dma_start3A_428] : memref<10240x128xf32, #tpu.memory_space<vmem_shared>> -> memref<10240x128xf32, #tpu.memory_space<vmem_shared>>
      tpu.enqueue_indirect_dma source(%dma_start3A_426 : memref<16x128xf32, #tpu.memory_space<vmem>>) target(%dma_start3A_429 : memref<10240x128xf32, #tpu.memory_space<vmem_shared>>) offsets(%get3A_421 : vector<16xi32>) semaphore(%arg11 : memref<!tpu.dma_semaphore, #tpu.memory_space<semaphore_mem>>) {add = true}
      %dma_wait3A_430 = arith.constant 4 : i32
      %dma_wait3A_431 = arith.constant 0 : i32
      %dma_wait3A_432 = arith.constant 0 : i32
      %dma_wait3A_433 = tpu.memref_slice %arg8[%dma_wait3A_430, %dma_wait3A_431, %dma_wait3A_432] : memref<10x16x128xf32, #tpu.memory_space<vmem>> -> memref<1x16x128xf32, #tpu.memory_space<vmem>>
      %dma_wait3A_434 = tpu.memref_squeeze %dma_wait3A_433 : memref<1x16x128xf32, #tpu.memory_space<vmem>> -> memref<16x128xf32, #tpu.memory_space<vmem>>
      %dma_wait3A_435 = tpu.memref_slice %arg6[%mul3A_234] : memref<10240xi32, #tpu.memory_space<vmem>> -> memref<16xi32, #tpu.memory_space<vmem>>
      %dma_wait3A_436 = arith.constant 0 : i32
      %dma_wait3A_437 = arith.constant 0 : i32
      %dma_wait3A_438 = tpu.memref_slice %arg2[%dma_wait3A_436, %dma_wait3A_437] : memref<10000x128xf32, #tpu.memory_space<hbm>> -> memref<10000x128xf32, #tpu.memory_space<hbm>>
      tpu.wait_indirect_dma semaphore(%arg10 : memref<!tpu.dma_semaphore, #tpu.memory_space<semaphore_mem>>) src(%dma_wait3A_438 : memref<10000x128xf32, #tpu.memory_space<hbm>>) dst(%dma_wait3A_434 : memref<16x128xf32, #tpu.memory_space<vmem>>)
      %mul3A_439 = arith.constant 10 : i32
      %mul3A_440 = arith.muli %scan3A_167, %mul3A_439 : i32
      %add3A_441 = arith.constant 4 : i32
      %add3A_442 = arith.addi %mul3A_440, %add3A_441 : i32
      %mul3A_443 = arith.constant 16 : i32
      %mul3A_444 = arith.muli %add3A_442, %mul3A_443 : i32
      %add3A_445 = arith.constant 0 : i32
      %add3A_446 = arith.addi %mul3A_444, %add3A_445 : i32
      %get3A_447 = arith.index_cast %add3A_446 : i32 to index
      %get3A_448 = tpu.vector_load %arg7[%get3A_447] {strides = array<i32>} : memref<10240xi32, #tpu.memory_space<vmem>>, vector<16xi32>,
      %get3A_449 = vector.shape_cast %get3A_448 : vector<16xi32> to vector<16xi32>
      %dma_start3A_450 = arith.constant 4 : i32
      %dma_start3A_451 = arith.constant 0 : i32
      %dma_start3A_452 = arith.constant 0 : i32
      %dma_start3A_453 = tpu.memref_slice %arg8[%dma_start3A_450, %dma_start3A_451, %dma_start3A_452] : memref<10x16x128xf32, #tpu.memory_space<vmem>> -> memref<1x16x128xf32, #tpu.memory_space<vmem>>
      %dma_start3A_454 = tpu.memref_squeeze %dma_start3A_453 : memref<1x16x128xf32, #tpu.memory_space<vmem>> -> memref<16x128xf32, #tpu.memory_space<vmem>>
      %dma_start3A_455 = arith.constant 0 : i32
      %dma_start3A_456 = arith.constant 0 : i32
      %dma_start3A_457 = tpu.memref_slice %arg9[%dma_start3A_455, %dma_start3A_456] : memref<10240x128xf32, #tpu.memory_space<vmem_shared>> -> memref<10240x128xf32, #tpu.memory_space<vmem_shared>>
      tpu.enqueue_indirect_dma source(%dma_start3A_454 : memref<16x128xf32, #tpu.memory_space<vmem>>) target(%dma_start3A_457 : memref<10240x128xf32, #tpu.memory_space<vmem_shared>>) offsets(%get3A_449 : vector<16xi32>) semaphore(%arg11 : memref<!tpu.dma_semaphore, #tpu.memory_space<semaphore_mem>>) {add = true}
      %dma_wait3A_458 = arith.constant 5 : i32
      %dma_wait3A_459 = arith.constant 0 : i32
      %dma_wait3A_460 = arith.constant 0 : i32
      %dma_wait3A_461 = tpu.memref_slice %arg8[%dma_wait3A_458, %dma_wait3A_459, %dma_wait3A_460] : memref<10x16x128xf32, #tpu.memory_space<vmem>> -> memref<1x16x128xf32, #tpu.memory_space<vmem>>
      %dma_wait3A_462 = tpu.memref_squeeze %dma_wait3A_461 : memref<1x16x128xf32, #tpu.memory_space<vmem>> -> memref<16x128xf32, #tpu.memory_space<vmem>>
      %dma_wait3A_463 = tpu.memref_slice %arg6[%mul3A_249] : memref<10240xi32, #tpu.memory_space<vmem>> -> memref<16xi32, #tpu.memory_space<vmem>>
      %dma_wait3A_464 = arith.constant 0 : i32
      %dma_wait3A_465 = arith.constant 0 : i32
      %dma_wait3A_466 = tpu.memref_slice %arg2[%dma_wait3A_464, %dma_wait3A_465] : memref<10000x128xf32, #tpu.memory_space<hbm>> -> memref<10000x128xf32, #tpu.memory_space<hbm>>
      tpu.wait_indirect_dma semaphore(%arg10 : memref<!tpu.dma_semaphore, #tpu.memory_space<semaphore_mem>>) src(%dma_wait3A_466 : memref<10000x128xf32, #tpu.memory_space<hbm>>) dst(%dma_wait3A_462 : memref<16x128xf32, #tpu.memory_space<vmem>>)
      %mul3A_467 = arith.constant 10 : i32
      %mul3A_468 = arith.muli %scan3A_167, %mul3A_467 : i32
      %add3A_469 = arith.constant 5 : i32
      %add3A_470 = arith.addi %mul3A_468, %add3A_469 : i32
      %mul3A_471 = arith.constant 16 : i32
      %mul3A_472 = arith.muli %add3A_470, %mul3A_471 : i32
      %add3A_473 = arith.constant 0 : i32
      %add3A_474 = arith.addi %mul3A_472, %add3A_473 : i32
      %get3A_475 = arith.index_cast %add3A_474 : i32 to index
      %get3A_476 = tpu.vector_load %arg7[%get3A_475] {strides = array<i32>} : memref<10240xi32, #tpu.memory_space<vmem>>, vector<16xi32>,
      %get3A_477 = vector.shape_cast %get3A_476 : vector<16xi32> to vector<16xi32>
      %dma_start3A_478 = arith.constant 5 : i32
      %dma_start3A_479 = arith.constant 0 : i32
      %dma_start3A_480 = arith.constant 0 : i32
      %dma_start3A_481 = tpu.memref_slice %arg8[%dma_start3A_478, %dma_start3A_479, %dma_start3A_480] : memref<10x16x128xf32, #tpu.memory_space<vmem>> -> memref<1x16x128xf32, #tpu.memory_space<vmem>>
      %dma_start3A_482 = tpu.memref_squeeze %dma_start3A_481 : memref<1x16x128xf32, #tpu.memory_space<vmem>> -> memref<16x128xf32, #tpu.memory_space<vmem>>
      %dma_start3A_483 = arith.constant 0 : i32
      %dma_start3A_484 = arith.constant 0 : i32
      %dma_start3A_485 = tpu.memref_slice %arg9[%dma_start3A_483, %dma_start3A_484] : memref<10240x128xf32, #tpu.memory_space<vmem_shared>> -> memref<10240x128xf32, #tpu.memory_space<vmem_shared>>
      tpu.enqueue_indirect_dma source(%dma_start3A_482 : memref<16x128xf32, #tpu.memory_space<vmem>>) target(%dma_start3A_485 : memref<10240x128xf32, #tpu.memory_space<vmem_shared>>) offsets(%get3A_477 : vector<16xi32>) semaphore(%arg11 : memref<!tpu.dma_semaphore, #tpu.memory_space<semaphore_mem>>) {add = true}
      %dma_wait3A_486 = arith.constant 6 : i32
      %dma_wait3A_487 = arith.constant 0 : i32
      %dma_wait3A_488 = arith.constant 0 : i32
      %dma_wait3A_489 = tpu.memref_slice %arg8[%dma_wait3A_486, %dma_wait3A_487, %dma_wait3A_488] : memref<10x16x128xf32, #tpu.memory_space<vmem>> -> memref<1x16x128xf32, #tpu.memory_space<vmem>>
      %dma_wait3A_490 = tpu.memref_squeeze %dma_wait3A_489 : memref<1x16x128xf32, #tpu.memory_space<vmem>> -> memref<16x128xf32, #tpu.memory_space<vmem>>
      %dma_wait3A_491 = tpu.memref_slice %arg6[%mul3A_264] : memref<10240xi32, #tpu.memory_space<vmem>> -> memref<16xi32, #tpu.memory_space<vmem>>
      %dma_wait3A_492 = arith.constant 0 : i32
      %dma_wait3A_493 = arith.constant 0 : i32
      %dma_wait3A_494 = tpu.memref_slice %arg2[%dma_wait3A_492, %dma_wait3A_493] : memref<10000x128xf32, #tpu.memory_space<hbm>> -> memref<10000x128xf32, #tpu.memory_space<hbm>>
      tpu.wait_indirect_dma semaphore(%arg10 : memref<!tpu.dma_semaphore, #tpu.memory_space<semaphore_mem>>) src(%dma_wait3A_494 : memref<10000x128xf32, #tpu.memory_space<hbm>>) dst(%dma_wait3A_490 : memref<16x128xf32, #tpu.memory_space<vmem>>)
      %mul3A_495 = arith.constant 10 : i32
      %mul3A_496 = arith.muli %scan3A_167, %mul3A_495 : i32
      %add3A_497 = arith.constant 6 : i32
      %add3A_498 = arith.addi %mul3A_496, %add3A_497 : i32
      %mul3A_499 = arith.constant 16 : i32
      %mul3A_500 = arith.muli %add3A_498, %mul3A_499 : i32
      %add3A_501 = arith.constant 0 : i32
      %add3A_502 = arith.addi %mul3A_500, %add3A_501 : i32
      %get3A_503 = arith.index_cast %add3A_502 : i32 to index
      %get3A_504 = tpu.vector_load %arg7[%get3A_503] {strides = array<i32>} : memref<10240xi32, #tpu.memory_space<vmem>>, vector<16xi32>,
      %get3A_505 = vector.shape_cast %get3A_504 : vector<16xi32> to vector<16xi32>
      %dma_start3A_506 = arith.constant 6 : i32
      %dma_start3A_507 = arith.constant 0 : i32
      %dma_start3A_508 = arith.constant 0 : i32
      %dma_start3A_509 = tpu.memref_slice %arg8[%dma_start3A_506, %dma_start3A_507, %dma_start3A_508] : memref<10x16x128xf32, #tpu.memory_space<vmem>> -> memref<1x16x128xf32, #tpu.memory_space<vmem>>
      %dma_start3A_510 = tpu.memref_squeeze %dma_start3A_509 : memref<1x16x128xf32, #tpu.memory_space<vmem>> -> memref<16x128xf32, #tpu.memory_space<vmem>>
      %dma_start3A_511 = arith.constant 0 : i32
      %dma_start3A_512 = arith.constant 0 : i32
      %dma_start3A_513 = tpu.memref_slice %arg9[%dma_start3A_511, %dma_start3A_512] : memref<10240x128xf32, #tpu.memory_space<vmem_shared>> -> memref<10240x128xf32, #tpu.memory_space<vmem_shared>>
      tpu.enqueue_indirect_dma source(%dma_start3A_510 : memref<16x128xf32, #tpu.memory_space<vmem>>) target(%dma_start3A_513 : memref<10240x128xf32, #tpu.memory_space<vmem_shared>>) offsets(%get3A_505 : vector<16xi32>) semaphore(%arg11 : memref<!tpu.dma_semaphore, #tpu.memory_space<semaphore_mem>>) {add = true}
      %dma_wait3A_514 = arith.constant 7 : i32
      %dma_wait3A_515 = arith.constant 0 : i32
      %dma_wait3A_516 = arith.constant 0 : i32
      %dma_wait3A_517 = tpu.memref_slice %arg8[%dma_wait3A_514, %dma_wait3A_515, %dma_wait3A_516] : memref<10x16x128xf32, #tpu.memory_space<vmem>> -> memref<1x16x128xf32, #tpu.memory_space<vmem>>
      %dma_wait3A_518 = tpu.memref_squeeze %dma_wait3A_517 : memref<1x16x128xf32, #tpu.memory_space<vmem>> -> memref<16x128xf32, #tpu.memory_space<vmem>>
      %dma_wait3A_519 = tpu.memref_slice %arg6[%mul3A_279] : memref<10240xi32, #tpu.memory_space<vmem>> -> memref<16xi32, #tpu.memory_space<vmem>>
      %dma_wait3A_520 = arith.constant 0 : i32
      %dma_wait3A_521 = arith.constant 0 : i32
      %dma_wait3A_522 = tpu.memref_slice %arg2[%dma_wait3A_520, %dma_wait3A_521] : memref<10000x128xf32, #tpu.memory_space<hbm>> -> memref<10000x128xf32, #tpu.memory_space<hbm>>
      tpu.wait_indirect_dma semaphore(%arg10 : memref<!tpu.dma_semaphore, #tpu.memory_space<semaphore_mem>>) src(%dma_wait3A_522 : memref<10000x128xf32, #tpu.memory_space<hbm>>) dst(%dma_wait3A_518 : memref<16x128xf32, #tpu.memory_space<vmem>>)
      %mul3A_523 = arith.constant 10 : i32
      %mul3A_524 = arith.muli %scan3A_167, %mul3A_523 : i32
      %add3A_525 = arith.constant 7 : i32
      %add3A_526 = arith.addi %mul3A_524, %add3A_525 : i32
      %mul3A_527 = arith.constant 16 : i32
      %mul3A_528 = arith.muli %add3A_526, %mul3A_527 : i32
      %add3A_529 = arith.constant 0 : i32
      %add3A_530 = arith.addi %mul3A_528, %add3A_529 : i32
      %get3A_531 = arith.index_cast %add3A_530 : i32 to index
      %get3A_532 = tpu.vector_load %arg7[%get3A_531] {strides = array<i32>} : memref<10240xi32, #tpu.memory_space<vmem>>, vector<16xi32>,
      %get3A_533 = vector.shape_cast %get3A_532 : vector<16xi32> to vector<16xi32>
      %dma_start3A_534 = arith.constant 7 : i32
      %dma_start3A_535 = arith.constant 0 : i32
      %dma_start3A_536 = arith.constant 0 : i32
      %dma_start3A_537 = tpu.memref_slice %arg8[%dma_start3A_534, %dma_start3A_535, %dma_start3A_536] : memref<10x16x128xf32, #tpu.memory_space<vmem>> -> memref<1x16x128xf32, #tpu.memory_space<vmem>>
      %dma_start3A_538 = tpu.memref_squeeze %dma_start3A_537 : memref<1x16x128xf32, #tpu.memory_space<vmem>> -> memref<16x128xf32, #tpu.memory_space<vmem>>
      %dma_start3A_539 = arith.constant 0 : i32
      %dma_start3A_540 = arith.constant 0 : i32
      %dma_start3A_541 = tpu.memref_slice %arg9[%dma_start3A_539, %dma_start3A_540] : memref<10240x128xf32, #tpu.memory_space<vmem_shared>> -> memref<10240x128xf32, #tpu.memory_space<vmem_shared>>
      tpu.enqueue_indirect_dma source(%dma_start3A_538 : memref<16x128xf32, #tpu.memory_space<vmem>>) target(%dma_start3A_541 : memref<10240x128xf32, #tpu.memory_space<vmem_shared>>) offsets(%get3A_533 : vector<16xi32>) semaphore(%arg11 : memref<!tpu.dma_semaphore, #tpu.memory_space<semaphore_mem>>) {add = true}
      %dma_wait3A_542 = arith.constant 8 : i32
      %dma_wait3A_543 = arith.constant 0 : i32
      %dma_wait3A_544 = arith.constant 0 : i32
      %dma_wait3A_545 = tpu.memref_slice %arg8[%dma_wait3A_542, %dma_wait3A_543, %dma_wait3A_544] : memref<10x16x128xf32, #tpu.memory_space<vmem>> -> memref<1x16x128xf32, #tpu.memory_space<vmem>>
      %dma_wait3A_546 = tpu.memref_squeeze %dma_wait3A_545 : memref<1x16x128xf32, #tpu.memory_space<vmem>> -> memref<16x128xf32, #tpu.memory_space<vmem>>
      %dma_wait3A_547 = tpu.memref_slice %arg6[%mul3A_294] : memref<10240xi32, #tpu.memory_space<vmem>> -> memref<16xi32, #tpu.memory_space<vmem>>
      %dma_wait3A_548 = arith.constant 0 : i32
      %dma_wait3A_549 = arith.constant 0 : i32
      %dma_wait3A_550 = tpu.memref_slice %arg2[%dma_wait3A_548, %dma_wait3A_549] : memref<10000x128xf32, #tpu.memory_space<hbm>> -> memref<10000x128xf32, #tpu.memory_space<hbm>>
      tpu.wait_indirect_dma semaphore(%arg10 : memref<!tpu.dma_semaphore, #tpu.memory_space<semaphore_mem>>) src(%dma_wait3A_550 : memref<10000x128xf32, #tpu.memory_space<hbm>>) dst(%dma_wait3A_546 : memref<16x128xf32, #tpu.memory_space<vmem>>)
      %mul3A_551 = arith.constant 10 : i32
      %mul3A_552 = arith.muli %scan3A_167, %mul3A_551 : i32
      %add3A_553 = arith.constant 8 : i32
      %add3A_554 = arith.addi %mul3A_552, %add3A_553 : i32
      %mul3A_555 = arith.constant 16 : i32
      %mul3A_556 = arith.muli %add3A_554, %mul3A_555 : i32
      %add3A_557 = arith.constant 0 : i32
      %add3A_558 = arith.addi %mul3A_556, %add3A_557 : i32
      %get3A_559 = arith.index_cast %add3A_558 : i32 to index
      %get3A_560 = tpu.vector_load %arg7[%get3A_559] {strides = array<i32>} : memref<10240xi32, #tpu.memory_space<vmem>>, vector<16xi32>,
      %get3A_561 = vector.shape_cast %get3A_560 : vector<16xi32> to vector<16xi32>
      %dma_start3A_562 = arith.constant 8 : i32
      %dma_start3A_563 = arith.constant 0 : i32
      %dma_start3A_564 = arith.constant 0 : i32
      %dma_start3A_565 = tpu.memref_slice %arg8[%dma_start3A_562, %dma_start3A_563, %dma_start3A_564] : memref<10x16x128xf32, #tpu.memory_space<vmem>> -> memref<1x16x128xf32, #tpu.memory_space<vmem>>
      %dma_start3A_566 = tpu.memref_squeeze %dma_start3A_565 : memref<1x16x128xf32, #tpu.memory_space<vmem>> -> memref<16x128xf32, #tpu.memory_space<vmem>>
      %dma_start3A_567 = arith.constant 0 : i32
      %dma_start3A_568 = arith.constant 0 : i32
      %dma_start3A_569 = tpu.memref_slice %arg9[%dma_start3A_567, %dma_start3A_568] : memref<10240x128xf32, #tpu.memory_space<vmem_shared>> -> memref<10240x128xf32, #tpu.memory_space<vmem_shared>>
      tpu.enqueue_indirect_dma source(%dma_start3A_566 : memref<16x128xf32, #tpu.memory_space<vmem>>) target(%dma_start3A_569 : memref<10240x128xf32, #tpu.memory_space<vmem_shared>>) offsets(%get3A_561 : vector<16xi32>) semaphore(%arg11 : memref<!tpu.dma_semaphore, #tpu.memory_space<semaphore_mem>>) {add = true}
      %dma_wait3A_570 = arith.constant 9 : i32
      %dma_wait3A_571 = arith.constant 0 : i32
      %dma_wait3A_572 = arith.constant 0 : i32
      %dma_wait3A_573 = tpu.memref_slice %arg8[%dma_wait3A_570, %dma_wait3A_571, %dma_wait3A_572] : memref<10x16x128xf32, #tpu.memory_space<vmem>> -> memref<1x16x128xf32, #tpu.memory_space<vmem>>
      %dma_wait3A_574 = tpu.memref_squeeze %dma_wait3A_573 : memref<1x16x128xf32, #tpu.memory_space<vmem>> -> memref<16x128xf32, #tpu.memory_space<vmem>>
      %dma_wait3A_575 = tpu.memref_slice %arg6[%mul3A_309] : memref<10240xi32, #tpu.memory_space<vmem>> -> memref<16xi32, #tpu.memory_space<vmem>>
      %dma_wait3A_576 = arith.constant 0 : i32
      %dma_wait3A_577 = arith.constant 0 : i32
      %dma_wait3A_578 = tpu.memref_slice %arg2[%dma_wait3A_576, %dma_wait3A_577] : memref<10000x128xf32, #tpu.memory_space<hbm>> -> memref<10000x128xf32, #tpu.memory_space<hbm>>
      tpu.wait_indirect_dma semaphore(%arg10 : memref<!tpu.dma_semaphore, #tpu.memory_space<semaphore_mem>>) src(%dma_wait3A_578 : memref<10000x128xf32, #tpu.memory_space<hbm>>) dst(%dma_wait3A_574 : memref<16x128xf32, #tpu.memory_space<vmem>>)
      %mul3A_579 = arith.constant 10 : i32
      %mul3A_580 = arith.muli %scan3A_167, %mul3A_579 : i32
      %add3A_581 = arith.constant 9 : i32
      %add3A_582 = arith.addi %mul3A_580, %add3A_581 : i32
      %mul3A_583 = arith.constant 16 : i32
      %mul3A_584 = arith.muli %add3A_582, %mul3A_583 : i32
      %add3A_585 = arith.constant 0 : i32
      %add3A_586 = arith.addi %mul3A_584, %add3A_585 : i32
      %get3A_587 = arith.index_cast %add3A_586 : i32 to index
      %get3A_588 = tpu.vector_load %arg7[%get3A_587] {strides = array<i32>} : memref<10240xi32, #tpu.memory_space<vmem>>, vector<16xi32>,
      %get3A_589 = vector.shape_cast %get3A_588 : vector<16xi32> to vector<16xi32>
      %dma_start3A_590 = arith.constant 9 : i32
      %dma_start3A_591 = arith.constant 0 : i32
      %dma_start3A_592 = arith.constant 0 : i32
      %dma_start3A_593 = tpu.memref_slice %arg8[%dma_start3A_590, %dma_start3A_591, %dma_start3A_592] : memref<10x16x128xf32, #tpu.memory_space<vmem>> -> memref<1x16x128xf32, #tpu.memory_space<vmem>>
      %dma_start3A_594 = tpu.memref_squeeze %dma_start3A_593 : memref<1x16x128xf32, #tpu.memory_space<vmem>> -> memref<16x128xf32, #tpu.memory_space<vmem>>
      %dma_start3A_595 = arith.constant 0 : i32
      %dma_start3A_596 = arith.constant 0 : i32
      %dma_start3A_597 = tpu.memref_slice %arg9[%dma_start3A_595, %dma_start3A_596] : memref<10240x128xf32, #tpu.memory_space<vmem_shared>> -> memref<10240x128xf32, #tpu.memory_space<vmem_shared>>
      tpu.enqueue_indirect_dma source(%dma_start3A_594 : memref<16x128xf32, #tpu.memory_space<vmem>>) target(%dma_start3A_597 : memref<10240x128xf32, #tpu.memory_space<vmem_shared>>) offsets(%get3A_589 : vector<16xi32>) semaphore(%arg11 : memref<!tpu.dma_semaphore, #tpu.memory_space<semaphore_mem>>) {add = true}
    }
    %scan3A_12 = arith.constant 64 : i32
    %dma_wait3A = arith.constant 0 : i32
    %dma_wait3A_13 = arith.constant 0 : i32
    %dma_wait3A_14 = arith.constant 0 : i32
    %dma_wait3A_15 = tpu.memref_slice %arg8[%dma_wait3A, %dma_wait3A_13, %dma_wait3A_14] : memref<10x16x128xf32, #tpu.memory_space<vmem>> -> memref<1x16x128xf32, #tpu.memory_space<vmem>>
    %dma_wait3A_16 = tpu.memref_squeeze %dma_wait3A_15 : memref<1x16x128xf32, #tpu.memory_space<vmem>> -> memref<16x128xf32, #tpu.memory_space<vmem>>
    %dma_wait3A_17 = arith.constant 0 : i32
    %dma_wait3A_18 = arith.constant 0 : i32
    %dma_wait3A_19 = tpu.memref_slice %arg9[%dma_wait3A_17, %dma_wait3A_18] : memref<10240x128xf32, #tpu.memory_space<vmem_shared>> -> memref<16x128xf32, #tpu.memory_space<vmem_shared>>
    %dma_wait3A_20 = arith.constant 0 : i32
    %dma_wait3A_21 = arith.constant 0 : i32
    %dma_wait3A_22 = tpu.memref_slice %arg9[%dma_wait3A_20, %dma_wait3A_21] : memref<10240x128xf32, #tpu.memory_space<vmem_shared>> -> memref<16x128xf32, #tpu.memory_space<vmem_shared>>
    %dma_wait3A_23 = arith.constant 0 : i32
    %dma_wait3A_24 = arith.constant 0 : i32
    %dma_wait3A_25 = tpu.memref_slice %arg8[%dma_wait3A, %dma_wait3A_23, %dma_wait3A_24] : memref<10x16x128xf32, #tpu.memory_space<vmem>> -> memref<1x16x128xf32, #tpu.memory_space<vmem>>
    %dma_wait3A_26 = tpu.memref_squeeze %dma_wait3A_25 : memref<1x16x128xf32, #tpu.memory_space<vmem>> -> memref<16x128xf32, #tpu.memory_space<vmem>>
    tpu.wait_dma2 semaphore(%arg11 : memref<!tpu.dma_semaphore, #tpu.memory_space<semaphore_mem>>) src(%dma_wait3A_26 : memref<16x128xf32, #tpu.memory_space<vmem>>) dst(%dma_wait3A_22 : memref<16x128xf32, #tpu.memory_space<vmem_shared>>)
    %dma_wait3A_27 = arith.constant 0 : i32
    %dma_wait3A_28 = arith.constant 0 : i32
    %dma_wait3A_29 = arith.constant 0 : i32
    %dma_wait3A_30 = tpu.memref_slice %arg8[%dma_wait3A_27, %dma_wait3A_28, %dma_wait3A_29] : memref<10x16x128xf32, #tpu.memory_space<vmem>> -> memref<1x16x128xf32, #tpu.memory_space<vmem>>
    %dma_wait3A_31 = tpu.memref_squeeze %dma_wait3A_30 : memref<1x16x128xf32, #tpu.memory_space<vmem>> -> memref<16x128xf32, #tpu.memory_space<vmem>>
    %dma_wait3A_32 = arith.constant 0 : i32
    %dma_wait3A_33 = arith.constant 0 : i32
    %dma_wait3A_34 = tpu.memref_slice %arg9[%dma_wait3A_32, %dma_wait3A_33] : memref<10240x128xf32, #tpu.memory_space<vmem_shared>> -> memref<16x128xf32, #tpu.memory_space<vmem_shared>>
    %dma_wait3A_35 = arith.constant 0 : i32
    %dma_wait3A_36 = arith.constant 0 : i32
    %dma_wait3A_37 = tpu.memref_slice %arg9[%dma_wait3A_35, %dma_wait3A_36] : memref<10240x128xf32, #tpu.memory_space<vmem_shared>> -> memref<16x128xf32, #tpu.memory_space<vmem_shared>>
    %dma_wait3A_38 = arith.constant 0 : i32
    %dma_wait3A_39 = arith.constant 0 : i32
    %dma_wait3A_40 = tpu.memref_slice %arg8[%dma_wait3A_27, %dma_wait3A_38, %dma_wait3A_39] : memref<10x16x128xf32, #tpu.memory_space<vmem>> -> memref<1x16x128xf32, #tpu.memory_space<vmem>>
    %dma_wait3A_41 = tpu.memref_squeeze %dma_wait3A_40 : memref<1x16x128xf32, #tpu.memory_space<vmem>> -> memref<16x128xf32, #tpu.memory_space<vmem>>
    tpu.wait_dma2 semaphore(%arg11 : memref<!tpu.dma_semaphore, #tpu.memory_space<semaphore_mem>>) src(%dma_wait3A_41 : memref<16x128xf32, #tpu.memory_space<vmem>>) dst(%dma_wait3A_37 : memref<16x128xf32, #tpu.memory_space<vmem_shared>>)
    %dma_wait3A_42 = arith.constant 0 : i32
    %dma_wait3A_43 = arith.constant 0 : i32
    %dma_wait3A_44 = arith.constant 0 : i32
    %dma_wait3A_45 = tpu.memref_slice %arg8[%dma_wait3A_42, %dma_wait3A_43, %dma_wait3A_44] : memref<10x16x128xf32, #tpu.memory_space<vmem>> -> memref<1x16x128xf32, #tpu.memory_space<vmem>>
    %dma_wait3A_46 = tpu.memref_squeeze %dma_wait3A_45 : memref<1x16x128xf32, #tpu.memory_space<vmem>> -> memref<16x128xf32, #tpu.memory_space<vmem>>
    %dma_wait3A_47 = arith.constant 0 : i32
    %dma_wait3A_48 = arith.constant 0 : i32
    %dma_wait3A_49 = tpu.memref_slice %arg9[%dma_wait3A_47, %dma_wait3A_48] : memref<10240x128xf32, #tpu.memory_space<vmem_shared>> -> memref<16x128xf32, #tpu.memory_space<vmem_shared>>
    %dma_wait3A_50 = arith.constant 0 : i32
    %dma_wait3A_51 = arith.constant 0 : i32
    %dma_wait3A_52 = tpu.memref_slice %arg9[%dma_wait3A_50, %dma_wait3A_51] : memref<10240x128xf32, #tpu.memory_space<vmem_shared>> -> memref<16x128xf32, #tpu.memory_space<vmem_shared>>
    %dma_wait3A_53 = arith.constant 0 : i32
    %dma_wait3A_54 = arith.constant 0 : i32
    %dma_wait3A_55 = tpu.memref_slice %arg8[%dma_wait3A_42, %dma_wait3A_53, %dma_wait3A_54] : memref<10x16x128xf32, #tpu.memory_space<vmem>> -> memref<1x16x128xf32, #tpu.memory_space<vmem>>
    %dma_wait3A_56 = tpu.memref_squeeze %dma_wait3A_55 : memref<1x16x128xf32, #tpu.memory_space<vmem>> -> memref<16x128xf32, #tpu.memory_space<vmem>>
    tpu.wait_dma2 semaphore(%arg11 : memref<!tpu.dma_semaphore, #tpu.memory_space<semaphore_mem>>) src(%dma_wait3A_56 : memref<16x128xf32, #tpu.memory_space<vmem>>) dst(%dma_wait3A_52 : memref<16x128xf32, #tpu.memory_space<vmem_shared>>)
    %dma_wait3A_57 = arith.constant 0 : i32
    %dma_wait3A_58 = arith.constant 0 : i32
    %dma_wait3A_59 = arith.constant 0 : i32
    %dma_wait3A_60 = tpu.memref_slice %arg8[%dma_wait3A_57, %dma_wait3A_58, %dma_wait3A_59] : memref<10x16x128xf32, #tpu.memory_space<vmem>> -> memref<1x16x128xf32, #tpu.memory_space<vmem>>
    %dma_wait3A_61 = tpu.memref_squeeze %dma_wait3A_60 : memref<1x16x128xf32, #tpu.memory_space<vmem>> -> memref<16x128xf32, #tpu.memory_space<vmem>>
    %dma_wait3A_62 = arith.constant 0 : i32
    %dma_wait3A_63 = arith.constant 0 : i32
    %dma_wait3A_64 = tpu.memref_slice %arg9[%dma_wait3A_62, %dma_wait3A_63] : memref<10240x128xf32, #tpu.memory_space<vmem_shared>> -> memref<16x128xf32, #tpu.memory_space<vmem_shared>>
    %dma_wait3A_65 = arith.constant 0 : i32
    %dma_wait3A_66 = arith.constant 0 : i32
    %dma_wait3A_67 = tpu.memref_slice %arg9[%dma_wait3A_65, %dma_wait3A_66] : memref<10240x128xf32, #tpu.memory_space<vmem_shared>> -> memref<16x128xf32, #tpu.memory_space<vmem_shared>>
    %dma_wait3A_68 = arith.constant 0 : i32
    %dma_wait3A_69 = arith.constant 0 : i32
    %dma_wait3A_70 = tpu.memref_slice %arg8[%dma_wait3A_57, %dma_wait3A_68, %dma_wait3A_69] : memref<10x16x128xf32, #tpu.memory_space<vmem>> -> memref<1x16x128xf32, #tpu.memory_space<vmem>>
    %dma_wait3A_71 = tpu.memref_squeeze %dma_wait3A_70 : memref<1x16x128xf32, #tpu.memory_space<vmem>> -> memref<16x128xf32, #tpu.memory_space<vmem>>
    tpu.wait_dma2 semaphore(%arg11 : memref<!tpu.dma_semaphore, #tpu.memory_space<semaphore_mem>>) src(%dma_wait3A_71 : memref<16x128xf32, #tpu.memory_space<vmem>>) dst(%dma_wait3A_67 : memref<16x128xf32, #tpu.memory_space<vmem_shared>>)
    %dma_wait3A_72 = arith.constant 0 : i32
    %dma_wait3A_73 = arith.constant 0 : i32
    %dma_wait3A_74 = arith.constant 0 : i32
    %dma_wait3A_75 = tpu.memref_slice %arg8[%dma_wait3A_72, %dma_wait3A_73, %dma_wait3A_74] : memref<10x16x128xf32, #tpu.memory_space<vmem>> -> memref<1x16x128xf32, #tpu.memory_space<vmem>>
    %dma_wait3A_76 = tpu.memref_squeeze %dma_wait3A_75 : memref<1x16x128xf32, #tpu.memory_space<vmem>> -> memref<16x128xf32, #tpu.memory_space<vmem>>
    %dma_wait3A_77 = arith.constant 0 : i32
    %dma_wait3A_78 = arith.constant 0 : i32
    %dma_wait3A_79 = tpu.memref_slice %arg9[%dma_wait3A_77, %dma_wait3A_78] : memref<10240x128xf32, #tpu.memory_space<vmem_shared>> -> memref<16x128xf32, #tpu.memory_space<vmem_shared>>
    %dma_wait3A_80 = arith.constant 0 : i32
    %dma_wait3A_81 = arith.constant 0 : i32
    %dma_wait3A_82 = tpu.memref_slice %arg9[%dma_wait3A_80, %dma_wait3A_81] : memref<10240x128xf32, #tpu.memory_space<vmem_shared>> -> memref<16x128xf32, #tpu.memory_space<vmem_shared>>
    %dma_wait3A_83 = arith.constant 0 : i32
    %dma_wait3A_84 = arith.constant 0 : i32
    %dma_wait3A_85 = tpu.memref_slice %arg8[%dma_wait3A_72, %dma_wait3A_83, %dma_wait3A_84] : memref<10x16x128xf32, #tpu.memory_space<vmem>> -> memref<1x16x128xf32, #tpu.memory_space<vmem>>
    %dma_wait3A_86 = tpu.memref_squeeze %dma_wait3A_85 : memref<1x16x128xf32, #tpu.memory_space<vmem>> -> memref<16x128xf32, #tpu.memory_space<vmem>>
    tpu.wait_dma2 semaphore(%arg11 : memref<!tpu.dma_semaphore, #tpu.memory_space<semaphore_mem>>) src(%dma_wait3A_86 : memref<16x128xf32, #tpu.memory_space<vmem>>) dst(%dma_wait3A_82 : memref<16x128xf32, #tpu.memory_space<vmem_shared>>)
    %dma_wait3A_87 = arith.constant 0 : i32
    %dma_wait3A_88 = arith.constant 0 : i32
    %dma_wait3A_89 = arith.constant 0 : i32
    %dma_wait3A_90 = tpu.memref_slice %arg8[%dma_wait3A_87, %dma_wait3A_88, %dma_wait3A_89] : memref<10x16x128xf32, #tpu.memory_space<vmem>> -> memref<1x16x128xf32, #tpu.memory_space<vmem>>
    %dma_wait3A_91 = tpu.memref_squeeze %dma_wait3A_90 : memref<1x16x128xf32, #tpu.memory_space<vmem>> -> memref<16x128xf32, #tpu.memory_space<vmem>>
    %dma_wait3A_92 = arith.constant 0 : i32
    %dma_wait3A_93 = arith.constant 0 : i32
    %dma_wait3A_94 = tpu.memref_slice %arg9[%dma_wait3A_92, %dma_wait3A_93] : memref<10240x128xf32, #tpu.memory_space<vmem_shared>> -> memref<16x128xf32, #tpu.memory_space<vmem_shared>>
    %dma_wait3A_95 = arith.constant 0 : i32
    %dma_wait3A_96 = arith.constant 0 : i32
    %dma_wait3A_97 = tpu.memref_slice %arg9[%dma_wait3A_95, %dma_wait3A_96] : memref<10240x128xf32, #tpu.memory_space<vmem_shared>> -> memref<16x128xf32, #tpu.memory_space<vmem_shared>>
    %dma_wait3A_98 = arith.constant 0 : i32
    %dma_wait3A_99 = arith.constant 0 : i32
    %dma_wait3A_100 = tpu.memref_slice %arg8[%dma_wait3A_87, %dma_wait3A_98, %dma_wait3A_99] : memref<10x16x128xf32, #tpu.memory_space<vmem>> -> memref<1x16x128xf32, #tpu.memory_space<vmem>>
    %dma_wait3A_101 = tpu.memref_squeeze %dma_wait3A_100 : memref<1x16x128xf32, #tpu.memory_space<vmem>> -> memref<16x128xf32, #tpu.memory_space<vmem>>
    tpu.wait_dma2 semaphore(%arg11 : memref<!tpu.dma_semaphore, #tpu.memory_space<semaphore_mem>>) src(%dma_wait3A_101 : memref<16x128xf32, #tpu.memory_space<vmem>>) dst(%dma_wait3A_97 : memref<16x128xf32, #tpu.memory_space<vmem_shared>>)
    %dma_wait3A_102 = arith.constant 0 : i32
    %dma_wait3A_103 = arith.constant 0 : i32
    %dma_wait3A_104 = arith.constant 0 : i32
    %dma_wait3A_105 = tpu.memref_slice %arg8[%dma_wait3A_102, %dma_wait3A_103, %dma_wait3A_104] : memref<10x16x128xf32, #tpu.memory_space<vmem>> -> memref<1x16x128xf32, #tpu.memory_space<vmem>>
    %dma_wait3A_106 = tpu.memref_squeeze %dma_wait3A_105 : memref<1x16x128xf32, #tpu.memory_space<vmem>> -> memref<16x128xf32, #tpu.memory_space<vmem>>
    %dma_wait3A_107 = arith.constant 0 : i32
    %dma_wait3A_108 = arith.constant 0 : i32
    %dma_wait3A_109 = tpu.memref_slice %arg9[%dma_wait3A_107, %dma_wait3A_108] : memref<10240x128xf32, #tpu.memory_space<vmem_shared>> -> memref<16x128xf32, #tpu.memory_space<vmem_shared>>
    %dma_wait3A_110 = arith.constant 0 : i32
    %dma_wait3A_111 = arith.constant 0 : i32
    %dma_wait3A_112 = tpu.memref_slice %arg9[%dma_wait3A_110, %dma_wait3A_111] : memref<10240x128xf32, #tpu.memory_space<vmem_shared>> -> memref<16x128xf32, #tpu.memory_space<vmem_shared>>
    %dma_wait3A_113 = arith.constant 0 : i32
    %dma_wait3A_114 = arith.constant 0 : i32
    %dma_wait3A_115 = tpu.memref_slice %arg8[%dma_wait3A_102, %dma_wait3A_113, %dma_wait3A_114] : memref<10x16x128xf32, #tpu.memory_space<vmem>> -> memref<1x16x128xf32, #tpu.memory_space<vmem>>
    %dma_wait3A_116 = tpu.memref_squeeze %dma_wait3A_115 : memref<1x16x128xf32, #tpu.memory_space<vmem>> -> memref<16x128xf32, #tpu.memory_space<vmem>>
    tpu.wait_dma2 semaphore(%arg11 : memref<!tpu.dma_semaphore, #tpu.memory_space<semaphore_mem>>) src(%dma_wait3A_116 : memref<16x128xf32, #tpu.memory_space<vmem>>) dst(%dma_wait3A_112 : memref<16x128xf32, #tpu.memory_space<vmem_shared>>)
    %dma_wait3A_117 = arith.constant 0 : i32
    %dma_wait3A_118 = arith.constant 0 : i32
    %dma_wait3A_119 = arith.constant 0 : i32
    %dma_wait3A_120 = tpu.memref_slice %arg8[%dma_wait3A_117, %dma_wait3A_118, %dma_wait3A_119] : memref<10x16x128xf32, #tpu.memory_space<vmem>> -> memref<1x16x128xf32, #tpu.memory_space<vmem>>
    %dma_wait3A_121 = tpu.memref_squeeze %dma_wait3A_120 : memref<1x16x128xf32, #tpu.memory_space<vmem>> -> memref<16x128xf32, #tpu.memory_space<vmem>>
    %dma_wait3A_122 = arith.constant 0 : i32
    %dma_wait3A_123 = arith.constant 0 : i32
    %dma_wait3A_124 = tpu.memref_slice %arg9[%dma_wait3A_122, %dma_wait3A_123] : memref<10240x128xf32, #tpu.memory_space<vmem_shared>> -> memref<16x128xf32, #tpu.memory_space<vmem_shared>>
    %dma_wait3A_125 = arith.constant 0 : i32
    %dma_wait3A_126 = arith.constant 0 : i32
    %dma_wait3A_127 = tpu.memref_slice %arg9[%dma_wait3A_125, %dma_wait3A_126] : memref<10240x128xf32, #tpu.memory_space<vmem_shared>> -> memref<16x128xf32, #tpu.memory_space<vmem_shared>>
    %dma_wait3A_128 = arith.constant 0 : i32
    %dma_wait3A_129 = arith.constant 0 : i32
    %dma_wait3A_130 = tpu.memref_slice %arg8[%dma_wait3A_117, %dma_wait3A_128, %dma_wait3A_129] : memref<10x16x128xf32, #tpu.memory_space<vmem>> -> memref<1x16x128xf32, #tpu.memory_space<vmem>>
    %dma_wait3A_131 = tpu.memref_squeeze %dma_wait3A_130 : memref<1x16x128xf32, #tpu.memory_space<vmem>> -> memref<16x128xf32, #tpu.memory_space<vmem>>
    tpu.wait_dma2 semaphore(%arg11 : memref<!tpu.dma_semaphore, #tpu.memory_space<semaphore_mem>>) src(%dma_wait3A_131 : memref<16x128xf32, #tpu.memory_space<vmem>>) dst(%dma_wait3A_127 : memref<16x128xf32, #tpu.memory_space<vmem_shared>>)
    %dma_wait3A_132 = arith.constant 0 : i32
    %dma_wait3A_133 = arith.constant 0 : i32
    %dma_wait3A_134 = arith.constant 0 : i32
    %dma_wait3A_135 = tpu.memref_slice %arg8[%dma_wait3A_132, %dma_wait3A_133, %dma_wait3A_134] : memref<10x16x128xf32, #tpu.memory_space<vmem>> -> memref<1x16x128xf32, #tpu.memory_space<vmem>>
    %dma_wait3A_136 = tpu.memref_squeeze %dma_wait3A_135 : memref<1x16x128xf32, #tpu.memory_space<vmem>> -> memref<16x128xf32, #tpu.memory_space<vmem>>
    %dma_wait3A_137 = arith.constant 0 : i32
    %dma_wait3A_138 = arith.constant 0 : i32
    %dma_wait3A_139 = tpu.memref_slice %arg9[%dma_wait3A_137, %dma_wait3A_138] : memref<10240x128xf32, #tpu.memory_space<vmem_shared>> -> memref<16x128xf32, #tpu.memory_space<vmem_shared>>
    %dma_wait3A_140 = arith.constant 0 : i32
    %dma_wait3A_141 = arith.constant 0 : i32
    %dma_wait3A_142 = tpu.memref_slice %arg9[%dma_wait3A_140, %dma_wait3A_141] : memref<10240x128xf32, #tpu.memory_space<vmem_shared>> -> memref<16x128xf32, #tpu.memory_space<vmem_shared>>
    %dma_wait3A_143 = arith.constant 0 : i32
    %dma_wait3A_144 = arith.constant 0 : i32
    %dma_wait3A_145 = tpu.memref_slice %arg8[%dma_wait3A_132, %dma_wait3A_143, %dma_wait3A_144] : memref<10x16x128xf32, #tpu.memory_space<vmem>> -> memref<1x16x128xf32, #tpu.memory_space<vmem>>
    %dma_wait3A_146 = tpu.memref_squeeze %dma_wait3A_145 : memref<1x16x128xf32, #tpu.memory_space<vmem>> -> memref<16x128xf32, #tpu.memory_space<vmem>>
    tpu.wait_dma2 semaphore(%arg11 : memref<!tpu.dma_semaphore, #tpu.memory_space<semaphore_mem>>) src(%dma_wait3A_146 : memref<16x128xf32, #tpu.memory_space<vmem>>) dst(%dma_wait3A_142 : memref<16x128xf32, #tpu.memory_space<vmem_shared>>)
    %dma_wait3A_147 = arith.constant 0 : i32
    %dma_wait3A_148 = arith.constant 0 : i32
    %dma_wait3A_149 = arith.constant 0 : i32
    %dma_wait3A_150 = tpu.memref_slice %arg8[%dma_wait3A_147, %dma_wait3A_148, %dma_wait3A_149] : memref<10x16x128xf32, #tpu.memory_space<vmem>> -> memref<1x16x128xf32, #tpu.memory_space<vmem>>
    %dma_wait3A_151 = tpu.memref_squeeze %dma_wait3A_150 : memref<1x16x128xf32, #tpu.memory_space<vmem>> -> memref<16x128xf32, #tpu.memory_space<vmem>>
    %dma_wait3A_152 = arith.constant 0 : i32
    %dma_wait3A_153 = arith.constant 0 : i32
    %dma_wait3A_154 = tpu.memref_slice %arg9[%dma_wait3A_152, %dma_wait3A_153] : memref<10240x128xf32, #tpu.memory_space<vmem_shared>> -> memref<16x128xf32, #tpu.memory_space<vmem_shared>>
    %dma_wait3A_155 = arith.constant 0 : i32
    %dma_wait3A_156 = arith.constant 0 : i32
    %dma_wait3A_157 = tpu.memref_slice %arg9[%dma_wait3A_155, %dma_wait3A_156] : memref<10240x128xf32, #tpu.memory_space<vmem_shared>> -> memref<16x128xf32, #tpu.memory_space<vmem_shared>>
    %dma_wait3A_158 = arith.constant 0 : i32
    %dma_wait3A_159 = arith.constant 0 : i32
    %dma_wait3A_160 = tpu.memref_slice %arg8[%dma_wait3A_147, %dma_wait3A_158, %dma_wait3A_159] : memref<10x16x128xf32, #tpu.memory_space<vmem>> -> memref<1x16x128xf32, #tpu.memory_space<vmem>>
    %dma_wait3A_161 = tpu.memref_squeeze %dma_wait3A_160 : memref<1x16x128xf32, #tpu.memory_space<vmem>> -> memref<16x128xf32, #tpu.memory_space<vmem>>
    tpu.wait_dma2 semaphore(%arg11 : memref<!tpu.dma_semaphore, #tpu.memory_space<semaphore_mem>>) src(%dma_wait3A_161 : memref<16x128xf32, #tpu.memory_space<vmem>>) dst(%dma_wait3A_157 : memref<16x128xf32, #tpu.memory_space<vmem_shared>>)
    %barrier3A_162 = arith.constant 0 : index
    tpu.barrier barrier_id(%barrier3A_162)
    %mul3A_163 = arith.constant 640 : i32
    %mul3A_164 = arith.muli %arg1, %mul3A_163 : i32
    %mul3A_165 = arith.constant 640 : i32
    %mul3A_166 = arith.muli %arg1, %mul3A_165 : i32
    "tpu.region"() ({
      %run_scoped3A_167 = tpu.sem_alloc : memref<!tpu.dma_semaphore, #tpu.memory_space<semaphore_mem>>
      %dma_start3A = arith.constant 0 : i32
      %dma_start3A_168 = tpu.memref_slice %arg5[%arg0, %mul3A_166, %dma_start3A] : memref<2x10240x128xf32, #tpu.memory_space<hbm>> -> memref<1x640x128xf32, #tpu.memory_space<hbm>>
      %dma_start3A_169 = tpu.memref_squeeze %dma_start3A_168 : memref<1x640x128xf32, #tpu.memory_space<hbm>> -> memref<640x128xf32, #tpu.memory_space<hbm>>
      %dma_start3A_170 = arith.constant 0 : i32
      %dma_start3A_171 = tpu.memref_slice %arg9[%mul3A_164, %dma_start3A_170] : memref<10240x128xf32, #tpu.memory_space<vmem_shared>> -> memref<640x128xf32, #tpu.memory_space<vmem_shared>>
      tpu.enqueue_dma source(%dma_start3A_171 : memref<640x128xf32, #tpu.memory_space<vmem_shared>>) target(%dma_start3A_169 : memref<640x128xf32, #tpu.memory_space<hbm>>) target_semaphore(%run_scoped3A_167 : memref<!tpu.dma_semaphore, #tpu.memory_space<semaphore_mem>>)
      %dma_wait3A_172 = arith.constant 0 : i32
      %dma_wait3A_173 = tpu.memref_slice %arg5[%arg0, %mul3A_166, %dma_wait3A_172] : memref<2x10240x128xf32, #tpu.memory_space<hbm>> -> memref<1x640x128xf32, #tpu.memory_space<hbm>>
      %dma_wait3A_174 = tpu.memref_squeeze %dma_wait3A_173 : memref<1x640x128xf32, #tpu.memory_space<hbm>> -> memref<640x128xf32, #tpu.memory_space<hbm>>
      %dma_wait3A_175 = arith.constant 0 : i32
      %dma_wait3A_176 = tpu.memref_slice %arg9[%mul3A_164, %dma_wait3A_175] : memref<10240x128xf32, #tpu.memory_space<vmem_shared>> -> memref<640x128xf32, #tpu.memory_space<vmem_shared>>
      tpu.wait_dma2 semaphore(%run_scoped3A_167 : memref<!tpu.dma_semaphore, #tpu.memory_space<semaphore_mem>>) src(%dma_wait3A_176 : memref<640x128xf32, #tpu.memory_space<vmem_shared>>) dst(%dma_wait3A_174 : memref<640x128xf32, #tpu.memory_space<hbm>>)
      tpu.yield
    }) : () -> ()
    return
  }
}

#map = affine_map<(d0, d1) -> (0, 0)>
#map1 = affine_map<(d0, d1) -> (0, 0, 0)>
module attributes {stable_mosaic.version = 14 : i64} {
  func.func @sage_sc_agg(%arg0: i32, %arg1: i32, %arg2: memref<10000x128xf32, #tpu.memory_space<hbm>>, %arg3: memref<2x327680xi32, #tpu.memory_space<hbm>>, %arg4: memref<640x128xf32, #tpu.memory_space<hbm>>, %arg5: memref<2x10240x128xf32, #tpu.memory_space<hbm>>, %arg6: memref<10240xi32, #tpu.memory_space<vmem>>, %arg7: memref<10240xi32, #tpu.memory_space<vmem>>, %arg8: memref<10x16x128xf32, #tpu.memory_space<vmem>>, %arg9: memref<10240x128xf32, #tpu.memory_space<vmem_shared>>, %arg10: memref<!tpu.dma_semaphore, #tpu.memory_space<semaphore_mem>>, %arg11: memref<!tpu.dma_semaphore, #tpu.memory_space<semaphore_mem>>) attributes {dimension_semantics = [#tpu.dimension_semantics<core_parallel>, #tpu.dimension_semantics<subcore_parallel>], iteration_bounds = array<i64: 2, 16>, scalar_prefetch = 0 : i64, scratch_operands = 6 : i64, tpu.core_type = #tpu.core_type<sc_vector_subcore>, window_params = [{transform_indices = #map}, {transform_indices = #map}, {transform_indices = #map}, {transform_indices = #map1}]} {
    %mul3A = arith.constant 16 : i32
    %mul3A_0 = arith.muli %arg0, %mul3A : i32
    %add3A = arith.addi %mul3A_0, %arg1 : i32
    %mul3A_1 = arith.constant 640 : i32
    %mul3A_2 = arith.muli %arg1, %mul3A_1 : i32
    "tpu.region"() ({
      %run_scoped3A_167 = tpu.sem_alloc : memref<!tpu.dma_semaphore, #tpu.memory_space<semaphore_mem>>
      %dma_start3A = arith.constant 0 : i32
      %dma_start3A_168 = tpu.memref_slice %arg9[%mul3A_2, %dma_start3A] : memref<10240x128xf32, #tpu.memory_space<vmem_shared>> -> memref<640x128xf32, #tpu.memory_space<vmem_shared>>
      tpu.enqueue_dma source(%arg4 : memref<640x128xf32, #tpu.memory_space<hbm>>) target(%dma_start3A_168 : memref<640x128xf32, #tpu.memory_space<vmem_shared>>) target_semaphore(%run_scoped3A_167 : memref<!tpu.dma_semaphore, #tpu.memory_space<semaphore_mem>>)
      %dma_wait3A_169 = arith.constant 0 : i32
      %dma_wait3A_170 = tpu.memref_slice %arg9[%mul3A_2, %dma_wait3A_169] : memref<10240x128xf32, #tpu.memory_space<vmem_shared>> -> memref<640x128xf32, #tpu.memory_space<vmem_shared>>
      tpu.wait_dma2 semaphore(%run_scoped3A_167 : memref<!tpu.dma_semaphore, #tpu.memory_space<semaphore_mem>>) src(%arg4 : memref<640x128xf32, #tpu.memory_space<hbm>>) dst(%dma_wait3A_170 : memref<640x128xf32, #tpu.memory_space<vmem_shared>>)
      tpu.yield
    }) : () -> ()
    %mul3A_3 = arith.constant 10240 : i32
    %mul3A_4 = arith.muli %add3A, %mul3A_3 : i32
    %run_scoped3A = arith.constant 0 : i32
    "tpu.region"() ({
      %run_scoped3A_167 = tpu.sem_alloc : memref<!tpu.dma_semaphore, #tpu.memory_space<semaphore_mem>>
      %dma_start3A = tpu.memref_slice %arg3[%run_scoped3A, %mul3A_4] : memref<2x327680xi32, #tpu.memory_space<hbm>> -> memref<1x10240xi32, #tpu.memory_space<hbm>>
      %dma_start3A_168 = tpu.memref_squeeze %dma_start3A : memref<1x10240xi32, #tpu.memory_space<hbm>> -> memref<10240xi32, #tpu.memory_space<hbm>>
      %dma_start3A_169 = tpu.memref_slice %arg3[%run_scoped3A, %mul3A_4] : memref<2x327680xi32, #tpu.memory_space<hbm>> -> memref<1x10240xi32, #tpu.memory_space<hbm>>
      %dma_start3A_170 = tpu.memref_squeeze %dma_start3A_169 : memref<1x10240xi32, #tpu.memory_space<hbm>> -> memref<10240xi32, #tpu.memory_space<hbm>>
      tpu.enqueue_dma source(%dma_start3A_170 : memref<10240xi32, #tpu.memory_space<hbm>>) target(%arg6 : memref<10240xi32, #tpu.memory_space<vmem>>) target_semaphore(%run_scoped3A_167 : memref<!tpu.dma_semaphore, #tpu.memory_space<semaphore_mem>>)
      %dma_wait3A_171 = tpu.memref_slice %arg3[%run_scoped3A, %mul3A_4] : memref<2x327680xi32, #tpu.memory_space<hbm>> -> memref<1x10240xi32, #tpu.memory_space<hbm>>
      %dma_wait3A_172 = tpu.memref_squeeze %dma_wait3A_171 : memref<1x10240xi32, #tpu.memory_space<hbm>> -> memref<10240xi32, #tpu.memory_space<hbm>>
      %dma_wait3A_173 = tpu.memref_slice %arg3[%run_scoped3A, %mul3A_4] : memref<2x327680xi32, #tpu.memory_space<hbm>> -> memref<1x10240xi32, #tpu.memory_space<hbm>>
      %dma_wait3A_174 = tpu.memref_squeeze %dma_wait3A_173 : memref<1x10240xi32, #tpu.memory_space<hbm>> -> memref<10240xi32, #tpu.memory_space<hbm>>
      tpu.wait_dma2 semaphore(%run_scoped3A_167 : memref<!tpu.dma_semaphore, #tpu.memory_space<semaphore_mem>>) src(%dma_wait3A_174 : memref<10240xi32, #tpu.memory_space<hbm>>) dst(%arg6 : memref<10240xi32, #tpu.memory_space<vmem>>)
      tpu.yield
    }) : () -> ()
    %mul3A_5 = arith.constant 10240 : i32
    %mul3A_6 = arith.muli %add3A, %mul3A_5 : i32
    %run_scoped3A_7 = arith.constant 1 : i32
    "tpu.region"() ({
      %run_scoped3A_167 = tpu.sem_alloc : memref<!tpu.dma_semaphore, #tpu.memory_space<semaphore_mem>>
      %dma_start3A = tpu.memref_slice %arg3[%run_scoped3A_7, %mul3A_6] : memref<2x327680xi32, #tpu.memory_space<hbm>> -> memref<1x10240xi32, #tpu.memory_space<hbm>>
      %dma_start3A_168 = tpu.memref_squeeze %dma_start3A : memref<1x10240xi32, #tpu.memory_space<hbm>> -> memref<10240xi32, #tpu.memory_space<hbm>>
      %dma_start3A_169 = tpu.memref_slice %arg3[%run_scoped3A_7, %mul3A_6] : memref<2x327680xi32, #tpu.memory_space<hbm>> -> memref<1x10240xi32, #tpu.memory_space<hbm>>
      %dma_start3A_170 = tpu.memref_squeeze %dma_start3A_169 : memref<1x10240xi32, #tpu.memory_space<hbm>> -> memref<10240xi32, #tpu.memory_space<hbm>>
      tpu.enqueue_dma source(%dma_start3A_170 : memref<10240xi32, #tpu.memory_space<hbm>>) target(%arg7 : memref<10240xi32, #tpu.memory_space<vmem>>) target_semaphore(%run_scoped3A_167 : memref<!tpu.dma_semaphore, #tpu.memory_space<semaphore_mem>>)
      %dma_wait3A_171 = tpu.memref_slice %arg3[%run_scoped3A_7, %mul3A_6] : memref<2x327680xi32, #tpu.memory_space<hbm>> -> memref<1x10240xi32, #tpu.memory_space<hbm>>
      %dma_wait3A_172 = tpu.memref_squeeze %dma_wait3A_171 : memref<1x10240xi32, #tpu.memory_space<hbm>> -> memref<10240xi32, #tpu.memory_space<hbm>>
      %dma_wait3A_173 = tpu.memref_slice %arg3[%run_scoped3A_7, %mul3A_6] : memref<2x327680xi32, #tpu.memory_space<hbm>> -> memref<1x10240xi32, #tpu.memory_space<hbm>>
      %dma_wait3A_174 = tpu.memref_squeeze %dma_wait3A_173 : memref<1x10240xi32, #tpu.memory_space<hbm>> -> memref<10240xi32, #tpu.memory_space<hbm>>
      tpu.wait_dma2 semaphore(%run_scoped3A_167 : memref<!tpu.dma_semaphore, #tpu.memory_space<semaphore_mem>>) src(%dma_wait3A_174 : memref<10240xi32, #tpu.memory_space<hbm>>) dst(%arg7 : memref<10240xi32, #tpu.memory_space<vmem>>)
      tpu.yield
    }) : () -> ()
    %barrier3A = arith.constant 0 : index
    tpu.barrier barrier_id(%barrier3A)
    %scan3A = arith.constant 0 : i32
    %scan3A_8 = arith.constant 0 : i32
    %scan3A_9 = arith.constant 64 : i32
    %scan3A_10 = arith.addi %scan3A_8, %scan3A_9 : i32
    %scan3A_11 = arith.constant 1 : i32
    scf.for %scan3A_167 = %scan3A_8 to %scan3A_10 step %scan3A_11  : i32 {
      %gt3A = arith.constant 0 : i32
      %gt3A_168 = arith.cmpi sgt, %scan3A_167, %gt3A : i32
      %convert_element_type3A = arith.extui %gt3A_168 : i1 to i32
      %cond3A = arith.constant 0 : i32
      %cond3A_169 = arith.cmpi ne, %convert_element_type3A, %cond3A : i32
      scf.if %cond3A_169 {
        %dma_wait3A_598 = arith.constant 0 : i32
        %dma_wait3A_599 = arith.constant 0 : i32
        %dma_wait3A_600 = arith.constant 0 : i32
        %dma_wait3A_601 = tpu.memref_slice %arg8[%dma_wait3A_598, %dma_wait3A_599, %dma_wait3A_600] : memref<10x16x128xf32, #tpu.memory_space<vmem>> -> memref<1x16x128xf32, #tpu.memory_space<vmem>>
        %dma_wait3A_602 = tpu.memref_squeeze %dma_wait3A_601 : memref<1x16x128xf32, #tpu.memory_space<vmem>> -> memref<16x128xf32, #tpu.memory_space<vmem>>
        %dma_wait3A_603 = arith.constant 0 : i32
        %dma_wait3A_604 = arith.constant 0 : i32
        %dma_wait3A_605 = tpu.memref_slice %arg9[%dma_wait3A_603, %dma_wait3A_604] : memref<10240x128xf32, #tpu.memory_space<vmem_shared>> -> memref<16x128xf32, #tpu.memory_space<vmem_shared>>
        %dma_wait3A_606 = arith.constant 0 : i32
        %dma_wait3A_607 = arith.constant 0 : i32
        %dma_wait3A_608 = tpu.memref_slice %arg9[%dma_wait3A_606, %dma_wait3A_607] : memref<10240x128xf32, #tpu.memory_space<vmem_shared>> -> memref<16x128xf32, #tpu.memory_space<vmem_shared>>
        %dma_wait3A_609 = arith.constant 0 : i32
        %dma_wait3A_610 = arith.constant 0 : i32
        %dma_wait3A_611 = tpu.memref_slice %arg8[%dma_wait3A_598, %dma_wait3A_609, %dma_wait3A_610] : memref<10x16x128xf32, #tpu.memory_space<vmem>> -> memref<1x16x128xf32, #tpu.memory_space<vmem>>
        %dma_wait3A_612 = tpu.memref_squeeze %dma_wait3A_611 : memref<1x16x128xf32, #tpu.memory_space<vmem>> -> memref<16x128xf32, #tpu.memory_space<vmem>>
        tpu.wait_dma2 semaphore(%arg11 : memref<!tpu.dma_semaphore, #tpu.memory_space<semaphore_mem>>) src(%dma_wait3A_612 : memref<16x128xf32, #tpu.memory_space<vmem>>) dst(%dma_wait3A_608 : memref<16x128xf32, #tpu.memory_space<vmem_shared>>)
        %dma_wait3A_613 = arith.constant 0 : i32
        %dma_wait3A_614 = arith.constant 0 : i32
        %dma_wait3A_615 = arith.constant 0 : i32
        %dma_wait3A_616 = tpu.memref_slice %arg8[%dma_wait3A_613, %dma_wait3A_614, %dma_wait3A_615] : memref<10x16x128xf32, #tpu.memory_space<vmem>> -> memref<1x16x128xf32, #tpu.memory_space<vmem>>
        %dma_wait3A_617 = tpu.memref_squeeze %dma_wait3A_616 : memref<1x16x128xf32, #tpu.memory_space<vmem>> -> memref<16x128xf32, #tpu.memory_space<vmem>>
        %dma_wait3A_618 = arith.constant 0 : i32
        %dma_wait3A_619 = arith.constant 0 : i32
        %dma_wait3A_620 = tpu.memref_slice %arg9[%dma_wait3A_618, %dma_wait3A_619] : memref<10240x128xf32, #tpu.memory_space<vmem_shared>> -> memref<16x128xf32, #tpu.memory_space<vmem_shared>>
        %dma_wait3A_621 = arith.constant 0 : i32
        %dma_wait3A_622 = arith.constant 0 : i32
        %dma_wait3A_623 = tpu.memref_slice %arg9[%dma_wait3A_621, %dma_wait3A_622] : memref<10240x128xf32, #tpu.memory_space<vmem_shared>> -> memref<16x128xf32, #tpu.memory_space<vmem_shared>>
        %dma_wait3A_624 = arith.constant 0 : i32
        %dma_wait3A_625 = arith.constant 0 : i32
        %dma_wait3A_626 = tpu.memref_slice %arg8[%dma_wait3A_613, %dma_wait3A_624, %dma_wait3A_625] : memref<10x16x128xf32, #tpu.memory_space<vmem>> -> memref<1x16x128xf32, #tpu.memory_space<vmem>>
        %dma_wait3A_627 = tpu.memref_squeeze %dma_wait3A_626 : memref<1x16x128xf32, #tpu.memory_space<vmem>> -> memref<16x128xf32, #tpu.memory_space<vmem>>
        tpu.wait_dma2 semaphore(%arg11 : memref<!tpu.dma_semaphore, #tpu.memory_space<semaphore_mem>>) src(%dma_wait3A_627 : memref<16x128xf32, #tpu.memory_space<vmem>>) dst(%dma_wait3A_623 : memref<16x128xf32, #tpu.memory_space<vmem_shared>>)
        %dma_wait3A_628 = arith.constant 0 : i32
        %dma_wait3A_629 = arith.constant 0 : i32
        %dma_wait3A_630 = arith.constant 0 : i32
        %dma_wait3A_631 = tpu.memref_slice %arg8[%dma_wait3A_628, %dma_wait3A_629, %dma_wait3A_630] : memref<10x16x128xf32, #tpu.memory_space<vmem>> -> memref<1x16x128xf32, #tpu.memory_space<vmem>>
        %dma_wait3A_632 = tpu.memref_squeeze %dma_wait3A_631 : memref<1x16x128xf32, #tpu.memory_space<vmem>> -> memref<16x128xf32, #tpu.memory_space<vmem>>
        %dma_wait3A_633 = arith.constant 0 : i32
        %dma_wait3A_634 = arith.constant 0 : i32
        %dma_wait3A_635 = tpu.memref_slice %arg9[%dma_wait3A_633, %dma_wait3A_634] : memref<10240x128xf32, #tpu.memory_space<vmem_shared>> -> memref<16x128xf32, #tpu.memory_space<vmem_shared>>
        %dma_wait3A_636 = arith.constant 0 : i32
        %dma_wait3A_637 = arith.constant 0 : i32
        %dma_wait3A_638 = tpu.memref_slice %arg9[%dma_wait3A_636, %dma_wait3A_637] : memref<10240x128xf32, #tpu.memory_space<vmem_shared>> -> memref<16x128xf32, #tpu.memory_space<vmem_shared>>
        %dma_wait3A_639 = arith.constant 0 : i32
        %dma_wait3A_640 = arith.constant 0 : i32
        %dma_wait3A_641 = tpu.memref_slice %arg8[%dma_wait3A_628, %dma_wait3A_639, %dma_wait3A_640] : memref<10x16x128xf32, #tpu.memory_space<vmem>> -> memref<1x16x128xf32, #tpu.memory_space<vmem>>
        %dma_wait3A_642 = tpu.memref_squeeze %dma_wait3A_641 : memref<1x16x128xf32, #tpu.memory_space<vmem>> -> memref<16x128xf32, #tpu.memory_space<vmem>>
        tpu.wait_dma2 semaphore(%arg11 : memref<!tpu.dma_semaphore, #tpu.memory_space<semaphore_mem>>) src(%dma_wait3A_642 : memref<16x128xf32, #tpu.memory_space<vmem>>) dst(%dma_wait3A_638 : memref<16x128xf32, #tpu.memory_space<vmem_shared>>)
        %dma_wait3A_643 = arith.constant 0 : i32
        %dma_wait3A_644 = arith.constant 0 : i32
        %dma_wait3A_645 = arith.constant 0 : i32
        %dma_wait3A_646 = tpu.memref_slice %arg8[%dma_wait3A_643, %dma_wait3A_644, %dma_wait3A_645] : memref<10x16x128xf32, #tpu.memory_space<vmem>> -> memref<1x16x128xf32, #tpu.memory_space<vmem>>
        %dma_wait3A_647 = tpu.memref_squeeze %dma_wait3A_646 : memref<1x16x128xf32, #tpu.memory_space<vmem>> -> memref<16x128xf32, #tpu.memory_space<vmem>>
        %dma_wait3A_648 = arith.constant 0 : i32
        %dma_wait3A_649 = arith.constant 0 : i32
        %dma_wait3A_650 = tpu.memref_slice %arg9[%dma_wait3A_648, %dma_wait3A_649] : memref<10240x128xf32, #tpu.memory_space<vmem_shared>> -> memref<16x128xf32, #tpu.memory_space<vmem_shared>>
        %dma_wait3A_651 = arith.constant 0 : i32
        %dma_wait3A_652 = arith.constant 0 : i32
        %dma_wait3A_653 = tpu.memref_slice %arg9[%dma_wait3A_651, %dma_wait3A_652] : memref<10240x128xf32, #tpu.memory_space<vmem_shared>> -> memref<16x128xf32, #tpu.memory_space<vmem_shared>>
        %dma_wait3A_654 = arith.constant 0 : i32
        %dma_wait3A_655 = arith.constant 0 : i32
        %dma_wait3A_656 = tpu.memref_slice %arg8[%dma_wait3A_643, %dma_wait3A_654, %dma_wait3A_655] : memref<10x16x128xf32, #tpu.memory_space<vmem>> -> memref<1x16x128xf32, #tpu.memory_space<vmem>>
        %dma_wait3A_657 = tpu.memref_squeeze %dma_wait3A_656 : memref<1x16x128xf32, #tpu.memory_space<vmem>> -> memref<16x128xf32, #tpu.memory_space<vmem>>
        tpu.wait_dma2 semaphore(%arg11 : memref<!tpu.dma_semaphore, #tpu.memory_space<semaphore_mem>>) src(%dma_wait3A_657 : memref<16x128xf32, #tpu.memory_space<vmem>>) dst(%dma_wait3A_653 : memref<16x128xf32, #tpu.memory_space<vmem_shared>>)
        %dma_wait3A_658 = arith.constant 0 : i32
        %dma_wait3A_659 = arith.constant 0 : i32
        %dma_wait3A_660 = arith.constant 0 : i32
        %dma_wait3A_661 = tpu.memref_slice %arg8[%dma_wait3A_658, %dma_wait3A_659, %dma_wait3A_660] : memref<10x16x128xf32, #tpu.memory_space<vmem>> -> memref<1x16x128xf32, #tpu.memory_space<vmem>>
        %dma_wait3A_662 = tpu.memref_squeeze %dma_wait3A_661 : memref<1x16x128xf32, #tpu.memory_space<vmem>> -> memref<16x128xf32, #tpu.memory_space<vmem>>
        %dma_wait3A_663 = arith.constant 0 : i32
        %dma_wait3A_664 = arith.constant 0 : i32
        %dma_wait3A_665 = tpu.memref_slice %arg9[%dma_wait3A_663, %dma_wait3A_664] : memref<10240x128xf32, #tpu.memory_space<vmem_shared>> -> memref<16x128xf32, #tpu.memory_space<vmem_shared>>
        %dma_wait3A_666 = arith.constant 0 : i32
        %dma_wait3A_667 = arith.constant 0 : i32
        %dma_wait3A_668 = tpu.memref_slice %arg9[%dma_wait3A_666, %dma_wait3A_667] : memref<10240x128xf32, #tpu.memory_space<vmem_shared>> -> memref<16x128xf32, #tpu.memory_space<vmem_shared>>
        %dma_wait3A_669 = arith.constant 0 : i32
        %dma_wait3A_670 = arith.constant 0 : i32
        %dma_wait3A_671 = tpu.memref_slice %arg8[%dma_wait3A_658, %dma_wait3A_669, %dma_wait3A_670] : memref<10x16x128xf32, #tpu.memory_space<vmem>> -> memref<1x16x128xf32, #tpu.memory_space<vmem>>
        %dma_wait3A_672 = tpu.memref_squeeze %dma_wait3A_671 : memref<1x16x128xf32, #tpu.memory_space<vmem>> -> memref<16x128xf32, #tpu.memory_space<vmem>>
        tpu.wait_dma2 semaphore(%arg11 : memref<!tpu.dma_semaphore, #tpu.memory_space<semaphore_mem>>) src(%dma_wait3A_672 : memref<16x128xf32, #tpu.memory_space<vmem>>) dst(%dma_wait3A_668 : memref<16x128xf32, #tpu.memory_space<vmem_shared>>)
        %dma_wait3A_673 = arith.constant 0 : i32
        %dma_wait3A_674 = arith.constant 0 : i32
        %dma_wait3A_675 = arith.constant 0 : i32
        %dma_wait3A_676 = tpu.memref_slice %arg8[%dma_wait3A_673, %dma_wait3A_674, %dma_wait3A_675] : memref<10x16x128xf32, #tpu.memory_space<vmem>> -> memref<1x16x128xf32, #tpu.memory_space<vmem>>
        %dma_wait3A_677 = tpu.memref_squeeze %dma_wait3A_676 : memref<1x16x128xf32, #tpu.memory_space<vmem>> -> memref<16x128xf32, #tpu.memory_space<vmem>>
        %dma_wait3A_678 = arith.constant 0 : i32
        %dma_wait3A_679 = arith.constant 0 : i32
        %dma_wait3A_680 = tpu.memref_slice %arg9[%dma_wait3A_678, %dma_wait3A_679] : memref<10240x128xf32, #tpu.memory_space<vmem_shared>> -> memref<16x128xf32, #tpu.memory_space<vmem_shared>>
        %dma_wait3A_681 = arith.constant 0 : i32
        %dma_wait3A_682 = arith.constant 0 : i32
        %dma_wait3A_683 = tpu.memref_slice %arg9[%dma_wait3A_681, %dma_wait3A_682] : memref<10240x128xf32, #tpu.memory_space<vmem_shared>> -> memref<16x128xf32, #tpu.memory_space<vmem_shared>>
        %dma_wait3A_684 = arith.constant 0 : i32
        %dma_wait3A_685 = arith.constant 0 : i32
        %dma_wait3A_686 = tpu.memref_slice %arg8[%dma_wait3A_673, %dma_wait3A_684, %dma_wait3A_685] : memref<10x16x128xf32, #tpu.memory_space<vmem>> -> memref<1x16x128xf32, #tpu.memory_space<vmem>>
        %dma_wait3A_687 = tpu.memref_squeeze %dma_wait3A_686 : memref<1x16x128xf32, #tpu.memory_space<vmem>> -> memref<16x128xf32, #tpu.memory_space<vmem>>
        tpu.wait_dma2 semaphore(%arg11 : memref<!tpu.dma_semaphore, #tpu.memory_space<semaphore_mem>>) src(%dma_wait3A_687 : memref<16x128xf32, #tpu.memory_space<vmem>>) dst(%dma_wait3A_683 : memref<16x128xf32, #tpu.memory_space<vmem_shared>>)
        %dma_wait3A_688 = arith.constant 0 : i32
        %dma_wait3A_689 = arith.constant 0 : i32
        %dma_wait3A_690 = arith.constant 0 : i32
        %dma_wait3A_691 = tpu.memref_slice %arg8[%dma_wait3A_688, %dma_wait3A_689, %dma_wait3A_690] : memref<10x16x128xf32, #tpu.memory_space<vmem>> -> memref<1x16x128xf32, #tpu.memory_space<vmem>>
        %dma_wait3A_692 = tpu.memref_squeeze %dma_wait3A_691 : memref<1x16x128xf32, #tpu.memory_space<vmem>> -> memref<16x128xf32, #tpu.memory_space<vmem>>
        %dma_wait3A_693 = arith.constant 0 : i32
        %dma_wait3A_694 = arith.constant 0 : i32
        %dma_wait3A_695 = tpu.memref_slice %arg9[%dma_wait3A_693, %dma_wait3A_694] : memref<10240x128xf32, #tpu.memory_space<vmem_shared>> -> memref<16x128xf32, #tpu.memory_space<vmem_shared>>
        %dma_wait3A_696 = arith.constant 0 : i32
        %dma_wait3A_697 = arith.constant 0 : i32
        %dma_wait3A_698 = tpu.memref_slice %arg9[%dma_wait3A_696, %dma_wait3A_697] : memref<10240x128xf32, #tpu.memory_space<vmem_shared>> -> memref<16x128xf32, #tpu.memory_space<vmem_shared>>
        %dma_wait3A_699 = arith.constant 0 : i32
        %dma_wait3A_700 = arith.constant 0 : i32
        %dma_wait3A_701 = tpu.memref_slice %arg8[%dma_wait3A_688, %dma_wait3A_699, %dma_wait3A_700] : memref<10x16x128xf32, #tpu.memory_space<vmem>> -> memref<1x16x128xf32, #tpu.memory_space<vmem>>
        %dma_wait3A_702 = tpu.memref_squeeze %dma_wait3A_701 : memref<1x16x128xf32, #tpu.memory_space<vmem>> -> memref<16x128xf32, #tpu.memory_space<vmem>>
        tpu.wait_dma2 semaphore(%arg11 : memref<!tpu.dma_semaphore, #tpu.memory_space<semaphore_mem>>) src(%dma_wait3A_702 : memref<16x128xf32, #tpu.memory_space<vmem>>) dst(%dma_wait3A_698 : memref<16x128xf32, #tpu.memory_space<vmem_shared>>)
        %dma_wait3A_703 = arith.constant 0 : i32
        %dma_wait3A_704 = arith.constant 0 : i32
        %dma_wait3A_705 = arith.constant 0 : i32
        %dma_wait3A_706 = tpu.memref_slice %arg8[%dma_wait3A_703, %dma_wait3A_704, %dma_wait3A_705] : memref<10x16x128xf32, #tpu.memory_space<vmem>> -> memref<1x16x128xf32, #tpu.memory_space<vmem>>
        %dma_wait3A_707 = tpu.memref_squeeze %dma_wait3A_706 : memref<1x16x128xf32, #tpu.memory_space<vmem>> -> memref<16x128xf32, #tpu.memory_space<vmem>>
        %dma_wait3A_708 = arith.constant 0 : i32
        %dma_wait3A_709 = arith.constant 0 : i32
        %dma_wait3A_710 = tpu.memref_slice %arg9[%dma_wait3A_708, %dma_wait3A_709] : memref<10240x128xf32, #tpu.memory_space<vmem_shared>> -> memref<16x128xf32, #tpu.memory_space<vmem_shared>>
        %dma_wait3A_711 = arith.constant 0 : i32
        %dma_wait3A_712 = arith.constant 0 : i32
        %dma_wait3A_713 = tpu.memref_slice %arg9[%dma_wait3A_711, %dma_wait3A_712] : memref<10240x128xf32, #tpu.memory_space<vmem_shared>> -> memref<16x128xf32, #tpu.memory_space<vmem_shared>>
        %dma_wait3A_714 = arith.constant 0 : i32
        %dma_wait3A_715 = arith.constant 0 : i32
        %dma_wait3A_716 = tpu.memref_slice %arg8[%dma_wait3A_703, %dma_wait3A_714, %dma_wait3A_715] : memref<10x16x128xf32, #tpu.memory_space<vmem>> -> memref<1x16x128xf32, #tpu.memory_space<vmem>>
        %dma_wait3A_717 = tpu.memref_squeeze %dma_wait3A_716 : memref<1x16x128xf32, #tpu.memory_space<vmem>> -> memref<16x128xf32, #tpu.memory_space<vmem>>
        tpu.wait_dma2 semaphore(%arg11 : memref<!tpu.dma_semaphore, #tpu.memory_space<semaphore_mem>>) src(%dma_wait3A_717 : memref<16x128xf32, #tpu.memory_space<vmem>>) dst(%dma_wait3A_713 : memref<16x128xf32, #tpu.memory_space<vmem_shared>>)
        %dma_wait3A_718 = arith.constant 0 : i32
        %dma_wait3A_719 = arith.constant 0 : i32
        %dma_wait3A_720 = arith.constant 0 : i32
        %dma_wait3A_721 = tpu.memref_slice %arg8[%dma_wait3A_718, %dma_wait3A_719, %dma_wait3A_720] : memref<10x16x128xf32, #tpu.memory_space<vmem>> -> memref<1x16x128xf32, #tpu.memory_space<vmem>>
        %dma_wait3A_722 = tpu.memref_squeeze %dma_wait3A_721 : memref<1x16x128xf32, #tpu.memory_space<vmem>> -> memref<16x128xf32, #tpu.memory_space<vmem>>
        %dma_wait3A_723 = arith.constant 0 : i32
        %dma_wait3A_724 = arith.constant 0 : i32
        %dma_wait3A_725 = tpu.memref_slice %arg9[%dma_wait3A_723, %dma_wait3A_724] : memref<10240x128xf32, #tpu.memory_space<vmem_shared>> -> memref<16x128xf32, #tpu.memory_space<vmem_shared>>
        %dma_wait3A_726 = arith.constant 0 : i32
        %dma_wait3A_727 = arith.constant 0 : i32
        %dma_wait3A_728 = tpu.memref_slice %arg9[%dma_wait3A_726, %dma_wait3A_727] : memref<10240x128xf32, #tpu.memory_space<vmem_shared>> -> memref<16x128xf32, #tpu.memory_space<vmem_shared>>
        %dma_wait3A_729 = arith.constant 0 : i32
        %dma_wait3A_730 = arith.constant 0 : i32
        %dma_wait3A_731 = tpu.memref_slice %arg8[%dma_wait3A_718, %dma_wait3A_729, %dma_wait3A_730] : memref<10x16x128xf32, #tpu.memory_space<vmem>> -> memref<1x16x128xf32, #tpu.memory_space<vmem>>
        %dma_wait3A_732 = tpu.memref_squeeze %dma_wait3A_731 : memref<1x16x128xf32, #tpu.memory_space<vmem>> -> memref<16x128xf32, #tpu.memory_space<vmem>>
        tpu.wait_dma2 semaphore(%arg11 : memref<!tpu.dma_semaphore, #tpu.memory_space<semaphore_mem>>) src(%dma_wait3A_732 : memref<16x128xf32, #tpu.memory_space<vmem>>) dst(%dma_wait3A_728 : memref<16x128xf32, #tpu.memory_space<vmem_shared>>)
        %dma_wait3A_733 = arith.constant 0 : i32
        %dma_wait3A_734 = arith.constant 0 : i32
        %dma_wait3A_735 = arith.constant 0 : i32
        %dma_wait3A_736 = tpu.memref_slice %arg8[%dma_wait3A_733, %dma_wait3A_734, %dma_wait3A_735] : memref<10x16x128xf32, #tpu.memory_space<vmem>> -> memref<1x16x128xf32, #tpu.memory_space<vmem>>
        %dma_wait3A_737 = tpu.memref_squeeze %dma_wait3A_736 : memref<1x16x128xf32, #tpu.memory_space<vmem>> -> memref<16x128xf32, #tpu.memory_space<vmem>>
        %dma_wait3A_738 = arith.constant 0 : i32
        %dma_wait3A_739 = arith.constant 0 : i32
        %dma_wait3A_740 = tpu.memref_slice %arg9[%dma_wait3A_738, %dma_wait3A_739] : memref<10240x128xf32, #tpu.memory_space<vmem_shared>> -> memref<16x128xf32, #tpu.memory_space<vmem_shared>>
        %dma_wait3A_741 = arith.constant 0 : i32
        %dma_wait3A_742 = arith.constant 0 : i32
        %dma_wait3A_743 = tpu.memref_slice %arg9[%dma_wait3A_741, %dma_wait3A_742] : memref<10240x128xf32, #tpu.memory_space<vmem_shared>> -> memref<16x128xf32, #tpu.memory_space<vmem_shared>>
        %dma_wait3A_744 = arith.constant 0 : i32
        %dma_wait3A_745 = arith.constant 0 : i32
        %dma_wait3A_746 = tpu.memref_slice %arg8[%dma_wait3A_733, %dma_wait3A_744, %dma_wait3A_745] : memref<10x16x128xf32, #tpu.memory_space<vmem>> -> memref<1x16x128xf32, #tpu.memory_space<vmem>>
        %dma_wait3A_747 = tpu.memref_squeeze %dma_wait3A_746 : memref<1x16x128xf32, #tpu.memory_space<vmem>> -> memref<16x128xf32, #tpu.memory_space<vmem>>
        tpu.wait_dma2 semaphore(%arg11 : memref<!tpu.dma_semaphore, #tpu.memory_space<semaphore_mem>>) src(%dma_wait3A_747 : memref<16x128xf32, #tpu.memory_space<vmem>>) dst(%dma_wait3A_743 : memref<16x128xf32, #tpu.memory_space<vmem_shared>>)
      } else {
      }
      %mul3A_170 = arith.constant 10 : i32
      %mul3A_171 = arith.muli %scan3A_167, %mul3A_170 : i32
      %add3A_172 = arith.constant 0 : i32
      %add3A_173 = arith.addi %mul3A_171, %add3A_172 : i32
      %mul3A_174 = arith.constant 16 : i32
      %mul3A_175 = arith.muli %add3A_173, %mul3A_174 : i32
      %dma_start3A = arith.constant 0 : i32
      %dma_start3A_176 = arith.constant 0 : i32
      %dma_start3A_177 = arith.constant 0 : i32
      %dma_start3A_178 = tpu.memref_slice %arg8[%dma_start3A, %dma_start3A_176, %dma_start3A_177] : memref<10x16x128xf32, #tpu.memory_space<vmem>> -> memref<1x16x128xf32, #tpu.memory_space<vmem>>
      %dma_start3A_179 = tpu.memref_squeeze %dma_start3A_178 : memref<1x16x128xf32, #tpu.memory_space<vmem>> -> memref<16x128xf32, #tpu.memory_space<vmem>>
      %dma_start3A_180 = tpu.memref_slice %arg6[%mul3A_175] : memref<10240xi32, #tpu.memory_space<vmem>> -> memref<16xi32, #tpu.memory_space<vmem>>
      %dma_start3A_181 = arith.constant 0 : i32
      %dma_start3A_182 = arith.constant 0 : i32
      %dma_start3A_183 = tpu.memref_slice %arg2[%dma_start3A_181, %dma_start3A_182] : memref<10000x128xf32, #tpu.memory_space<hbm>> -> memref<10000x128xf32, #tpu.memory_space<hbm>>
      tpu.enqueue_indirect_dma source(%dma_start3A_183 : memref<10000x128xf32, #tpu.memory_space<hbm>>) target(%dma_start3A_179 : memref<16x128xf32, #tpu.memory_space<vmem>>) offsets(%dma_start3A_180 : memref<16xi32, #tpu.memory_space<vmem>>) semaphore(%arg10 : memref<!tpu.dma_semaphore, #tpu.memory_space<semaphore_mem>>)
      %mul3A_184 = arith.constant 10 : i32
      %mul3A_185 = arith.muli %scan3A_167, %mul3A_184 : i32
      %add3A_186 = arith.constant 1 : i32
      %add3A_187 = arith.addi %mul3A_185, %add3A_186 : i32
      %mul3A_188 = arith.constant 16 : i32
      %mul3A_189 = arith.muli %add3A_187, %mul3A_188 : i32
      %dma_start3A_190 = arith.constant 1 : i32
      %dma_start3A_191 = arith.constant 0 : i32
      %dma_start3A_192 = arith.constant 0 : i32
      %dma_start3A_193 = tpu.memref_slice %arg8[%dma_start3A_190, %dma_start3A_191, %dma_start3A_192] : memref<10x16x128xf32, #tpu.memory_space<vmem>> -> memref<1x16x128xf32, #tpu.memory_space<vmem>>
      %dma_start3A_194 = tpu.memref_squeeze %dma_start3A_193 : memref<1x16x128xf32, #tpu.memory_space<vmem>> -> memref<16x128xf32, #tpu.memory_space<vmem>>
      %dma_start3A_195 = tpu.memref_slice %arg6[%mul3A_189] : memref<10240xi32, #tpu.memory_space<vmem>> -> memref<16xi32, #tpu.memory_space<vmem>>
      %dma_start3A_196 = arith.constant 0 : i32
      %dma_start3A_197 = arith.constant 0 : i32
      %dma_start3A_198 = tpu.memref_slice %arg2[%dma_start3A_196, %dma_start3A_197] : memref<10000x128xf32, #tpu.memory_space<hbm>> -> memref<10000x128xf32, #tpu.memory_space<hbm>>
      tpu.enqueue_indirect_dma source(%dma_start3A_198 : memref<10000x128xf32, #tpu.memory_space<hbm>>) target(%dma_start3A_194 : memref<16x128xf32, #tpu.memory_space<vmem>>) offsets(%dma_start3A_195 : memref<16xi32, #tpu.memory_space<vmem>>) semaphore(%arg10 : memref<!tpu.dma_semaphore, #tpu.memory_space<semaphore_mem>>)
      %mul3A_199 = arith.constant 10 : i32
      %mul3A_200 = arith.muli %scan3A_167, %mul3A_199 : i32
      %add3A_201 = arith.constant 2 : i32
      %add3A_202 = arith.addi %mul3A_200, %add3A_201 : i32
      %mul3A_203 = arith.constant 16 : i32
      %mul3A_204 = arith.muli %add3A_202, %mul3A_203 : i32
      %dma_start3A_205 = arith.constant 2 : i32
      %dma_start3A_206 = arith.constant 0 : i32
      %dma_start3A_207 = arith.constant 0 : i32
      %dma_start3A_208 = tpu.memref_slice %arg8[%dma_start3A_205, %dma_start3A_206, %dma_start3A_207] : memref<10x16x128xf32, #tpu.memory_space<vmem>> -> memref<1x16x128xf32, #tpu.memory_space<vmem>>
      %dma_start3A_209 = tpu.memref_squeeze %dma_start3A_208 : memref<1x16x128xf32, #tpu.memory_space<vmem>> -> memref<16x128xf32, #tpu.memory_space<vmem>>
      %dma_start3A_210 = tpu.memref_slice %arg6[%mul3A_204] : memref<10240xi32, #tpu.memory_space<vmem>> -> memref<16xi32, #tpu.memory_space<vmem>>
      %dma_start3A_211 = arith.constant 0 : i32
      %dma_start3A_212 = arith.constant 0 : i32
      %dma_start3A_213 = tpu.memref_slice %arg2[%dma_start3A_211, %dma_start3A_212] : memref<10000x128xf32, #tpu.memory_space<hbm>> -> memref<10000x128xf32, #tpu.memory_space<hbm>>
      tpu.enqueue_indirect_dma source(%dma_start3A_213 : memref<10000x128xf32, #tpu.memory_space<hbm>>) target(%dma_start3A_209 : memref<16x128xf32, #tpu.memory_space<vmem>>) offsets(%dma_start3A_210 : memref<16xi32, #tpu.memory_space<vmem>>) semaphore(%arg10 : memref<!tpu.dma_semaphore, #tpu.memory_space<semaphore_mem>>)
      %mul3A_214 = arith.constant 10 : i32
      %mul3A_215 = arith.muli %scan3A_167, %mul3A_214 : i32
      %add3A_216 = arith.constant 3 : i32
      %add3A_217 = arith.addi %mul3A_215, %add3A_216 : i32
      %mul3A_218 = arith.constant 16 : i32
      %mul3A_219 = arith.muli %add3A_217, %mul3A_218 : i32
      %dma_start3A_220 = arith.constant 3 : i32
      %dma_start3A_221 = arith.constant 0 : i32
      %dma_start3A_222 = arith.constant 0 : i32
      %dma_start3A_223 = tpu.memref_slice %arg8[%dma_start3A_220, %dma_start3A_221, %dma_start3A_222] : memref<10x16x128xf32, #tpu.memory_space<vmem>> -> memref<1x16x128xf32, #tpu.memory_space<vmem>>
      %dma_start3A_224 = tpu.memref_squeeze %dma_start3A_223 : memref<1x16x128xf32, #tpu.memory_space<vmem>> -> memref<16x128xf32, #tpu.memory_space<vmem>>
      %dma_start3A_225 = tpu.memref_slice %arg6[%mul3A_219] : memref<10240xi32, #tpu.memory_space<vmem>> -> memref<16xi32, #tpu.memory_space<vmem>>
      %dma_start3A_226 = arith.constant 0 : i32
      %dma_start3A_227 = arith.constant 0 : i32
      %dma_start3A_228 = tpu.memref_slice %arg2[%dma_start3A_226, %dma_start3A_227] : memref<10000x128xf32, #tpu.memory_space<hbm>> -> memref<10000x128xf32, #tpu.memory_space<hbm>>
      tpu.enqueue_indirect_dma source(%dma_start3A_228 : memref<10000x128xf32, #tpu.memory_space<hbm>>) target(%dma_start3A_224 : memref<16x128xf32, #tpu.memory_space<vmem>>) offsets(%dma_start3A_225 : memref<16xi32, #tpu.memory_space<vmem>>) semaphore(%arg10 : memref<!tpu.dma_semaphore, #tpu.memory_space<semaphore_mem>>)
      %mul3A_229 = arith.constant 10 : i32
      %mul3A_230 = arith.muli %scan3A_167, %mul3A_229 : i32
      %add3A_231 = arith.constant 4 : i32
      %add3A_232 = arith.addi %mul3A_230, %add3A_231 : i32
      %mul3A_233 = arith.constant 16 : i32
      %mul3A_234 = arith.muli %add3A_232, %mul3A_233 : i32
      %dma_start3A_235 = arith.constant 4 : i32
      %dma_start3A_236 = arith.constant 0 : i32
      %dma_start3A_237 = arith.constant 0 : i32
      %dma_start3A_238 = tpu.memref_slice %arg8[%dma_start3A_235, %dma_start3A_236, %dma_start3A_237] : memref<10x16x128xf32, #tpu.memory_space<vmem>> -> memref<1x16x128xf32, #tpu.memory_space<vmem>>
      %dma_start3A_239 = tpu.memref_squeeze %dma_start3A_238 : memref<1x16x128xf32, #tpu.memory_space<vmem>> -> memref<16x128xf32, #tpu.memory_space<vmem>>
      %dma_start3A_240 = tpu.memref_slice %arg6[%mul3A_234] : memref<10240xi32, #tpu.memory_space<vmem>> -> memref<16xi32, #tpu.memory_space<vmem>>
      %dma_start3A_241 = arith.constant 0 : i32
      %dma_start3A_242 = arith.constant 0 : i32
      %dma_start3A_243 = tpu.memref_slice %arg2[%dma_start3A_241, %dma_start3A_242] : memref<10000x128xf32, #tpu.memory_space<hbm>> -> memref<10000x128xf32, #tpu.memory_space<hbm>>
      tpu.enqueue_indirect_dma source(%dma_start3A_243 : memref<10000x128xf32, #tpu.memory_space<hbm>>) target(%dma_start3A_239 : memref<16x128xf32, #tpu.memory_space<vmem>>) offsets(%dma_start3A_240 : memref<16xi32, #tpu.memory_space<vmem>>) semaphore(%arg10 : memref<!tpu.dma_semaphore, #tpu.memory_space<semaphore_mem>>)
      %mul3A_244 = arith.constant 10 : i32
      %mul3A_245 = arith.muli %scan3A_167, %mul3A_244 : i32
      %add3A_246 = arith.constant 5 : i32
      %add3A_247 = arith.addi %mul3A_245, %add3A_246 : i32
      %mul3A_248 = arith.constant 16 : i32
      %mul3A_249 = arith.muli %add3A_247, %mul3A_248 : i32
      %dma_start3A_250 = arith.constant 5 : i32
      %dma_start3A_251 = arith.constant 0 : i32
      %dma_start3A_252 = arith.constant 0 : i32
      %dma_start3A_253 = tpu.memref_slice %arg8[%dma_start3A_250, %dma_start3A_251, %dma_start3A_252] : memref<10x16x128xf32, #tpu.memory_space<vmem>> -> memref<1x16x128xf32, #tpu.memory_space<vmem>>
      %dma_start3A_254 = tpu.memref_squeeze %dma_start3A_253 : memref<1x16x128xf32, #tpu.memory_space<vmem>> -> memref<16x128xf32, #tpu.memory_space<vmem>>
      %dma_start3A_255 = tpu.memref_slice %arg6[%mul3A_249] : memref<10240xi32, #tpu.memory_space<vmem>> -> memref<16xi32, #tpu.memory_space<vmem>>
      %dma_start3A_256 = arith.constant 0 : i32
      %dma_start3A_257 = arith.constant 0 : i32
      %dma_start3A_258 = tpu.memref_slice %arg2[%dma_start3A_256, %dma_start3A_257] : memref<10000x128xf32, #tpu.memory_space<hbm>> -> memref<10000x128xf32, #tpu.memory_space<hbm>>
      tpu.enqueue_indirect_dma source(%dma_start3A_258 : memref<10000x128xf32, #tpu.memory_space<hbm>>) target(%dma_start3A_254 : memref<16x128xf32, #tpu.memory_space<vmem>>) offsets(%dma_start3A_255 : memref<16xi32, #tpu.memory_space<vmem>>) semaphore(%arg10 : memref<!tpu.dma_semaphore, #tpu.memory_space<semaphore_mem>>)
      %mul3A_259 = arith.constant 10 : i32
      %mul3A_260 = arith.muli %scan3A_167, %mul3A_259 : i32
      %add3A_261 = arith.constant 6 : i32
      %add3A_262 = arith.addi %mul3A_260, %add3A_261 : i32
      %mul3A_263 = arith.constant 16 : i32
      %mul3A_264 = arith.muli %add3A_262, %mul3A_263 : i32
      %dma_start3A_265 = arith.constant 6 : i32
      %dma_start3A_266 = arith.constant 0 : i32
      %dma_start3A_267 = arith.constant 0 : i32
      %dma_start3A_268 = tpu.memref_slice %arg8[%dma_start3A_265, %dma_start3A_266, %dma_start3A_267] : memref<10x16x128xf32, #tpu.memory_space<vmem>> -> memref<1x16x128xf32, #tpu.memory_space<vmem>>
      %dma_start3A_269 = tpu.memref_squeeze %dma_start3A_268 : memref<1x16x128xf32, #tpu.memory_space<vmem>> -> memref<16x128xf32, #tpu.memory_space<vmem>>
      %dma_start3A_270 = tpu.memref_slice %arg6[%mul3A_264] : memref<10240xi32, #tpu.memory_space<vmem>> -> memref<16xi32, #tpu.memory_space<vmem>>
      %dma_start3A_271 = arith.constant 0 : i32
      %dma_start3A_272 = arith.constant 0 : i32
      %dma_start3A_273 = tpu.memref_slice %arg2[%dma_start3A_271, %dma_start3A_272] : memref<10000x128xf32, #tpu.memory_space<hbm>> -> memref<10000x128xf32, #tpu.memory_space<hbm>>
      tpu.enqueue_indirect_dma source(%dma_start3A_273 : memref<10000x128xf32, #tpu.memory_space<hbm>>) target(%dma_start3A_269 : memref<16x128xf32, #tpu.memory_space<vmem>>) offsets(%dma_start3A_270 : memref<16xi32, #tpu.memory_space<vmem>>) semaphore(%arg10 : memref<!tpu.dma_semaphore, #tpu.memory_space<semaphore_mem>>)
      %mul3A_274 = arith.constant 10 : i32
      %mul3A_275 = arith.muli %scan3A_167, %mul3A_274 : i32
      %add3A_276 = arith.constant 7 : i32
      %add3A_277 = arith.addi %mul3A_275, %add3A_276 : i32
      %mul3A_278 = arith.constant 16 : i32
      %mul3A_279 = arith.muli %add3A_277, %mul3A_278 : i32
      %dma_start3A_280 = arith.constant 7 : i32
      %dma_start3A_281 = arith.constant 0 : i32
      %dma_start3A_282 = arith.constant 0 : i32
      %dma_start3A_283 = tpu.memref_slice %arg8[%dma_start3A_280, %dma_start3A_281, %dma_start3A_282] : memref<10x16x128xf32, #tpu.memory_space<vmem>> -> memref<1x16x128xf32, #tpu.memory_space<vmem>>
      %dma_start3A_284 = tpu.memref_squeeze %dma_start3A_283 : memref<1x16x128xf32, #tpu.memory_space<vmem>> -> memref<16x128xf32, #tpu.memory_space<vmem>>
      %dma_start3A_285 = tpu.memref_slice %arg6[%mul3A_279] : memref<10240xi32, #tpu.memory_space<vmem>> -> memref<16xi32, #tpu.memory_space<vmem>>
      %dma_start3A_286 = arith.constant 0 : i32
      %dma_start3A_287 = arith.constant 0 : i32
      %dma_start3A_288 = tpu.memref_slice %arg2[%dma_start3A_286, %dma_start3A_287] : memref<10000x128xf32, #tpu.memory_space<hbm>> -> memref<10000x128xf32, #tpu.memory_space<hbm>>
      tpu.enqueue_indirect_dma source(%dma_start3A_288 : memref<10000x128xf32, #tpu.memory_space<hbm>>) target(%dma_start3A_284 : memref<16x128xf32, #tpu.memory_space<vmem>>) offsets(%dma_start3A_285 : memref<16xi32, #tpu.memory_space<vmem>>) semaphore(%arg10 : memref<!tpu.dma_semaphore, #tpu.memory_space<semaphore_mem>>)
      %mul3A_289 = arith.constant 10 : i32
      %mul3A_290 = arith.muli %scan3A_167, %mul3A_289 : i32
      %add3A_291 = arith.constant 8 : i32
      %add3A_292 = arith.addi %mul3A_290, %add3A_291 : i32
      %mul3A_293 = arith.constant 16 : i32
      %mul3A_294 = arith.muli %add3A_292, %mul3A_293 : i32
      %dma_start3A_295 = arith.constant 8 : i32
      %dma_start3A_296 = arith.constant 0 : i32
      %dma_start3A_297 = arith.constant 0 : i32
      %dma_start3A_298 = tpu.memref_slice %arg8[%dma_start3A_295, %dma_start3A_296, %dma_start3A_297] : memref<10x16x128xf32, #tpu.memory_space<vmem>> -> memref<1x16x128xf32, #tpu.memory_space<vmem>>
      %dma_start3A_299 = tpu.memref_squeeze %dma_start3A_298 : memref<1x16x128xf32, #tpu.memory_space<vmem>> -> memref<16x128xf32, #tpu.memory_space<vmem>>
      %dma_start3A_300 = tpu.memref_slice %arg6[%mul3A_294] : memref<10240xi32, #tpu.memory_space<vmem>> -> memref<16xi32, #tpu.memory_space<vmem>>
      %dma_start3A_301 = arith.constant 0 : i32
      %dma_start3A_302 = arith.constant 0 : i32
      %dma_start3A_303 = tpu.memref_slice %arg2[%dma_start3A_301, %dma_start3A_302] : memref<10000x128xf32, #tpu.memory_space<hbm>> -> memref<10000x128xf32, #tpu.memory_space<hbm>>
      tpu.enqueue_indirect_dma source(%dma_start3A_303 : memref<10000x128xf32, #tpu.memory_space<hbm>>) target(%dma_start3A_299 : memref<16x128xf32, #tpu.memory_space<vmem>>) offsets(%dma_start3A_300 : memref<16xi32, #tpu.memory_space<vmem>>) semaphore(%arg10 : memref<!tpu.dma_semaphore, #tpu.memory_space<semaphore_mem>>)
      %mul3A_304 = arith.constant 10 : i32
      %mul3A_305 = arith.muli %scan3A_167, %mul3A_304 : i32
      %add3A_306 = arith.constant 9 : i32
      %add3A_307 = arith.addi %mul3A_305, %add3A_306 : i32
      %mul3A_308 = arith.constant 16 : i32
      %mul3A_309 = arith.muli %add3A_307, %mul3A_308 : i32
      %dma_start3A_310 = arith.constant 9 : i32
      %dma_start3A_311 = arith.constant 0 : i32
      %dma_start3A_312 = arith.constant 0 : i32
      %dma_start3A_313 = tpu.memref_slice %arg8[%dma_start3A_310, %dma_start3A_311, %dma_start3A_312] : memref<10x16x128xf32, #tpu.memory_space<vmem>> -> memref<1x16x128xf32, #tpu.memory_space<vmem>>
      %dma_start3A_314 = tpu.memref_squeeze %dma_start3A_313 : memref<1x16x128xf32, #tpu.memory_space<vmem>> -> memref<16x128xf32, #tpu.memory_space<vmem>>
      %dma_start3A_315 = tpu.memref_slice %arg6[%mul3A_309] : memref<10240xi32, #tpu.memory_space<vmem>> -> memref<16xi32, #tpu.memory_space<vmem>>
      %dma_start3A_316 = arith.constant 0 : i32
      %dma_start3A_317 = arith.constant 0 : i32
      %dma_start3A_318 = tpu.memref_slice %arg2[%dma_start3A_316, %dma_start3A_317] : memref<10000x128xf32, #tpu.memory_space<hbm>> -> memref<10000x128xf32, #tpu.memory_space<hbm>>
      tpu.enqueue_indirect_dma source(%dma_start3A_318 : memref<10000x128xf32, #tpu.memory_space<hbm>>) target(%dma_start3A_314 : memref<16x128xf32, #tpu.memory_space<vmem>>) offsets(%dma_start3A_315 : memref<16xi32, #tpu.memory_space<vmem>>) semaphore(%arg10 : memref<!tpu.dma_semaphore, #tpu.memory_space<semaphore_mem>>)
      %dma_wait3A_319 = arith.constant 0 : i32
      %dma_wait3A_320 = arith.constant 0 : i32
      %dma_wait3A_321 = arith.constant 0 : i32
      %dma_wait3A_322 = tpu.memref_slice %arg8[%dma_wait3A_319, %dma_wait3A_320, %dma_wait3A_321] : memref<10x16x128xf32, #tpu.memory_space<vmem>> -> memref<1x16x128xf32, #tpu.memory_space<vmem>>
      %dma_wait3A_323 = tpu.memref_squeeze %dma_wait3A_322 : memref<1x16x128xf32, #tpu.memory_space<vmem>> -> memref<16x128xf32, #tpu.memory_space<vmem>>
      %dma_wait3A_324 = tpu.memref_slice %arg6[%mul3A_175] : memref<10240xi32, #tpu.memory_space<vmem>> -> memref<16xi32, #tpu.memory_space<vmem>>
      %dma_wait3A_325 = arith.constant 0 : i32
      %dma_wait3A_326 = arith.constant 0 : i32
      %dma_wait3A_327 = tpu.memref_slice %arg2[%dma_wait3A_325, %dma_wait3A_326] : memref<10000x128xf32, #tpu.memory_space<hbm>> -> memref<10000x128xf32, #tpu.memory_space<hbm>>
      tpu.wait_indirect_dma semaphore(%arg10 : memref<!tpu.dma_semaphore, #tpu.memory_space<semaphore_mem>>) src(%dma_wait3A_327 : memref<10000x128xf32, #tpu.memory_space<hbm>>) dst(%dma_wait3A_323 : memref<16x128xf32, #tpu.memory_space<vmem>>)
      %mul3A_328 = arith.constant 10 : i32
      %mul3A_329 = arith.muli %scan3A_167, %mul3A_328 : i32
      %add3A_330 = arith.constant 0 : i32
      %add3A_331 = arith.addi %mul3A_329, %add3A_330 : i32
      %mul3A_332 = arith.constant 16 : i32
      %mul3A_333 = arith.muli %add3A_331, %mul3A_332 : i32
      %add3A_334 = arith.constant 0 : i32
      %add3A_335 = arith.addi %mul3A_333, %add3A_334 : i32
      %get3A = arith.index_cast %add3A_335 : i32 to index
      %get3A_336 = tpu.vector_load %arg7[%get3A] {strides = array<i32>} : memref<10240xi32, #tpu.memory_space<vmem>>, vector<16xi32>,
      %get3A_337 = vector.shape_cast %get3A_336 : vector<16xi32> to vector<16xi32>
      %dma_start3A_338 = arith.constant 0 : i32
      %dma_start3A_339 = arith.constant 0 : i32
      %dma_start3A_340 = arith.constant 0 : i32
      %dma_start3A_341 = tpu.memref_slice %arg8[%dma_start3A_338, %dma_start3A_339, %dma_start3A_340] : memref<10x16x128xf32, #tpu.memory_space<vmem>> -> memref<1x16x128xf32, #tpu.memory_space<vmem>>
      %dma_start3A_342 = tpu.memref_squeeze %dma_start3A_341 : memref<1x16x128xf32, #tpu.memory_space<vmem>> -> memref<16x128xf32, #tpu.memory_space<vmem>>
      %dma_start3A_343 = arith.constant 0 : i32
      %dma_start3A_344 = arith.constant 0 : i32
      %dma_start3A_345 = tpu.memref_slice %arg9[%dma_start3A_343, %dma_start3A_344] : memref<10240x128xf32, #tpu.memory_space<vmem_shared>> -> memref<10240x128xf32, #tpu.memory_space<vmem_shared>>
      tpu.enqueue_indirect_dma source(%dma_start3A_342 : memref<16x128xf32, #tpu.memory_space<vmem>>) target(%dma_start3A_345 : memref<10240x128xf32, #tpu.memory_space<vmem_shared>>) offsets(%get3A_337 : vector<16xi32>) semaphore(%arg11 : memref<!tpu.dma_semaphore, #tpu.memory_space<semaphore_mem>>) {add = true}
      %dma_wait3A_346 = arith.constant 1 : i32
      %dma_wait3A_347 = arith.constant 0 : i32
      %dma_wait3A_348 = arith.constant 0 : i32
      %dma_wait3A_349 = tpu.memref_slice %arg8[%dma_wait3A_346, %dma_wait3A_347, %dma_wait3A_348] : memref<10x16x128xf32, #tpu.memory_space<vmem>> -> memref<1x16x128xf32, #tpu.memory_space<vmem>>
      %dma_wait3A_350 = tpu.memref_squeeze %dma_wait3A_349 : memref<1x16x128xf32, #tpu.memory_space<vmem>> -> memref<16x128xf32, #tpu.memory_space<vmem>>
      %dma_wait3A_351 = tpu.memref_slice %arg6[%mul3A_189] : memref<10240xi32, #tpu.memory_space<vmem>> -> memref<16xi32, #tpu.memory_space<vmem>>
      %dma_wait3A_352 = arith.constant 0 : i32
      %dma_wait3A_353 = arith.constant 0 : i32
      %dma_wait3A_354 = tpu.memref_slice %arg2[%dma_wait3A_352, %dma_wait3A_353] : memref<10000x128xf32, #tpu.memory_space<hbm>> -> memref<10000x128xf32, #tpu.memory_space<hbm>>
      tpu.wait_indirect_dma semaphore(%arg10 : memref<!tpu.dma_semaphore, #tpu.memory_space<semaphore_mem>>) src(%dma_wait3A_354 : memref<10000x128xf32, #tpu.memory_space<hbm>>) dst(%dma_wait3A_350 : memref<16x128xf32, #tpu.memory_space<vmem>>)
      %mul3A_355 = arith.constant 10 : i32
      %mul3A_356 = arith.muli %scan3A_167, %mul3A_355 : i32
      %add3A_357 = arith.constant 1 : i32
      %add3A_358 = arith.addi %mul3A_356, %add3A_357 : i32
      %mul3A_359 = arith.constant 16 : i32
      %mul3A_360 = arith.muli %add3A_358, %mul3A_359 : i32
      %add3A_361 = arith.constant 0 : i32
      %add3A_362 = arith.addi %mul3A_360, %add3A_361 : i32
      %get3A_363 = arith.index_cast %add3A_362 : i32 to index
      %get3A_364 = tpu.vector_load %arg7[%get3A_363] {strides = array<i32>} : memref<10240xi32, #tpu.memory_space<vmem>>, vector<16xi32>,
      %get3A_365 = vector.shape_cast %get3A_364 : vector<16xi32> to vector<16xi32>
      %dma_start3A_366 = arith.constant 1 : i32
      %dma_start3A_367 = arith.constant 0 : i32
      %dma_start3A_368 = arith.constant 0 : i32
      %dma_start3A_369 = tpu.memref_slice %arg8[%dma_start3A_366, %dma_start3A_367, %dma_start3A_368] : memref<10x16x128xf32, #tpu.memory_space<vmem>> -> memref<1x16x128xf32, #tpu.memory_space<vmem>>
      %dma_start3A_370 = tpu.memref_squeeze %dma_start3A_369 : memref<1x16x128xf32, #tpu.memory_space<vmem>> -> memref<16x128xf32, #tpu.memory_space<vmem>>
      %dma_start3A_371 = arith.constant 0 : i32
      %dma_start3A_372 = arith.constant 0 : i32
      %dma_start3A_373 = tpu.memref_slice %arg9[%dma_start3A_371, %dma_start3A_372] : memref<10240x128xf32, #tpu.memory_space<vmem_shared>> -> memref<10240x128xf32, #tpu.memory_space<vmem_shared>>
      tpu.enqueue_indirect_dma source(%dma_start3A_370 : memref<16x128xf32, #tpu.memory_space<vmem>>) target(%dma_start3A_373 : memref<10240x128xf32, #tpu.memory_space<vmem_shared>>) offsets(%get3A_365 : vector<16xi32>) semaphore(%arg11 : memref<!tpu.dma_semaphore, #tpu.memory_space<semaphore_mem>>) {add = true}
      %dma_wait3A_374 = arith.constant 2 : i32
      %dma_wait3A_375 = arith.constant 0 : i32
      %dma_wait3A_376 = arith.constant 0 : i32
      %dma_wait3A_377 = tpu.memref_slice %arg8[%dma_wait3A_374, %dma_wait3A_375, %dma_wait3A_376] : memref<10x16x128xf32, #tpu.memory_space<vmem>> -> memref<1x16x128xf32, #tpu.memory_space<vmem>>
      %dma_wait3A_378 = tpu.memref_squeeze %dma_wait3A_377 : memref<1x16x128xf32, #tpu.memory_space<vmem>> -> memref<16x128xf32, #tpu.memory_space<vmem>>
      %dma_wait3A_379 = tpu.memref_slice %arg6[%mul3A_204] : memref<10240xi32, #tpu.memory_space<vmem>> -> memref<16xi32, #tpu.memory_space<vmem>>
      %dma_wait3A_380 = arith.constant 0 : i32
      %dma_wait3A_381 = arith.constant 0 : i32
      %dma_wait3A_382 = tpu.memref_slice %arg2[%dma_wait3A_380, %dma_wait3A_381] : memref<10000x128xf32, #tpu.memory_space<hbm>> -> memref<10000x128xf32, #tpu.memory_space<hbm>>
      tpu.wait_indirect_dma semaphore(%arg10 : memref<!tpu.dma_semaphore, #tpu.memory_space<semaphore_mem>>) src(%dma_wait3A_382 : memref<10000x128xf32, #tpu.memory_space<hbm>>) dst(%dma_wait3A_378 : memref<16x128xf32, #tpu.memory_space<vmem>>)
      %mul3A_383 = arith.constant 10 : i32
      %mul3A_384 = arith.muli %scan3A_167, %mul3A_383 : i32
      %add3A_385 = arith.constant 2 : i32
      %add3A_386 = arith.addi %mul3A_384, %add3A_385 : i32
      %mul3A_387 = arith.constant 16 : i32
      %mul3A_388 = arith.muli %add3A_386, %mul3A_387 : i32
      %add3A_389 = arith.constant 0 : i32
      %add3A_390 = arith.addi %mul3A_388, %add3A_389 : i32
      %get3A_391 = arith.index_cast %add3A_390 : i32 to index
      %get3A_392 = tpu.vector_load %arg7[%get3A_391] {strides = array<i32>} : memref<10240xi32, #tpu.memory_space<vmem>>, vector<16xi32>,
      %get3A_393 = vector.shape_cast %get3A_392 : vector<16xi32> to vector<16xi32>
      %dma_start3A_394 = arith.constant 2 : i32
      %dma_start3A_395 = arith.constant 0 : i32
      %dma_start3A_396 = arith.constant 0 : i32
      %dma_start3A_397 = tpu.memref_slice %arg8[%dma_start3A_394, %dma_start3A_395, %dma_start3A_396] : memref<10x16x128xf32, #tpu.memory_space<vmem>> -> memref<1x16x128xf32, #tpu.memory_space<vmem>>
      %dma_start3A_398 = tpu.memref_squeeze %dma_start3A_397 : memref<1x16x128xf32, #tpu.memory_space<vmem>> -> memref<16x128xf32, #tpu.memory_space<vmem>>
      %dma_start3A_399 = arith.constant 0 : i32
      %dma_start3A_400 = arith.constant 0 : i32
      %dma_start3A_401 = tpu.memref_slice %arg9[%dma_start3A_399, %dma_start3A_400] : memref<10240x128xf32, #tpu.memory_space<vmem_shared>> -> memref<10240x128xf32, #tpu.memory_space<vmem_shared>>
      tpu.enqueue_indirect_dma source(%dma_start3A_398 : memref<16x128xf32, #tpu.memory_space<vmem>>) target(%dma_start3A_401 : memref<10240x128xf32, #tpu.memory_space<vmem_shared>>) offsets(%get3A_393 : vector<16xi32>) semaphore(%arg11 : memref<!tpu.dma_semaphore, #tpu.memory_space<semaphore_mem>>) {add = true}
      %dma_wait3A_402 = arith.constant 3 : i32
      %dma_wait3A_403 = arith.constant 0 : i32
      %dma_wait3A_404 = arith.constant 0 : i32
      %dma_wait3A_405 = tpu.memref_slice %arg8[%dma_wait3A_402, %dma_wait3A_403, %dma_wait3A_404] : memref<10x16x128xf32, #tpu.memory_space<vmem>> -> memref<1x16x128xf32, #tpu.memory_space<vmem>>
      %dma_wait3A_406 = tpu.memref_squeeze %dma_wait3A_405 : memref<1x16x128xf32, #tpu.memory_space<vmem>> -> memref<16x128xf32, #tpu.memory_space<vmem>>
      %dma_wait3A_407 = tpu.memref_slice %arg6[%mul3A_219] : memref<10240xi32, #tpu.memory_space<vmem>> -> memref<16xi32, #tpu.memory_space<vmem>>
      %dma_wait3A_408 = arith.constant 0 : i32
      %dma_wait3A_409 = arith.constant 0 : i32
      %dma_wait3A_410 = tpu.memref_slice %arg2[%dma_wait3A_408, %dma_wait3A_409] : memref<10000x128xf32, #tpu.memory_space<hbm>> -> memref<10000x128xf32, #tpu.memory_space<hbm>>
      tpu.wait_indirect_dma semaphore(%arg10 : memref<!tpu.dma_semaphore, #tpu.memory_space<semaphore_mem>>) src(%dma_wait3A_410 : memref<10000x128xf32, #tpu.memory_space<hbm>>) dst(%dma_wait3A_406 : memref<16x128xf32, #tpu.memory_space<vmem>>)
      %mul3A_411 = arith.constant 10 : i32
      %mul3A_412 = arith.muli %scan3A_167, %mul3A_411 : i32
      %add3A_413 = arith.constant 3 : i32
      %add3A_414 = arith.addi %mul3A_412, %add3A_413 : i32
      %mul3A_415 = arith.constant 16 : i32
      %mul3A_416 = arith.muli %add3A_414, %mul3A_415 : i32
      %add3A_417 = arith.constant 0 : i32
      %add3A_418 = arith.addi %mul3A_416, %add3A_417 : i32
      %get3A_419 = arith.index_cast %add3A_418 : i32 to index
      %get3A_420 = tpu.vector_load %arg7[%get3A_419] {strides = array<i32>} : memref<10240xi32, #tpu.memory_space<vmem>>, vector<16xi32>,
      %get3A_421 = vector.shape_cast %get3A_420 : vector<16xi32> to vector<16xi32>
      %dma_start3A_422 = arith.constant 3 : i32
      %dma_start3A_423 = arith.constant 0 : i32
      %dma_start3A_424 = arith.constant 0 : i32
      %dma_start3A_425 = tpu.memref_slice %arg8[%dma_start3A_422, %dma_start3A_423, %dma_start3A_424] : memref<10x16x128xf32, #tpu.memory_space<vmem>> -> memref<1x16x128xf32, #tpu.memory_space<vmem>>
      %dma_start3A_426 = tpu.memref_squeeze %dma_start3A_425 : memref<1x16x128xf32, #tpu.memory_space<vmem>> -> memref<16x128xf32, #tpu.memory_space<vmem>>
      %dma_start3A_427 = arith.constant 0 : i32
      %dma_start3A_428 = arith.constant 0 : i32
      %dma_start3A_429 = tpu.memref_slice %arg9[%dma_start3A_427, %dma_start3A_428] : memref<10240x128xf32, #tpu.memory_space<vmem_shared>> -> memref<10240x128xf32, #tpu.memory_space<vmem_shared>>
      tpu.enqueue_indirect_dma source(%dma_start3A_426 : memref<16x128xf32, #tpu.memory_space<vmem>>) target(%dma_start3A_429 : memref<10240x128xf32, #tpu.memory_space<vmem_shared>>) offsets(%get3A_421 : vector<16xi32>) semaphore(%arg11 : memref<!tpu.dma_semaphore, #tpu.memory_space<semaphore_mem>>) {add = true}
      %dma_wait3A_430 = arith.constant 4 : i32
      %dma_wait3A_431 = arith.constant 0 : i32
      %dma_wait3A_432 = arith.constant 0 : i32
      %dma_wait3A_433 = tpu.memref_slice %arg8[%dma_wait3A_430, %dma_wait3A_431, %dma_wait3A_432] : memref<10x16x128xf32, #tpu.memory_space<vmem>> -> memref<1x16x128xf32, #tpu.memory_space<vmem>>
      %dma_wait3A_434 = tpu.memref_squeeze %dma_wait3A_433 : memref<1x16x128xf32, #tpu.memory_space<vmem>> -> memref<16x128xf32, #tpu.memory_space<vmem>>
      %dma_wait3A_435 = tpu.memref_slice %arg6[%mul3A_234] : memref<10240xi32, #tpu.memory_space<vmem>> -> memref<16xi32, #tpu.memory_space<vmem>>
      %dma_wait3A_436 = arith.constant 0 : i32
      %dma_wait3A_437 = arith.constant 0 : i32
      %dma_wait3A_438 = tpu.memref_slice %arg2[%dma_wait3A_436, %dma_wait3A_437] : memref<10000x128xf32, #tpu.memory_space<hbm>> -> memref<10000x128xf32, #tpu.memory_space<hbm>>
      tpu.wait_indirect_dma semaphore(%arg10 : memref<!tpu.dma_semaphore, #tpu.memory_space<semaphore_mem>>) src(%dma_wait3A_438 : memref<10000x128xf32, #tpu.memory_space<hbm>>) dst(%dma_wait3A_434 : memref<16x128xf32, #tpu.memory_space<vmem>>)
      %mul3A_439 = arith.constant 10 : i32
      %mul3A_440 = arith.muli %scan3A_167, %mul3A_439 : i32
      %add3A_441 = arith.constant 4 : i32
      %add3A_442 = arith.addi %mul3A_440, %add3A_441 : i32
      %mul3A_443 = arith.constant 16 : i32
      %mul3A_444 = arith.muli %add3A_442, %mul3A_443 : i32
      %add3A_445 = arith.constant 0 : i32
      %add3A_446 = arith.addi %mul3A_444, %add3A_445 : i32
      %get3A_447 = arith.index_cast %add3A_446 : i32 to index
      %get3A_448 = tpu.vector_load %arg7[%get3A_447] {strides = array<i32>} : memref<10240xi32, #tpu.memory_space<vmem>>, vector<16xi32>,
      %get3A_449 = vector.shape_cast %get3A_448 : vector<16xi32> to vector<16xi32>
      %dma_start3A_450 = arith.constant 4 : i32
      %dma_start3A_451 = arith.constant 0 : i32
      %dma_start3A_452 = arith.constant 0 : i32
      %dma_start3A_453 = tpu.memref_slice %arg8[%dma_start3A_450, %dma_start3A_451, %dma_start3A_452] : memref<10x16x128xf32, #tpu.memory_space<vmem>> -> memref<1x16x128xf32, #tpu.memory_space<vmem>>
      %dma_start3A_454 = tpu.memref_squeeze %dma_start3A_453 : memref<1x16x128xf32, #tpu.memory_space<vmem>> -> memref<16x128xf32, #tpu.memory_space<vmem>>
      %dma_start3A_455 = arith.constant 0 : i32
      %dma_start3A_456 = arith.constant 0 : i32
      %dma_start3A_457 = tpu.memref_slice %arg9[%dma_start3A_455, %dma_start3A_456] : memref<10240x128xf32, #tpu.memory_space<vmem_shared>> -> memref<10240x128xf32, #tpu.memory_space<vmem_shared>>
      tpu.enqueue_indirect_dma source(%dma_start3A_454 : memref<16x128xf32, #tpu.memory_space<vmem>>) target(%dma_start3A_457 : memref<10240x128xf32, #tpu.memory_space<vmem_shared>>) offsets(%get3A_449 : vector<16xi32>) semaphore(%arg11 : memref<!tpu.dma_semaphore, #tpu.memory_space<semaphore_mem>>) {add = true}
      %dma_wait3A_458 = arith.constant 5 : i32
      %dma_wait3A_459 = arith.constant 0 : i32
      %dma_wait3A_460 = arith.constant 0 : i32
      %dma_wait3A_461 = tpu.memref_slice %arg8[%dma_wait3A_458, %dma_wait3A_459, %dma_wait3A_460] : memref<10x16x128xf32, #tpu.memory_space<vmem>> -> memref<1x16x128xf32, #tpu.memory_space<vmem>>
      %dma_wait3A_462 = tpu.memref_squeeze %dma_wait3A_461 : memref<1x16x128xf32, #tpu.memory_space<vmem>> -> memref<16x128xf32, #tpu.memory_space<vmem>>
      %dma_wait3A_463 = tpu.memref_slice %arg6[%mul3A_249] : memref<10240xi32, #tpu.memory_space<vmem>> -> memref<16xi32, #tpu.memory_space<vmem>>
      %dma_wait3A_464 = arith.constant 0 : i32
      %dma_wait3A_465 = arith.constant 0 : i32
      %dma_wait3A_466 = tpu.memref_slice %arg2[%dma_wait3A_464, %dma_wait3A_465] : memref<10000x128xf32, #tpu.memory_space<hbm>> -> memref<10000x128xf32, #tpu.memory_space<hbm>>
      tpu.wait_indirect_dma semaphore(%arg10 : memref<!tpu.dma_semaphore, #tpu.memory_space<semaphore_mem>>) src(%dma_wait3A_466 : memref<10000x128xf32, #tpu.memory_space<hbm>>) dst(%dma_wait3A_462 : memref<16x128xf32, #tpu.memory_space<vmem>>)
      %mul3A_467 = arith.constant 10 : i32
      %mul3A_468 = arith.muli %scan3A_167, %mul3A_467 : i32
      %add3A_469 = arith.constant 5 : i32
      %add3A_470 = arith.addi %mul3A_468, %add3A_469 : i32
      %mul3A_471 = arith.constant 16 : i32
      %mul3A_472 = arith.muli %add3A_470, %mul3A_471 : i32
      %add3A_473 = arith.constant 0 : i32
      %add3A_474 = arith.addi %mul3A_472, %add3A_473 : i32
      %get3A_475 = arith.index_cast %add3A_474 : i32 to index
      %get3A_476 = tpu.vector_load %arg7[%get3A_475] {strides = array<i32>} : memref<10240xi32, #tpu.memory_space<vmem>>, vector<16xi32>,
      %get3A_477 = vector.shape_cast %get3A_476 : vector<16xi32> to vector<16xi32>
      %dma_start3A_478 = arith.constant 5 : i32
      %dma_start3A_479 = arith.constant 0 : i32
      %dma_start3A_480 = arith.constant 0 : i32
      %dma_start3A_481 = tpu.memref_slice %arg8[%dma_start3A_478, %dma_start3A_479, %dma_start3A_480] : memref<10x16x128xf32, #tpu.memory_space<vmem>> -> memref<1x16x128xf32, #tpu.memory_space<vmem>>
      %dma_start3A_482 = tpu.memref_squeeze %dma_start3A_481 : memref<1x16x128xf32, #tpu.memory_space<vmem>> -> memref<16x128xf32, #tpu.memory_space<vmem>>
      %dma_start3A_483 = arith.constant 0 : i32
      %dma_start3A_484 = arith.constant 0 : i32
      %dma_start3A_485 = tpu.memref_slice %arg9[%dma_start3A_483, %dma_start3A_484] : memref<10240x128xf32, #tpu.memory_space<vmem_shared>> -> memref<10240x128xf32, #tpu.memory_space<vmem_shared>>
      tpu.enqueue_indirect_dma source(%dma_start3A_482 : memref<16x128xf32, #tpu.memory_space<vmem>>) target(%dma_start3A_485 : memref<10240x128xf32, #tpu.memory_space<vmem_shared>>) offsets(%get3A_477 : vector<16xi32>) semaphore(%arg11 : memref<!tpu.dma_semaphore, #tpu.memory_space<semaphore_mem>>) {add = true}
      %dma_wait3A_486 = arith.constant 6 : i32
      %dma_wait3A_487 = arith.constant 0 : i32
      %dma_wait3A_488 = arith.constant 0 : i32
      %dma_wait3A_489 = tpu.memref_slice %arg8[%dma_wait3A_486, %dma_wait3A_487, %dma_wait3A_488] : memref<10x16x128xf32, #tpu.memory_space<vmem>> -> memref<1x16x128xf32, #tpu.memory_space<vmem>>
      %dma_wait3A_490 = tpu.memref_squeeze %dma_wait3A_489 : memref<1x16x128xf32, #tpu.memory_space<vmem>> -> memref<16x128xf32, #tpu.memory_space<vmem>>
      %dma_wait3A_491 = tpu.memref_slice %arg6[%mul3A_264] : memref<10240xi32, #tpu.memory_space<vmem>> -> memref<16xi32, #tpu.memory_space<vmem>>
      %dma_wait3A_492 = arith.constant 0 : i32
      %dma_wait3A_493 = arith.constant 0 : i32
      %dma_wait3A_494 = tpu.memref_slice %arg2[%dma_wait3A_492, %dma_wait3A_493] : memref<10000x128xf32, #tpu.memory_space<hbm>> -> memref<10000x128xf32, #tpu.memory_space<hbm>>
      tpu.wait_indirect_dma semaphore(%arg10 : memref<!tpu.dma_semaphore, #tpu.memory_space<semaphore_mem>>) src(%dma_wait3A_494 : memref<10000x128xf32, #tpu.memory_space<hbm>>) dst(%dma_wait3A_490 : memref<16x128xf32, #tpu.memory_space<vmem>>)
      %mul3A_495 = arith.constant 10 : i32
      %mul3A_496 = arith.muli %scan3A_167, %mul3A_495 : i32
      %add3A_497 = arith.constant 6 : i32
      %add3A_498 = arith.addi %mul3A_496, %add3A_497 : i32
      %mul3A_499 = arith.constant 16 : i32
      %mul3A_500 = arith.muli %add3A_498, %mul3A_499 : i32
      %add3A_501 = arith.constant 0 : i32
      %add3A_502 = arith.addi %mul3A_500, %add3A_501 : i32
      %get3A_503 = arith.index_cast %add3A_502 : i32 to index
      %get3A_504 = tpu.vector_load %arg7[%get3A_503] {strides = array<i32>} : memref<10240xi32, #tpu.memory_space<vmem>>, vector<16xi32>,
      %get3A_505 = vector.shape_cast %get3A_504 : vector<16xi32> to vector<16xi32>
      %dma_start3A_506 = arith.constant 6 : i32
      %dma_start3A_507 = arith.constant 0 : i32
      %dma_start3A_508 = arith.constant 0 : i32
      %dma_start3A_509 = tpu.memref_slice %arg8[%dma_start3A_506, %dma_start3A_507, %dma_start3A_508] : memref<10x16x128xf32, #tpu.memory_space<vmem>> -> memref<1x16x128xf32, #tpu.memory_space<vmem>>
      %dma_start3A_510 = tpu.memref_squeeze %dma_start3A_509 : memref<1x16x128xf32, #tpu.memory_space<vmem>> -> memref<16x128xf32, #tpu.memory_space<vmem>>
      %dma_start3A_511 = arith.constant 0 : i32
      %dma_start3A_512 = arith.constant 0 : i32
      %dma_start3A_513 = tpu.memref_slice %arg9[%dma_start3A_511, %dma_start3A_512] : memref<10240x128xf32, #tpu.memory_space<vmem_shared>> -> memref<10240x128xf32, #tpu.memory_space<vmem_shared>>
      tpu.enqueue_indirect_dma source(%dma_start3A_510 : memref<16x128xf32, #tpu.memory_space<vmem>>) target(%dma_start3A_513 : memref<10240x128xf32, #tpu.memory_space<vmem_shared>>) offsets(%get3A_505 : vector<16xi32>) semaphore(%arg11 : memref<!tpu.dma_semaphore, #tpu.memory_space<semaphore_mem>>) {add = true}
      %dma_wait3A_514 = arith.constant 7 : i32
      %dma_wait3A_515 = arith.constant 0 : i32
      %dma_wait3A_516 = arith.constant 0 : i32
      %dma_wait3A_517 = tpu.memref_slice %arg8[%dma_wait3A_514, %dma_wait3A_515, %dma_wait3A_516] : memref<10x16x128xf32, #tpu.memory_space<vmem>> -> memref<1x16x128xf32, #tpu.memory_space<vmem>>
      %dma_wait3A_518 = tpu.memref_squeeze %dma_wait3A_517 : memref<1x16x128xf32, #tpu.memory_space<vmem>> -> memref<16x128xf32, #tpu.memory_space<vmem>>
      %dma_wait3A_519 = tpu.memref_slice %arg6[%mul3A_279] : memref<10240xi32, #tpu.memory_space<vmem>> -> memref<16xi32, #tpu.memory_space<vmem>>
      %dma_wait3A_520 = arith.constant 0 : i32
      %dma_wait3A_521 = arith.constant 0 : i32
      %dma_wait3A_522 = tpu.memref_slice %arg2[%dma_wait3A_520, %dma_wait3A_521] : memref<10000x128xf32, #tpu.memory_space<hbm>> -> memref<10000x128xf32, #tpu.memory_space<hbm>>
      tpu.wait_indirect_dma semaphore(%arg10 : memref<!tpu.dma_semaphore, #tpu.memory_space<semaphore_mem>>) src(%dma_wait3A_522 : memref<10000x128xf32, #tpu.memory_space<hbm>>) dst(%dma_wait3A_518 : memref<16x128xf32, #tpu.memory_space<vmem>>)
      %mul3A_523 = arith.constant 10 : i32
      %mul3A_524 = arith.muli %scan3A_167, %mul3A_523 : i32
      %add3A_525 = arith.constant 7 : i32
      %add3A_526 = arith.addi %mul3A_524, %add3A_525 : i32
      %mul3A_527 = arith.constant 16 : i32
      %mul3A_528 = arith.muli %add3A_526, %mul3A_527 : i32
      %add3A_529 = arith.constant 0 : i32
      %add3A_530 = arith.addi %mul3A_528, %add3A_529 : i32
      %get3A_531 = arith.index_cast %add3A_530 : i32 to index
      %get3A_532 = tpu.vector_load %arg7[%get3A_531] {strides = array<i32>} : memref<10240xi32, #tpu.memory_space<vmem>>, vector<16xi32>,
      %get3A_533 = vector.shape_cast %get3A_532 : vector<16xi32> to vector<16xi32>
      %dma_start3A_534 = arith.constant 7 : i32
      %dma_start3A_535 = arith.constant 0 : i32
      %dma_start3A_536 = arith.constant 0 : i32
      %dma_start3A_537 = tpu.memref_slice %arg8[%dma_start3A_534, %dma_start3A_535, %dma_start3A_536] : memref<10x16x128xf32, #tpu.memory_space<vmem>> -> memref<1x16x128xf32, #tpu.memory_space<vmem>>
      %dma_start3A_538 = tpu.memref_squeeze %dma_start3A_537 : memref<1x16x128xf32, #tpu.memory_space<vmem>> -> memref<16x128xf32, #tpu.memory_space<vmem>>
      %dma_start3A_539 = arith.constant 0 : i32
      %dma_start3A_540 = arith.constant 0 : i32
      %dma_start3A_541 = tpu.memref_slice %arg9[%dma_start3A_539, %dma_start3A_540] : memref<10240x128xf32, #tpu.memory_space<vmem_shared>> -> memref<10240x128xf32, #tpu.memory_space<vmem_shared>>
      tpu.enqueue_indirect_dma source(%dma_start3A_538 : memref<16x128xf32, #tpu.memory_space<vmem>>) target(%dma_start3A_541 : memref<10240x128xf32, #tpu.memory_space<vmem_shared>>) offsets(%get3A_533 : vector<16xi32>) semaphore(%arg11 : memref<!tpu.dma_semaphore, #tpu.memory_space<semaphore_mem>>) {add = true}
      %dma_wait3A_542 = arith.constant 8 : i32
      %dma_wait3A_543 = arith.constant 0 : i32
      %dma_wait3A_544 = arith.constant 0 : i32
      %dma_wait3A_545 = tpu.memref_slice %arg8[%dma_wait3A_542, %dma_wait3A_543, %dma_wait3A_544] : memref<10x16x128xf32, #tpu.memory_space<vmem>> -> memref<1x16x128xf32, #tpu.memory_space<vmem>>
      %dma_wait3A_546 = tpu.memref_squeeze %dma_wait3A_545 : memref<1x16x128xf32, #tpu.memory_space<vmem>> -> memref<16x128xf32, #tpu.memory_space<vmem>>
      %dma_wait3A_547 = tpu.memref_slice %arg6[%mul3A_294] : memref<10240xi32, #tpu.memory_space<vmem>> -> memref<16xi32, #tpu.memory_space<vmem>>
      %dma_wait3A_548 = arith.constant 0 : i32
      %dma_wait3A_549 = arith.constant 0 : i32
      %dma_wait3A_550 = tpu.memref_slice %arg2[%dma_wait3A_548, %dma_wait3A_549] : memref<10000x128xf32, #tpu.memory_space<hbm>> -> memref<10000x128xf32, #tpu.memory_space<hbm>>
      tpu.wait_indirect_dma semaphore(%arg10 : memref<!tpu.dma_semaphore, #tpu.memory_space<semaphore_mem>>) src(%dma_wait3A_550 : memref<10000x128xf32, #tpu.memory_space<hbm>>) dst(%dma_wait3A_546 : memref<16x128xf32, #tpu.memory_space<vmem>>)
      %mul3A_551 = arith.constant 10 : i32
      %mul3A_552 = arith.muli %scan3A_167, %mul3A_551 : i32
      %add3A_553 = arith.constant 8 : i32
      %add3A_554 = arith.addi %mul3A_552, %add3A_553 : i32
      %mul3A_555 = arith.constant 16 : i32
      %mul3A_556 = arith.muli %add3A_554, %mul3A_555 : i32
      %add3A_557 = arith.constant 0 : i32
      %add3A_558 = arith.addi %mul3A_556, %add3A_557 : i32
      %get3A_559 = arith.index_cast %add3A_558 : i32 to index
      %get3A_560 = tpu.vector_load %arg7[%get3A_559] {strides = array<i32>} : memref<10240xi32, #tpu.memory_space<vmem>>, vector<16xi32>,
      %get3A_561 = vector.shape_cast %get3A_560 : vector<16xi32> to vector<16xi32>
      %dma_start3A_562 = arith.constant 8 : i32
      %dma_start3A_563 = arith.constant 0 : i32
      %dma_start3A_564 = arith.constant 0 : i32
      %dma_start3A_565 = tpu.memref_slice %arg8[%dma_start3A_562, %dma_start3A_563, %dma_start3A_564] : memref<10x16x128xf32, #tpu.memory_space<vmem>> -> memref<1x16x128xf32, #tpu.memory_space<vmem>>
      %dma_start3A_566 = tpu.memref_squeeze %dma_start3A_565 : memref<1x16x128xf32, #tpu.memory_space<vmem>> -> memref<16x128xf32, #tpu.memory_space<vmem>>
      %dma_start3A_567 = arith.constant 0 : i32
      %dma_start3A_568 = arith.constant 0 : i32
      %dma_start3A_569 = tpu.memref_slice %arg9[%dma_start3A_567, %dma_start3A_568] : memref<10240x128xf32, #tpu.memory_space<vmem_shared>> -> memref<10240x128xf32, #tpu.memory_space<vmem_shared>>
      tpu.enqueue_indirect_dma source(%dma_start3A_566 : memref<16x128xf32, #tpu.memory_space<vmem>>) target(%dma_start3A_569 : memref<10240x128xf32, #tpu.memory_space<vmem_shared>>) offsets(%get3A_561 : vector<16xi32>) semaphore(%arg11 : memref<!tpu.dma_semaphore, #tpu.memory_space<semaphore_mem>>) {add = true}
      %dma_wait3A_570 = arith.constant 9 : i32
      %dma_wait3A_571 = arith.constant 0 : i32
      %dma_wait3A_572 = arith.constant 0 : i32
      %dma_wait3A_573 = tpu.memref_slice %arg8[%dma_wait3A_570, %dma_wait3A_571, %dma_wait3A_572] : memref<10x16x128xf32, #tpu.memory_space<vmem>> -> memref<1x16x128xf32, #tpu.memory_space<vmem>>
      %dma_wait3A_574 = tpu.memref_squeeze %dma_wait3A_573 : memref<1x16x128xf32, #tpu.memory_space<vmem>> -> memref<16x128xf32, #tpu.memory_space<vmem>>
      %dma_wait3A_575 = tpu.memref_slice %arg6[%mul3A_309] : memref<10240xi32, #tpu.memory_space<vmem>> -> memref<16xi32, #tpu.memory_space<vmem>>
      %dma_wait3A_576 = arith.constant 0 : i32
      %dma_wait3A_577 = arith.constant 0 : i32
      %dma_wait3A_578 = tpu.memref_slice %arg2[%dma_wait3A_576, %dma_wait3A_577] : memref<10000x128xf32, #tpu.memory_space<hbm>> -> memref<10000x128xf32, #tpu.memory_space<hbm>>
      tpu.wait_indirect_dma semaphore(%arg10 : memref<!tpu.dma_semaphore, #tpu.memory_space<semaphore_mem>>) src(%dma_wait3A_578 : memref<10000x128xf32, #tpu.memory_space<hbm>>) dst(%dma_wait3A_574 : memref<16x128xf32, #tpu.memory_space<vmem>>)
      %mul3A_579 = arith.constant 10 : i32
      %mul3A_580 = arith.muli %scan3A_167, %mul3A_579 : i32
      %add3A_581 = arith.constant 9 : i32
      %add3A_582 = arith.addi %mul3A_580, %add3A_581 : i32
      %mul3A_583 = arith.constant 16 : i32
      %mul3A_584 = arith.muli %add3A_582, %mul3A_583 : i32
      %add3A_585 = arith.constant 0 : i32
      %add3A_586 = arith.addi %mul3A_584, %add3A_585 : i32
      %get3A_587 = arith.index_cast %add3A_586 : i32 to index
      %get3A_588 = tpu.vector_load %arg7[%get3A_587] {strides = array<i32>} : memref<10240xi32, #tpu.memory_space<vmem>>, vector<16xi32>,
      %get3A_589 = vector.shape_cast %get3A_588 : vector<16xi32> to vector<16xi32>
      %dma_start3A_590 = arith.constant 9 : i32
      %dma_start3A_591 = arith.constant 0 : i32
      %dma_start3A_592 = arith.constant 0 : i32
      %dma_start3A_593 = tpu.memref_slice %arg8[%dma_start3A_590, %dma_start3A_591, %dma_start3A_592] : memref<10x16x128xf32, #tpu.memory_space<vmem>> -> memref<1x16x128xf32, #tpu.memory_space<vmem>>
      %dma_start3A_594 = tpu.memref_squeeze %dma_start3A_593 : memref<1x16x128xf32, #tpu.memory_space<vmem>> -> memref<16x128xf32, #tpu.memory_space<vmem>>
      %dma_start3A_595 = arith.constant 0 : i32
      %dma_start3A_596 = arith.constant 0 : i32
      %dma_start3A_597 = tpu.memref_slice %arg9[%dma_start3A_595, %dma_start3A_596] : memref<10240x128xf32, #tpu.memory_space<vmem_shared>> -> memref<10240x128xf32, #tpu.memory_space<vmem_shared>>
      tpu.enqueue_indirect_dma source(%dma_start3A_594 : memref<16x128xf32, #tpu.memory_space<vmem>>) target(%dma_start3A_597 : memref<10240x128xf32, #tpu.memory_space<vmem_shared>>) offsets(%get3A_589 : vector<16xi32>) semaphore(%arg11 : memref<!tpu.dma_semaphore, #tpu.memory_space<semaphore_mem>>) {add = true}
    }
    %scan3A_12 = arith.constant 64 : i32
    %dma_wait3A = arith.constant 0 : i32
    %dma_wait3A_13 = arith.constant 0 : i32
    %dma_wait3A_14 = arith.constant 0 : i32
    %dma_wait3A_15 = tpu.memref_slice %arg8[%dma_wait3A, %dma_wait3A_13, %dma_wait3A_14] : memref<10x16x128xf32, #tpu.memory_space<vmem>> -> memref<1x16x128xf32, #tpu.memory_space<vmem>>
    %dma_wait3A_16 = tpu.memref_squeeze %dma_wait3A_15 : memref<1x16x128xf32, #tpu.memory_space<vmem>> -> memref<16x128xf32, #tpu.memory_space<vmem>>
    %dma_wait3A_17 = arith.constant 0 : i32
    %dma_wait3A_18 = arith.constant 0 : i32
    %dma_wait3A_19 = tpu.memref_slice %arg9[%dma_wait3A_17, %dma_wait3A_18] : memref<10240x128xf32, #tpu.memory_space<vmem_shared>> -> memref<16x128xf32, #tpu.memory_space<vmem_shared>>
    %dma_wait3A_20 = arith.constant 0 : i32
    %dma_wait3A_21 = arith.constant 0 : i32
    %dma_wait3A_22 = tpu.memref_slice %arg9[%dma_wait3A_20, %dma_wait3A_21] : memref<10240x128xf32, #tpu.memory_space<vmem_shared>> -> memref<16x128xf32, #tpu.memory_space<vmem_shared>>
    %dma_wait3A_23 = arith.constant 0 : i32
    %dma_wait3A_24 = arith.constant 0 : i32
    %dma_wait3A_25 = tpu.memref_slice %arg8[%dma_wait3A, %dma_wait3A_23, %dma_wait3A_24] : memref<10x16x128xf32, #tpu.memory_space<vmem>> -> memref<1x16x128xf32, #tpu.memory_space<vmem>>
    %dma_wait3A_26 = tpu.memref_squeeze %dma_wait3A_25 : memref<1x16x128xf32, #tpu.memory_space<vmem>> -> memref<16x128xf32, #tpu.memory_space<vmem>>
    tpu.wait_dma2 semaphore(%arg11 : memref<!tpu.dma_semaphore, #tpu.memory_space<semaphore_mem>>) src(%dma_wait3A_26 : memref<16x128xf32, #tpu.memory_space<vmem>>) dst(%dma_wait3A_22 : memref<16x128xf32, #tpu.memory_space<vmem_shared>>)
    %dma_wait3A_27 = arith.constant 0 : i32
    %dma_wait3A_28 = arith.constant 0 : i32
    %dma_wait3A_29 = arith.constant 0 : i32
    %dma_wait3A_30 = tpu.memref_slice %arg8[%dma_wait3A_27, %dma_wait3A_28, %dma_wait3A_29] : memref<10x16x128xf32, #tpu.memory_space<vmem>> -> memref<1x16x128xf32, #tpu.memory_space<vmem>>
    %dma_wait3A_31 = tpu.memref_squeeze %dma_wait3A_30 : memref<1x16x128xf32, #tpu.memory_space<vmem>> -> memref<16x128xf32, #tpu.memory_space<vmem>>
    %dma_wait3A_32 = arith.constant 0 : i32
    %dma_wait3A_33 = arith.constant 0 : i32
    %dma_wait3A_34 = tpu.memref_slice %arg9[%dma_wait3A_32, %dma_wait3A_33] : memref<10240x128xf32, #tpu.memory_space<vmem_shared>> -> memref<16x128xf32, #tpu.memory_space<vmem_shared>>
    %dma_wait3A_35 = arith.constant 0 : i32
    %dma_wait3A_36 = arith.constant 0 : i32
    %dma_wait3A_37 = tpu.memref_slice %arg9[%dma_wait3A_35, %dma_wait3A_36] : memref<10240x128xf32, #tpu.memory_space<vmem_shared>> -> memref<16x128xf32, #tpu.memory_space<vmem_shared>>
    %dma_wait3A_38 = arith.constant 0 : i32
    %dma_wait3A_39 = arith.constant 0 : i32
    %dma_wait3A_40 = tpu.memref_slice %arg8[%dma_wait3A_27, %dma_wait3A_38, %dma_wait3A_39] : memref<10x16x128xf32, #tpu.memory_space<vmem>> -> memref<1x16x128xf32, #tpu.memory_space<vmem>>
    %dma_wait3A_41 = tpu.memref_squeeze %dma_wait3A_40 : memref<1x16x128xf32, #tpu.memory_space<vmem>> -> memref<16x128xf32, #tpu.memory_space<vmem>>
    tpu.wait_dma2 semaphore(%arg11 : memref<!tpu.dma_semaphore, #tpu.memory_space<semaphore_mem>>) src(%dma_wait3A_41 : memref<16x128xf32, #tpu.memory_space<vmem>>) dst(%dma_wait3A_37 : memref<16x128xf32, #tpu.memory_space<vmem_shared>>)
    %dma_wait3A_42 = arith.constant 0 : i32
    %dma_wait3A_43 = arith.constant 0 : i32
    %dma_wait3A_44 = arith.constant 0 : i32
    %dma_wait3A_45 = tpu.memref_slice %arg8[%dma_wait3A_42, %dma_wait3A_43, %dma_wait3A_44] : memref<10x16x128xf32, #tpu.memory_space<vmem>> -> memref<1x16x128xf32, #tpu.memory_space<vmem>>
    %dma_wait3A_46 = tpu.memref_squeeze %dma_wait3A_45 : memref<1x16x128xf32, #tpu.memory_space<vmem>> -> memref<16x128xf32, #tpu.memory_space<vmem>>
    %dma_wait3A_47 = arith.constant 0 : i32
    %dma_wait3A_48 = arith.constant 0 : i32
    %dma_wait3A_49 = tpu.memref_slice %arg9[%dma_wait3A_47, %dma_wait3A_48] : memref<10240x128xf32, #tpu.memory_space<vmem_shared>> -> memref<16x128xf32, #tpu.memory_space<vmem_shared>>
    %dma_wait3A_50 = arith.constant 0 : i32
    %dma_wait3A_51 = arith.constant 0 : i32
    %dma_wait3A_52 = tpu.memref_slice %arg9[%dma_wait3A_50, %dma_wait3A_51] : memref<10240x128xf32, #tpu.memory_space<vmem_shared>> -> memref<16x128xf32, #tpu.memory_space<vmem_shared>>
    %dma_wait3A_53 = arith.constant 0 : i32
    %dma_wait3A_54 = arith.constant 0 : i32
    %dma_wait3A_55 = tpu.memref_slice %arg8[%dma_wait3A_42, %dma_wait3A_53, %dma_wait3A_54] : memref<10x16x128xf32, #tpu.memory_space<vmem>> -> memref<1x16x128xf32, #tpu.memory_space<vmem>>
    %dma_wait3A_56 = tpu.memref_squeeze %dma_wait3A_55 : memref<1x16x128xf32, #tpu.memory_space<vmem>> -> memref<16x128xf32, #tpu.memory_space<vmem>>
    tpu.wait_dma2 semaphore(%arg11 : memref<!tpu.dma_semaphore, #tpu.memory_space<semaphore_mem>>) src(%dma_wait3A_56 : memref<16x128xf32, #tpu.memory_space<vmem>>) dst(%dma_wait3A_52 : memref<16x128xf32, #tpu.memory_space<vmem_shared>>)
    %dma_wait3A_57 = arith.constant 0 : i32
    %dma_wait3A_58 = arith.constant 0 : i32
    %dma_wait3A_59 = arith.constant 0 : i32
    %dma_wait3A_60 = tpu.memref_slice %arg8[%dma_wait3A_57, %dma_wait3A_58, %dma_wait3A_59] : memref<10x16x128xf32, #tpu.memory_space<vmem>> -> memref<1x16x128xf32, #tpu.memory_space<vmem>>
    %dma_wait3A_61 = tpu.memref_squeeze %dma_wait3A_60 : memref<1x16x128xf32, #tpu.memory_space<vmem>> -> memref<16x128xf32, #tpu.memory_space<vmem>>
    %dma_wait3A_62 = arith.constant 0 : i32
    %dma_wait3A_63 = arith.constant 0 : i32
    %dma_wait3A_64 = tpu.memref_slice %arg9[%dma_wait3A_62, %dma_wait3A_63] : memref<10240x128xf32, #tpu.memory_space<vmem_shared>> -> memref<16x128xf32, #tpu.memory_space<vmem_shared>>
    %dma_wait3A_65 = arith.constant 0 : i32
    %dma_wait3A_66 = arith.constant 0 : i32
    %dma_wait3A_67 = tpu.memref_slice %arg9[%dma_wait3A_65, %dma_wait3A_66] : memref<10240x128xf32, #tpu.memory_space<vmem_shared>> -> memref<16x128xf32, #tpu.memory_space<vmem_shared>>
    %dma_wait3A_68 = arith.constant 0 : i32
    %dma_wait3A_69 = arith.constant 0 : i32
    %dma_wait3A_70 = tpu.memref_slice %arg8[%dma_wait3A_57, %dma_wait3A_68, %dma_wait3A_69] : memref<10x16x128xf32, #tpu.memory_space<vmem>> -> memref<1x16x128xf32, #tpu.memory_space<vmem>>
    %dma_wait3A_71 = tpu.memref_squeeze %dma_wait3A_70 : memref<1x16x128xf32, #tpu.memory_space<vmem>> -> memref<16x128xf32, #tpu.memory_space<vmem>>
    tpu.wait_dma2 semaphore(%arg11 : memref<!tpu.dma_semaphore, #tpu.memory_space<semaphore_mem>>) src(%dma_wait3A_71 : memref<16x128xf32, #tpu.memory_space<vmem>>) dst(%dma_wait3A_67 : memref<16x128xf32, #tpu.memory_space<vmem_shared>>)
    %dma_wait3A_72 = arith.constant 0 : i32
    %dma_wait3A_73 = arith.constant 0 : i32
    %dma_wait3A_74 = arith.constant 0 : i32
    %dma_wait3A_75 = tpu.memref_slice %arg8[%dma_wait3A_72, %dma_wait3A_73, %dma_wait3A_74] : memref<10x16x128xf32, #tpu.memory_space<vmem>> -> memref<1x16x128xf32, #tpu.memory_space<vmem>>
    %dma_wait3A_76 = tpu.memref_squeeze %dma_wait3A_75 : memref<1x16x128xf32, #tpu.memory_space<vmem>> -> memref<16x128xf32, #tpu.memory_space<vmem>>
    %dma_wait3A_77 = arith.constant 0 : i32
    %dma_wait3A_78 = arith.constant 0 : i32
    %dma_wait3A_79 = tpu.memref_slice %arg9[%dma_wait3A_77, %dma_wait3A_78] : memref<10240x128xf32, #tpu.memory_space<vmem_shared>> -> memref<16x128xf32, #tpu.memory_space<vmem_shared>>
    %dma_wait3A_80 = arith.constant 0 : i32
    %dma_wait3A_81 = arith.constant 0 : i32
    %dma_wait3A_82 = tpu.memref_slice %arg9[%dma_wait3A_80, %dma_wait3A_81] : memref<10240x128xf32, #tpu.memory_space<vmem_shared>> -> memref<16x128xf32, #tpu.memory_space<vmem_shared>>
    %dma_wait3A_83 = arith.constant 0 : i32
    %dma_wait3A_84 = arith.constant 0 : i32
    %dma_wait3A_85 = tpu.memref_slice %arg8[%dma_wait3A_72, %dma_wait3A_83, %dma_wait3A_84] : memref<10x16x128xf32, #tpu.memory_space<vmem>> -> memref<1x16x128xf32, #tpu.memory_space<vmem>>
    %dma_wait3A_86 = tpu.memref_squeeze %dma_wait3A_85 : memref<1x16x128xf32, #tpu.memory_space<vmem>> -> memref<16x128xf32, #tpu.memory_space<vmem>>
    tpu.wait_dma2 semaphore(%arg11 : memref<!tpu.dma_semaphore, #tpu.memory_space<semaphore_mem>>) src(%dma_wait3A_86 : memref<16x128xf32, #tpu.memory_space<vmem>>) dst(%dma_wait3A_82 : memref<16x128xf32, #tpu.memory_space<vmem_shared>>)
    %dma_wait3A_87 = arith.constant 0 : i32
    %dma_wait3A_88 = arith.constant 0 : i32
    %dma_wait3A_89 = arith.constant 0 : i32
    %dma_wait3A_90 = tpu.memref_slice %arg8[%dma_wait3A_87, %dma_wait3A_88, %dma_wait3A_89] : memref<10x16x128xf32, #tpu.memory_space<vmem>> -> memref<1x16x128xf32, #tpu.memory_space<vmem>>
    %dma_wait3A_91 = tpu.memref_squeeze %dma_wait3A_90 : memref<1x16x128xf32, #tpu.memory_space<vmem>> -> memref<16x128xf32, #tpu.memory_space<vmem>>
    %dma_wait3A_92 = arith.constant 0 : i32
    %dma_wait3A_93 = arith.constant 0 : i32
    %dma_wait3A_94 = tpu.memref_slice %arg9[%dma_wait3A_92, %dma_wait3A_93] : memref<10240x128xf32, #tpu.memory_space<vmem_shared>> -> memref<16x128xf32, #tpu.memory_space<vmem_shared>>
    %dma_wait3A_95 = arith.constant 0 : i32
    %dma_wait3A_96 = arith.constant 0 : i32
    %dma_wait3A_97 = tpu.memref_slice %arg9[%dma_wait3A_95, %dma_wait3A_96] : memref<10240x128xf32, #tpu.memory_space<vmem_shared>> -> memref<16x128xf32, #tpu.memory_space<vmem_shared>>
    %dma_wait3A_98 = arith.constant 0 : i32
    %dma_wait3A_99 = arith.constant 0 : i32
    %dma_wait3A_100 = tpu.memref_slice %arg8[%dma_wait3A_87, %dma_wait3A_98, %dma_wait3A_99] : memref<10x16x128xf32, #tpu.memory_space<vmem>> -> memref<1x16x128xf32, #tpu.memory_space<vmem>>
    %dma_wait3A_101 = tpu.memref_squeeze %dma_wait3A_100 : memref<1x16x128xf32, #tpu.memory_space<vmem>> -> memref<16x128xf32, #tpu.memory_space<vmem>>
    tpu.wait_dma2 semaphore(%arg11 : memref<!tpu.dma_semaphore, #tpu.memory_space<semaphore_mem>>) src(%dma_wait3A_101 : memref<16x128xf32, #tpu.memory_space<vmem>>) dst(%dma_wait3A_97 : memref<16x128xf32, #tpu.memory_space<vmem_shared>>)
    %dma_wait3A_102 = arith.constant 0 : i32
    %dma_wait3A_103 = arith.constant 0 : i32
    %dma_wait3A_104 = arith.constant 0 : i32
    %dma_wait3A_105 = tpu.memref_slice %arg8[%dma_wait3A_102, %dma_wait3A_103, %dma_wait3A_104] : memref<10x16x128xf32, #tpu.memory_space<vmem>> -> memref<1x16x128xf32, #tpu.memory_space<vmem>>
    %dma_wait3A_106 = tpu.memref_squeeze %dma_wait3A_105 : memref<1x16x128xf32, #tpu.memory_space<vmem>> -> memref<16x128xf32, #tpu.memory_space<vmem>>
    %dma_wait3A_107 = arith.constant 0 : i32
    %dma_wait3A_108 = arith.constant 0 : i32
    %dma_wait3A_109 = tpu.memref_slice %arg9[%dma_wait3A_107, %dma_wait3A_108] : memref<10240x128xf32, #tpu.memory_space<vmem_shared>> -> memref<16x128xf32, #tpu.memory_space<vmem_shared>>
    %dma_wait3A_110 = arith.constant 0 : i32
    %dma_wait3A_111 = arith.constant 0 : i32
    %dma_wait3A_112 = tpu.memref_slice %arg9[%dma_wait3A_110, %dma_wait3A_111] : memref<10240x128xf32, #tpu.memory_space<vmem_shared>> -> memref<16x128xf32, #tpu.memory_space<vmem_shared>>
    %dma_wait3A_113 = arith.constant 0 : i32
    %dma_wait3A_114 = arith.constant 0 : i32
    %dma_wait3A_115 = tpu.memref_slice %arg8[%dma_wait3A_102, %dma_wait3A_113, %dma_wait3A_114] : memref<10x16x128xf32, #tpu.memory_space<vmem>> -> memref<1x16x128xf32, #tpu.memory_space<vmem>>
    %dma_wait3A_116 = tpu.memref_squeeze %dma_wait3A_115 : memref<1x16x128xf32, #tpu.memory_space<vmem>> -> memref<16x128xf32, #tpu.memory_space<vmem>>
    tpu.wait_dma2 semaphore(%arg11 : memref<!tpu.dma_semaphore, #tpu.memory_space<semaphore_mem>>) src(%dma_wait3A_116 : memref<16x128xf32, #tpu.memory_space<vmem>>) dst(%dma_wait3A_112 : memref<16x128xf32, #tpu.memory_space<vmem_shared>>)
    %dma_wait3A_117 = arith.constant 0 : i32
    %dma_wait3A_118 = arith.constant 0 : i32
    %dma_wait3A_119 = arith.constant 0 : i32
    %dma_wait3A_120 = tpu.memref_slice %arg8[%dma_wait3A_117, %dma_wait3A_118, %dma_wait3A_119] : memref<10x16x128xf32, #tpu.memory_space<vmem>> -> memref<1x16x128xf32, #tpu.memory_space<vmem>>
    %dma_wait3A_121 = tpu.memref_squeeze %dma_wait3A_120 : memref<1x16x128xf32, #tpu.memory_space<vmem>> -> memref<16x128xf32, #tpu.memory_space<vmem>>
    %dma_wait3A_122 = arith.constant 0 : i32
    %dma_wait3A_123 = arith.constant 0 : i32
    %dma_wait3A_124 = tpu.memref_slice %arg9[%dma_wait3A_122, %dma_wait3A_123] : memref<10240x128xf32, #tpu.memory_space<vmem_shared>> -> memref<16x128xf32, #tpu.memory_space<vmem_shared>>
    %dma_wait3A_125 = arith.constant 0 : i32
    %dma_wait3A_126 = arith.constant 0 : i32
    %dma_wait3A_127 = tpu.memref_slice %arg9[%dma_wait3A_125, %dma_wait3A_126] : memref<10240x128xf32, #tpu.memory_space<vmem_shared>> -> memref<16x128xf32, #tpu.memory_space<vmem_shared>>
    %dma_wait3A_128 = arith.constant 0 : i32
    %dma_wait3A_129 = arith.constant 0 : i32
    %dma_wait3A_130 = tpu.memref_slice %arg8[%dma_wait3A_117, %dma_wait3A_128, %dma_wait3A_129] : memref<10x16x128xf32, #tpu.memory_space<vmem>> -> memref<1x16x128xf32, #tpu.memory_space<vmem>>
    %dma_wait3A_131 = tpu.memref_squeeze %dma_wait3A_130 : memref<1x16x128xf32, #tpu.memory_space<vmem>> -> memref<16x128xf32, #tpu.memory_space<vmem>>
    tpu.wait_dma2 semaphore(%arg11 : memref<!tpu.dma_semaphore, #tpu.memory_space<semaphore_mem>>) src(%dma_wait3A_131 : memref<16x128xf32, #tpu.memory_space<vmem>>) dst(%dma_wait3A_127 : memref<16x128xf32, #tpu.memory_space<vmem_shared>>)
    %dma_wait3A_132 = arith.constant 0 : i32
    %dma_wait3A_133 = arith.constant 0 : i32
    %dma_wait3A_134 = arith.constant 0 : i32
    %dma_wait3A_135 = tpu.memref_slice %arg8[%dma_wait3A_132, %dma_wait3A_133, %dma_wait3A_134] : memref<10x16x128xf32, #tpu.memory_space<vmem>> -> memref<1x16x128xf32, #tpu.memory_space<vmem>>
    %dma_wait3A_136 = tpu.memref_squeeze %dma_wait3A_135 : memref<1x16x128xf32, #tpu.memory_space<vmem>> -> memref<16x128xf32, #tpu.memory_space<vmem>>
    %dma_wait3A_137 = arith.constant 0 : i32
    %dma_wait3A_138 = arith.constant 0 : i32
    %dma_wait3A_139 = tpu.memref_slice %arg9[%dma_wait3A_137, %dma_wait3A_138] : memref<10240x128xf32, #tpu.memory_space<vmem_shared>> -> memref<16x128xf32, #tpu.memory_space<vmem_shared>>
    %dma_wait3A_140 = arith.constant 0 : i32
    %dma_wait3A_141 = arith.constant 0 : i32
    %dma_wait3A_142 = tpu.memref_slice %arg9[%dma_wait3A_140, %dma_wait3A_141] : memref<10240x128xf32, #tpu.memory_space<vmem_shared>> -> memref<16x128xf32, #tpu.memory_space<vmem_shared>>
    %dma_wait3A_143 = arith.constant 0 : i32
    %dma_wait3A_144 = arith.constant 0 : i32
    %dma_wait3A_145 = tpu.memref_slice %arg8[%dma_wait3A_132, %dma_wait3A_143, %dma_wait3A_144] : memref<10x16x128xf32, #tpu.memory_space<vmem>> -> memref<1x16x128xf32, #tpu.memory_space<vmem>>
    %dma_wait3A_146 = tpu.memref_squeeze %dma_wait3A_145 : memref<1x16x128xf32, #tpu.memory_space<vmem>> -> memref<16x128xf32, #tpu.memory_space<vmem>>
    tpu.wait_dma2 semaphore(%arg11 : memref<!tpu.dma_semaphore, #tpu.memory_space<semaphore_mem>>) src(%dma_wait3A_146 : memref<16x128xf32, #tpu.memory_space<vmem>>) dst(%dma_wait3A_142 : memref<16x128xf32, #tpu.memory_space<vmem_shared>>)
    %dma_wait3A_147 = arith.constant 0 : i32
    %dma_wait3A_148 = arith.constant 0 : i32
    %dma_wait3A_149 = arith.constant 0 : i32
    %dma_wait3A_150 = tpu.memref_slice %arg8[%dma_wait3A_147, %dma_wait3A_148, %dma_wait3A_149] : memref<10x16x128xf32, #tpu.memory_space<vmem>> -> memref<1x16x128xf32, #tpu.memory_space<vmem>>
    %dma_wait3A_151 = tpu.memref_squeeze %dma_wait3A_150 : memref<1x16x128xf32, #tpu.memory_space<vmem>> -> memref<16x128xf32, #tpu.memory_space<vmem>>
    %dma_wait3A_152 = arith.constant 0 : i32
    %dma_wait3A_153 = arith.constant 0 : i32
    %dma_wait3A_154 = tpu.memref_slice %arg9[%dma_wait3A_152, %dma_wait3A_153] : memref<10240x128xf32, #tpu.memory_space<vmem_shared>> -> memref<16x128xf32, #tpu.memory_space<vmem_shared>>
    %dma_wait3A_155 = arith.constant 0 : i32
    %dma_wait3A_156 = arith.constant 0 : i32
    %dma_wait3A_157 = tpu.memref_slice %arg9[%dma_wait3A_155, %dma_wait3A_156] : memref<10240x128xf32, #tpu.memory_space<vmem_shared>> -> memref<16x128xf32, #tpu.memory_space<vmem_shared>>
    %dma_wait3A_158 = arith.constant 0 : i32
    %dma_wait3A_159 = arith.constant 0 : i32
    %dma_wait3A_160 = tpu.memref_slice %arg8[%dma_wait3A_147, %dma_wait3A_158, %dma_wait3A_159] : memref<10x16x128xf32, #tpu.memory_space<vmem>> -> memref<1x16x128xf32, #tpu.memory_space<vmem>>
    %dma_wait3A_161 = tpu.memref_squeeze %dma_wait3A_160 : memref<1x16x128xf32, #tpu.memory_space<vmem>> -> memref<16x128xf32, #tpu.memory_space<vmem>>
    tpu.wait_dma2 semaphore(%arg11 : memref<!tpu.dma_semaphore, #tpu.memory_space<semaphore_mem>>) src(%dma_wait3A_161 : memref<16x128xf32, #tpu.memory_space<vmem>>) dst(%dma_wait3A_157 : memref<16x128xf32, #tpu.memory_space<vmem_shared>>)
    %barrier3A_162 = arith.constant 0 : index
    tpu.barrier barrier_id(%barrier3A_162)
    %mul3A_163 = arith.constant 640 : i32
    %mul3A_164 = arith.muli %arg1, %mul3A_163 : i32
    %mul3A_165 = arith.constant 640 : i32
    %mul3A_166 = arith.muli %arg1, %mul3A_165 : i32
    "tpu.region"() ({
      %run_scoped3A_167 = tpu.sem_alloc : memref<!tpu.dma_semaphore, #tpu.memory_space<semaphore_mem>>
      %dma_start3A = arith.constant 0 : i32
      %dma_start3A_168 = tpu.memref_slice %arg5[%arg0, %mul3A_166, %dma_start3A] : memref<2x10240x128xf32, #tpu.memory_space<hbm>> -> memref<1x640x128xf32, #tpu.memory_space<hbm>>
      %dma_start3A_169 = tpu.memref_squeeze %dma_start3A_168 : memref<1x640x128xf32, #tpu.memory_space<hbm>> -> memref<640x128xf32, #tpu.memory_space<hbm>>
      %dma_start3A_170 = arith.constant 0 : i32
      %dma_start3A_171 = tpu.memref_slice %arg9[%mul3A_164, %dma_start3A_170] : memref<10240x128xf32, #tpu.memory_space<vmem_shared>> -> memref<640x128xf32, #tpu.memory_space<vmem_shared>>
      tpu.enqueue_dma source(%dma_start3A_171 : memref<640x128xf32, #tpu.memory_space<vmem_shared>>) target(%dma_start3A_169 : memref<640x128xf32, #tpu.memory_space<hbm>>) target_semaphore(%run_scoped3A_167 : memref<!tpu.dma_semaphore, #tpu.memory_space<semaphore_mem>>)
      %dma_wait3A_172 = arith.constant 0 : i32
      %dma_wait3A_173 = tpu.memref_slice %arg5[%arg0, %mul3A_166, %dma_wait3A_172] : memref<2x10240x128xf32, #tpu.memory_space<hbm>> -> memref<1x640x128xf32, #tpu.memory_space<hbm>>
      %dma_wait3A_174 = tpu.memref_squeeze %dma_wait3A_173 : memref<1x640x128xf32, #tpu.memory_space<hbm>> -> memref<640x128xf32, #tpu.memory_space<hbm>>
      %dma_wait3A_175 = arith.constant 0 : i32
      %dma_wait3A_176 = tpu.memref_slice %arg9[%mul3A_164, %dma_wait3A_175] : memref<10240x128xf32, #tpu.memory_space<vmem_shared>> -> memref<640x128xf32, #tpu.memory_space<vmem_shared>>
      tpu.wait_dma2 semaphore(%run_scoped3A_167 : memref<!tpu.dma_semaphore, #tpu.memory_space<semaphore_mem>>) src(%dma_wait3A_176 : memref<640x128xf32, #tpu.memory_space<vmem_shared>>) dst(%dma_wait3A_174 : memref<640x128xf32, #tpu.memory_space<hbm>>)
      tpu.yield
    }) : () -> ()
    return
  }
}

module attributes {stable_mosaic.version = 14 : i64} {
  func.func @_tc2b_body(%arg0: i32, %arg1: memref<2x200x128xf32, #tpu.memory_space<vmem>>, %arg2: memref<2x200x128xf32, #tpu.memory_space<vmem>>, %arg3: memref<200x128xf32, #tpu.memory_space<vmem>>, %arg4: memref<128x128xf32, #tpu.memory_space<vmem>>, %arg5: memref<128x128xf32, #tpu.memory_space<vmem>>, %arg6: memref<1x128xf32, #tpu.memory_space<vmem>>, %arg7: memref<128x128xf32, #tpu.memory_space<vmem>>, %arg8: memref<1x128xf32, #tpu.memory_space<vmem>>, %arg9: memref<200x128xf32, #tpu.memory_space<vmem>>) attributes {dimension_semantics = [#tpu.dimension_semantics<arbitrary>], iteration_bounds = array<i64: 50>, scalar_prefetch = 0 : i64, scratch_operands = 0 : i64, tpu.core_type = #tpu.core_type<tc>, window_params = [{transform_indices = @transform_0, window_bounds = array<i64: 2, 200, 128>}, {transform_indices = @transform_1, window_bounds = array<i64: 2, 200, 128>}, {transform_indices = @transform_2, window_bounds = array<i64: 200, 128>}, {pipeline_mode = #tpu.pipeline_mode<synchronous>, transform_indices = @transform_3, window_bounds = array<i64: 128, 128>}, {pipeline_mode = #tpu.pipeline_mode<synchronous>, transform_indices = @transform_4, window_bounds = array<i64: 128, 128>}, {pipeline_mode = #tpu.pipeline_mode<synchronous>, transform_indices = @transform_5, window_bounds = array<i64: 1, 128>}, {pipeline_mode = #tpu.pipeline_mode<synchronous>, transform_indices = @transform_6, window_bounds = array<i64: 128, 128>}, {pipeline_mode = #tpu.pipeline_mode<synchronous>, transform_indices = @transform_7, window_bounds = array<i64: 1, 128>}, {transform_indices = @transform_8, window_bounds = array<i64: 200, 128>}]} {
    %get3A = arith.constant 0 : index
    %get3A_0 = arith.constant 0 : index
    %get3A_1 = arith.constant 0 : index
    %get3A_2 = vector.load %arg1[%get3A, %get3A_0, %get3A_1] : memref<2x200x128xf32, #tpu.memory_space<vmem>>, vector<1x200x128xf32>
    %get3A_3 = vector.shape_cast %get3A_2 : vector<1x200x128xf32> to vector<200x128xf32>
    %get3A_4 = arith.constant 1 : index
    %get3A_5 = arith.constant 0 : index
    %get3A_6 = arith.constant 0 : index
    %get3A_7 = vector.load %arg1[%get3A_4, %get3A_5, %get3A_6] : memref<2x200x128xf32, #tpu.memory_space<vmem>>, vector<1x200x128xf32>
    %get3A_8 = vector.shape_cast %get3A_7 : vector<1x200x128xf32> to vector<200x128xf32>
    %add3A = arith.addf %get3A_3, %get3A_8 : vector<200x128xf32>
    %get3A_9 = arith.constant 0 : index
    %get3A_10 = arith.constant 0 : index
    %get3A_11 = arith.constant 0 : index
    %get3A_12 = vector.load %arg2[%get3A_9, %get3A_10, %get3A_11] : memref<2x200x128xf32, #tpu.memory_space<vmem>>, vector<1x200x1xf32>
    %get3A_13 = vector.shape_cast %get3A_12 : vector<1x200x1xf32> to vector<200x1xf32>
    %get3A_14 = arith.constant 1 : index
    %get3A_15 = arith.constant 0 : index
    %get3A_16 = arith.constant 0 : index
    %get3A_17 = vector.load %arg2[%get3A_14, %get3A_15, %get3A_16] : memref<2x200x128xf32, #tpu.memory_space<vmem>>, vector<1x200x1xf32>
    %get3A_18 = vector.shape_cast %get3A_17 : vector<1x200x1xf32> to vector<200x1xf32>
    %add3A_19 = arith.addf %get3A_13, %get3A_18 : vector<200x1xf32>
    %max3A = arith.constant 1.000000e+00 : f32
    %max3A_20 = vector.broadcast %max3A : f32 to vector<200x1xf32>
    %max3A_21 = arith.maximumf %add3A_19, %max3A_20 : vector<200x1xf32>
    %div3A = vector.broadcast %max3A_21 : vector<200x1xf32> to vector<200x128xf32>
    %div3A_22 = arith.divf %add3A, %div3A : vector<200x128xf32>
    %get3A_23 = arith.constant 0 : index
    %get3A_24 = arith.constant 0 : index
    %get3A_25 = vector.load %arg3[%get3A_23, %get3A_24] : memref<200x128xf32, #tpu.memory_space<vmem>>, vector<200x128xf32>
    %get3A_26 = arith.constant 0 : index
    %get3A_27 = arith.constant 0 : index
    %get3A_28 = vector.load %arg4[%get3A_26, %get3A_27] : memref<128x128xf32, #tpu.memory_space<vmem>>, vector<128x128xf32>
    %dot_general3A = arith.constant dense<0.000000e+00> : vector<200x128xf32>
    %dot_general3A_29 = tpu.matmul %div3A_22, %get3A_28, %dot_general3A {dimension_numbers = #tpu.dot_dimension_numbers<[1], [0], [0], [1], [0, 0, 1, 1], [], []>, transpose_lhs_hint = false} : vector<200x128xf32>, vector<128x128xf32>, vector<200x128xf32> -> vector<200x128xf32>
    %add3A_30 = arith.addf %get3A_25, %dot_general3A_29 : vector<200x128xf32>
    %max3A_31 = arith.constant 0.000000e+00 : f32
    %max3A_32 = vector.broadcast %max3A_31 : f32 to vector<200x128xf32>
    %max3A_33 = arith.maximumf %add3A_30, %max3A_32 : vector<200x128xf32>
    %get3A_34 = arith.constant 0 : index
    %get3A_35 = arith.constant 0 : index
    %get3A_36 = vector.load %arg5[%get3A_34, %get3A_35] : memref<128x128xf32, #tpu.memory_space<vmem>>, vector<128x128xf32>
    %dot_general3A_37 = arith.constant dense<0.000000e+00> : vector<200x128xf32>
    %dot_general3A_38 = tpu.matmul %max3A_33, %get3A_36, %dot_general3A_37 {dimension_numbers = #tpu.dot_dimension_numbers<[1], [0], [0], [1], [0, 0, 1, 1], [], []>, transpose_lhs_hint = false} : vector<200x128xf32>, vector<128x128xf32>, vector<200x128xf32> -> vector<200x128xf32>
    %get3A_39 = arith.constant 0 : index
    %get3A_40 = arith.constant 0 : index
    %get3A_41 = vector.load %arg6[%get3A_39, %get3A_40] : memref<1x128xf32, #tpu.memory_space<vmem>>, vector<1x128xf32>
    %add3A_42 = vector.broadcast %get3A_41 : vector<1x128xf32> to vector<200x128xf32>
    %add3A_43 = arith.addf %dot_general3A_38, %add3A_42 : vector<200x128xf32>
    %max3A_44 = arith.constant 0.000000e+00 : f32
    %max3A_45 = vector.broadcast %max3A_44 : f32 to vector<200x128xf32>
    %max3A_46 = arith.maximumf %add3A_43, %max3A_45 : vector<200x128xf32>
    %get3A_47 = arith.constant 0 : index
    %get3A_48 = arith.constant 0 : index
    %get3A_49 = vector.load %arg7[%get3A_47, %get3A_48] : memref<128x128xf32, #tpu.memory_space<vmem>>, vector<128x128xf32>
    %dot_general3A_50 = arith.constant dense<0.000000e+00> : vector<200x128xf32>
    %dot_general3A_51 = tpu.matmul %max3A_46, %get3A_49, %dot_general3A_50 {dimension_numbers = #tpu.dot_dimension_numbers<[1], [0], [0], [1], [0, 0, 1, 1], [], []>, transpose_lhs_hint = false} : vector<200x128xf32>, vector<128x128xf32>, vector<200x128xf32> -> vector<200x128xf32>
    %get3A_52 = arith.constant 0 : index
    %get3A_53 = arith.constant 0 : index
    %get3A_54 = vector.load %arg8[%get3A_52, %get3A_53] : memref<1x128xf32, #tpu.memory_space<vmem>>, vector<1x128xf32>
    %add3A_55 = vector.broadcast %get3A_54 : vector<1x128xf32> to vector<200x128xf32>
    %add3A_56 = arith.addf %dot_general3A_51, %add3A_55 : vector<200x128xf32>
    %max3A_57 = arith.constant 0.000000e+00 : f32
    %max3A_58 = vector.broadcast %max3A_57 : f32 to vector<200x128xf32>
    %max3A_59 = arith.maximumf %add3A_56, %max3A_58 : vector<200x128xf32>
    %swap3A = arith.constant 0 : index
    %swap3A_60 = arith.constant 0 : index
    %swap3A_61 = vector.load %arg9[%swap3A, %swap3A_60] : memref<200x128xf32, #tpu.memory_space<vmem>>, vector<200x128xf32>
    tpu.vector_store %arg9[%swap3A, %swap3A_60], %max3A_59 {strides = array<i32>} : memref<200x128xf32, #tpu.memory_space<vmem>>, vector<200x128xf32>,
    return
  }
  func.func @transform_0(%arg0: i32) -> (i32, i32, i32) {
    %c0_i32 = arith.constant 0 : i32
    %c0_i32_0 = arith.constant 0 : i32
    %c0_i32_1 = arith.constant 0 : i32
    return %c0_i32, %arg0, %c0_i32_0 : i32, i32, i32
  }
  func.func @transform_1(%arg0: i32) -> (i32, i32, i32) {
    %c0_i32 = arith.constant 0 : i32
    %c0_i32_0 = arith.constant 0 : i32
    %c0_i32_1 = arith.constant 0 : i32
    return %c0_i32, %arg0, %c0_i32_0 : i32, i32, i32
  }
  func.func @transform_2(%arg0: i32) -> (i32, i32) {
    %c0_i32 = arith.constant 0 : i32
    %c0_i32_0 = arith.constant 0 : i32
    return %arg0, %c0_i32 : i32, i32
  }
  func.func @transform_3(%arg0: i32) -> (i32, i32) {
    %c0_i32 = arith.constant 0 : i32
    %c0_i32_0 = arith.constant 0 : i32
    %c0_i32_1 = arith.constant 0 : i32
    return %c0_i32, %c0_i32_0 : i32, i32
  }
  func.func @transform_4(%arg0: i32) -> (i32, i32) {
    %c0_i32 = arith.constant 0 : i32
    %c0_i32_0 = arith.constant 0 : i32
    %c0_i32_1 = arith.constant 0 : i32
    return %c0_i32, %c0_i32_0 : i32, i32
  }
  func.func @transform_5(%arg0: i32) -> (i32, i32) {
    %c0_i32 = arith.constant 0 : i32
    %c0_i32_0 = arith.constant 0 : i32
    %c0_i32_1 = arith.constant 0 : i32
    return %c0_i32, %c0_i32_0 : i32, i32
  }
  func.func @transform_6(%arg0: i32) -> (i32, i32) {
    %c0_i32 = arith.constant 0 : i32
    %c0_i32_0 = arith.constant 0 : i32
    %c0_i32_1 = arith.constant 0 : i32
    return %c0_i32, %c0_i32_0 : i32, i32
  }
  func.func @transform_7(%arg0: i32) -> (i32, i32) {
    %c0_i32 = arith.constant 0 : i32
    %c0_i32_0 = arith.constant 0 : i32
    %c0_i32_1 = arith.constant 0 : i32
    return %c0_i32, %c0_i32_0 : i32, i32
  }
  func.func @transform_8(%arg0: i32) -> (i32, i32) {
    %c0_i32 = arith.constant 0 : i32
    %c0_i32_0 = arith.constant 0 : i32
    return %arg0, %c0_i32 : i32, i32
  }
}

module attributes {stable_mosaic.version = 14 : i64} {
  func.func @_tca_body(%arg0: i32, %arg1: memref<200x128xf32, #tpu.memory_space<vmem>>, %arg2: memref<128x128xf32, #tpu.memory_space<vmem>>, %arg3: memref<1x128xf32, #tpu.memory_space<vmem>>, %arg4: memref<200x128xf32, #tpu.memory_space<vmem>>) attributes {dimension_semantics = [#tpu.dimension_semantics<arbitrary>], iteration_bounds = array<i64: 50>, scalar_prefetch = 0 : i64, scratch_operands = 0 : i64, tpu.core_type = #tpu.core_type<tc>, window_params = [{transform_indices = @transform_0, window_bounds = array<i64: 200, 128>}, {pipeline_mode = #tpu.pipeline_mode<synchronous>, transform_indices = @transform_1, window_bounds = array<i64: 128, 128>}, {pipeline_mode = #tpu.pipeline_mode<synchronous>, transform_indices = @transform_2, window_bounds = array<i64: 1, 128>}, {transform_indices = @transform_3, window_bounds = array<i64: 200, 128>}]} {
    %get3A = arith.constant 0 : index
    %get3A_0 = arith.constant 0 : index
    %get3A_1 = vector.load %arg1[%get3A, %get3A_0] : memref<200x128xf32, #tpu.memory_space<vmem>>, vector<200x128xf32>
    %get3A_2 = arith.constant 0 : index
    %get3A_3 = arith.constant 0 : index
    %get3A_4 = vector.load %arg2[%get3A_2, %get3A_3] : memref<128x128xf32, #tpu.memory_space<vmem>>, vector<128x128xf32>
    %dot_general3A = arith.constant dense<0.000000e+00> : vector<200x128xf32>
    %dot_general3A_5 = tpu.matmul %get3A_1, %get3A_4, %dot_general3A {dimension_numbers = #tpu.dot_dimension_numbers<[1], [0], [0], [1], [0, 0, 1, 1], [], []>, transpose_lhs_hint = false} : vector<200x128xf32>, vector<128x128xf32>, vector<200x128xf32> -> vector<200x128xf32>
    %get3A_6 = arith.constant 0 : index
    %get3A_7 = arith.constant 0 : index
    %get3A_8 = vector.load %arg3[%get3A_6, %get3A_7] : memref<1x128xf32, #tpu.memory_space<vmem>>, vector<1x128xf32>
    %add3A = vector.broadcast %get3A_8 : vector<1x128xf32> to vector<200x128xf32>
    %add3A_9 = arith.addf %dot_general3A_5, %add3A : vector<200x128xf32>
    %swap3A = arith.constant 0 : index
    %swap3A_10 = arith.constant 0 : index
    %swap3A_11 = vector.load %arg4[%swap3A, %swap3A_10] : memref<200x128xf32, #tpu.memory_space<vmem>>, vector<200x128xf32>
    tpu.vector_store %arg4[%swap3A, %swap3A_10], %add3A_9 {strides = array<i32>} : memref<200x128xf32, #tpu.memory_space<vmem>>, vector<200x128xf32>,
    return
  }
  func.func @transform_0(%arg0: i32) -> (i32, i32) {
    %c0_i32 = arith.constant 0 : i32
    %c0_i32_0 = arith.constant 0 : i32
    return %arg0, %c0_i32 : i32, i32
  }
  func.func @transform_1(%arg0: i32) -> (i32, i32) {
    %c0_i32 = arith.constant 0 : i32
    %c0_i32_0 = arith.constant 0 : i32
    %c0_i32_1 = arith.constant 0 : i32
    return %c0_i32, %c0_i32_0 : i32, i32
  }
  func.func @transform_2(%arg0: i32) -> (i32, i32) {
    %c0_i32 = arith.constant 0 : i32
    %c0_i32_0 = arith.constant 0 : i32
    %c0_i32_1 = arith.constant 0 : i32
    return %c0_i32, %c0_i32_0 : i32, i32
  }
  func.func @transform_3(%arg0: i32) -> (i32, i32) {
    %c0_i32 = arith.constant 0 : i32
    %c0_i32_0 = arith.constant 0 : i32
    return %arg0, %c0_i32 : i32, i32
  }
}

module attributes {stable_mosaic.version = 14 : i64} {
  func.func @_tc1b_body(%arg0: i32, %arg1: memref<2x200x128xf32, #tpu.memory_space<vmem>>, %arg2: memref<2x200x128xf32, #tpu.memory_space<vmem>>, %arg3: memref<200x128xf32, #tpu.memory_space<vmem>>, %arg4: memref<128x128xf32, #tpu.memory_space<vmem>>, %arg5: memref<200x128xf32, #tpu.memory_space<vmem>>) attributes {dimension_semantics = [#tpu.dimension_semantics<arbitrary>], iteration_bounds = array<i64: 50>, scalar_prefetch = 0 : i64, scratch_operands = 0 : i64, tpu.core_type = #tpu.core_type<tc>, window_params = [{transform_indices = @transform_0, window_bounds = array<i64: 2, 200, 128>}, {transform_indices = @transform_1, window_bounds = array<i64: 2, 200, 128>}, {transform_indices = @transform_2, window_bounds = array<i64: 200, 128>}, {pipeline_mode = #tpu.pipeline_mode<synchronous>, transform_indices = @transform_3, window_bounds = array<i64: 128, 128>}, {transform_indices = @transform_4, window_bounds = array<i64: 200, 128>}]} {
    %get3A = arith.constant 0 : index
    %get3A_0 = arith.constant 0 : index
    %get3A_1 = arith.constant 0 : index
    %get3A_2 = vector.load %arg1[%get3A, %get3A_0, %get3A_1] : memref<2x200x128xf32, #tpu.memory_space<vmem>>, vector<1x200x128xf32>
    %get3A_3 = vector.shape_cast %get3A_2 : vector<1x200x128xf32> to vector<200x128xf32>
    %get3A_4 = arith.constant 1 : index
    %get3A_5 = arith.constant 0 : index
    %get3A_6 = arith.constant 0 : index
    %get3A_7 = vector.load %arg1[%get3A_4, %get3A_5, %get3A_6] : memref<2x200x128xf32, #tpu.memory_space<vmem>>, vector<1x200x128xf32>
    %get3A_8 = vector.shape_cast %get3A_7 : vector<1x200x128xf32> to vector<200x128xf32>
    %add3A = arith.addf %get3A_3, %get3A_8 : vector<200x128xf32>
    %get3A_9 = arith.constant 0 : index
    %get3A_10 = arith.constant 0 : index
    %get3A_11 = arith.constant 0 : index
    %get3A_12 = vector.load %arg2[%get3A_9, %get3A_10, %get3A_11] : memref<2x200x128xf32, #tpu.memory_space<vmem>>, vector<1x200x1xf32>
    %get3A_13 = vector.shape_cast %get3A_12 : vector<1x200x1xf32> to vector<200x1xf32>
    %get3A_14 = arith.constant 1 : index
    %get3A_15 = arith.constant 0 : index
    %get3A_16 = arith.constant 0 : index
    %get3A_17 = vector.load %arg2[%get3A_14, %get3A_15, %get3A_16] : memref<2x200x128xf32, #tpu.memory_space<vmem>>, vector<1x200x1xf32>
    %get3A_18 = vector.shape_cast %get3A_17 : vector<1x200x1xf32> to vector<200x1xf32>
    %add3A_19 = arith.addf %get3A_13, %get3A_18 : vector<200x1xf32>
    %max3A = arith.constant 1.000000e+00 : f32
    %max3A_20 = vector.broadcast %max3A : f32 to vector<200x1xf32>
    %max3A_21 = arith.maximumf %add3A_19, %max3A_20 : vector<200x1xf32>
    %div3A = vector.broadcast %max3A_21 : vector<200x1xf32> to vector<200x128xf32>
    %div3A_22 = arith.divf %add3A, %div3A : vector<200x128xf32>
    %get3A_23 = arith.constant 0 : index
    %get3A_24 = arith.constant 0 : index
    %get3A_25 = vector.load %arg3[%get3A_23, %get3A_24] : memref<200x128xf32, #tpu.memory_space<vmem>>, vector<200x128xf32>
    %get3A_26 = arith.constant 0 : index
    %get3A_27 = arith.constant 0 : index
    %get3A_28 = vector.load %arg4[%get3A_26, %get3A_27] : memref<128x128xf32, #tpu.memory_space<vmem>>, vector<128x128xf32>
    %dot_general3A = arith.constant dense<0.000000e+00> : vector<200x128xf32>
    %dot_general3A_29 = tpu.matmul %div3A_22, %get3A_28, %dot_general3A {dimension_numbers = #tpu.dot_dimension_numbers<[1], [0], [0], [1], [0, 0, 1, 1], [], []>, transpose_lhs_hint = false} : vector<200x128xf32>, vector<128x128xf32>, vector<200x128xf32> -> vector<200x128xf32>
    %add3A_30 = arith.addf %get3A_25, %dot_general3A_29 : vector<200x128xf32>
    %max3A_31 = arith.constant 0.000000e+00 : f32
    %max3A_32 = vector.broadcast %max3A_31 : f32 to vector<200x128xf32>
    %max3A_33 = arith.maximumf %add3A_30, %max3A_32 : vector<200x128xf32>
    %swap3A = arith.constant 0 : index
    %swap3A_34 = arith.constant 0 : index
    %swap3A_35 = vector.load %arg5[%swap3A, %swap3A_34] : memref<200x128xf32, #tpu.memory_space<vmem>>, vector<200x128xf32>
    tpu.vector_store %arg5[%swap3A, %swap3A_34], %max3A_33 {strides = array<i32>} : memref<200x128xf32, #tpu.memory_space<vmem>>, vector<200x128xf32>,
    return
  }
  func.func @transform_0(%arg0: i32) -> (i32, i32, i32) {
    %c0_i32 = arith.constant 0 : i32
    %c0_i32_0 = arith.constant 0 : i32
    %c0_i32_1 = arith.constant 0 : i32
    return %c0_i32, %arg0, %c0_i32_0 : i32, i32, i32
  }
  func.func @transform_1(%arg0: i32) -> (i32, i32, i32) {
    %c0_i32 = arith.constant 0 : i32
    %c0_i32_0 = arith.constant 0 : i32
    %c0_i32_1 = arith.constant 0 : i32
    return %c0_i32, %arg0, %c0_i32_0 : i32, i32, i32
  }
  func.func @transform_2(%arg0: i32) -> (i32, i32) {
    %c0_i32 = arith.constant 0 : i32
    %c0_i32_0 = arith.constant 0 : i32
    return %arg0, %c0_i32 : i32, i32
  }
  func.func @transform_3(%arg0: i32) -> (i32, i32) {
    %c0_i32 = arith.constant 0 : i32
    %c0_i32_0 = arith.constant 0 : i32
    %c0_i32_1 = arith.constant 0 : i32
    return %c0_i32, %c0_i32_0 : i32, i32
  }
  func.func @transform_4(%arg0: i32) -> (i32, i32) {
    %c0_i32 = arith.constant 0 : i32
    %c0_i32_0 = arith.constant 0 : i32
    return %arg0, %c0_i32 : i32, i32
  }
}

module attributes {stable_mosaic.version = 14 : i64} {
  func.func @_tc3b_body(%arg0: i32, %arg1: memref<2x200x128xf32, #tpu.memory_space<vmem>>, %arg2: memref<2x200x128xf32, #tpu.memory_space<vmem>>, %arg3: memref<200x128xf32, #tpu.memory_space<vmem>>, %arg4: memref<128x128xf32, #tpu.memory_space<vmem>>, %arg5: memref<200x128xf32, #tpu.memory_space<vmem>>) attributes {dimension_semantics = [#tpu.dimension_semantics<arbitrary>], iteration_bounds = array<i64: 50>, scalar_prefetch = 0 : i64, scratch_operands = 0 : i64, tpu.core_type = #tpu.core_type<tc>, window_params = [{transform_indices = @transform_0, window_bounds = array<i64: 2, 200, 128>}, {transform_indices = @transform_1, window_bounds = array<i64: 2, 200, 128>}, {transform_indices = @transform_2, window_bounds = array<i64: 200, 128>}, {pipeline_mode = #tpu.pipeline_mode<synchronous>, transform_indices = @transform_3, window_bounds = array<i64: 128, 128>}, {transform_indices = @transform_4, window_bounds = array<i64: 200, 128>}]} {
    %get3A = arith.constant 0 : index
    %get3A_0 = arith.constant 0 : index
    %get3A_1 = arith.constant 0 : index
    %get3A_2 = vector.load %arg1[%get3A, %get3A_0, %get3A_1] : memref<2x200x128xf32, #tpu.memory_space<vmem>>, vector<1x200x128xf32>
    %get3A_3 = vector.shape_cast %get3A_2 : vector<1x200x128xf32> to vector<200x128xf32>
    %get3A_4 = arith.constant 1 : index
    %get3A_5 = arith.constant 0 : index
    %get3A_6 = arith.constant 0 : index
    %get3A_7 = vector.load %arg1[%get3A_4, %get3A_5, %get3A_6] : memref<2x200x128xf32, #tpu.memory_space<vmem>>, vector<1x200x128xf32>
    %get3A_8 = vector.shape_cast %get3A_7 : vector<1x200x128xf32> to vector<200x128xf32>
    %add3A = arith.addf %get3A_3, %get3A_8 : vector<200x128xf32>
    %get3A_9 = arith.constant 0 : index
    %get3A_10 = arith.constant 0 : index
    %get3A_11 = arith.constant 0 : index
    %get3A_12 = vector.load %arg2[%get3A_9, %get3A_10, %get3A_11] : memref<2x200x128xf32, #tpu.memory_space<vmem>>, vector<1x200x1xf32>
    %get3A_13 = vector.shape_cast %get3A_12 : vector<1x200x1xf32> to vector<200x1xf32>
    %get3A_14 = arith.constant 1 : index
    %get3A_15 = arith.constant 0 : index
    %get3A_16 = arith.constant 0 : index
    %get3A_17 = vector.load %arg2[%get3A_14, %get3A_15, %get3A_16] : memref<2x200x128xf32, #tpu.memory_space<vmem>>, vector<1x200x1xf32>
    %get3A_18 = vector.shape_cast %get3A_17 : vector<1x200x1xf32> to vector<200x1xf32>
    %add3A_19 = arith.addf %get3A_13, %get3A_18 : vector<200x1xf32>
    %max3A = arith.constant 1.000000e+00 : f32
    %max3A_20 = vector.broadcast %max3A : f32 to vector<200x1xf32>
    %max3A_21 = arith.maximumf %add3A_19, %max3A_20 : vector<200x1xf32>
    %div3A = vector.broadcast %max3A_21 : vector<200x1xf32> to vector<200x128xf32>
    %div3A_22 = arith.divf %add3A, %div3A : vector<200x128xf32>
    %get3A_23 = arith.constant 0 : index
    %get3A_24 = arith.constant 0 : index
    %get3A_25 = vector.load %arg3[%get3A_23, %get3A_24] : memref<200x128xf32, #tpu.memory_space<vmem>>, vector<200x128xf32>
    %get3A_26 = arith.constant 0 : index
    %get3A_27 = arith.constant 0 : index
    %get3A_28 = vector.load %arg4[%get3A_26, %get3A_27] : memref<128x128xf32, #tpu.memory_space<vmem>>, vector<128x128xf32>
    %dot_general3A = arith.constant dense<0.000000e+00> : vector<200x128xf32>
    %dot_general3A_29 = tpu.matmul %div3A_22, %get3A_28, %dot_general3A {dimension_numbers = #tpu.dot_dimension_numbers<[1], [0], [0], [1], [0, 0, 1, 1], [], []>, transpose_lhs_hint = false} : vector<200x128xf32>, vector<128x128xf32>, vector<200x128xf32> -> vector<200x128xf32>
    %add3A_30 = arith.addf %get3A_25, %dot_general3A_29 : vector<200x128xf32>
    %swap3A = arith.constant 0 : index
    %swap3A_31 = arith.constant 0 : index
    %swap3A_32 = vector.load %arg5[%swap3A, %swap3A_31] : memref<200x128xf32, #tpu.memory_space<vmem>>, vector<200x128xf32>
    tpu.vector_store %arg5[%swap3A, %swap3A_31], %add3A_30 {strides = array<i32>} : memref<200x128xf32, #tpu.memory_space<vmem>>, vector<200x128xf32>,
    return
  }
  func.func @transform_0(%arg0: i32) -> (i32, i32, i32) {
    %c0_i32 = arith.constant 0 : i32
    %c0_i32_0 = arith.constant 0 : i32
    %c0_i32_1 = arith.constant 0 : i32
    return %c0_i32, %arg0, %c0_i32_0 : i32, i32, i32
  }
  func.func @transform_1(%arg0: i32) -> (i32, i32, i32) {
    %c0_i32 = arith.constant 0 : i32
    %c0_i32_0 = arith.constant 0 : i32
    %c0_i32_1 = arith.constant 0 : i32
    return %c0_i32, %arg0, %c0_i32_0 : i32, i32, i32
  }
  func.func @transform_2(%arg0: i32) -> (i32, i32) {
    %c0_i32 = arith.constant 0 : i32
    %c0_i32_0 = arith.constant 0 : i32
    return %arg0, %c0_i32 : i32, i32
  }
  func.func @transform_3(%arg0: i32) -> (i32, i32) {
    %c0_i32 = arith.constant 0 : i32
    %c0_i32_0 = arith.constant 0 : i32
    %c0_i32_1 = arith.constant 0 : i32
    return %c0_i32, %c0_i32_0 : i32, i32
  }
  func.func @transform_4(%arg0: i32) -> (i32, i32) {
    %c0_i32 = arith.constant 0 : i32
    %c0_i32_0 = arith.constant 0 : i32
    return %arg0, %c0_i32 : i32, i32
  }
}

</mosaic_0001>

<sc_bundles>
// kernel: sage_sc_agg.11.cloned.1.call-start
scs
__scs_entry_jumppad:
0x0: {  	(pc) =	sbr.rel $0x88, $3  }
0x1: {  	(tag) =	ssettag $0x0;
	lr =	simm.s32 $0x1  }
0x2: {  	[smem:$0x3F92] =	sst lr;
	_ =	strace $0xD0000000  }
0x3: {  	_ = 	snop  }
0x4: {  	_ = 	snop  }
0x5: {  	_ = 	snop  }
0x6: {  	_ = 	snop  }
0x7: {  	_ = 	snop  }
__scs_overlays_trampoline_lowered:
0x8: {  	[smem:$0x3FA1] =	sst s0  }
0x9: {  	[smem:$0x3FA2] =	sst s1  }
0xa: {  	[smem:$0x3FA3] =	sst s2  }
0xb: {  	[smem:$0x3FA4] =	sst s3  }
0xc: {  	[smem:$0x3FA5] =	sst s4  }
0xd: {  	[smem:$0x3FA6] =	sst s5  }
0xe: {  	[smem:$0x3FA7] =	sst s6  }
0xf: {  	[smem:$0x3FA8] =	sst s7  }
0x10: {  	[smem:$0x3FA9] =	sst s8  }
0x11: {  	[smem:$0x3FAA] =	sst s9;
	s0 =	simm.s32 @!p0 $0x0  }
0x12: {  	s1 =	sld [smem:$0x3F90];
	s0 =	simm.s32 @p0 $0x1  }
0x13: {  	[smem:$0x3FAB] =	sst s0;
	s0 =	simm.s32 @!p1 $0x0  }
0x14: {  	s2 =	sld [smem:$0x3F8F];
	s0 =	simm.s32 @p1 $0x1  }
0x15: {  	[smem:$0x3FAC] =	sst s0;
	s0 =	simm.s32 @!p2 $0x0  }
0x16: {  	s3 =	sld [smem:$0x3FDB];
	s0 =	simm.s32 @p2 $0x1  }
0x17: {  	s4 =	simm.s32 $0x1BF5;
	[smem:$0x3FAE] =	sst s0  }
0x18: {  	s0 =	sld [smem:$0x3F91];
	_ =	swait.ge [sflag:s4], $0x0  }
0x19: {  	s7 =	sld [smem:$0x3F92]  }
0x1a: {  	s8 =	sadd.s32 $0xFFFFE003, lr  }
0x1b: {  	s9 =	sadd.s32 $0xFFFFFEF7, lr;
	s5 =	simm.s32 $0xFFFFFFFF;
	p2 =	slt.u32 s8, $0xFFFFF086  }
0x1c: {  	p1 =	slt.u32 s9, $0xF7A;
	s5 =	simm.s32 @!p2 $0x0  }
0x1d: {  	s5 =	simm.s32 @p1 $0x1;
	p0 =	seq.s32 s7, s2  }
0x1e: {  	s7 =	smul.u32 @!p0 $0xF7A, s2;
	p2 =	seq.s32 @!p0 s5, $0x0  }
0x1f: {  	s9 =	smul.u32 $0xF7A, s1;
	s8 =	simm.s32 @!p0 $0x1BF5;
	p2 =	por !p2, p0  }
0x20: {  	[sflag:s8] =	ssyncset.s32 @!p0 $0xFFFFF086;
	s6 =	sadd.s32 @!p0 s3, s7;
	s7 =	simm.s32 @!p0 $0x108  }
0x21: {  	s3 =	sadd.s32 s3, s9;
	s6 =	sadd.s32 @!p0 $0x88, s6;
	s7 =	simm.s32 @p2 $0x1082  }
0x22: {  	[simem:s7], [sflag:s8] =	dma.local @!p0 [hbm:s6], $0xF7A  }
0x23: {  	s9 =	sor.u32 $0xD0000000, s2;
	s6 =	simm.s32 $0x108;
	_ =	swait.ge @!p0 [sflag:s8], $0x0  }
0x24: {  	s3 =	sadd.s32 $0x88, s3;
	s6 =	simm.s32 @!p1 $0x1082;
	[sflag:s4] =	ssyncset.s32 $0xFFFFF086  }
0x25: {  	[simem:s6], [sflag:s4] =	dma.local [hbm:s3], $0xF7A  }
0x26: {  	[smem:$0x3F92] =	sst s1;
	(tag) =	ssettag s2;
	_ =	strace s9  }
0x27: {  	s1 =	sld [smem:$0x3FA2]  }
0x28: {  	s2 =	sld [smem:$0x3FA3]  }
0x29: {  	s4 =	sld [smem:$0x3FA5]  }
0x2a: {  	p0 =	seq.s32 s5, $0x0;
	s5 =	sld [smem:$0x3FA6]  }
0x2b: {  	s6 =	sld [smem:$0x3FA7]  }
0x2c: {  	s7 =	sld [smem:$0x3FA8]  }
0x2d: {  	s3 =	simm.s32 $0x108;
	s8 =	sld [smem:$0x3FA9]  }
0x2e: {  	s3 =	simm.s32 @!p0 $0x1082;
	s9 =	sld [smem:$0x3FAA]  }
0x2f: {  	lr =	sadd.s32 s0, s3;
	s0 =	sld [smem:$0x3FA1]  }
0x30: {  	s3 =	sld [smem:$0x3FA4]  }
0x31: {  	[smem:$0x3FAD] =	sst s10  }
0x32: {  	s10 =	sld [smem:$0x3FAB];
	_ =	sdelay $0x3  }
0x33: {  	p0 =	seq.s32 s10, $0x1;
	s10 =	sld [smem:$0x3FAD];
	_ =	sdelay $0x3  }
0x34: {  	[smem:$0x3FAD] =	sst s10  }
0x35: {  	s10 =	sld [smem:$0x3FAC];
	_ =	sdelay $0x3  }
0x36: {  	p1 =	seq.s32 s10, $0x1;
	s10 =	sld [smem:$0x3FAD];
	_ =	sdelay $0x3  }
0x37: {  	[smem:$0x3FAD] =	sst s10  }
0x38: {  	s10 =	sld [smem:$0x3FAE]  }
0x39: {  	_ = 	snop;
	(pc) =	sbr.ind lr, $3  }
0x3a: {  	_ = 	snop  }
0x3b: {  	_ = 	snop  }
0x3c: {  	p2 =	seq.s32 s10, $0x1;
	s10 =	sld [smem:$0x3FAD]  }
0x3d: {  	_ =	shalt  }
0x3e: {  	_ =	shalt  }
0x3f: {  	_ =	shalt  }
0x40: {  	_ =	shalt  }
0x41: {  	_ =	shalt  }
0x42: {  	_ =	shalt  }
0x43: {  	_ =	shalt  }
0x44: {  	_ =	shalt  }
0x45: {  	_ =	shalt  }
0x46: {  	_ =	shalt  }
0x47: {  	_ =	shalt  }
0x48: {  	_ =	shalt  }
0x49: {  	_ =	shalt  }
0x4a: {  	_ =	shalt  }
0x4b: {  	_ =	shalt  }
0x4c: {  	_ =	shalt  }
0x4d: {  	_ =	shalt  }
0x4e: {  	_ =	shalt  }
0x4f: {  	_ =	shalt  }
0x50: {  	_ =	shalt  }
0x51: {  	_ =	shalt  }
0x52: {  	_ =	shalt  }
0x53: {  	_ =	shalt  }
0x54: {  	_ =	shalt  }
0x55: {  	_ =	shalt  }
0x56: {  	_ =	shalt  }
0x57: {  	_ =	shalt  }
0x58: {  	_ =	shalt  }
0x59: {  	_ =	shalt  }
0x5a: {  	_ =	shalt  }
0x5b: {  	_ =	shalt  }
0x5c: {  	_ =	shalt  }
0x5d: {  	_ =	shalt  }
0x5e: {  	_ =	shalt  }
0x5f: {  	_ =	shalt  }
0x60: {  	_ =	shalt  }
0x61: {  	_ =	shalt  }
0x62: {  	_ =	shalt  }
0x63: {  	_ =	shalt  }
0x64: {  	_ =	shalt  }
0x65: {  	_ =	shalt  }
0x66: {  	_ =	shalt  }
0x67: {  	_ =	shalt  }
0x68: {  	_ =	shalt  }
0x69: {  	_ =	shalt  }
0x6a: {  	_ =	shalt  }
0x6b: {  	_ =	shalt  }
0x6c: {  	_ =	shalt  }
0x6d: {  	_ =	shalt  }
0x6e: {  	_ =	shalt  }
0x6f: {  	_ =	shalt  }
0x70: {  	_ =	shalt  }
0x71: {  	_ =	shalt  }
0x72: {  	_ =	shalt  }
0x73: {  	_ =	shalt  }
0x74: {  	_ =	shalt  }
0x75: {  	_ =	shalt  }
0x76: {  	_ =	shalt  }
0x77: {  	_ =	shalt  }
0x78: {  	_ =	shalt  }
0x79: {  	_ =	shalt  }
0x7a: {  	_ =	shalt  }
0x7b: {  	_ =	shalt  }
0x7c: {  	_ =	shalt  }
0x7d: {  	_ =	shalt  }
0x7e: {  	_ =	shalt  }
0x7f: {  	_ =	shalt  }
0x80: {  	_ =	shalt  }
0x81: {  	_ =	shalt  }
0x82: {  	_ =	shalt  }
0x83: {  	_ =	shalt  }
0x84: {  	_ =	shalt  }
0x85: {  	_ =	shalt  }
0x86: {  	_ =	shalt  }
0x87: {  	_ =	shalt  }
.Lfunc_end0:
.L_simem_size_0:
called_computation.3_lowered:
.L_overlay_start_0:
0x88: {  	s2 =	sld [smem:$0x3FD9]  }
0x89: {  	s3 =	sld [smem:$0x3FFE];
	_ =	sdelay $0x1  }
0x8a: {  	s1 =	srdreg.scid  }
0x8b: {  	s0 =	sand.u32 $0x1, s1  }
0x8c: {  	s17 =	sshll.u32 s0, $0xA;
	s2 =	sadd.s32 s3, s2  }
0x8d: {  	s2 =	sadd.s32 s2, s17  }
0x8e: {  	[smem:$0x3FB9] =	sst s2  }
0x8f: {  	_ = 	snop  }
0x90: {  	s2 =	sld [smem:$0x3FD0];
	(tm) =	ssettm $0x1  }
0x91: {  	s18 =	sld [smem:$0x3FFB];
	_ =	sdelay $0x3  }
0x92: {  	_ =	strace s18  }
0x93: {  	s3 =	sld [smem:$0x3FFC];
	_ =	sdelay $0x3  }
0x94: {  	_ =	strace s3  }
0x95: {  	s3 =	sld [smem:$0x3FFD];
	_ =	sdelay $0x3  }
0x96: {  	_ =	strace s3  }
0x97: {  	_ =	strace $0x8FFFFFFF  }
0x98: {  	s19 =	sld [smem:$0x3FDB];
	_ =	sdelay $0x1  }
0x99: {  	s4 =	simm.s32 $_scs_section_size  }
0x9a: {  	s5 =	simm.s32 $_size__tile_overlayer_lowered;
	s6 =	simm.s32 $_tile_overlayer_lowered  }
0x9b: {  	s22 =	simm.s32 $0x1BFF;
	s21 =	sshll.u32 s6, $0x1;
	s3 =	sadd.s32 s4, s19  }
0x9c: {  	s7 =	simm.s32 $0x0;
	s20 =	sshll.u32 s5, $0x1;
	s5 =	sadd.s32 s21, s3  }
0x9d: {  	[timem:s7], [sflag:s22] =	dma.local [hbm:s5], s20  }
0x9e: {  	_ =	swait.ge [sflag:s22], s20  }
0x9f: {  	s4 =	ssub.s32 $0x0, s20;
	[sflag:s22] =	ssyncset.done $0x0  }
0xa0: {  	[sflag:s22] =	ssyncadd.s32 s4;
	_ =	sdelay $0x1  }
0xa1: {  	s23 =	simm.s32 $0x1B8B  }
0xa2: {  	_ =	swait.ge [sflag:s23], $0x1  }
0xa3: {  	[sflag:s23] =	ssyncset.done $0x0  }
0xa4: {  	s25 =	simm.s32 $0x1B8E;
	s24 =	sld [smem:$0x3FFE];
	[sflag:s23] =	ssyncadd.s32 $0xFFFFFFFF  }
0xa5: {  	s26 =	simm.s32 $execute0_lowered;
	[smem:$0x3FD2] =	sst s25  }
0xa6: {  	s5 =	sshll.u32 s26, $0x1;
	_ =	strace $0x8000004F;
	[dreg:$0x1] =	wrdreg $0xFFFFFFFF  }
0xa7: {  	s28 =	simm.s32 $_size_execute0_lowered;
	s3 =	sadd.s32 s3, s5;
	[dreg:$0x0] =	wrdreg $0x0  }
0xa8: {  	s5 =	sshll.u32 s28, $0x1;
	[dreg:$0x2] =	wrdreg s3  }
0xa9: {  	[dreg:$0x3] =	wrdreg s5  }
0xaa: {  	[dreg:$0x4] =	wrdreg $0xC0  }
0xab: {  	_ =	task [dreg:s7], $0x5FFFF  }
0xac: {  	[dreg:$0x1] =	wrdreg $0xFFFFFFFF  }
0xad: {  	[dreg:$0x0] =	wrdreg $0x60  }
0xae: {  	[dreg:$0x2] =	wrdreg s2  }
0xaf: {  	[dreg:$0x3] =	wrdreg s24  }
0xb0: {  	[dreg:$0x4] =	wrdreg $0xA0000  }
0xb1: {  	[dreg:$0x5] =	wrdreg $0x9  }
0xb2: {  	_ =	task.clear_ibuf [dreg:s7], $0x6FFFF;
	_ =	strace $0x9000004F  }
0xb3: {  	s29 =	simm.s32 $0x9;
	_ =	strace $0x80000051  }
0xb4: {  	_ =	swait.ge [sflag:s29], $0x1  }
0xb5: {  	[sflag:s29] =	ssyncadd.s32 $0xFFFFFFFF  }
0xb6: {  	_ =	strace $0x90000051  }
0xb7: {  	_ =	sfence  }
0xb8: {  	s30 =	sld [smem:$0x0];
	_ =	sdelay $0x2  }
0xb9: {  	s31 =	sshll.u32 s1, $0xD;
	s1 =	sshrl.u32 s1, $0x2  }
0xba: {  	s3 =	sand.u32 $0x4000, s31;
	s1 =	sadd.s32 s1, s30  }
0xbb: {  	s0 =	sor.u32 s3, s0;
	s1 =	sshll.u32 s1, $0x11  }
0xbc: {  	s0 =	sor.u32 s1, s0  }
0xbd: {  	s0 =	sadd.s32 $0x8F2B, s0  }
0xbe: {  	[sflag:s0] =	ssyncadd.remote.s32 $0x1  }
0xbf: {  	_ =	sfence.sel $0xFFFF  }
0xc0: {  	[dreg:$0x0] =	wrdreg $0xFFFFFFFF;
	(pc) =	sbr.abs _section_cstart, $3  }
0xc1: {  	[dreg:$0x1] =	wrdreg $0xFFFFFFFF  }
0xc2: {  	_ =	task.clear_ibuf [dreg:s7], $0x2FFFF;
	_ =	strace $0x9FFFFFFF  }
0xc3: {  	(tm) =	ssettm $0x7FFFFFFF  }
tec
execute0_lowered:
.L_overlay_start_1:
0x0: {  	(tag) =	ssettag $0x1  }
0x1: {  	s0 =	srdreg.scid;
	s2 =	rddreg [dreg:$0x0]  }
0x2: {  	s23 =	stileid.u32;
	s6 =	rddreg [dreg:$0x1]  }
0x3: {  	s4 =	simm.s32 $0x0;
	s12 =	simm.s32 $0x3;
	s13 =	simm.s32 $0x100  }
0x4: {  	s14 =	simm.s32 $0x2800;
	s15 =	simm.s32 $0x10;
	s16 =	simm.s32 $0x5000  }
0x5: {  	s17 =	simm.s32 $0x5800;
	s18 =	simm.s32 $0x6000;
	s19 =	simm.s32 $0x6800  }
0x6: {  	s20 =	simm.s32 $0x7000;
	s21 =	simm.s32 $0x7800;
	s22 =	simm.s32 $0x8000  }
0x7: {  	s28 =	simm.s32 $0x2;
	s29 =	simm.s32 $0x0;
	s8 =	smul.u32 $0x14000, s23  }
0x8: {  	s1 =	sand.u32 $0x1, s0;
	[smem:$0x7FF] =	sst s4;
	s25 =	smul.u32 $0x50000, s23  }
0x9: {  	s3 =	sshll.u32 s1, $0x4;
	s7 =	smul.u32 $0x140000, s1;
	s1 =	ssub.s32 $0x2, s1  }
0xa: {  	s31 =	sshll.u32 s23, $0x6;
	s3 =	sor.u32 s23, s3;
	s26 =	sshrl.u32 s1, $0x1  }
0xb: {  	s30 =	sshrl.u32 s25, $0x2;
	s23 =	simm.s32 $0x8800;
	s25 =	simm.s32 $0x9800  }
0xc: {  	s5 =	smul.u32 $0xA00, s3;
	s3 =	rddreg [dreg:$0x2];
	_ =	strace $0x80000050  }
0xd: {  	s24 =	sadd.s32 s8, s7;
	s1 =	ssub.s32 s1, s26;
	s26 =	simm.s32 $0x1  }
0xe: {  	s7 =	sshrl.u32 s24, $0x3;
	s11 =	sadd.s32 s30, s3;
	s24 =	simm.s32 $0x9000  }
0xf: {  	s9 =	sadd.s32 s5, s6;
	s5 =	sadd.s32 $0x18000, s6;
	s10 =	sadd.s32 s7, s6  }
0x10: {  	s6 =	sor.u32 $0x1C03, s31;
	s11 =	sshrl.u32 s11, $0x3;
	s7 =	sadd.s32 $0x4000, s9  }
0x11: {  	vm0 =	vmmov $0xffff;
	s8 =	sadd.s32 $0x4010, s9;
	s9 =	sadd.s32 $0x6A800, s10;
	s10 =	smax.u32 s1, $0x1  }
.LBB2_1:
0x12: {  	[spmem:s11], [sflag:s6] =	dma.local [hbm:s5], $0x2800  }
0x13: {  	_ =	swait.ge [sflag:s12], $0x2800  }
0x14: {  	[sflag:s12] =	ssyncset.done $0x0  }
0x15: {  	s30 =	simm.s32 $0x80;
	s0 =	simm.s32 $0x0;
	[sflag:s12] =	ssyncadd.s32 $0xFFFFD800  }
0x16: {  	[tilespmem:s0], [sflag:$0x3] =	stream.strided.gather [hbm4b:s7+s30], $0x2800, s13, s30, $0x38;
	[tilespmem:$0x1E000] =	vst v63  }
0x17: {  	_ =	swait.ge [sflag:s12], $0x2800  }
0x18: {  	[sflag:s12] =	ssyncset.done $0x0  }
0x19: {  	[sflag:s12] =	ssyncadd.s32 $0xFFFFD800  }
0x1a: {  	[tilespmem:s14], [sflag:$0x3] =	stream.strided.gather [hbm4b:s8+s30], $0x2800, s13, s30, $0x38;
	[tilespmem:$0x1E000] =	vst v63  }
0x1b: {  	_ =	swait.ge [sflag:s12], $0x2800  }
0x1c: {  	[sflag:s12] =	ssyncset.done $0x0  }
0x1d: {  	[sflag:s12] =	ssyncadd.s32 $0xFFFFD800  }
0x1e: {  	s31 =	simm.s32 $0x0;
	[bflag:$0x0] =	sbarrier.arrive $0xFFFF  }
.LBB2_2:
0x1f: {  	p0 =	seq.s32 s31, $0x0  }
0x20: {  	s1 =	simm.s32 @!p0 $0x2  }
0x21: {  	_ =	swait.ge @!p0 [sflag:s1], $0x800  }
0x22: {  	[sflag:s1] =	ssyncset.done @!p0 $0x0  }
0x23: {  	[sflag:s1] =	ssyncadd.s32 @!p0 $0xFFFFF800  }
0x24: {  	_ =	swait.ge @!p0 [sflag:s1], $0x800  }
0x25: {  	[sflag:s1] =	ssyncset.done @!p0 $0x0  }
0x26: {  	[sflag:s1] =	ssyncadd.s32 @!p0 $0xFFFFF800  }
0x27: {  	_ =	swait.ge @!p0 [sflag:s1], $0x800  }
0x28: {  	[sflag:s1] =	ssyncset.done @!p0 $0x0  }
0x29: {  	[sflag:s1] =	ssyncadd.s32 @!p0 $0xFFFFF800  }
0x2a: {  	_ =	swait.ge @!p0 [sflag:s1], $0x800  }
0x2b: {  	[sflag:s1] =	ssyncset.done @!p0 $0x0  }
0x2c: {  	[sflag:s1] =	ssyncadd.s32 @!p0 $0xFFFFF800  }
0x2d: {  	_ =	swait.ge @!p0 [sflag:s1], $0x800  }
0x2e: {  	[sflag:s1] =	ssyncset.done @!p0 $0x0  }
0x2f: {  	[sflag:s1] =	ssyncadd.s32 @!p0 $0xFFFFF800  }
0x30: {  	_ =	swait.ge @!p0 [sflag:s1], $0x800  }
0x31: {  	[sflag:s1] =	ssyncset.done @!p0 $0x0  }
0x32: {  	[sflag:s1] =	ssyncadd.s32 @!p0 $0xFFFFF800  }
0x33: {  	_ =	swait.ge @!p0 [sflag:s1], $0x800  }
0x34: {  	[sflag:s1] =	ssyncset.done @!p0 $0x0  }
0x35: {  	[sflag:s1] =	ssyncadd.s32 @!p0 $0xFFFFF800  }
0x36: {  	_ =	swait.ge @!p0 [sflag:s1], $0x800  }
0x37: {  	[sflag:s1] =	ssyncset.done @!p0 $0x0  }
0x38: {  	[sflag:s1] =	ssyncadd.s32 @!p0 $0xFFFFF800  }
0x39: {  	_ =	swait.ge @!p0 [sflag:s1], $0x800  }
0x3a: {  	[sflag:s1] =	ssyncset.done @!p0 $0x0  }
0x3b: {  	[sflag:s1] =	ssyncadd.s32 @!p0 $0xFFFFF800  }
0x3c: {  	_ =	swait.ge @!p0 [sflag:s1], $0x800  }
0x3d: {  	[sflag:s1] =	ssyncset.done @!p0 $0x0  }
0x3e: {  	[sflag:s1] =	ssyncadd.s32 @!p0 $0xFFFFF800;
	s1 =	sshra.s32 s31, $0x2  }
0x3f: {  	[tilespmem:s16], [sflag:$0x1] =	stream.indirect.gather [hbm4b:s2+s15], $0x80, s1, s15, $0xb8;
	[tilespmem:$0x1E000] =	vst v63  }
0x40: {  	s0 =	sadd.s32 $0x10, s1  }
0x41: {  	[tilespmem:s17], [sflag:$0x1] =	stream.indirect.gather [hbm4b:s2+s15], $0x80, s0, s15, $0xb8;
	[tilespmem:$0x1E000] =	vst v63  }
0x42: {  	s4 =	sadd.s32 $0x20, s1  }
0x43: {  	[tilespmem:s18], [sflag:$0x1] =	stream.indirect.gather [hbm4b:s2+s15], $0x80, s4, s15, $0xb8;
	[tilespmem:$0x1E000] =	vst v63  }
0x44: {  	s4 =	sadd.s32 $0x30, s1  }
0x45: {  	[tilespmem:s19], [sflag:$0x1] =	stream.indirect.gather [hbm4b:s2+s15], $0x80, s4, s15, $0xb8;
	[tilespmem:$0x1E000] =	vst v63  }
0x46: {  	s4 =	sadd.s32 $0x40, s1  }
0x47: {  	[tilespmem:s20], [sflag:$0x1] =	stream.indirect.gather [hbm4b:s2+s15], $0x80, s4, s15, $0xb8;
	[tilespmem:$0x1E000] =	vst v63  }
0x48: {  	s4 =	sadd.s32 $0x50, s1  }
0x49: {  	[tilespmem:s21], [sflag:$0x1] =	stream.indirect.gather [hbm4b:s2+s15], $0x80, s4, s15, $0xb8;
	[tilespmem:$0x1E000] =	vst v63  }
0x4a: {  	s4 =	sadd.s32 $0x60, s1  }
0x4b: {  	[tilespmem:s22], [sflag:$0x1] =	stream.indirect.gather [hbm4b:s2+s15], $0x80, s4, s15, $0xb8;
	[tilespmem:$0x1E000] =	vst v63  }
0x4c: {  	s4 =	sadd.s32 $0x70, s1  }
0x4d: {  	[tilespmem:s23], [sflag:$0x1] =	stream.indirect.gather [hbm4b:s2+s15], $0x80, s4, s15, $0xb8;
	[tilespmem:$0x1E000] =	vst v63  }
0x4e: {  	s4 =	sadd.s32 $0x80, s1  }
0x4f: {  	[tilespmem:s24], [sflag:$0x1] =	stream.indirect.gather [hbm4b:s2+s15], $0x80, s4, s15, $0xb8;
	[tilespmem:$0x1E000] =	vst v63  }
0x50: {  	s4 =	sadd.s32 $0x90, s1  }
0x51: {  	[tilespmem:s25], [sflag:$0x1] =	stream.indirect.gather [hbm4b:s2+s15], $0x80, s4, s15, $0xb8;
	[tilespmem:$0x1E000] =	vst v63  }
0x52: {  	_ =	swait.ge [sflag:s26], $0x800  }
0x53: {  	[sflag:s26] =	ssyncset.done $0x0  }
0x54: {  	[sflag:s26] =	ssyncadd.s32 $0xFFFFF800  }
0x55: {  	v0 =	vld [tilespmem:s1+$0x2800];
	_ =	sdelay $0x7  }
0x56: {  	[spmem:s3] =	stream.indirect_vreg.scatter.add.f32 [tilespmem:s16], [sflag:$0x2], $0x80, v0, vm0, $0xb8;
	[tilespmem:$0x1E000] =	vst v63  }
0x57: {  	_ =	swait.ge [sflag:s26], $0x800  }
0x58: {  	[sflag:s26] =	ssyncset.done $0x0  }
0x59: {  	[sflag:s26] =	ssyncadd.s32 $0xFFFFF800  }
0x5a: {  	v55 =	vld [tilespmem:s1+$0x2810];
	_ =	sdelay $0x7  }
0x5b: {  	[spmem:s3] =	stream.indirect_vreg.scatter.add.f32 [tilespmem:s17], [sflag:$0x2], $0x80, v55, vm0, $0xb8;
	[tilespmem:$0x1E000] =	vst v63  }
0x5c: {  	_ =	swait.ge [sflag:s26], $0x800  }
0x5d: {  	[sflag:s26] =	ssyncset.done $0x0  }
0x5e: {  	[sflag:s26] =	ssyncadd.s32 $0xFFFFF800  }
0x5f: {  	v56 =	vld [tilespmem:s1+$0x2820];
	_ =	sdelay $0x7  }
0x60: {  	[spmem:s3] =	stream.indirect_vreg.scatter.add.f32 [tilespmem:s18], [sflag:$0x2], $0x80, v56, vm0, $0xb8;
	[tilespmem:$0x1E000] =	vst v63  }
0x61: {  	_ =	swait.ge [sflag:s26], $0x800  }
0x62: {  	[sflag:s26] =	ssyncset.done $0x0  }
0x63: {  	[sflag:s26] =	ssyncadd.s32 $0xFFFFF800  }
0x64: {  	v57 =	vld [tilespmem:s1+$0x2830];
	_ =	sdelay $0x7  }
0x65: {  	[spmem:s3] =	stream.indirect_vreg.scatter.add.f32 [tilespmem:s19], [sflag:$0x2], $0x80, v57, vm0, $0xb8;
	[tilespmem:$0x1E000] =	vst v63  }
0x66: {  	_ =	swait.ge [sflag:s26], $0x800  }
0x67: {  	[sflag:s26] =	ssyncset.done $0x0  }
0x68: {  	[sflag:s26] =	ssyncadd.s32 $0xFFFFF800  }
0x69: {  	v58 =	vld [tilespmem:s1+$0x2840];
	_ =	sdelay $0x7  }
0x6a: {  	[spmem:s3] =	stream.indirect_vreg.scatter.add.f32 [tilespmem:s20], [sflag:$0x2], $0x80, v58, vm0, $0xb8;
	[tilespmem:$0x1E000] =	vst v63  }
0x6b: {  	_ =	swait.ge [sflag:s26], $0x800  }
0x6c: {  	[sflag:s26] =	ssyncset.done $0x0  }
0x6d: {  	[sflag:s26] =	ssyncadd.s32 $0xFFFFF800  }
0x6e: {  	v59 =	vld [tilespmem:s1+$0x2850];
	_ =	sdelay $0x7  }
0x6f: {  	[spmem:s3] =	stream.indirect_vreg.scatter.add.f32 [tilespmem:s21], [sflag:$0x2], $0x80, v59, vm0, $0xb8;
	[tilespmem:$0x1E000] =	vst v63  }
0x70: {  	_ =	swait.ge [sflag:s26], $0x800  }
0x71: {  	[sflag:s26] =	ssyncset.done $0x0  }
0x72: {  	[sflag:s26] =	ssyncadd.s32 $0xFFFFF800  }
0x73: {  	v60 =	vld [tilespmem:s1+$0x2860];
	_ =	sdelay $0x7  }
0x74: {  	[spmem:s3] =	stream.indirect_vreg.scatter.add.f32 [tilespmem:s22], [sflag:$0x2], $0x80, v60, vm0, $0xb8;
	[tilespmem:$0x1E000] =	vst v63  }
0x75: {  	_ =	swait.ge [sflag:s26], $0x800  }
0x76: {  	[sflag:s26] =	ssyncset.done $0x0  }
0x77: {  	[sflag:s26] =	ssyncadd.s32 $0xFFFFF800  }
0x78: {  	v61 =	vld [tilespmem:s1+$0x2870];
	_ =	sdelay $0x7  }
0x79: {  	[spmem:s3] =	stream.indirect_vreg.scatter.add.f32 [tilespmem:s23], [sflag:$0x2], $0x80, v61, vm0, $0xb8;
	[tilespmem:$0x1E000] =	vst v63  }
0x7a: {  	s0 =	sadd.s32 $0xFFFFFF80, s30;
	_ =	swait.ge [sflag:s26], $0x800  }
0x7b: {  	s0 =	sand.u32 $0x60, s0;
	s4 =	sand.u32 $0x7F80, s30;
	[sflag:s26] =	ssyncset.done $0x0  }
0x7c: {  	s0 =	sor.u32 s0, s4;
	[sflag:s26] =	ssyncadd.s32 $0xFFFFF800  }
0x7d: {  	v62 =	vld [tilespmem:s0+$0x2800];
	_ =	sdelay $0x7  }
0x7e: {  	[spmem:s3] =	stream.indirect_vreg.scatter.add.f32 [tilespmem:s24], [sflag:$0x2], $0x80, v62, vm0, $0xb8;
	[tilespmem:$0x1E000] =	vst v63  }
0x7f: {  	_ =	swait.ge [sflag:s26], $0x800  }
0x80: {  	[sflag:s26] =	ssyncset.done $0x0  }
0x81: {  	[sflag:s26] =	ssyncadd.s32 $0xFFFFF800  }
0x82: {  	v63 =	vld [tilespmem:s1+$0x2890];
	_ =	sdelay $0x1  }
0x83: {  	s31 =	sadd.s32 $0x280, s31  }
0x84: {  	p0 =	sne.s32 s31, $0xA000  }
.Ltmp0:
0x85: {  	_ = 	snop;
	(pc) =	sbr.rel @p0 .LBB2_2-.Ltmp0, $3  }
0x86: {  	_ =	sdelay $0x1  }
0x87: {  	s30 =	sadd.s32 $0xA0, s30  }
0x88: {  	[spmem:s3] =	stream.indirect_vreg.scatter.add.f32 [tilespmem:s25], [sflag:$0x2], $0x80, v63, vm0, $0xb8;
	[tilespmem:$0x1E000] =	vst v63  }
0x89: {  	_ =	swait.ge [sflag:s28], $0x800  }
0x8a: {  	[sflag:s28] =	ssyncset.done $0x0  }
0x8b: {  	[sflag:s28] =	ssyncadd.s32 $0xFFFFF800  }
0x8c: {  	_ =	swait.ge [sflag:s28], $0x800  }
0x8d: {  	[sflag:s28] =	ssyncset.done $0x0  }
0x8e: {  	[sflag:s28] =	ssyncadd.s32 $0xFFFFF800  }
0x8f: {  	_ =	swait.ge [sflag:s28], $0x800  }
0x90: {  	[sflag:s28] =	ssyncset.done $0x0  }
0x91: {  	[sflag:s28] =	ssyncadd.s32 $0xFFFFF800  }
0x92: {  	_ =	swait.ge [sflag:s28], $0x800  }
0x93: {  	[sflag:s28] =	ssyncset.done $0x0  }
0x94: {  	[sflag:s28] =	ssyncadd.s32 $0xFFFFF800  }
0x95: {  	_ =	swait.ge [sflag:s28], $0x800  }
0x96: {  	[sflag:s28] =	ssyncset.done $0x0  }
0x97: {  	[sflag:s28] =	ssyncadd.s32 $0xFFFFF800  }
0x98: {  	_ =	swait.ge [sflag:s28], $0x800  }
0x99: {  	[sflag:s28] =	ssyncset.done $0x0  }
0x9a: {  	[sflag:s28] =	ssyncadd.s32 $0xFFFFF800  }
0x9b: {  	_ =	swait.ge [sflag:s28], $0x800  }
0x9c: {  	[sflag:s28] =	ssyncset.done $0x0  }
0x9d: {  	[sflag:s28] =	ssyncadd.s32 $0xFFFFF800  }
0x9e: {  	_ =	swait.ge [sflag:s28], $0x800  }
0x9f: {  	[sflag:s28] =	ssyncset.done $0x0  }
0xa0: {  	[sflag:s28] =	ssyncadd.s32 $0xFFFFF800  }
0xa1: {  	_ =	swait.ge [sflag:s28], $0x800  }
0xa2: {  	[sflag:s28] =	ssyncset.done $0x0  }
0xa3: {  	[sflag:s28] =	ssyncadd.s32 $0xFFFFF800  }
0xa4: {  	_ =	swait.ge [sflag:s28], $0x800  }
0xa5: {  	s29 =	sadd.s32 $0x1, s29;
	[sflag:s28] =	ssyncset.done $0x0  }
0xa6: {  	p0 =	sne.s32 s29, s10;
	[sflag:s28] =	ssyncadd.s32 $0xFFFFF800  }
.Ltmp1:
0xa7: {  	[bflag:$0x0] =	sbarrier.arrive $0xFFFF;
	(pc) =	sbr.rel @p0 .LBB2_1-.Ltmp1, $4  }
0xa8: {  	[hbm:s9], [sflag:s6] =	dma.local [spmem:s11], $0x2800  }
0xa9: {  	_ =	swait.ge [sflag:s12], $0x2800  }
0xaa: {  	[sflag:s12] =	ssyncset.done $0x0  }
0xab: {  	[sflag:s12] =	ssyncadd.s32 $0xFFFFD800  }
0xac: {  	_ =	sfence.sel $0x180000  }
0xad: {  	[bflag:$0x0] =	sbarrier.arrive $0xFFFF  }
0xae: {  	_ =	strace $0x90000050  }
0xaf: {  	s0 =	stileid.u32;
	[bflag:$0x2] =	sbarrier.arrive $0xFFFF  }
0xb0: {  	p0 =	sne.s32 s0, $0x0;
	s0 =	rddreg [dreg:$0x3]  }
0xb1: {  	s0 =	sadd.s32 @!p0 $0x100000, s0  }
0xb2: {  	[sflag:s0] =	ssyncadd.tile.s32 @!p0 $0x1;
	_ =	shalt  }
.Lfunc_end2:
_tile_overlayer_lowered:
.L_overlay_start_2:
0xb3: {  	(tag) =	ssettag $0x2  }
0xb4: {  	s0 =	rddreg [dreg:$0x0];
	s2 =	stileid.u32  }
0xb5: {  	s1 =	rddreg [dreg:$0x1];
	p0 =	sne.s32 s2, $0x0  }
0xb6: {  	s3 =	rddreg [dreg:$0x2];
	[bflag:$0x3] =	sbarrier.arrive $0xFFFF;
	s2 =	simm.s32 @!p0 $0x1C03  }
0xb7: {  	[timem:s3], [sflag:s2] =	dma.local @!p0 [hbm:s0], s1  }
0xb8: {  	s0 =	simm.s32 @!p0 $0x3  }
0xb9: {  	_ =	swait.ge @!p0 [sflag:s0], s1  }
0xba: {  	s1 =	ssub.s32 @!p0 $0x0, s1;
	[sflag:s0] =	ssyncset.done @!p0 $0x0  }
0xbb: {  	[sflag:s0] =	ssyncadd.s32 @!p0 s1  }
0xbc: {  	[bflag:$0x3] =	sbarrier.arrive $0xFFFF  }
0xbd: {  	_ =	shalt  }

// kernel: sage_sc_agg.5.cloned.1.call-start
scs
__scs_entry_jumppad:
0x0: {  	(pc) =	sbr.rel $0x88, $3  }
0x1: {  	(tag) =	ssettag $0x0;
	lr =	simm.s32 $0x1  }
0x2: {  	[smem:$0x3F92] =	sst lr;
	_ =	strace $0xD0000000  }
0x3: {  	_ = 	snop  }
0x4: {  	_ = 	snop  }
0x5: {  	_ = 	snop  }
0x6: {  	_ = 	snop  }
0x7: {  	_ = 	snop  }
__scs_overlays_trampoline_lowered:
0x8: {  	[smem:$0x3FA1] =	sst s0  }
0x9: {  	[smem:$0x3FA2] =	sst s1  }
0xa: {  	[smem:$0x3FA3] =	sst s2  }
0xb: {  	[smem:$0x3FA4] =	sst s3  }
0xc: {  	[smem:$0x3FA5] =	sst s4  }
0xd: {  	[smem:$0x3FA6] =	sst s5  }
0xe: {  	[smem:$0x3FA7] =	sst s6  }
0xf: {  	[smem:$0x3FA8] =	sst s7  }
0x10: {  	[smem:$0x3FA9] =	sst s8  }
0x11: {  	[smem:$0x3FAA] =	sst s9;
	s0 =	simm.s32 @!p0 $0x0  }
0x12: {  	s1 =	sld [smem:$0x3F90];
	s0 =	simm.s32 @p0 $0x1  }
0x13: {  	[smem:$0x3FAB] =	sst s0;
	s0 =	simm.s32 @!p1 $0x0  }
0x14: {  	s2 =	sld [smem:$0x3F8F];
	s0 =	simm.s32 @p1 $0x1  }
0x15: {  	[smem:$0x3FAC] =	sst s0;
	s0 =	simm.s32 @!p2 $0x0  }
0x16: {  	s3 =	sld [smem:$0x3FDB];
	s0 =	simm.s32 @p2 $0x1  }
0x17: {  	s4 =	simm.s32 $0x1BF5;
	[smem:$0x3FAE] =	sst s0  }
0x18: {  	s0 =	sld [smem:$0x3F91];
	_ =	swait.ge [sflag:s4], $0x0  }
0x19: {  	s7 =	sld [smem:$0x3F92]  }
0x1a: {  	s8 =	sadd.s32 $0xFFFFE003, lr  }
0x1b: {  	s9 =	sadd.s32 $0xFFFFFEF7, lr;
	s5 =	simm.s32 $0xFFFFFFFF;
	p2 =	slt.u32 s8, $0xFFFFF086  }
0x1c: {  	p1 =	slt.u32 s9, $0xF7A;
	s5 =	simm.s32 @!p2 $0x0  }
0x1d: {  	s5 =	simm.s32 @p1 $0x1;
	p0 =	seq.s32 s7, s2  }
0x1e: {  	s7 =	smul.u32 @!p0 $0xF7A, s2;
	p2 =	seq.s32 @!p0 s5, $0x0  }
0x1f: {  	s9 =	smul.u32 $0xF7A, s1;
	s8 =	simm.s32 @!p0 $0x1BF5;
	p2 =	por !p2, p0  }
0x20: {  	[sflag:s8] =	ssyncset.s32 @!p0 $0xFFFFF086;
	s6 =	sadd.s32 @!p0 s3, s7;
	s7 =	simm.s32 @!p0 $0x108  }
0x21: {  	s3 =	sadd.s32 s3, s9;
	s6 =	sadd.s32 @!p0 $0x88, s6;
	s7 =	simm.s32 @p2 $0x1082  }
0x22: {  	[simem:s7], [sflag:s8] =	dma.local @!p0 [hbm:s6], $0xF7A  }
0x23: {  	s9 =	sor.u32 $0xD0000000, s2;
	s6 =	simm.s32 $0x108;
	_ =	swait.ge @!p0 [sflag:s8], $0x0  }
0x24: {  	s3 =	sadd.s32 $0x88, s3;
	s6 =	simm.s32 @!p1 $0x1082;
	[sflag:s4] =	ssyncset.s32 $0xFFFFF086  }
0x25: {  	[simem:s6], [sflag:s4] =	dma.local [hbm:s3], $0xF7A  }
0x26: {  	[smem:$0x3F92] =	sst s1;
	(tag) =	ssettag s2;
	_ =	strace s9  }
0x27: {  	s1 =	sld [smem:$0x3FA2]  }
0x28: {  	s2 =	sld [smem:$0x3FA3]  }
0x29: {  	s4 =	sld [smem:$0x3FA5]  }
0x2a: {  	p0 =	seq.s32 s5, $0x0;
	s5 =	sld [smem:$0x3FA6]  }
0x2b: {  	s6 =	sld [smem:$0x3FA7]  }
0x2c: {  	s7 =	sld [smem:$0x3FA8]  }
0x2d: {  	s3 =	simm.s32 $0x108;
	s8 =	sld [smem:$0x3FA9]  }
0x2e: {  	s3 =	simm.s32 @!p0 $0x1082;
	s9 =	sld [smem:$0x3FAA]  }
0x2f: {  	lr =	sadd.s32 s0, s3;
	s0 =	sld [smem:$0x3FA1]  }
0x30: {  	s3 =	sld [smem:$0x3FA4]  }
0x31: {  	[smem:$0x3FAD] =	sst s10  }
0x32: {  	s10 =	sld [smem:$0x3FAB];
	_ =	sdelay $0x3  }
0x33: {  	p0 =	seq.s32 s10, $0x1;
	s10 =	sld [smem:$0x3FAD];
	_ =	sdelay $0x3  }
0x34: {  	[smem:$0x3FAD] =	sst s10  }
0x35: {  	s10 =	sld [smem:$0x3FAC];
	_ =	sdelay $0x3  }
0x36: {  	p1 =	seq.s32 s10, $0x1;
	s10 =	sld [smem:$0x3FAD];
	_ =	sdelay $0x3  }
0x37: {  	[smem:$0x3FAD] =	sst s10  }
0x38: {  	s10 =	sld [smem:$0x3FAE]  }
0x39: {  	_ = 	snop;
	(pc) =	sbr.ind lr, $3  }
0x3a: {  	_ = 	snop  }
0x3b: {  	_ = 	snop  }
0x3c: {  	p2 =	seq.s32 s10, $0x1;
	s10 =	sld [smem:$0x3FAD]  }
0x3d: {  	_ =	shalt  }
0x3e: {  	_ =	shalt  }
0x3f: {  	_ =	shalt  }
0x40: {  	_ =	shalt  }
0x41: {  	_ =	shalt  }
0x42: {  	_ =	shalt  }
0x43: {  	_ =	shalt  }
0x44: {  	_ =	shalt  }
0x45: {  	_ =	shalt  }
0x46: {  	_ =	shalt  }
0x47: {  	_ =	shalt  }
0x48: {  	_ =	shalt  }
0x49: {  	_ =	shalt  }
0x4a: {  	_ =	shalt  }
0x4b: {  	_ =	shalt  }
0x4c: {  	_ =	shalt  }
0x4d: {  	_ =	shalt  }
0x4e: {  	_ =	shalt  }
0x4f: {  	_ =	shalt  }
0x50: {  	_ =	shalt  }
0x51: {  	_ =	shalt  }
0x52: {  	_ =	shalt  }
0x53: {  	_ =	shalt  }
0x54: {  	_ =	shalt  }
0x55: {  	_ =	shalt  }
0x56: {  	_ =	shalt  }
0x57: {  	_ =	shalt  }
0x58: {  	_ =	shalt  }
0x59: {  	_ =	shalt  }
0x5a: {  	_ =	shalt  }
0x5b: {  	_ =	shalt  }
0x5c: {  	_ =	shalt  }
0x5d: {  	_ =	shalt  }
0x5e: {  	_ =	shalt  }
0x5f: {  	_ =	shalt  }
0x60: {  	_ =	shalt  }
0x61: {  	_ =	shalt  }
0x62: {  	_ =	shalt  }
0x63: {  	_ =	shalt  }
0x64: {  	_ =	shalt  }
0x65: {  	_ =	shalt  }
0x66: {  	_ =	shalt  }
0x67: {  	_ =	shalt  }
0x68: {  	_ =	shalt  }
0x69: {  	_ =	shalt  }
0x6a: {  	_ =	shalt  }
0x6b: {  	_ =	shalt  }
0x6c: {  	_ =	shalt  }
0x6d: {  	_ =	shalt  }
0x6e: {  	_ =	shalt  }
0x6f: {  	_ =	shalt  }
0x70: {  	_ =	shalt  }
0x71: {  	_ =	shalt  }
0x72: {  	_ =	shalt  }
0x73: {  	_ =	shalt  }
0x74: {  	_ =	shalt  }
0x75: {  	_ =	shalt  }
0x76: {  	_ =	shalt  }
0x77: {  	_ =	shalt  }
0x78: {  	_ =	shalt  }
0x79: {  	_ =	shalt  }
0x7a: {  	_ =	shalt  }
0x7b: {  	_ =	shalt  }
0x7c: {  	_ =	shalt  }
0x7d: {  	_ =	shalt  }
0x7e: {  	_ =	shalt  }
0x7f: {  	_ =	shalt  }
0x80: {  	_ =	shalt  }
0x81: {  	_ =	shalt  }
0x82: {  	_ =	shalt  }
0x83: {  	_ =	shalt  }
0x84: {  	_ =	shalt  }
0x85: {  	_ =	shalt  }
0x86: {  	_ =	shalt  }
0x87: {  	_ =	shalt  }
.Lfunc_end0:
.L_simem_size_0:
called_computation.1_lowered:
.L_overlay_start_0:
0x88: {  	s2 =	sld [smem:$0x3FD9]  }
0x89: {  	s3 =	sld [smem:$0x3FFE];
	_ =	sdelay $0x1  }
0x8a: {  	s1 =	srdreg.scid  }
0x8b: {  	s0 =	sand.u32 $0x1, s1  }
0x8c: {  	s17 =	sshll.u32 s0, $0xA;
	s2 =	sadd.s32 s3, s2  }
0x8d: {  	s2 =	sadd.s32 s2, s17  }
0x8e: {  	[smem:$0x3FB9] =	sst s2  }
0x8f: {  	_ = 	snop  }
0x90: {  	s18 =	sld [smem:$0x3FC8];
	(tm) =	ssettm $0x1  }
0x91: {  	s19 =	sld [smem:$0x3FFB];
	_ =	sdelay $0x3  }
0x92: {  	_ =	strace s19  }
0x93: {  	s2 =	sld [smem:$0x3FFC];
	_ =	sdelay $0x3  }
0x94: {  	_ =	strace s2  }
0x95: {  	s2 =	sld [smem:$0x3FFD];
	_ =	sdelay $0x3  }
0x96: {  	_ =	strace s2  }
0x97: {  	_ =	strace $0x8FFFFFFF  }
0x98: {  	s20 =	sld [smem:$0x3FDB];
	_ =	sdelay $0x1  }
0x99: {  	s4 =	simm.s32 $_scs_section_size  }
0x9a: {  	s5 =	simm.s32 $_size__tile_overlayer_lowered;
	s6 =	simm.s32 $_tile_overlayer_lowered  }
0x9b: {  	s7 =	simm.s32 $0x1BFF;
	s21 =	sshll.u32 s6, $0x1;
	s4 =	sadd.s32 s4, s20  }
0x9c: {  	s22 =	simm.s32 $0x0;
	s5 =	sshll.u32 s5, $0x1;
	s6 =	sadd.s32 s21, s4  }
0x9d: {  	[timem:s22], [sflag:s7] =	dma.local [hbm:s6], s5  }
0x9e: {  	_ =	swait.ge [sflag:s7], s5  }
0x9f: {  	s5 =	ssub.s32 $0x0, s5;
	[sflag:s7] =	ssyncset.done $0x0  }
0xa0: {  	[sflag:s7] =	ssyncadd.s32 s5;
	_ =	sdelay $0x1  }
0xa1: {  	s23 =	simm.s32 $0x1B8B  }
0xa2: {  	_ =	swait.ge [sflag:s23], $0x1  }
0xa3: {  	[sflag:s23] =	ssyncset.done $0x0  }
0xa4: {  	[sflag:s23] =	ssyncadd.s32 $0xFFFFFFFF  }
0xa5: {  	s5 =	sld [smem:$0x0]  }
0xa6: {  	s6 =	sand.u32 $0xFFFFFFFE, s1  }
0xa7: {  	p0 =	sne.s32 s1, s6  }
0xa8: {  	s6 =	sshll.u32 @p0 s6, $0xE  }
0xa9: {  	s6 =	sadd.s32 @p0 $0x11B8D, s6;
	s7 =	sshll.u32 @p0 s5, $0x11  }
0xaa: {  	s6 =	sor.u32 @p0 s7, s6  }
0xab: {  	[sflag:s6] =	ssyncadd.remote.s32 @p0 $0x1;
	_ =	sdelay $0x1  }
0xac: {  	s6 =	simm.s32 @p0 $0x1B8D  }
0xad: {  	_ =	swait.eq @p0 [sflag:s6], $0x1  }
0xae: {  	[sflag:s6] =	ssyncadd.s32 @p0 $0xFFFFFFFF  }
0xaf: {  	s7 =	sshll.u32 @!p0 s1, $0xE  }
0xb0: {  	s7 =	sor.u32 @!p0 $0x4000, s7;
	s6 =	simm.s32 @!p0 $0x1B8D  }
0xb1: {  	s5 =	sshll.u32 @!p0 s5, $0x11;
	s7 =	sadd.s32 @!p0 $0x11B8D, s7;
	_ =	swait.eq @!p0 [sflag:s6], $0x1  }
0xb2: {  	s5 =	sor.u32 @!p0 s5, s7;
	[sflag:s6] =	ssyncadd.s32 @!p0 $0xFFFFFFFF  }
0xb3: {  	s25 =	simm.s32 $0x1B8E;
	s24 =	sld [smem:$0x3FFE];
	[sflag:s5] =	ssyncadd.remote.s32 @!p0 $0x1  }
0xb4: {  	s26 =	simm.s32 $execute0_lowered;
	[smem:$0x3FD2] =	sst s25  }
0xb5: {  	s6 =	sshll.u32 s26, $0x1;
	_ =	strace $0x80000049;
	[dreg:$0x1] =	wrdreg $0xFFFFFFFF  }
0xb6: {  	s28 =	simm.s32 $_size_execute0_lowered;
	s4 =	sadd.s32 s4, s6;
	[dreg:$0x0] =	wrdreg $0x0  }
0xb7: {  	s6 =	sshll.u32 s28, $0x1;
	[dreg:$0x2] =	wrdreg s4  }
0xb8: {  	[dreg:$0x3] =	wrdreg s6  }
0xb9: {  	[dreg:$0x4] =	wrdreg $0xC0  }
0xba: {  	_ =	task [dreg:s22], $0x5FFFF  }
0xbb: {  	[dreg:$0x1] =	wrdreg $0xFFFFFFFF  }
0xbc: {  	[dreg:$0x0] =	wrdreg $0x60  }
0xbd: {  	[dreg:$0x2] =	wrdreg s18  }
0xbe: {  	[dreg:$0x3] =	wrdreg s24  }
0xbf: {  	[dreg:$0x4] =	wrdreg $0xA0000  }
0xc0: {  	[dreg:$0x5] =	wrdreg $0xA  }
0xc1: {  	_ =	task.clear_ibuf [dreg:s22], $0x6FFFF;
	_ =	strace $0x90000049  }
0xc2: {  	s29 =	simm.s32 $0xA;
	_ =	strace $0x8000004B  }
0xc3: {  	_ =	swait.ge [sflag:s29], $0x1  }
0xc4: {  	[sflag:s29] =	ssyncadd.s32 $0xFFFFFFFF  }
0xc5: {  	_ =	strace $0x9000004B  }
0xc6: {  	_ =	sfence  }
0xc7: {  	s30 =	sld [smem:$0x0];
	_ =	sdelay $0x2  }
0xc8: {  	s31 =	sshll.u32 s1, $0xD;
	s1 =	sshrl.u32 s1, $0x2  }
0xc9: {  	s4 =	sand.u32 $0x4000, s31;
	s1 =	sadd.s32 s1, s30  }
0xca: {  	s0 =	sor.u32 s4, s0;
	s1 =	sshll.u32 s1, $0x11  }
0xcb: {  	s0 =	sor.u32 s1, s0  }
0xcc: {  	s0 =	sadd.s32 $0x8F2B, s0  }
0xcd: {  	[sflag:s0] =	ssyncadd.remote.s32 $0x1  }
0xce: {  	_ =	sfence.sel $0xFFFF  }
0xcf: {  	[dreg:$0x0] =	wrdreg $0xFFFFFFFF;
	(pc) =	sbr.abs _section_cstart, $3  }
0xd0: {  	[dreg:$0x1] =	wrdreg $0xFFFFFFFF  }
0xd1: {  	_ =	task.clear_ibuf [dreg:s22], $0x2FFFF;
	_ =	strace $0x9FFFFFFF  }
0xd2: {  	(tm) =	ssettm $0x7FFFFFFF  }
0xd3: {  	_ =	shalt  }
tec
execute0_lowered:
.L_overlay_start_1:
0x0: {  	(tag) =	ssettag $0x1  }
0x1: {  	s0 =	srdreg.scid;
	s2 =	rddreg [dreg:$0x0]  }
0x2: {  	s23 =	stileid.u32;
	s6 =	rddreg [dreg:$0x1]  }
0x3: {  	s4 =	simm.s32 $0x0;
	s12 =	simm.s32 $0x3;
	s13 =	simm.s32 $0x100  }
0x4: {  	s14 =	simm.s32 $0x2800;
	s15 =	simm.s32 $0x10;
	s16 =	simm.s32 $0x5000  }
0x5: {  	s17 =	simm.s32 $0x5800;
	s18 =	simm.s32 $0x6000;
	s19 =	simm.s32 $0x6800  }
0x6: {  	s20 =	simm.s32 $0x7000;
	s21 =	simm.s32 $0x7800;
	s22 =	simm.s32 $0x8000  }
0x7: {  	s28 =	simm.s32 $0x2;
	s29 =	simm.s32 $0x0;
	s8 =	smul.u32 $0x14000, s23  }
0x8: {  	s1 =	sand.u32 $0x1, s0;
	[smem:$0x7FF] =	sst s4;
	s25 =	smul.u32 $0x50000, s23  }
0x9: {  	s3 =	sshll.u32 s1, $0x4;
	s7 =	smul.u32 $0x140000, s1;
	s1 =	ssub.s32 $0x2, s1  }
0xa: {  	s31 =	sshll.u32 s23, $0x6;
	s3 =	sor.u32 s23, s3;
	s26 =	sshrl.u32 s1, $0x1  }
0xb: {  	s30 =	sshrl.u32 s25, $0x2;
	s23 =	simm.s32 $0x8800;
	s25 =	simm.s32 $0x9800  }
0xc: {  	s5 =	smul.u32 $0xA00, s3;
	s3 =	rddreg [dreg:$0x2];
	_ =	strace $0x8000004A  }
0xd: {  	s24 =	sadd.s32 s8, s7;
	s1 =	ssub.s32 s1, s26;
	s26 =	simm.s32 $0x1  }
0xe: {  	s7 =	sshrl.u32 s24, $0x3;
	s11 =	sadd.s32 s30, s3;
	s24 =	simm.s32 $0x9000  }
0xf: {  	s9 =	sadd.s32 s5, s6;
	s5 =	sadd.s32 $0x18000, s6;
	s10 =	sadd.s32 s7, s6  }
0x10: {  	s6 =	sor.u32 $0x1C03, s31;
	s11 =	sshrl.u32 s11, $0x3;
	s7 =	sadd.s32 $0x4000, s9  }
0x11: {  	vm0 =	vmmov $0xffff;
	s8 =	sadd.s32 $0x4010, s9;
	s9 =	sadd.s32 $0x6A800, s10;
	s10 =	smax.u32 s1, $0x1  }
.LBB2_1:
0x12: {  	[spmem:s11], [sflag:s6] =	dma.local [hbm:s5], $0x2800  }
0x13: {  	_ =	swait.ge [sflag:s12], $0x2800  }
0x14: {  	[sflag:s12] =	ssyncset.done $0x0  }
0x15: {  	s30 =	simm.s32 $0x80;
	s0 =	simm.s32 $0x0;
	[sflag:s12] =	ssyncadd.s32 $0xFFFFD800  }
0x16: {  	[tilespmem:s0], [sflag:$0x3] =	stream.strided.gather [hbm4b:s7+s30], $0x2800, s13, s30, $0x38;
	[tilespmem:$0x1E000] =	vst v63  }
0x17: {  	_ =	swait.ge [sflag:s12], $0x2800  }
0x18: {  	[sflag:s12] =	ssyncset.done $0x0  }
0x19: {  	[sflag:s12] =	ssyncadd.s32 $0xFFFFD800  }
0x1a: {  	[tilespmem:s14], [sflag:$0x3] =	stream.strided.gather [hbm4b:s8+s30], $0x2800, s13, s30, $0x38;
	[tilespmem:$0x1E000] =	vst v63  }
0x1b: {  	_ =	swait.ge [sflag:s12], $0x2800  }
0x1c: {  	[sflag:s12] =	ssyncset.done $0x0  }
0x1d: {  	[sflag:s12] =	ssyncadd.s32 $0xFFFFD800  }
0x1e: {  	s31 =	simm.s32 $0x0;
	[bflag:$0x0] =	sbarrier.arrive $0xFFFF  }
.LBB2_2:
0x1f: {  	p0 =	seq.s32 s31, $0x0  }
0x20: {  	s1 =	simm.s32 @!p0 $0x2  }
0x21: {  	_ =	swait.ge @!p0 [sflag:s1], $0x800  }
0x22: {  	[sflag:s1] =	ssyncset.done @!p0 $0x0  }
0x23: {  	[sflag:s1] =	ssyncadd.s32 @!p0 $0xFFFFF800  }
0x24: {  	_ =	swait.ge @!p0 [sflag:s1], $0x800  }
0x25: {  	[sflag:s1] =	ssyncset.done @!p0 $0x0  }
0x26: {  	[sflag:s1] =	ssyncadd.s32 @!p0 $0xFFFFF800  }
0x27: {  	_ =	swait.ge @!p0 [sflag:s1], $0x800  }
0x28: {  	[sflag:s1] =	ssyncset.done @!p0 $0x0  }
0x29: {  	[sflag:s1] =	ssyncadd.s32 @!p0 $0xFFFFF800  }
0x2a: {  	_ =	swait.ge @!p0 [sflag:s1], $0x800  }
0x2b: {  	[sflag:s1] =	ssyncset.done @!p0 $0x0  }
0x2c: {  	[sflag:s1] =	ssyncadd.s32 @!p0 $0xFFFFF800  }
0x2d: {  	_ =	swait.ge @!p0 [sflag:s1], $0x800  }
0x2e: {  	[sflag:s1] =	ssyncset.done @!p0 $0x0  }
0x2f: {  	[sflag:s1] =	ssyncadd.s32 @!p0 $0xFFFFF800  }
0x30: {  	_ =	swait.ge @!p0 [sflag:s1], $0x800  }
0x31: {  	[sflag:s1] =	ssyncset.done @!p0 $0x0  }
0x32: {  	[sflag:s1] =	ssyncadd.s32 @!p0 $0xFFFFF800  }
0x33: {  	_ =	swait.ge @!p0 [sflag:s1], $0x800  }
0x34: {  	[sflag:s1] =	ssyncset.done @!p0 $0x0  }
0x35: {  	[sflag:s1] =	ssyncadd.s32 @!p0 $0xFFFFF800  }
0x36: {  	_ =	swait.ge @!p0 [sflag:s1], $0x800  }
0x37: {  	[sflag:s1] =	ssyncset.done @!p0 $0x0  }
0x38: {  	[sflag:s1] =	ssyncadd.s32 @!p0 $0xFFFFF800  }
0x39: {  	_ =	swait.ge @!p0 [sflag:s1], $0x800  }
0x3a: {  	[sflag:s1] =	ssyncset.done @!p0 $0x0  }
0x3b: {  	[sflag:s1] =	ssyncadd.s32 @!p0 $0xFFFFF800  }
0x3c: {  	_ =	swait.ge @!p0 [sflag:s1], $0x800  }
0x3d: {  	[sflag:s1] =	ssyncset.done @!p0 $0x0  }
0x3e: {  	[sflag:s1] =	ssyncadd.s32 @!p0 $0xFFFFF800;
	s1 =	sshra.s32 s31, $0x2  }
0x3f: {  	[tilespmem:s16], [sflag:$0x1] =	stream.indirect.gather [hbm4b:s2+s15], $0x80, s1, s15, $0xb8;
	[tilespmem:$0x1E000] =	vst v63  }
0x40: {  	s0 =	sadd.s32 $0x10, s1  }
0x41: {  	[tilespmem:s17], [sflag:$0x1] =	stream.indirect.gather [hbm4b:s2+s15], $0x80, s0, s15, $0xb8;
	[tilespmem:$0x1E000] =	vst v63  }
0x42: {  	s4 =	sadd.s32 $0x20, s1  }
0x43: {  	[tilespmem:s18], [sflag:$0x1] =	stream.indirect.gather [hbm4b:s2+s15], $0x80, s4, s15, $0xb8;
	[tilespmem:$0x1E000] =	vst v63  }
0x44: {  	s4 =	sadd.s32 $0x30, s1  }
0x45: {  	[tilespmem:s19], [sflag:$0x1] =	stream.indirect.gather [hbm4b:s2+s15], $0x80, s4, s15, $0xb8;
	[tilespmem:$0x1E000] =	vst v63  }
0x46: {  	s4 =	sadd.s32 $0x40, s1  }
0x47: {  	[tilespmem:s20], [sflag:$0x1] =	stream.indirect.gather [hbm4b:s2+s15], $0x80, s4, s15, $0xb8;
	[tilespmem:$0x1E000] =	vst v63  }
0x48: {  	s4 =	sadd.s32 $0x50, s1  }
0x49: {  	[tilespmem:s21], [sflag:$0x1] =	stream.indirect.gather [hbm4b:s2+s15], $0x80, s4, s15, $0xb8;
	[tilespmem:$0x1E000] =	vst v63  }
0x4a: {  	s4 =	sadd.s32 $0x60, s1  }
0x4b: {  	[tilespmem:s22], [sflag:$0x1] =	stream.indirect.gather [hbm4b:s2+s15], $0x80, s4, s15, $0xb8;
	[tilespmem:$0x1E000] =	vst v63  }
0x4c: {  	s4 =	sadd.s32 $0x70, s1  }
0x4d: {  	[tilespmem:s23], [sflag:$0x1] =	stream.indirect.gather [hbm4b:s2+s15], $0x80, s4, s15, $0xb8;
	[tilespmem:$0x1E000] =	vst v63  }
0x4e: {  	s4 =	sadd.s32 $0x80, s1  }
0x4f: {  	[tilespmem:s24], [sflag:$0x1] =	stream.indirect.gather [hbm4b:s2+s15], $0x80, s4, s15, $0xb8;
	[tilespmem:$0x1E000] =	vst v63  }
0x50: {  	s4 =	sadd.s32 $0x90, s1  }
0x51: {  	[tilespmem:s25], [sflag:$0x1] =	stream.indirect.gather [hbm4b:s2+s15], $0x80, s4, s15, $0xb8;
	[tilespmem:$0x1E000] =	vst v63  }
0x52: {  	_ =	swait.ge [sflag:s26], $0x800  }
0x53: {  	[sflag:s26] =	ssyncset.done $0x0  }
0x54: {  	[sflag:s26] =	ssyncadd.s32 $0xFFFFF800  }
0x55: {  	v0 =	vld [tilespmem:s1+$0x2800];
	_ =	sdelay $0x7  }
0x56: {  	[spmem:s3] =	stream.indirect_vreg.scatter.add.f32 [tilespmem:s16], [sflag:$0x2], $0x80, v0, vm0, $0xb8;
	[tilespmem:$0x1E000] =	vst v63  }
0x57: {  	_ =	swait.ge [sflag:s26], $0x800  }
0x58: {  	[sflag:s26] =	ssyncset.done $0x0  }
0x59: {  	[sflag:s26] =	ssyncadd.s32 $0xFFFFF800  }
0x5a: {  	v55 =	vld [tilespmem:s1+$0x2810];
	_ =	sdelay $0x7  }
0x5b: {  	[spmem:s3] =	stream.indirect_vreg.scatter.add.f32 [tilespmem:s17], [sflag:$0x2], $0x80, v55, vm0, $0xb8;
	[tilespmem:$0x1E000] =	vst v63  }
0x5c: {  	_ =	swait.ge [sflag:s26], $0x800  }
0x5d: {  	[sflag:s26] =	ssyncset.done $0x0  }
0x5e: {  	[sflag:s26] =	ssyncadd.s32 $0xFFFFF800  }
0x5f: {  	v56 =	vld [tilespmem:s1+$0x2820];
	_ =	sdelay $0x7  }
0x60: {  	[spmem:s3] =	stream.indirect_vreg.scatter.add.f32 [tilespmem:s18], [sflag:$0x2], $0x80, v56, vm0, $0xb8;
	[tilespmem:$0x1E000] =	vst v63  }
0x61: {  	_ =	swait.ge [sflag:s26], $0x800  }
0x62: {  	[sflag:s26] =	ssyncset.done $0x0  }
0x63: {  	[sflag:s26] =	ssyncadd.s32 $0xFFFFF800  }
0x64: {  	v57 =	vld [tilespmem:s1+$0x2830];
	_ =	sdelay $0x7  }
0x65: {  	[spmem:s3] =	stream.indirect_vreg.scatter.add.f32 [tilespmem:s19], [sflag:$0x2], $0x80, v57, vm0, $0xb8;
	[tilespmem:$0x1E000] =	vst v63  }
0x66: {  	_ =	swait.ge [sflag:s26], $0x800  }
0x67: {  	[sflag:s26] =	ssyncset.done $0x0  }
0x68: {  	[sflag:s26] =	ssyncadd.s32 $0xFFFFF800  }
0x69: {  	v58 =	vld [tilespmem:s1+$0x2840];
	_ =	sdelay $0x7  }
0x6a: {  	[spmem:s3] =	stream.indirect_vreg.scatter.add.f32 [tilespmem:s20], [sflag:$0x2], $0x80, v58, vm0, $0xb8;
	[tilespmem:$0x1E000] =	vst v63  }
0x6b: {  	_ =	swait.ge [sflag:s26], $0x800  }
0x6c: {  	[sflag:s26] =	ssyncset.done $0x0  }
0x6d: {  	[sflag:s26] =	ssyncadd.s32 $0xFFFFF800  }
0x6e: {  	v59 =	vld [tilespmem:s1+$0x2850];
	_ =	sdelay $0x7  }
0x6f: {  	[spmem:s3] =	stream.indirect_vreg.scatter.add.f32 [tilespmem:s21], [sflag:$0x2], $0x80, v59, vm0, $0xb8;
	[tilespmem:$0x1E000] =	vst v63  }
0x70: {  	_ =	swait.ge [sflag:s26], $0x800  }
0x71: {  	[sflag:s26] =	ssyncset.done $0x0  }
0x72: {  	[sflag:s26] =	ssyncadd.s32 $0xFFFFF800  }
0x73: {  	v60 =	vld [tilespmem:s1+$0x2860];
	_ =	sdelay $0x7  }
0x74: {  	[spmem:s3] =	stream.indirect_vreg.scatter.add.f32 [tilespmem:s22], [sflag:$0x2], $0x80, v60, vm0, $0xb8;
	[tilespmem:$0x1E000] =	vst v63  }
0x75: {  	_ =	swait.ge [sflag:s26], $0x800  }
0x76: {  	[sflag:s26] =	ssyncset.done $0x0  }
0x77: {  	[sflag:s26] =	ssyncadd.s32 $0xFFFFF800  }
0x78: {  	v61 =	vld [tilespmem:s1+$0x2870];
	_ =	sdelay $0x7  }
0x79: {  	[spmem:s3] =	stream.indirect_vreg.scatter.add.f32 [tilespmem:s23], [sflag:$0x2], $0x80, v61, vm0, $0xb8;
	[tilespmem:$0x1E000] =	vst v63  }
0x7a: {  	s0 =	sadd.s32 $0xFFFFFF80, s30;
	_ =	swait.ge [sflag:s26], $0x800  }
0x7b: {  	s0 =	sand.u32 $0x60, s0;
	s4 =	sand.u32 $0x7F80, s30;
	[sflag:s26] =	ssyncset.done $0x0  }
0x7c: {  	s0 =	sor.u32 s0, s4;
	[sflag:s26] =	ssyncadd.s32 $0xFFFFF800  }
0x7d: {  	v62 =	vld [tilespmem:s0+$0x2800];
	_ =	sdelay $0x7  }
0x7e: {  	[spmem:s3] =	stream.indirect_vreg.scatter.add.f32 [tilespmem:s24], [sflag:$0x2], $0x80, v62, vm0, $0xb8;
	[tilespmem:$0x1E000] =	vst v63  }
0x7f: {  	_ =	swait.ge [sflag:s26], $0x800  }
0x80: {  	[sflag:s26] =	ssyncset.done $0x0  }
0x81: {  	[sflag:s26] =	ssyncadd.s32 $0xFFFFF800  }
0x82: {  	v63 =	vld [tilespmem:s1+$0x2890];
	_ =	sdelay $0x1  }
0x83: {  	s31 =	sadd.s32 $0x280, s31  }
0x84: {  	p0 =	sne.s32 s31, $0xA000  }
.Ltmp0:
0x85: {  	_ = 	snop;
	(pc) =	sbr.rel @p0 .LBB2_2-.Ltmp0, $3  }
0x86: {  	_ =	sdelay $0x1  }
0x87: {  	s30 =	sadd.s32 $0xA0, s30  }
0x88: {  	[spmem:s3] =	stream.indirect_vreg.scatter.add.f32 [tilespmem:s25], [sflag:$0x2], $0x80, v63, vm0, $0xb8;
	[tilespmem:$0x1E000] =	vst v63  }
0x89: {  	_ =	swait.ge [sflag:s28], $0x800  }
0x8a: {  	[sflag:s28] =	ssyncset.done $0x0  }
0x8b: {  	[sflag:s28] =	ssyncadd.s32 $0xFFFFF800  }
0x8c: {  	_ =	swait.ge [sflag:s28], $0x800  }
0x8d: {  	[sflag:s28] =	ssyncset.done $0x0  }
0x8e: {  	[sflag:s28] =	ssyncadd.s32 $0xFFFFF800  }
0x8f: {  	_ =	swait.ge [sflag:s28], $0x800  }
0x90: {  	[sflag:s28] =	ssyncset.done $0x0  }
0x91: {  	[sflag:s28] =	ssyncadd.s32 $0xFFFFF800  }
0x92: {  	_ =	swait.ge [sflag:s28], $0x800  }
0x93: {  	[sflag:s28] =	ssyncset.done $0x0  }
0x94: {  	[sflag:s28] =	ssyncadd.s32 $0xFFFFF800  }
0x95: {  	_ =	swait.ge [sflag:s28], $0x800  }
0x96: {  	[sflag:s28] =	ssyncset.done $0x0  }
0x97: {  	[sflag:s28] =	ssyncadd.s32 $0xFFFFF800  }
0x98: {  	_ =	swait.ge [sflag:s28], $0x800  }
0x99: {  	[sflag:s28] =	ssyncset.done $0x0  }
0x9a: {  	[sflag:s28] =	ssyncadd.s32 $0xFFFFF800  }
0x9b: {  	_ =	swait.ge [sflag:s28], $0x800  }
0x9c: {  	[sflag:s28] =	ssyncset.done $0x0  }
0x9d: {  	[sflag:s28] =	ssyncadd.s32 $0xFFFFF800  }
0x9e: {  	_ =	swait.ge [sflag:s28], $0x800  }
0x9f: {  	[sflag:s28] =	ssyncset.done $0x0  }
0xa0: {  	[sflag:s28] =	ssyncadd.s32 $0xFFFFF800  }
0xa1: {  	_ =	swait.ge [sflag:s28], $0x800  }
0xa2: {  	[sflag:s28] =	ssyncset.done $0x0  }
0xa3: {  	[sflag:s28] =	ssyncadd.s32 $0xFFFFF800  }
0xa4: {  	_ =	swait.ge [sflag:s28], $0x800  }
0xa5: {  	s29 =	sadd.s32 $0x1, s29;
	[sflag:s28] =	ssyncset.done $0x0  }
0xa6: {  	p0 =	sne.s32 s29, s10;
	[sflag:s28] =	ssyncadd.s32 $0xFFFFF800  }
.Ltmp1:
0xa7: {  	[bflag:$0x0] =	sbarrier.arrive $0xFFFF;
	(pc) =	sbr.rel @p0 .LBB2_1-.Ltmp1, $4  }
0xa8: {  	[hbm:s9], [sflag:s6] =	dma.local [spmem:s11], $0x2800  }
0xa9: {  	_ =	swait.ge [sflag:s12], $0x2800  }
0xaa: {  	[sflag:s12] =	ssyncset.done $0x0  }
0xab: {  	[sflag:s12] =	ssyncadd.s32 $0xFFFFD800  }
0xac: {  	_ =	sfence.sel $0x180000  }
0xad: {  	[bflag:$0x0] =	sbarrier.arrive $0xFFFF  }
0xae: {  	_ =	strace $0x9000004A  }
0xaf: {  	s0 =	stileid.u32;
	[bflag:$0x2] =	sbarrier.arrive $0xFFFF  }
0xb0: {  	p0 =	sne.s32 s0, $0x0;
	s0 =	rddreg [dreg:$0x3]  }
0xb1: {  	s0 =	sadd.s32 @!p0 $0x100000, s0  }
0xb2: {  	[sflag:s0] =	ssyncadd.tile.s32 @!p0 $0x1;
	_ =	shalt  }
.Lfunc_end2:
_tile_overlayer_lowered:
.L_overlay_start_2:
0xb3: {  	(tag) =	ssettag $0x2  }
0xb4: {  	s0 =	rddreg [dreg:$0x0];
	s2 =	stileid.u32  }
0xb5: {  	s1 =	rddreg [dreg:$0x1];
	p0 =	sne.s32 s2, $0x0  }
0xb6: {  	s3 =	rddreg [dreg:$0x2];
	[bflag:$0x3] =	sbarrier.arrive $0xFFFF;
	s2 =	simm.s32 @!p0 $0x1C03  }
0xb7: {  	[timem:s3], [sflag:s2] =	dma.local @!p0 [hbm:s0], s1  }
0xb8: {  	s0 =	simm.s32 @!p0 $0x3  }
0xb9: {  	_ =	swait.ge @!p0 [sflag:s0], s1  }
0xba: {  	s1 =	ssub.s32 @!p0 $0x0, s1;
	[sflag:s0] =	ssyncset.done @!p0 $0x0  }
0xbb: {  	[sflag:s0] =	ssyncadd.s32 @!p0 s1  }
0xbc: {  	[bflag:$0x3] =	sbarrier.arrive $0xFFFF  }
0xbd: {  	_ =	shalt  }

// kernel: sage_sc_agg.8.cloned.1.call-start
scs
__scs_entry_jumppad:
0x0: {  	(pc) =	sbr.rel $0x88, $3  }
0x1: {  	(tag) =	ssettag $0x0;
	lr =	simm.s32 $0x1  }
0x2: {  	[smem:$0x3F92] =	sst lr;
	_ =	strace $0xD0000000  }
0x3: {  	_ = 	snop  }
0x4: {  	_ = 	snop  }
0x5: {  	_ = 	snop  }
0x6: {  	_ = 	snop  }
0x7: {  	_ = 	snop  }
__scs_overlays_trampoline_lowered:
0x8: {  	[smem:$0x3FA1] =	sst s0  }
0x9: {  	[smem:$0x3FA2] =	sst s1  }
0xa: {  	[smem:$0x3FA3] =	sst s2  }
0xb: {  	[smem:$0x3FA4] =	sst s3  }
0xc: {  	[smem:$0x3FA5] =	sst s4  }
0xd: {  	[smem:$0x3FA6] =	sst s5  }
0xe: {  	[smem:$0x3FA7] =	sst s6  }
0xf: {  	[smem:$0x3FA8] =	sst s7  }
0x10: {  	[smem:$0x3FA9] =	sst s8  }
0x11: {  	[smem:$0x3FAA] =	sst s9;
	s0 =	simm.s32 @!p0 $0x0  }
0x12: {  	s1 =	sld [smem:$0x3F90];
	s0 =	simm.s32 @p0 $0x1  }
0x13: {  	[smem:$0x3FAB] =	sst s0;
	s0 =	simm.s32 @!p1 $0x0  }
0x14: {  	s2 =	sld [smem:$0x3F8F];
	s0 =	simm.s32 @p1 $0x1  }
0x15: {  	[smem:$0x3FAC] =	sst s0;
	s0 =	simm.s32 @!p2 $0x0  }
0x16: {  	s3 =	sld [smem:$0x3FDB];
	s0 =	simm.s32 @p2 $0x1  }
0x17: {  	s4 =	simm.s32 $0x1BF5;
	[smem:$0x3FAE] =	sst s0  }
0x18: {  	s0 =	sld [smem:$0x3F91];
	_ =	swait.ge [sflag:s4], $0x0  }
0x19: {  	s7 =	sld [smem:$0x3F92]  }
0x1a: {  	s8 =	sadd.s32 $0xFFFFE003, lr  }
0x1b: {  	s9 =	sadd.s32 $0xFFFFFEF7, lr;
	s5 =	simm.s32 $0xFFFFFFFF;
	p2 =	slt.u32 s8, $0xFFFFF086  }
0x1c: {  	p1 =	slt.u32 s9, $0xF7A;
	s5 =	simm.s32 @!p2 $0x0  }
0x1d: {  	s5 =	simm.s32 @p1 $0x1;
	p0 =	seq.s32 s7, s2  }
0x1e: {  	s7 =	smul.u32 @!p0 $0xF7A, s2;
	p2 =	seq.s32 @!p0 s5, $0x0  }
0x1f: {  	s9 =	smul.u32 $0xF7A, s1;
	s8 =	simm.s32 @!p0 $0x1BF5;
	p2 =	por !p2, p0  }
0x20: {  	[sflag:s8] =	ssyncset.s32 @!p0 $0xFFFFF086;
	s6 =	sadd.s32 @!p0 s3, s7;
	s7 =	simm.s32 @!p0 $0x108  }
0x21: {  	s3 =	sadd.s32 s3, s9;
	s6 =	sadd.s32 @!p0 $0x88, s6;
	s7 =	simm.s32 @p2 $0x1082  }
0x22: {  	[simem:s7], [sflag:s8] =	dma.local @!p0 [hbm:s6], $0xF7A  }
0x23: {  	s9 =	sor.u32 $0xD0000000, s2;
	s6 =	simm.s32 $0x108;
	_ =	swait.ge @!p0 [sflag:s8], $0x0  }
0x24: {  	s3 =	sadd.s32 $0x88, s3;
	s6 =	simm.s32 @!p1 $0x1082;
	[sflag:s4] =	ssyncset.s32 $0xFFFFF086  }
0x25: {  	[simem:s6], [sflag:s4] =	dma.local [hbm:s3], $0xF7A  }
0x26: {  	[smem:$0x3F92] =	sst s1;
	(tag) =	ssettag s2;
	_ =	strace s9  }
0x27: {  	s1 =	sld [smem:$0x3FA2]  }
0x28: {  	s2 =	sld [smem:$0x3FA3]  }
0x29: {  	s4 =	sld [smem:$0x3FA5]  }
0x2a: {  	p0 =	seq.s32 s5, $0x0;
	s5 =	sld [smem:$0x3FA6]  }
0x2b: {  	s6 =	sld [smem:$0x3FA7]  }
0x2c: {  	s7 =	sld [smem:$0x3FA8]  }
0x2d: {  	s3 =	simm.s32 $0x108;
	s8 =	sld [smem:$0x3FA9]  }
0x2e: {  	s3 =	simm.s32 @!p0 $0x1082;
	s9 =	sld [smem:$0x3FAA]  }
0x2f: {  	lr =	sadd.s32 s0, s3;
	s0 =	sld [smem:$0x3FA1]  }
0x30: {  	s3 =	sld [smem:$0x3FA4]  }
0x31: {  	[smem:$0x3FAD] =	sst s10  }
0x32: {  	s10 =	sld [smem:$0x3FAB];
	_ =	sdelay $0x3  }
0x33: {  	p0 =	seq.s32 s10, $0x1;
	s10 =	sld [smem:$0x3FAD];
	_ =	sdelay $0x3  }
0x34: {  	[smem:$0x3FAD] =	sst s10  }
0x35: {  	s10 =	sld [smem:$0x3FAC];
	_ =	sdelay $0x3  }
0x36: {  	p1 =	seq.s32 s10, $0x1;
	s10 =	sld [smem:$0x3FAD];
	_ =	sdelay $0x3  }
0x37: {  	[smem:$0x3FAD] =	sst s10  }
0x38: {  	s10 =	sld [smem:$0x3FAE]  }
0x39: {  	_ = 	snop;
	(pc) =	sbr.ind lr, $3  }
0x3a: {  	_ = 	snop  }
0x3b: {  	_ = 	snop  }
0x3c: {  	p2 =	seq.s32 s10, $0x1;
	s10 =	sld [smem:$0x3FAD]  }
0x3d: {  	_ =	shalt  }
0x3e: {  	_ =	shalt  }
0x3f: {  	_ =	shalt  }
0x40: {  	_ =	shalt  }
0x41: {  	_ =	shalt  }
0x42: {  	_ =	shalt  }
0x43: {  	_ =	shalt  }
0x44: {  	_ =	shalt  }
0x45: {  	_ =	shalt  }
0x46: {  	_ =	shalt  }
0x47: {  	_ =	shalt  }
0x48: {  	_ =	shalt  }
0x49: {  	_ =	shalt  }
0x4a: {  	_ =	shalt  }
0x4b: {  	_ =	shalt  }
0x4c: {  	_ =	shalt  }
0x4d: {  	_ =	shalt  }
0x4e: {  	_ =	shalt  }
0x4f: {  	_ =	shalt  }
0x50: {  	_ =	shalt  }
0x51: {  	_ =	shalt  }
0x52: {  	_ =	shalt  }
0x53: {  	_ =	shalt  }
0x54: {  	_ =	shalt  }
0x55: {  	_ =	shalt  }
0x56: {  	_ =	shalt  }
0x57: {  	_ =	shalt  }
0x58: {  	_ =	shalt  }
0x59: {  	_ =	shalt  }
0x5a: {  	_ =	shalt  }
0x5b: {  	_ =	shalt  }
0x5c: {  	_ =	shalt  }
0x5d: {  	_ =	shalt  }
0x5e: {  	_ =	shalt  }
0x5f: {  	_ =	shalt  }
0x60: {  	_ =	shalt  }
0x61: {  	_ =	shalt  }
0x62: {  	_ =	shalt  }
0x63: {  	_ =	shalt  }
0x64: {  	_ =	shalt  }
0x65: {  	_ =	shalt  }
0x66: {  	_ =	shalt  }
0x67: {  	_ =	shalt  }
0x68: {  	_ =	shalt  }
0x69: {  	_ =	shalt  }
0x6a: {  	_ =	shalt  }
0x6b: {  	_ =	shalt  }
0x6c: {  	_ =	shalt  }
0x6d: {  	_ =	shalt  }
0x6e: {  	_ =	shalt  }
0x6f: {  	_ =	shalt  }
0x70: {  	_ =	shalt  }
0x71: {  	_ =	shalt  }
0x72: {  	_ =	shalt  }
0x73: {  	_ =	shalt  }
0x74: {  	_ =	shalt  }
0x75: {  	_ =	shalt  }
0x76: {  	_ =	shalt  }
0x77: {  	_ =	shalt  }
0x78: {  	_ =	shalt  }
0x79: {  	_ =	shalt  }
0x7a: {  	_ =	shalt  }
0x7b: {  	_ =	shalt  }
0x7c: {  	_ =	shalt  }
0x7d: {  	_ =	shalt  }
0x7e: {  	_ =	shalt  }
0x7f: {  	_ =	shalt  }
0x80: {  	_ =	shalt  }
0x81: {  	_ =	shalt  }
0x82: {  	_ =	shalt  }
0x83: {  	_ =	shalt  }
0x84: {  	_ =	shalt  }
0x85: {  	_ =	shalt  }
0x86: {  	_ =	shalt  }
0x87: {  	_ =	shalt  }
.Lfunc_end0:
.L_simem_size_0:
called_computation.2_lowered:
.L_overlay_start_0:
0x88: {  	s2 =	sld [smem:$0x3FD9]  }
0x89: {  	s3 =	sld [smem:$0x3FFE];
	_ =	sdelay $0x1  }
0x8a: {  	s1 =	srdreg.scid  }
0x8b: {  	s0 =	sand.u32 $0x1, s1  }
0x8c: {  	s17 =	sshll.u32 s0, $0xA;
	s2 =	sadd.s32 s3, s2  }
0x8d: {  	s2 =	sadd.s32 s2, s17  }
0x8e: {  	[smem:$0x3FB9] =	sst s2  }
0x8f: {  	_ = 	snop  }
0x90: {  	s2 =	sld [smem:$0x3FD0];
	(tm) =	ssettm $0x1  }
0x91: {  	s18 =	sld [smem:$0x3FFB];
	_ =	sdelay $0x3  }
0x92: {  	_ =	strace s18  }
0x93: {  	s3 =	sld [smem:$0x3FFC];
	_ =	sdelay $0x3  }
0x94: {  	_ =	strace s3  }
0x95: {  	s3 =	sld [smem:$0x3FFD];
	_ =	sdelay $0x3  }
0x96: {  	_ =	strace s3  }
0x97: {  	_ =	strace $0x8FFFFFFF  }
0x98: {  	s19 =	sld [smem:$0x3FDB];
	_ =	sdelay $0x1  }
0x99: {  	s4 =	simm.s32 $_scs_section_size  }
0x9a: {  	s5 =	simm.s32 $_size__tile_overlayer_lowered;
	s6 =	simm.s32 $_tile_overlayer_lowered  }
0x9b: {  	s22 =	simm.s32 $0x1BFF;
	s21 =	sshll.u32 s6, $0x1;
	s3 =	sadd.s32 s4, s19  }
0x9c: {  	s7 =	simm.s32 $0x0;
	s20 =	sshll.u32 s5, $0x1;
	s5 =	sadd.s32 s21, s3  }
0x9d: {  	[timem:s7], [sflag:s22] =	dma.local [hbm:s5], s20  }
0x9e: {  	_ =	swait.ge [sflag:s22], s20  }
0x9f: {  	s4 =	ssub.s32 $0x0, s20;
	[sflag:s22] =	ssyncset.done $0x0  }
0xa0: {  	[sflag:s22] =	ssyncadd.s32 s4;
	_ =	sdelay $0x1  }
0xa1: {  	s23 =	simm.s32 $0x1B8B  }
0xa2: {  	_ =	swait.ge [sflag:s23], $0x1  }
0xa3: {  	[sflag:s23] =	ssyncset.done $0x0  }
0xa4: {  	s25 =	simm.s32 $0x1B8E;
	s24 =	sld [smem:$0x3FFE];
	[sflag:s23] =	ssyncadd.s32 $0xFFFFFFFF  }
0xa5: {  	s26 =	simm.s32 $execute0_lowered;
	[smem:$0x3FD2] =	sst s25  }
0xa6: {  	s5 =	sshll.u32 s26, $0x1;
	_ =	strace $0x8000004C;
	[dreg:$0x1] =	wrdreg $0xFFFFFFFF  }
0xa7: {  	s28 =	simm.s32 $_size_execute0_lowered;
	s3 =	sadd.s32 s3, s5;
	[dreg:$0x0] =	wrdreg $0x0  }
0xa8: {  	s5 =	sshll.u32 s28, $0x1;
	[dreg:$0x2] =	wrdreg s3  }
0xa9: {  	[dreg:$0x3] =	wrdreg s5  }
0xaa: {  	[dreg:$0x4] =	wrdreg $0xC0  }
0xab: {  	_ =	task [dreg:s7], $0x5FFFF  }
0xac: {  	[dreg:$0x1] =	wrdreg $0xFFFFFFFF  }
0xad: {  	[dreg:$0x0] =	wrdreg $0x60  }
0xae: {  	[dreg:$0x2] =	wrdreg s2  }
0xaf: {  	[dreg:$0x3] =	wrdreg s24  }
0xb0: {  	[dreg:$0x4] =	wrdreg $0xA0000  }
0xb1: {  	[dreg:$0x5] =	wrdreg $0x9  }
0xb2: {  	_ =	task.clear_ibuf [dreg:s7], $0x6FFFF;
	_ =	strace $0x9000004C  }
0xb3: {  	s29 =	simm.s32 $0x9;
	_ =	strace $0x8000004E  }
0xb4: {  	_ =	swait.ge [sflag:s29], $0x1  }
0xb5: {  	[sflag:s29] =	ssyncadd.s32 $0xFFFFFFFF  }
0xb6: {  	_ =	strace $0x9000004E  }
0xb7: {  	_ =	sfence  }
0xb8: {  	s30 =	sld [smem:$0x0];
	_ =	sdelay $0x2  }
0xb9: {  	s31 =	sshll.u32 s1, $0xD;
	s1 =	sshrl.u32 s1, $0x2  }
0xba: {  	s3 =	sand.u32 $0x4000, s31;
	s1 =	sadd.s32 s1, s30  }
0xbb: {  	s0 =	sor.u32 s3, s0;
	s1 =	sshll.u32 s1, $0x11  }
0xbc: {  	s0 =	sor.u32 s1, s0  }
0xbd: {  	s0 =	sadd.s32 $0x8F2B, s0  }
0xbe: {  	[sflag:s0] =	ssyncadd.remote.s32 $0x1  }
0xbf: {  	_ =	sfence.sel $0xFFFF  }
0xc0: {  	[dreg:$0x0] =	wrdreg $0xFFFFFFFF;
	(pc) =	sbr.abs _section_cstart, $3  }
0xc1: {  	[dreg:$0x1] =	wrdreg $0xFFFFFFFF  }
0xc2: {  	_ =	task.clear_ibuf [dreg:s7], $0x2FFFF;
	_ =	strace $0x9FFFFFFF  }
0xc3: {  	(tm) =	ssettm $0x7FFFFFFF  }
tec
execute0_lowered:
.L_overlay_start_1:
0x0: {  	(tag) =	ssettag $0x1  }
0x1: {  	s0 =	srdreg.scid;
	s2 =	rddreg [dreg:$0x0]  }
0x2: {  	s23 =	stileid.u32;
	s6 =	rddreg [dreg:$0x1]  }
0x3: {  	s4 =	simm.s32 $0x0;
	s12 =	simm.s32 $0x3;
	s13 =	simm.s32 $0x100  }
0x4: {  	s14 =	simm.s32 $0x2800;
	s15 =	simm.s32 $0x10;
	s16 =	simm.s32 $0x5000  }
0x5: {  	s17 =	simm.s32 $0x5800;
	s18 =	simm.s32 $0x6000;
	s19 =	simm.s32 $0x6800  }
0x6: {  	s20 =	simm.s32 $0x7000;
	s21 =	simm.s32 $0x7800;
	s22 =	simm.s32 $0x8000  }
0x7: {  	s28 =	simm.s32 $0x2;
	s29 =	simm.s32 $0x0;
	s8 =	smul.u32 $0x14000, s23  }
0x8: {  	s1 =	sand.u32 $0x1, s0;
	[smem:$0x7FF] =	sst s4;
	s25 =	smul.u32 $0x50000, s23  }
0x9: {  	s3 =	sshll.u32 s1, $0x4;
	s7 =	smul.u32 $0x140000, s1;
	s1 =	ssub.s32 $0x2, s1  }
0xa: {  	s31 =	sshll.u32 s23, $0x6;
	s3 =	sor.u32 s23, s3;
	s26 =	sshrl.u32 s1, $0x1  }
0xb: {  	s30 =	sshrl.u32 s25, $0x2;
	s23 =	simm.s32 $0x8800;
	s25 =	simm.s32 $0x9800  }
0xc: {  	s5 =	smul.u32 $0xA00, s3;
	s3 =	rddreg [dreg:$0x2];
	_ =	strace $0x8000004D  }
0xd: {  	s24 =	sadd.s32 s8, s7;
	s1 =	ssub.s32 s1, s26;
	s26 =	simm.s32 $0x1  }
0xe: {  	s7 =	sshrl.u32 s24, $0x3;
	s11 =	sadd.s32 s30, s3;
	s24 =	simm.s32 $0x9000  }
0xf: {  	s9 =	sadd.s32 s5, s6;
	s5 =	sadd.s32 $0x18000, s6;
	s10 =	sadd.s32 s7, s6  }
0x10: {  	s6 =	sor.u32 $0x1C03, s31;
	s11 =	sshrl.u32 s11, $0x3;
	s7 =	sadd.s32 $0x4000, s9  }
0x11: {  	vm0 =	vmmov $0xffff;
	s8 =	sadd.s32 $0x4010, s9;
	s9 =	sadd.s32 $0x6A800, s10;
	s10 =	smax.u32 s1, $0x1  }
.LBB2_1:
0x12: {  	[spmem:s11], [sflag:s6] =	dma.local [hbm:s5], $0x2800  }
0x13: {  	_ =	swait.ge [sflag:s12], $0x2800  }
0x14: {  	[sflag:s12] =	ssyncset.done $0x0  }
0x15: {  	s30 =	simm.s32 $0x80;
	s0 =	simm.s32 $0x0;
	[sflag:s12] =	ssyncadd.s32 $0xFFFFD800  }
0x16: {  	[tilespmem:s0], [sflag:$0x3] =	stream.strided.gather [hbm4b:s7+s30], $0x2800, s13, s30, $0x38;
	[tilespmem:$0x1E000] =	vst v63  }
0x17: {  	_ =	swait.ge [sflag:s12], $0x2800  }
0x18: {  	[sflag:s12] =	ssyncset.done $0x0  }
0x19: {  	[sflag:s12] =	ssyncadd.s32 $0xFFFFD800  }
0x1a: {  	[tilespmem:s14], [sflag:$0x3] =	stream.strided.gather [hbm4b:s8+s30], $0x2800, s13, s30, $0x38;
	[tilespmem:$0x1E000] =	vst v63  }
0x1b: {  	_ =	swait.ge [sflag:s12], $0x2800  }
0x1c: {  	[sflag:s12] =	ssyncset.done $0x0  }
0x1d: {  	[sflag:s12] =	ssyncadd.s32 $0xFFFFD800  }
0x1e: {  	s31 =	simm.s32 $0x0;
	[bflag:$0x0] =	sbarrier.arrive $0xFFFF  }
.LBB2_2:
0x1f: {  	p0 =	seq.s32 s31, $0x0  }
0x20: {  	s1 =	simm.s32 @!p0 $0x2  }
0x21: {  	_ =	swait.ge @!p0 [sflag:s1], $0x800  }
0x22: {  	[sflag:s1] =	ssyncset.done @!p0 $0x0  }
0x23: {  	[sflag:s1] =	ssyncadd.s32 @!p0 $0xFFFFF800  }
0x24: {  	_ =	swait.ge @!p0 [sflag:s1], $0x800  }
0x25: {  	[sflag:s1] =	ssyncset.done @!p0 $0x0  }
0x26: {  	[sflag:s1] =	ssyncadd.s32 @!p0 $0xFFFFF800  }
0x27: {  	_ =	swait.ge @!p0 [sflag:s1], $0x800  }
0x28: {  	[sflag:s1] =	ssyncset.done @!p0 $0x0  }
0x29: {  	[sflag:s1] =	ssyncadd.s32 @!p0 $0xFFFFF800  }
0x2a: {  	_ =	swait.ge @!p0 [sflag:s1], $0x800  }
0x2b: {  	[sflag:s1] =	ssyncset.done @!p0 $0x0  }
0x2c: {  	[sflag:s1] =	ssyncadd.s32 @!p0 $0xFFFFF800  }
0x2d: {  	_ =	swait.ge @!p0 [sflag:s1], $0x800  }
0x2e: {  	[sflag:s1] =	ssyncset.done @!p0 $0x0  }
0x2f: {  	[sflag:s1] =	ssyncadd.s32 @!p0 $0xFFFFF800  }
0x30: {  	_ =	swait.ge @!p0 [sflag:s1], $0x800  }
0x31: {  	[sflag:s1] =	ssyncset.done @!p0 $0x0  }
0x32: {  	[sflag:s1] =	ssyncadd.s32 @!p0 $0xFFFFF800  }
0x33: {  	_ =	swait.ge @!p0 [sflag:s1], $0x800  }
0x34: {  	[sflag:s1] =	ssyncset.done @!p0 $0x0  }
0x35: {  	[sflag:s1] =	ssyncadd.s32 @!p0 $0xFFFFF800  }
0x36: {  	_ =	swait.ge @!p0 [sflag:s1], $0x800  }
0x37: {  	[sflag:s1] =	ssyncset.done @!p0 $0x0  }
0x38: {  	[sflag:s1] =	ssyncadd.s32 @!p0 $0xFFFFF800  }
0x39: {  	_ =	swait.ge @!p0 [sflag:s1], $0x800  }
0x3a: {  	[sflag:s1] =	ssyncset.done @!p0 $0x0  }
0x3b: {  	[sflag:s1] =	ssyncadd.s32 @!p0 $0xFFFFF800  }
0x3c: {  	_ =	swait.ge @!p0 [sflag:s1], $0x800  }
0x3d: {  	[sflag:s1] =	ssyncset.done @!p0 $0x0  }
0x3e: {  	[sflag:s1] =	ssyncadd.s32 @!p0 $0xFFFFF800;
	s1 =	sshra.s32 s31, $0x2  }
0x3f: {  	[tilespmem:s16], [sflag:$0x1] =	stream.indirect.gather [hbm4b:s2+s15], $0x80, s1, s15, $0xb8;
	[tilespmem:$0x1E000] =	vst v63  }
0x40: {  	s0 =	sadd.s32 $0x10, s1  }
0x41: {  	[tilespmem:s17], [sflag:$0x1] =	stream.indirect.gather [hbm4b:s2+s15], $0x80, s0, s15, $0xb8;
	[tilespmem:$0x1E000] =	vst v63  }
0x42: {  	s4 =	sadd.s32 $0x20, s1  }
0x43: {  	[tilespmem:s18], [sflag:$0x1] =	stream.indirect.gather [hbm4b:s2+s15], $0x80, s4, s15, $0xb8;
	[tilespmem:$0x1E000] =	vst v63  }
0x44: {  	s4 =	sadd.s32 $0x30, s1  }
0x45: {  	[tilespmem:s19], [sflag:$0x1] =	stream.indirect.gather [hbm4b:s2+s15], $0x80, s4, s15, $0xb8;
	[tilespmem:$0x1E000] =	vst v63  }
0x46: {  	s4 =	sadd.s32 $0x40, s1  }
0x47: {  	[tilespmem:s20], [sflag:$0x1] =	stream.indirect.gather [hbm4b:s2+s15], $0x80, s4, s15, $0xb8;
	[tilespmem:$0x1E000] =	vst v63  }
0x48: {  	s4 =	sadd.s32 $0x50, s1  }
0x49: {  	[tilespmem:s21], [sflag:$0x1] =	stream.indirect.gather [hbm4b:s2+s15], $0x80, s4, s15, $0xb8;
	[tilespmem:$0x1E000] =	vst v63  }
0x4a: {  	s4 =	sadd.s32 $0x60, s1  }
0x4b: {  	[tilespmem:s22], [sflag:$0x1] =	stream.indirect.gather [hbm4b:s2+s15], $0x80, s4, s15, $0xb8;
	[tilespmem:$0x1E000] =	vst v63  }
0x4c: {  	s4 =	sadd.s32 $0x70, s1  }
0x4d: {  	[tilespmem:s23], [sflag:$0x1] =	stream.indirect.gather [hbm4b:s2+s15], $0x80, s4, s15, $0xb8;
	[tilespmem:$0x1E000] =	vst v63  }
0x4e: {  	s4 =	sadd.s32 $0x80, s1  }
0x4f: {  	[tilespmem:s24], [sflag:$0x1] =	stream.indirect.gather [hbm4b:s2+s15], $0x80, s4, s15, $0xb8;
	[tilespmem:$0x1E000] =	vst v63  }
0x50: {  	s4 =	sadd.s32 $0x90, s1  }
0x51: {  	[tilespmem:s25], [sflag:$0x1] =	stream.indirect.gather [hbm4b:s2+s15], $0x80, s4, s15, $0xb8;
	[tilespmem:$0x1E000] =	vst v63  }
0x52: {  	_ =	swait.ge [sflag:s26], $0x800  }
0x53: {  	[sflag:s26] =	ssyncset.done $0x0  }
0x54: {  	[sflag:s26] =	ssyncadd.s32 $0xFFFFF800  }
0x55: {  	v0 =	vld [tilespmem:s1+$0x2800];
	_ =	sdelay $0x7  }
0x56: {  	[spmem:s3] =	stream.indirect_vreg.scatter.add.f32 [tilespmem:s16], [sflag:$0x2], $0x80, v0, vm0, $0xb8;
	[tilespmem:$0x1E000] =	vst v63  }
0x57: {  	_ =	swait.ge [sflag:s26], $0x800  }
0x58: {  	[sflag:s26] =	ssyncset.done $0x0  }
0x59: {  	[sflag:s26] =	ssyncadd.s32 $0xFFFFF800  }
0x5a: {  	v55 =	vld [tilespmem:s1+$0x2810];
	_ =	sdelay $0x7  }
0x5b: {  	[spmem:s3] =	stream.indirect_vreg.scatter.add.f32 [tilespmem:s17], [sflag:$0x2], $0x80, v55, vm0, $0xb8;
	[tilespmem:$0x1E000] =	vst v63  }
0x5c: {  	_ =	swait.ge [sflag:s26], $0x800  }
0x5d: {  	[sflag:s26] =	ssyncset.done $0x0  }
0x5e: {  	[sflag:s26] =	ssyncadd.s32 $0xFFFFF800  }
0x5f: {  	v56 =	vld [tilespmem:s1+$0x2820];
	_ =	sdelay $0x7  }
0x60: {  	[spmem:s3] =	stream.indirect_vreg.scatter.add.f32 [tilespmem:s18], [sflag:$0x2], $0x80, v56, vm0, $0xb8;
	[tilespmem:$0x1E000] =	vst v63  }
0x61: {  	_ =	swait.ge [sflag:s26], $0x800  }
0x62: {  	[sflag:s26] =	ssyncset.done $0x0  }
0x63: {  	[sflag:s26] =	ssyncadd.s32 $0xFFFFF800  }
0x64: {  	v57 =	vld [tilespmem:s1+$0x2830];
	_ =	sdelay $0x7  }
0x65: {  	[spmem:s3] =	stream.indirect_vreg.scatter.add.f32 [tilespmem:s19], [sflag:$0x2], $0x80, v57, vm0, $0xb8;
	[tilespmem:$0x1E000] =	vst v63  }
0x66: {  	_ =	swait.ge [sflag:s26], $0x800  }
0x67: {  	[sflag:s26] =	ssyncset.done $0x0  }
0x68: {  	[sflag:s26] =	ssyncadd.s32 $0xFFFFF800  }
0x69: {  	v58 =	vld [tilespmem:s1+$0x2840];
	_ =	sdelay $0x7  }
0x6a: {  	[spmem:s3] =	stream.indirect_vreg.scatter.add.f32 [tilespmem:s20], [sflag:$0x2], $0x80, v58, vm0, $0xb8;
	[tilespmem:$0x1E000] =	vst v63  }
0x6b: {  	_ =	swait.ge [sflag:s26], $0x800  }
0x6c: {  	[sflag:s26] =	ssyncset.done $0x0  }
0x6d: {  	[sflag:s26] =	ssyncadd.s32 $0xFFFFF800  }
0x6e: {  	v59 =	vld [tilespmem:s1+$0x2850];
	_ =	sdelay $0x7  }
0x6f: {  	[spmem:s3] =	stream.indirect_vreg.scatter.add.f32 [tilespmem:s21], [sflag:$0x2], $0x80, v59, vm0, $0xb8;
	[tilespmem:$0x1E000] =	vst v63  }
0x70: {  	_ =	swait.ge [sflag:s26], $0x800  }
0x71: {  	[sflag:s26] =	ssyncset.done $0x0  }
0x72: {  	[sflag:s26] =	ssyncadd.s32 $0xFFFFF800  }
0x73: {  	v60 =	vld [tilespmem:s1+$0x2860];
	_ =	sdelay $0x7  }
0x74: {  	[spmem:s3] =	stream.indirect_vreg.scatter.add.f32 [tilespmem:s22], [sflag:$0x2], $0x80, v60, vm0, $0xb8;
	[tilespmem:$0x1E000] =	vst v63  }
0x75: {  	_ =	swait.ge [sflag:s26], $0x800  }
0x76: {  	[sflag:s26] =	ssyncset.done $0x0  }
0x77: {  	[sflag:s26] =	ssyncadd.s32 $0xFFFFF800  }
0x78: {  	v61 =	vld [tilespmem:s1+$0x2870];
	_ =	sdelay $0x7  }
0x79: {  	[spmem:s3] =	stream.indirect_vreg.scatter.add.f32 [tilespmem:s23], [sflag:$0x2], $0x80, v61, vm0, $0xb8;
	[tilespmem:$0x1E000] =	vst v63  }
0x7a: {  	s0 =	sadd.s32 $0xFFFFFF80, s30;
	_ =	swait.ge [sflag:s26], $0x800  }
0x7b: {  	s0 =	sand.u32 $0x60, s0;
	s4 =	sand.u32 $0x7F80, s30;
	[sflag:s26] =	ssyncset.done $0x0  }
0x7c: {  	s0 =	sor.u32 s0, s4;
	[sflag:s26] =	ssyncadd.s32 $0xFFFFF800  }
0x7d: {  	v62 =	vld [tilespmem:s0+$0x2800];
	_ =	sdelay $0x7  }
0x7e: {  	[spmem:s3] =	stream.indirect_vreg.scatter.add.f32 [tilespmem:s24], [sflag:$0x2], $0x80, v62, vm0, $0xb8;
	[tilespmem:$0x1E000] =	vst v63  }
0x7f: {  	_ =	swait.ge [sflag:s26], $0x800  }
0x80: {  	[sflag:s26] =	ssyncset.done $0x0  }
0x81: {  	[sflag:s26] =	ssyncadd.s32 $0xFFFFF800  }
0x82: {  	v63 =	vld [tilespmem:s1+$0x2890];
	_ =	sdelay $0x1  }
0x83: {  	s31 =	sadd.s32 $0x280, s31  }
0x84: {  	p0 =	sne.s32 s31, $0xA000  }
.Ltmp0:
0x85: {  	_ = 	snop;
	(pc) =	sbr.rel @p0 .LBB2_2-.Ltmp0, $3  }
0x86: {  	_ =	sdelay $0x1  }
0x87: {  	s30 =	sadd.s32 $0xA0, s30  }
0x88: {  	[spmem:s3] =	stream.indirect_vreg.scatter.add.f32 [tilespmem:s25], [sflag:$0x2], $0x80, v63, vm0, $0xb8;
	[tilespmem:$0x1E000] =	vst v63  }
0x89: {  	_ =	swait.ge [sflag:s28], $0x800  }
0x8a: {  	[sflag:s28] =	ssyncset.done $0x0  }
0x8b: {  	[sflag:s28] =	ssyncadd.s32 $0xFFFFF800  }
0x8c: {  	_ =	swait.ge [sflag:s28], $0x800  }
0x8d: {  	[sflag:s28] =	ssyncset.done $0x0  }
0x8e: {  	[sflag:s28] =	ssyncadd.s32 $0xFFFFF800  }
0x8f: {  	_ =	swait.ge [sflag:s28], $0x800  }
0x90: {  	[sflag:s28] =	ssyncset.done $0x0  }
0x91: {  	[sflag:s28] =	ssyncadd.s32 $0xFFFFF800  }
0x92: {  	_ =	swait.ge [sflag:s28], $0x800  }
0x93: {  	[sflag:s28] =	ssyncset.done $0x0  }
0x94: {  	[sflag:s28] =	ssyncadd.s32 $0xFFFFF800  }
0x95: {  	_ =	swait.ge [sflag:s28], $0x800  }
0x96: {  	[sflag:s28] =	ssyncset.done $0x0  }
0x97: {  	[sflag:s28] =	ssyncadd.s32 $0xFFFFF800  }
0x98: {  	_ =	swait.ge [sflag:s28], $0x800  }
0x99: {  	[sflag:s28] =	ssyncset.done $0x0  }
0x9a: {  	[sflag:s28] =	ssyncadd.s32 $0xFFFFF800  }
0x9b: {  	_ =	swait.ge [sflag:s28], $0x800  }
0x9c: {  	[sflag:s28] =	ssyncset.done $0x0  }
0x9d: {  	[sflag:s28] =	ssyncadd.s32 $0xFFFFF800  }
0x9e: {  	_ =	swait.ge [sflag:s28], $0x800  }
0x9f: {  	[sflag:s28] =	ssyncset.done $0x0  }
0xa0: {  	[sflag:s28] =	ssyncadd.s32 $0xFFFFF800  }
0xa1: {  	_ =	swait.ge [sflag:s28], $0x800  }
0xa2: {  	[sflag:s28] =	ssyncset.done $0x0  }
0xa3: {  	[sflag:s28] =	ssyncadd.s32 $0xFFFFF800  }
0xa4: {  	_ =	swait.ge [sflag:s28], $0x800  }
0xa5: {  	s29 =	sadd.s32 $0x1, s29;
	[sflag:s28] =	ssyncset.done $0x0  }
0xa6: {  	p0 =	sne.s32 s29, s10;
	[sflag:s28] =	ssyncadd.s32 $0xFFFFF800  }
.Ltmp1:
0xa7: {  	[bflag:$0x0] =	sbarrier.arrive $0xFFFF;
	(pc) =	sbr.rel @p0 .LBB2_1-.Ltmp1, $4  }
0xa8: {  	[hbm:s9], [sflag:s6] =	dma.local [spmem:s11], $0x2800  }
0xa9: {  	_ =	swait.ge [sflag:s12], $0x2800  }
0xaa: {  	[sflag:s12] =	ssyncset.done $0x0  }
0xab: {  	[sflag:s12] =	ssyncadd.s32 $0xFFFFD800  }
0xac: {  	_ =	sfence.sel $0x180000  }
0xad: {  	[bflag:$0x0] =	sbarrier.arrive $0xFFFF  }
0xae: {  	_ =	strace $0x9000004D  }
0xaf: {  	s0 =	stileid.u32;
	[bflag:$0x2] =	sbarrier.arrive $0xFFFF  }
0xb0: {  	p0 =	sne.s32 s0, $0x0;
	s0 =	rddreg [dreg:$0x3]  }
0xb1: {  	s0 =	sadd.s32 @!p0 $0x100000, s0  }
0xb2: {  	[sflag:s0] =	ssyncadd.tile.s32 @!p0 $0x1;
	_ =	shalt  }
.Lfunc_end2:
_tile_overlayer_lowered:
.L_overlay_start_2:
0xb3: {  	(tag) =	ssettag $0x2  }
0xb4: {  	s0 =	rddreg [dreg:$0x0];
	s2 =	stileid.u32  }
0xb5: {  	s1 =	rddreg [dreg:$0x1];
	p0 =	sne.s32 s2, $0x0  }
0xb6: {  	s3 =	rddreg [dreg:$0x2];
	[bflag:$0x3] =	sbarrier.arrive $0xFFFF;
	s2 =	simm.s32 @!p0 $0x1C03  }
0xb7: {  	[timem:s3], [sflag:s2] =	dma.local @!p0 [hbm:s0], s1  }
0xb8: {  	s0 =	simm.s32 @!p0 $0x3  }
0xb9: {  	_ =	swait.ge @!p0 [sflag:s0], s1  }
0xba: {  	s1 =	ssub.s32 @!p0 $0x0, s1;
	[sflag:s0] =	ssyncset.done @!p0 $0x0  }
0xbb: {  	[sflag:s0] =	ssyncadd.s32 @!p0 s1  }
0xbc: {  	[bflag:$0x3] =	sbarrier.arrive $0xFFFF  }
0xbd: {  	_ =	shalt  }

// kernel: sage_sc_deg.3.cloned.1.call-start
scs
__scs_entry_jumppad:
0x0: {  	(pc) =	sbr.rel $0x88, $3  }
0x1: {  	(tag) =	ssettag $0x0;
	lr =	simm.s32 $0x1  }
0x2: {  	[smem:$0x3F92] =	sst lr;
	_ =	strace $0xD0000000  }
0x3: {  	_ = 	snop  }
0x4: {  	_ = 	snop  }
0x5: {  	_ = 	snop  }
0x6: {  	_ = 	snop  }
0x7: {  	_ = 	snop  }
__scs_overlays_trampoline_lowered:
0x8: {  	[smem:$0x3FA1] =	sst s0  }
0x9: {  	[smem:$0x3FA2] =	sst s1  }
0xa: {  	[smem:$0x3FA3] =	sst s2  }
0xb: {  	[smem:$0x3FA4] =	sst s3  }
0xc: {  	[smem:$0x3FA5] =	sst s4  }
0xd: {  	[smem:$0x3FA6] =	sst s5  }
0xe: {  	[smem:$0x3FA7] =	sst s6  }
0xf: {  	[smem:$0x3FA8] =	sst s7  }
0x10: {  	[smem:$0x3FA9] =	sst s8  }
0x11: {  	[smem:$0x3FAA] =	sst s9;
	s0 =	simm.s32 @!p0 $0x0  }
0x12: {  	s1 =	sld [smem:$0x3F90];
	s0 =	simm.s32 @p0 $0x1  }
0x13: {  	[smem:$0x3FAB] =	sst s0;
	s0 =	simm.s32 @!p1 $0x0  }
0x14: {  	s2 =	sld [smem:$0x3F8F];
	s0 =	simm.s32 @p1 $0x1  }
0x15: {  	[smem:$0x3FAC] =	sst s0;
	s0 =	simm.s32 @!p2 $0x0  }
0x16: {  	s3 =	sld [smem:$0x3FDB];
	s0 =	simm.s32 @p2 $0x1  }
0x17: {  	s4 =	simm.s32 $0x1BF5;
	[smem:$0x3FAE] =	sst s0  }
0x18: {  	s0 =	sld [smem:$0x3F91];
	_ =	swait.ge [sflag:s4], $0x0  }
0x19: {  	s7 =	sld [smem:$0x3F92]  }
0x1a: {  	s8 =	sadd.s32 $0xFFFFE003, lr  }
0x1b: {  	s9 =	sadd.s32 $0xFFFFFEF7, lr;
	s5 =	simm.s32 $0xFFFFFFFF;
	p2 =	slt.u32 s8, $0xFFFFF086  }
0x1c: {  	p1 =	slt.u32 s9, $0xF7A;
	s5 =	simm.s32 @!p2 $0x0  }
0x1d: {  	s5 =	simm.s32 @p1 $0x1;
	p0 =	seq.s32 s7, s2  }
0x1e: {  	s7 =	smul.u32 @!p0 $0xF7A, s2;
	p2 =	seq.s32 @!p0 s5, $0x0  }
0x1f: {  	s9 =	smul.u32 $0xF7A, s1;
	s8 =	simm.s32 @!p0 $0x1BF5;
	p2 =	por !p2, p0  }
0x20: {  	[sflag:s8] =	ssyncset.s32 @!p0 $0xFFFFF086;
	s6 =	sadd.s32 @!p0 s3, s7;
	s7 =	simm.s32 @!p0 $0x108  }
0x21: {  	s3 =	sadd.s32 s3, s9;
	s6 =	sadd.s32 @!p0 $0x88, s6;
	s7 =	simm.s32 @p2 $0x1082  }
0x22: {  	[simem:s7], [sflag:s8] =	dma.local @!p0 [hbm:s6], $0xF7A  }
0x23: {  	s9 =	sor.u32 $0xD0000000, s2;
	s6 =	simm.s32 $0x108;
	_ =	swait.ge @!p0 [sflag:s8], $0x0  }
0x24: {  	s3 =	sadd.s32 $0x88, s3;
	s6 =	simm.s32 @!p1 $0x1082;
	[sflag:s4] =	ssyncset.s32 $0xFFFFF086  }
0x25: {  	[simem:s6], [sflag:s4] =	dma.local [hbm:s3], $0xF7A  }
0x26: {  	[smem:$0x3F92] =	sst s1;
	(tag) =	ssettag s2;
	_ =	strace s9  }
0x27: {  	s1 =	sld [smem:$0x3FA2]  }
0x28: {  	s2 =	sld [smem:$0x3FA3]  }
0x29: {  	s4 =	sld [smem:$0x3FA5]  }
0x2a: {  	p0 =	seq.s32 s5, $0x0;
	s5 =	sld [smem:$0x3FA6]  }
0x2b: {  	s6 =	sld [smem:$0x3FA7]  }
0x2c: {  	s7 =	sld [smem:$0x3FA8]  }
0x2d: {  	s3 =	simm.s32 $0x108;
	s8 =	sld [smem:$0x3FA9]  }
0x2e: {  	s3 =	simm.s32 @!p0 $0x1082;
	s9 =	sld [smem:$0x3FAA]  }
0x2f: {  	lr =	sadd.s32 s0, s3;
	s0 =	sld [smem:$0x3FA1]  }
0x30: {  	s3 =	sld [smem:$0x3FA4]  }
0x31: {  	[smem:$0x3FAD] =	sst s10  }
0x32: {  	s10 =	sld [smem:$0x3FAB];
	_ =	sdelay $0x3  }
0x33: {  	p0 =	seq.s32 s10, $0x1;
	s10 =	sld [smem:$0x3FAD];
	_ =	sdelay $0x3  }
0x34: {  	[smem:$0x3FAD] =	sst s10  }
0x35: {  	s10 =	sld [smem:$0x3FAC];
	_ =	sdelay $0x3  }
0x36: {  	p1 =	seq.s32 s10, $0x1;
	s10 =	sld [smem:$0x3FAD];
	_ =	sdelay $0x3  }
0x37: {  	[smem:$0x3FAD] =	sst s10  }
0x38: {  	s10 =	sld [smem:$0x3FAE]  }
0x39: {  	_ = 	snop;
	(pc) =	sbr.ind lr, $3  }
0x3a: {  	_ = 	snop  }
0x3b: {  	_ = 	snop  }
0x3c: {  	p2 =	seq.s32 s10, $0x1;
	s10 =	sld [smem:$0x3FAD]  }
0x3d: {  	_ =	shalt  }
0x3e: {  	_ =	shalt  }
0x3f: {  	_ =	shalt  }
0x40: {  	_ =	shalt  }
0x41: {  	_ =	shalt  }
0x42: {  	_ =	shalt  }
0x43: {  	_ =	shalt  }
0x44: {  	_ =	shalt  }
0x45: {  	_ =	shalt  }
0x46: {  	_ =	shalt  }
0x47: {  	_ =	shalt  }
0x48: {  	_ =	shalt  }
0x49: {  	_ =	shalt  }
0x4a: {  	_ =	shalt  }
0x4b: {  	_ =	shalt  }
0x4c: {  	_ =	shalt  }
0x4d: {  	_ =	shalt  }
0x4e: {  	_ =	shalt  }
0x4f: {  	_ =	shalt  }
0x50: {  	_ =	shalt  }
0x51: {  	_ =	shalt  }
0x52: {  	_ =	shalt  }
0x53: {  	_ =	shalt  }
0x54: {  	_ =	shalt  }
0x55: {  	_ =	shalt  }
0x56: {  	_ =	shalt  }
0x57: {  	_ =	shalt  }
0x58: {  	_ =	shalt  }
0x59: {  	_ =	shalt  }
0x5a: {  	_ =	shalt  }
0x5b: {  	_ =	shalt  }
0x5c: {  	_ =	shalt  }
0x5d: {  	_ =	shalt  }
0x5e: {  	_ =	shalt  }
0x5f: {  	_ =	shalt  }
0x60: {  	_ =	shalt  }
0x61: {  	_ =	shalt  }
0x62: {  	_ =	shalt  }
0x63: {  	_ =	shalt  }
0x64: {  	_ =	shalt  }
0x65: {  	_ =	shalt  }
0x66: {  	_ =	shalt  }
0x67: {  	_ =	shalt  }
0x68: {  	_ =	shalt  }
0x69: {  	_ =	shalt  }
0x6a: {  	_ =	shalt  }
0x6b: {  	_ =	shalt  }
0x6c: {  	_ =	shalt  }
0x6d: {  	_ =	shalt  }
0x6e: {  	_ =	shalt  }
0x6f: {  	_ =	shalt  }
0x70: {  	_ =	shalt  }
0x71: {  	_ =	shalt  }
0x72: {  	_ =	shalt  }
0x73: {  	_ =	shalt  }
0x74: {  	_ =	shalt  }
0x75: {  	_ =	shalt  }
0x76: {  	_ =	shalt  }
0x77: {  	_ =	shalt  }
0x78: {  	_ =	shalt  }
0x79: {  	_ =	shalt  }
0x7a: {  	_ =	shalt  }
0x7b: {  	_ =	shalt  }
0x7c: {  	_ =	shalt  }
0x7d: {  	_ =	shalt  }
0x7e: {  	_ =	shalt  }
0x7f: {  	_ =	shalt  }
0x80: {  	_ =	shalt  }
0x81: {  	_ =	shalt  }
0x82: {  	_ =	shalt  }
0x83: {  	_ =	shalt  }
0x84: {  	_ =	shalt  }
0x85: {  	_ =	shalt  }
0x86: {  	_ =	shalt  }
0x87: {  	_ =	shalt  }
.Lfunc_end0:
.L_simem_size_0:
called_computation_lowered:
.L_overlay_start_0:
0x88: {  	s2 =	sld [smem:$0x3FD9]  }
0x89: {  	s3 =	sld [smem:$0x3FFE];
	_ =	sdelay $0x1  }
0x8a: {  	s1 =	srdreg.scid  }
0x8b: {  	s0 =	sand.u32 $0x1, s1  }
0x8c: {  	s17 =	sshll.u32 s0, $0xA;
	s2 =	sadd.s32 s3, s2  }
0x8d: {  	s2 =	sadd.s32 s2, s17  }
0x8e: {  	[smem:$0x3FB9] =	sst s2  }
0x8f: {  	_ = 	snop  }
0x90: {  	s2 =	sld [smem:$0x3FD0];
	(tm) =	ssettm $0x1  }
0x91: {  	s18 =	sld [smem:$0x3FFB];
	_ =	sdelay $0x3  }
0x92: {  	_ =	strace s18  }
0x93: {  	s3 =	sld [smem:$0x3FFC];
	_ =	sdelay $0x3  }
0x94: {  	_ =	strace s3  }
0x95: {  	s3 =	sld [smem:$0x3FFD];
	_ =	sdelay $0x3  }
0x96: {  	_ =	strace s3  }
0x97: {  	_ =	strace $0x8FFFFFFF  }
0x98: {  	s19 =	sld [smem:$0x3FDB];
	_ =	sdelay $0x1  }
0x99: {  	s4 =	simm.s32 $_scs_section_size  }
0x9a: {  	s5 =	simm.s32 $_size__tile_overlayer_lowered;
	s6 =	simm.s32 $_tile_overlayer_lowered  }
0x9b: {  	s22 =	simm.s32 $0x1BFF;
	s21 =	sshll.u32 s6, $0x1;
	s3 =	sadd.s32 s4, s19  }
0x9c: {  	s7 =	simm.s32 $0x0;
	s20 =	sshll.u32 s5, $0x1;
	s5 =	sadd.s32 s21, s3  }
0x9d: {  	[timem:s7], [sflag:s22] =	dma.local [hbm:s5], s20  }
0x9e: {  	_ =	swait.ge [sflag:s22], s20  }
0x9f: {  	s4 =	ssub.s32 $0x0, s20;
	[sflag:s22] =	ssyncset.done $0x0  }
0xa0: {  	[sflag:s22] =	ssyncadd.s32 s4;
	_ =	sdelay $0x1  }
0xa1: {  	s23 =	simm.s32 $0x1B8B  }
0xa2: {  	_ =	swait.ge [sflag:s23], $0x1  }
0xa3: {  	[sflag:s23] =	ssyncset.done $0x0  }
0xa4: {  	s25 =	simm.s32 $0x1B8E;
	s24 =	sld [smem:$0x3FFE];
	[sflag:s23] =	ssyncadd.s32 $0xFFFFFFFF  }
0xa5: {  	s26 =	simm.s32 $execute0_lowered;
	[smem:$0x3FD2] =	sst s25  }
0xa6: {  	s5 =	sshll.u32 s26, $0x1;
	_ =	strace $0x80000046;
	[dreg:$0x1] =	wrdreg $0xFFFFFFFF  }
0xa7: {  	s28 =	simm.s32 $_size_execute0_lowered;
	s3 =	sadd.s32 s3, s5;
	[dreg:$0x0] =	wrdreg $0x0  }
0xa8: {  	s5 =	sshll.u32 s28, $0x1;
	[dreg:$0x2] =	wrdreg s3  }
0xa9: {  	[dreg:$0x3] =	wrdreg s5  }
0xaa: {  	[dreg:$0x4] =	wrdreg $0xC0  }
0xab: {  	_ =	task [dreg:s7], $0x5FFFF  }
0xac: {  	[dreg:$0x1] =	wrdreg $0xFFFFFFFF  }
0xad: {  	[dreg:$0x0] =	wrdreg $0x60  }
0xae: {  	[dreg:$0x2] =	wrdreg s24  }
0xaf: {  	[dreg:$0x3] =	wrdreg s2  }
0xb0: {  	[dreg:$0x4] =	wrdreg $0x30000  }
0xb1: {  	[dreg:$0x5] =	wrdreg $0x9  }
0xb2: {  	_ =	task.clear_ibuf [dreg:s7], $0x6FFFF;
	_ =	strace $0x90000046  }
0xb3: {  	s29 =	simm.s32 $0x9;
	_ =	strace $0x80000048  }
0xb4: {  	_ =	swait.ge [sflag:s29], $0x1  }
0xb5: {  	[sflag:s29] =	ssyncadd.s32 $0xFFFFFFFF  }
0xb6: {  	_ =	strace $0x90000048  }
0xb7: {  	_ =	sfence  }
0xb8: {  	s30 =	sld [smem:$0x0];
	_ =	sdelay $0x2  }
0xb9: {  	s31 =	sshll.u32 s1, $0xD;
	s1 =	sshrl.u32 s1, $0x2  }
0xba: {  	s3 =	sand.u32 $0x4000, s31;
	s1 =	sadd.s32 s1, s30  }
0xbb: {  	s0 =	sor.u32 s3, s0;
	s1 =	sshll.u32 s1, $0x11  }
0xbc: {  	s0 =	sor.u32 s1, s0  }
0xbd: {  	s0 =	sadd.s32 $0x8F2B, s0  }
0xbe: {  	[sflag:s0] =	ssyncadd.remote.s32 $0x1  }
0xbf: {  	_ =	sfence.sel $0xFFFF  }
0xc0: {  	[dreg:$0x0] =	wrdreg $0xFFFFFFFF;
	(pc) =	sbr.abs _section_cstart, $3  }
0xc1: {  	[dreg:$0x1] =	wrdreg $0xFFFFFFFF  }
0xc2: {  	_ =	task.clear_ibuf [dreg:s7], $0x2FFFF;
	_ =	strace $0x9FFFFFFF  }
0xc3: {  	(tm) =	ssettm $0x7FFFFFFF  }
tec
execute0_lowered:
.L_overlay_start_1:
0x0: {  	(tag) =	ssettag $0x1  }
0x1: {  	s6 =	rddreg [dreg:$0x0]  }
0x2: {  	s2 =	rddreg [dreg:$0x1]  }
0x3: {  	s0 =	srdreg.scid;
	s3 =	rddreg [dreg:$0x2];
	s4 =	simm.s32 $0x0  }
0x4: {  	s12 =	simm.s32 $0x2800;
	s13 =	simm.s32 $0x80;
	s14 =	simm.s32 $0x100  }
0x5: {  	s15 =	simm.s32 $0x1;
	s5 =	sand.u32 $0x1, s0;
	s0 =	stileid.u32  }
0x6: {  	s16 =	simm.s32 $0x0;
	[smem:$0x7FF] =	sst s4;
	s8 =	smul.u32 $0x140000, s5  }
0x7: {  	s1 =	sshll.u32 s5, $0x4;
	s9 =	smul.u32 $0x14000, s0;
	s28 =	ssub.s32 $0x2, s5  }
0x8: {  	s10 =	smul.u32 $0x50000, s0;
	s5 =	sadd.s32 $0x18000, s6;
	s1 =	sor.u32 s0, s1  }
0x9: {  	s31 =	sshll.u32 s0, $0x6;
	s29 =	sshrl.u32 s28, $0x1;
	s7 =	smul.u32 $0xA00, s1  }
0xa: {  	s1 =	rddreg [dreg:$0x3];
	_ =	strace $0x80000047;
	s8 =	sadd.s32 s9, s8  }
0xb: {  	s9 =	ssub.s32 s28, s29;
	s30 =	sshrl.u32 s10, $0x2;
	s8 =	sshrl.u32 s8, $0x3  }
0xc: {  	s11 =	sadd.s32 s30, s3;
	s9 =	smax.u32 s9, $0x1;
	s7 =	sadd.s32 s7, s6  }
0xd: {  	s8 =	sadd.s32 s8, s6;
	s6 =	sor.u32 $0x1C02, s31;
	s10 =	sshrl.u32 s11, $0x3  }
0xe: {  	vm0 =	vmmov $0xffff;
	s11 =	simm.s32 $0x2;
	s7 =	sadd.s32 $0x4010, s7;
	s8 =	sadd.s32 $0x1A800, s8  }
.LBB2_1:
0xf: {  	[spmem:s10], [sflag:s6] =	dma.local [hbm:s5], $0x2800  }
0x10: {  	_ =	swait.ge [sflag:s11], $0x2800  }
0x11: {  	[sflag:s11] =	ssyncset.done $0x0  }
0x12: {  	[sflag:s11] =	ssyncadd.s32 $0xFFFFD800  }
0x13: {  	[tilespmem:s12], [sflag:$0x2] =	stream.linear.gather [hbm4b:s2+s4], $0x800, $0x38;
	[tilespmem:$0x17000] =	vst v63  }
0x14: {  	_ =	swait.ge [sflag:s11], $0x800  }
0x15: {  	[sflag:s11] =	ssyncset.done $0x0  }
0x16: {  	[sflag:s11] =	ssyncadd.s32 $0xFFFFF800  }
0x17: {  	[tilespmem:s4], [sflag:$0x2] =	stream.strided.gather [hbm4b:s7+s13], $0x2800, s14, s13, $0x38;
	[tilespmem:$0x17000] =	vst v63  }
0x18: {  	_ =	swait.ge [sflag:s11], $0x2800  }
0x19: {  	[sflag:s11] =	ssyncset.done $0x0  }
0x1a: {  	[sflag:s11] =	ssyncadd.s32 $0xFFFFD800  }
0x1b: {  	[bflag:$0x0] =	sbarrier.arrive $0xFFFF  }
0x1c: {  	v0 =	vld [tilespmem:$0x0];
	_ =	sdelay $0x7  }
0x1d: {  	[spmem:s3] =	stream.indirect_vreg.scatter.add.f32 [tilespmem:s12], [sflag:$0x1], $0x80, v0, vm0, $0xb8;
	[tilespmem:$0x17000] =	vst v63  }
0x1e: {  	v0 =	vld [tilespmem:$0x10];
	_ =	sdelay $0x7  }
0x1f: {  	[spmem:s3] =	stream.indirect_vreg.scatter.add.f32 [tilespmem:s12], [sflag:$0x1], $0x80, v0, vm0, $0xb8;
	[tilespmem:$0x17000] =	vst v63  }
0x20: {  	v0 =	vld [tilespmem:$0x20];
	_ =	sdelay $0x7  }
0x21: {  	[spmem:s3] =	stream.indirect_vreg.scatter.add.f32 [tilespmem:s12], [sflag:$0x1], $0x80, v0, vm0, $0xb8;
	[tilespmem:$0x17000] =	vst v63  }
0x22: {  	v0 =	vld [tilespmem:$0x30];
	_ =	sdelay $0x7  }
0x23: {  	[spmem:s3] =	stream.indirect_vreg.scatter.add.f32 [tilespmem:s12], [sflag:$0x1], $0x80, v0, vm0, $0xb8;
	[tilespmem:$0x17000] =	vst v63  }
0x24: {  	v0 =	vld [tilespmem:$0x40];
	_ =	sdelay $0x7  }
0x25: {  	[spmem:s3] =	stream.indirect_vreg.scatter.add.f32 [tilespmem:s12], [sflag:$0x1], $0x80, v0, vm0, $0xb8;
	[tilespmem:$0x17000] =	vst v63  }
0x26: {  	v0 =	vld [tilespmem:$0x50];
	_ =	sdelay $0x7  }
0x27: {  	[spmem:s3] =	stream.indirect_vreg.scatter.add.f32 [tilespmem:s12], [sflag:$0x1], $0x80, v0, vm0, $0xb8;
	[tilespmem:$0x17000] =	vst v63  }
0x28: {  	v0 =	vld [tilespmem:$0x60];
	_ =	sdelay $0x7  }
0x29: {  	[spmem:s3] =	stream.indirect_vreg.scatter.add.f32 [tilespmem:s12], [sflag:$0x1], $0x80, v0, vm0, $0xb8;
	[tilespmem:$0x17000] =	vst v63  }
0x2a: {  	v0 =	vld [tilespmem:$0x70];
	_ =	sdelay $0x6  }
0x2b: {  	s17 =	simm.s32 $0x0  }
0x2c: {  	[spmem:s3] =	stream.indirect_vreg.scatter.add.f32 [tilespmem:s12], [sflag:$0x1], $0x80, v0, vm0, $0xb8;
	[tilespmem:$0x17000] =	vst v63  }
.LBB2_2:
0x2d: {  	_ =	swait.ge [sflag:s15], $0x800  }
0x2e: {  	[sflag:s15] =	ssyncset.done $0x0  }
0x2f: {  	[sflag:s15] =	ssyncadd.s32 $0xFFFFF800  }
0x30: {  	_ =	swait.ge [sflag:s15], $0x800  }
0x31: {  	[sflag:s15] =	ssyncset.done $0x0  }
0x32: {  	[sflag:s15] =	ssyncadd.s32 $0xFFFFF800  }
0x33: {  	_ =	swait.ge [sflag:s15], $0x800  }
0x34: {  	[sflag:s15] =	ssyncset.done $0x0  }
0x35: {  	[sflag:s15] =	ssyncadd.s32 $0xFFFFF800  }
0x36: {  	_ =	swait.ge [sflag:s15], $0x800  }
0x37: {  	[sflag:s15] =	ssyncset.done $0x0  }
0x38: {  	[sflag:s15] =	ssyncadd.s32 $0xFFFFF800  }
0x39: {  	_ =	swait.ge [sflag:s15], $0x800  }
0x3a: {  	[sflag:s15] =	ssyncset.done $0x0  }
0x3b: {  	[sflag:s15] =	ssyncadd.s32 $0xFFFFF800  }
0x3c: {  	_ =	swait.ge [sflag:s15], $0x800  }
0x3d: {  	[sflag:s15] =	ssyncset.done $0x0  }
0x3e: {  	[sflag:s15] =	ssyncadd.s32 $0xFFFFF800  }
0x3f: {  	_ =	swait.ge [sflag:s15], $0x800  }
0x40: {  	[sflag:s15] =	ssyncset.done $0x0  }
0x41: {  	[sflag:s15] =	ssyncadd.s32 $0xFFFFF800  }
0x42: {  	_ =	swait.ge [sflag:s15], $0x800  }
0x43: {  	[sflag:s15] =	ssyncset.done $0x0  }
0x44: {  	s18 =	sshra.s32 s17, $0x2;
	[sflag:s15] =	ssyncadd.s32 $0xFFFFF800  }
0x45: {  	v0 =	vld [tilespmem:s18+$0x80];
	_ =	sdelay $0x7  }
0x46: {  	[spmem:s3] =	stream.indirect_vreg.scatter.add.f32 [tilespmem:s12], [sflag:$0x1], $0x80, v0, vm0, $0xb8;
	[tilespmem:$0x17000] =	vst v63  }
0x47: {  	v0 =	vld [tilespmem:s18+$0x90];
	_ =	sdelay $0x7  }
0x48: {  	[spmem:s3] =	stream.indirect_vreg.scatter.add.f32 [tilespmem:s12], [sflag:$0x1], $0x80, v0, vm0, $0xb8;
	[tilespmem:$0x17000] =	vst v63  }
0x49: {  	v0 =	vld [tilespmem:s18+$0xA0];
	_ =	sdelay $0x7  }
0x4a: {  	[spmem:s3] =	stream.indirect_vreg.scatter.add.f32 [tilespmem:s12], [sflag:$0x1], $0x80, v0, vm0, $0xb8;
	[tilespmem:$0x17000] =	vst v63  }
0x4b: {  	v0 =	vld [tilespmem:s18+$0xB0];
	_ =	sdelay $0x7  }
0x4c: {  	[spmem:s3] =	stream.indirect_vreg.scatter.add.f32 [tilespmem:s12], [sflag:$0x1], $0x80, v0, vm0, $0xb8;
	[tilespmem:$0x17000] =	vst v63  }
0x4d: {  	v0 =	vld [tilespmem:s18+$0xC0];
	_ =	sdelay $0x7  }
0x4e: {  	[spmem:s3] =	stream.indirect_vreg.scatter.add.f32 [tilespmem:s12], [sflag:$0x1], $0x80, v0, vm0, $0xb8;
	[tilespmem:$0x17000] =	vst v63  }
0x4f: {  	v0 =	vld [tilespmem:s18+$0xD0];
	_ =	sdelay $0x7  }
0x50: {  	[spmem:s3] =	stream.indirect_vreg.scatter.add.f32 [tilespmem:s12], [sflag:$0x1], $0x80, v0, vm0, $0xb8;
	[tilespmem:$0x17000] =	vst v63  }
0x51: {  	v0 =	vld [tilespmem:s18+$0xE0];
	_ =	sdelay $0x7  }
0x52: {  	[spmem:s3] =	stream.indirect_vreg.scatter.add.f32 [tilespmem:s12], [sflag:$0x1], $0x80, v0, vm0, $0xb8;
	[tilespmem:$0x17000] =	vst v63  }
0x53: {  	v0 =	vld [tilespmem:s18+$0xF0];
	_ =	sdelay $0x2  }
0x54: {  	p0 =	sne.s32 s17, $0x9C00  }
.Ltmp0:
0x55: {  	_ = 	snop;
	(pc) =	sbr.rel @p0 .LBB2_2-.Ltmp0, $3  }
0x56: {  	_ =	sdelay $0x1  }
0x57: {  	s17 =	sadd.s32 $0x200, s17  }
0x58: {  	[spmem:s3] =	stream.indirect_vreg.scatter.add.f32 [tilespmem:s12], [sflag:$0x1], $0x80, v0, vm0, $0xb8;
	[tilespmem:$0x17000] =	vst v63  }
0x59: {  	_ =	swait.ge [sflag:s15], $0x800  }
0x5a: {  	[sflag:s15] =	ssyncset.done $0x0  }
0x5b: {  	[sflag:s15] =	ssyncadd.s32 $0xFFFFF800  }
0x5c: {  	_ =	swait.ge [sflag:s15], $0x800  }
0x5d: {  	[sflag:s15] =	ssyncset.done $0x0  }
0x5e: {  	[sflag:s15] =	ssyncadd.s32 $0xFFFFF800  }
0x5f: {  	_ =	swait.ge [sflag:s15], $0x800  }
0x60: {  	[sflag:s15] =	ssyncset.done $0x0  }
0x61: {  	[sflag:s15] =	ssyncadd.s32 $0xFFFFF800  }
0x62: {  	_ =	swait.ge [sflag:s15], $0x800  }
0x63: {  	[sflag:s15] =	ssyncset.done $0x0  }
0x64: {  	[sflag:s15] =	ssyncadd.s32 $0xFFFFF800  }
0x65: {  	_ =	swait.ge [sflag:s15], $0x800  }
0x66: {  	[sflag:s15] =	ssyncset.done $0x0  }
0x67: {  	[sflag:s15] =	ssyncadd.s32 $0xFFFFF800  }
0x68: {  	_ =	swait.ge [sflag:s15], $0x800  }
0x69: {  	[sflag:s15] =	ssyncset.done $0x0  }
0x6a: {  	[sflag:s15] =	ssyncadd.s32 $0xFFFFF800  }
0x6b: {  	_ =	swait.ge [sflag:s15], $0x800  }
0x6c: {  	[sflag:s15] =	ssyncset.done $0x0  }
0x6d: {  	[sflag:s15] =	ssyncadd.s32 $0xFFFFF800  }
0x6e: {  	_ =	swait.ge [sflag:s15], $0x800  }
0x6f: {  	s16 =	sadd.s32 $0x1, s16;
	[sflag:s15] =	ssyncset.done $0x0  }
0x70: {  	p0 =	sne.s32 s16, s9;
	[sflag:s15] =	ssyncadd.s32 $0xFFFFF800  }
.Ltmp1:
0x71: {  	[bflag:$0x0] =	sbarrier.arrive $0xFFFF;
	(pc) =	sbr.rel @p0 .LBB2_1-.Ltmp1, $4  }
0x72: {  	[hbm:s8], [sflag:s6] =	dma.local [spmem:s10], $0x2800  }
0x73: {  	_ =	swait.ge [sflag:s11], $0x2800  }
0x74: {  	[sflag:s11] =	ssyncset.done $0x0  }
0x75: {  	[sflag:s11] =	ssyncadd.s32 $0xFFFFD800  }
0x76: {  	_ =	sfence.sel $0x180000  }
0x77: {  	[bflag:$0x0] =	sbarrier.arrive $0xFFFF  }
0x78: {  	p0 =	sne.s32 s0, $0x0;
	_ =	strace $0x90000047  }
0x79: {  	s0 =	sadd.s32 @!p0 $0x100000, s1;
	[bflag:$0x2] =	sbarrier.arrive $0xFFFF  }
0x7a: {  	[sflag:s0] =	ssyncadd.tile.s32 @!p0 $0x1;
	_ =	shalt  }
.Lfunc_end2:
_tile_overlayer_lowered:
.L_overlay_start_2:
0x7b: {  	(tag) =	ssettag $0x2  }
0x7c: {  	s0 =	rddreg [dreg:$0x0];
	s2 =	stileid.u32  }
0x7d: {  	s1 =	rddreg [dreg:$0x1];
	p0 =	sne.s32 s2, $0x0  }
0x7e: {  	s3 =	rddreg [dreg:$0x2];
	[bflag:$0x3] =	sbarrier.arrive $0xFFFF;
	s2 =	simm.s32 @!p0 $0x1C02  }
0x7f: {  	[timem:s3], [sflag:s2] =	dma.local @!p0 [hbm:s0], s1  }
0x80: {  	s0 =	simm.s32 @!p0 $0x2  }
0x81: {  	_ =	swait.ge @!p0 [sflag:s0], s1  }
0x82: {  	s1 =	ssub.s32 @!p0 $0x0, s1;
	[sflag:s0] =	ssyncset.done @!p0 $0x0  }
0x83: {  	[sflag:s0] =	ssyncadd.s32 @!p0 s1  }
0x84: {  	[bflag:$0x3] =	sbarrier.arrive $0xFFFF  }
0x85: {  	_ =	shalt  }

</sc_bundles>
